<compile_context>
chip_gen: v7x
topology: tpu7x:2x2x1
jax: 0.10.2.dev20260603
libtpu: 0.0.44.dev20260713+nightly
codegen_flags: <defaults>
</compile_context>

<pallas_src>
import jax
import jax.numpy as jnp
from jax import lax
from jax.experimental import pallas as pl
from jax.experimental.pallas import tpu as pltpu
from jax.experimental.pallas import tpu_sc as plsc

B = 1024
S = 200
HIDDEN = 128
LANES = 16
NH = HIDDEN // LANES

NUM_CORES = 2
NUM_SUBCORES = 16
NW = NUM_CORES * NUM_SUBCORES

TOTAL = B * S
CHUNK = 128
ROWS_PER_W = TOTAL // NW
CHUNKS_PER_W = ROWS_PER_W // CHUNK

SEXT = S + CHUNK - 8

NBUF = 5
LOOKAHEAD = 2
ROUNDS = CHUNKS_PER_W // NBUF


def _sc_body(ids_hbm, word_hbm, tt_hbm, pos_hbm, out_hbm,
             idx_v, bias_v, tt_v, rows_v, gsem, ssem):
    wid = lax.axis_index("s") * NUM_CORES + lax.axis_index("c")

    pltpu.sync_copy(ids_hbm.at[pl.ds(wid * ROWS_PER_W, ROWS_PER_W)], idx_v)

    out_base = wid * ROWS_PER_W

    def gather_start(c, b):
        pltpu.async_copy(word_hbm.at[idx_v.at[pl.ds(c * CHUNK, CHUNK)]],
                         rows_v.at[b], gsem.at[b])

    def gather_wait(c, b):
        pltpu.make_async_copy(word_hbm.at[idx_v.at[pl.ds(c * CHUNK, CHUNK)]],
                              rows_v.at[b], gsem.at[b]).wait()

    def scatter_start(c, b):
        pltpu.async_copy(rows_v.at[b],
                         out_hbm.at[pl.ds(out_base + c * CHUNK, CHUNK)],
                         ssem.at[b])

    def scatter_wait(c, b):
        pltpu.make_async_copy(rows_v.at[b],
                              out_hbm.at[pl.ds(out_base + c * CHUNK, CHUNK)],
                              ssem.at[b]).wait()

    def add_bias(c, b):
        s0 = lax.rem(c * CHUNK, S)

        @plsc.parallel_loop(0, CHUNK, unroll=4)
        def add_row(i):
            for h in range(NH):
                sl = pl.ds(h * LANES, LANES)
                plsc.addupdate(rows_v.at[b, i, sl], bias_v[s0 + i, sl])

    def visit(c, b, swait, gstart):
        bn = (b + LOOKAHEAD) % NBUF
        if swait:
            scatter_wait(c - (NBUF - LOOKAHEAD), bn)
        if gstart:
            gather_start(c + LOOKAHEAD, bn)
        gather_wait(c, b)
        add_bias(c, b)
        scatter_start(c, b)

    for b in range(LOOKAHEAD):
        gather_start(b, b)

    pltpu.sync_copy(pos_hbm.at[pl.ds(0, S)], bias_v.at[pl.ds(0, S)])
    pltpu.sync_copy(pos_hbm.at[pl.ds(0, SEXT - S)], bias_v.at[pl.ds(S, SEXT - S)])
    pltpu.sync_copy(tt_hbm, tt_v)
    tt_vecs = [tt_v[0, pl.ds(h * LANES, LANES)] for h in range(NH)]

    @plsc.parallel_loop(0, SEXT)
    def bias_row(s):
        for h in range(NH):
            plsc.addupdate(bias_v.at[s, pl.ds(h * LANES, LANES)], tt_vecs[h])

    for b in range(NBUF):
        visit(b, b, swait=(b >= NBUF - LOOKAHEAD), gstart=True)

    def round_body(r, carry):
        for b in range(NBUF):
            visit(r * NBUF + b, b, swait=True, gstart=True)
        return carry

    lax.fori_loop(1, ROUNDS - 1, round_body, None)

    c0 = (ROUNDS - 1) * NBUF
    for b in range(NBUF):
        last = c0 + b + LOOKAHEAD < CHUNKS_PER_W
        visit(c0 + b, b, swait=last, gstart=last)

    for b in range(NBUF):
        scatter_wait(c0 + b, b)


@jax.jit
def kernel(input_ids, word_embeddings, token_type_embeddings, position_embeddings):
    ids_flat = input_ids.astype(jnp.int32).reshape(TOTAL)

    mesh = plsc.VectorSubcoreMesh(
        core_axis_name="c", subcore_axis_name="s",
        num_cores=NUM_CORES, num_subcores=NUM_SUBCORES)

    run = pl.kernel(
        _sc_body,
        out_type=jax.ShapeDtypeStruct((TOTAL, HIDDEN), jnp.float32),
        mesh=mesh,
        scratch_types=[
            pltpu.VMEM((ROWS_PER_W,), jnp.int32),
            pltpu.VMEM((SEXT, HIDDEN), jnp.float32),
            pltpu.VMEM((2, HIDDEN), jnp.float32),
            pltpu.VMEM((NBUF, CHUNK, HIDDEN), jnp.float32),
            pltpu.SemaphoreType.DMA((NBUF,)),
            pltpu.SemaphoreType.DMA((NBUF,)),
        ],
    )
    out = run(ids_flat, word_embeddings, token_type_embeddings,
              position_embeddings)
    return out.reshape(B, S, HIDDEN)

# --- scband reference (transcript-rebuilt; emitter-appended) ---
"""Pipeline reference for scband-luca-embeddings-90787018703290 (READ-ONLY COPY).

The authoritative reference and input builder live on the scoring server;
editing this copy changes nothing except your own understanding.
"""

import jax, jax.numpy as jnp
import numpy as np

VOCAB = 1000000
HIDDEN = 128
MAX_POS = 512
TYPE_VOCAB = 2
B = 1024
S = 200

def setup_inputs(seed: int = 0) -> dict:
    key = jax.random.key(seed)
    k1, k2, k3, k4 = jax.random.split(key, 4)
    input_ids = jax.random.randint(k1, (B, S), 0, VOCAB, dtype=jnp.int64 if jax.config.read('jax_enable_x64') else jnp.int32)
    word_embeddings = jax.random.normal(k2, (VOCAB, HIDDEN), dtype=jnp.float32) * 0.02
    # padding_idx=0 row is zero in torch nn.Embedding
    word_embeddings = word_embeddings.at[0].set(0.0)
    token_type_embeddings = jax.random.normal(k3, (TYPE_VOCAB, HIDDEN), dtype=jnp.float32) * 0.02
    position_embeddings = jax.random.normal(k4, (MAX_POS, HIDDEN), dtype=jnp.float32) * 0.02
    return {
        'input_ids': input_ids,
        'word_embeddings': word_embeddings,
        'token_type_embeddings': token_type_embeddings,
        'position_embeddings': position_embeddings,
    }

def reference(input_ids, word_embeddings, token_type_embeddings, position_embeddings):
    # token_type_ids default: zeros buffer expanded to (B, S)
    bsz, seq_len = input_ids.shape
    token_type_ids = jnp.zeros((bsz, seq_len), dtype=jnp.int32)
    # position_ids default: arange sliced to seq_len (past_key_values_length=0)
    position_ids = jnp.arange(seq_len, dtype=jnp.int32)[None, :]
    inputs_embeds = jnp.take(word_embeddings, input_ids, axis=0)
    embeddings = inputs_embeds
    embeddings = embeddings + jnp.take(token_type_embeddings, token_type_ids, axis=0)
    embeddings = embeddings + jnp.take(position_embeddings, position_ids, axis=0)
    # dropout is identity in eval mode
    return embeddings

if __name__ == "__main__":
    import jax
    _d = setup_inputs()
    print(jax.jit(kernel)(*tuple(_d.values())))

</pallas_src>

<mosaic_0001>
#map = affine_map<(d0, d1) -> (0)>
#map1 = affine_map<(d0, d1) -> (0, 0)>
module attributes {stable_mosaic.version = 14 : i64} {
  func.func @_sc_body(%arg0: i32, %arg1: i32, %arg2: memref<204800xi32, #tpu.memory_space<hbm>>, %arg3: memref<1000000x128xf32, #tpu.memory_space<hbm>>, %arg4: memref<2x128xf32, #tpu.memory_space<hbm>>, %arg5: memref<512x128xf32, #tpu.memory_space<hbm>>, %arg6: memref<204800x128xf32, #tpu.memory_space<hbm>>, %arg7: memref<6400xi32, #tpu.memory_space<vmem>>, %arg8: memref<320x128xf32, #tpu.memory_space<vmem>>, %arg9: memref<2x128xf32, #tpu.memory_space<vmem>>, %arg10: memref<5x128x128xf32, #tpu.memory_space<vmem>>, %arg11: memref<5x!tpu.dma_semaphore, #tpu.memory_space<semaphore_mem>>, %arg12: memref<5x!tpu.dma_semaphore, #tpu.memory_space<semaphore_mem>>) attributes {dimension_semantics = [#tpu.dimension_semantics<core_parallel>, #tpu.dimension_semantics<subcore_parallel>], iteration_bounds = array<i64: 2, 16>, scalar_prefetch = 0 : i64, scratch_operands = 6 : i64, tpu.core_type = #tpu.core_type<sc_vector_subcore>, window_params = [{transform_indices = #map}, {transform_indices = #map1}, {transform_indices = #map1}, {transform_indices = #map1}, {transform_indices = #map1}]} {
    %mul3A = arith.constant 2 : i32
    %mul3A_0 = arith.muli %arg1, %mul3A : i32
    %add3A = arith.addi %mul3A_0, %arg0 : i32
    %mul3A_1 = arith.constant 6400 : i32
    %mul3A_2 = arith.muli %add3A, %mul3A_1 : i32
    "tpu.region"() ({
      %run_scoped3A = tpu.sem_alloc : memref<!tpu.dma_semaphore, #tpu.memory_space<semaphore_mem>>
      %dma_start3A_727 = tpu.memref_slice %arg2[%mul3A_2] : memref<204800xi32, #tpu.memory_space<hbm>> -> memref<6400xi32, #tpu.memory_space<hbm>>
      %dma_start3A_728 = tpu.memref_slice %arg2[%mul3A_2] : memref<204800xi32, #tpu.memory_space<hbm>> -> memref<6400xi32, #tpu.memory_space<hbm>>
      tpu.enqueue_dma source(%dma_start3A_728 : memref<6400xi32, #tpu.memory_space<hbm>>) target(%arg7 : memref<6400xi32, #tpu.memory_space<vmem>>) target_semaphore(%run_scoped3A : memref<!tpu.dma_semaphore, #tpu.memory_space<semaphore_mem>>)
      %dma_wait3A_729 = tpu.memref_slice %arg2[%mul3A_2] : memref<204800xi32, #tpu.memory_space<hbm>> -> memref<6400xi32, #tpu.memory_space<hbm>>
      %dma_wait3A_730 = tpu.memref_slice %arg2[%mul3A_2] : memref<204800xi32, #tpu.memory_space<hbm>> -> memref<6400xi32, #tpu.memory_space<hbm>>
      tpu.wait_dma2 semaphore(%run_scoped3A : memref<!tpu.dma_semaphore, #tpu.memory_space<semaphore_mem>>) src(%dma_wait3A_730 : memref<6400xi32, #tpu.memory_space<hbm>>) dst(%arg7 : memref<6400xi32, #tpu.memory_space<vmem>>)
      tpu.yield
    }) : () -> ()
    %mul3A_3 = arith.constant 6400 : i32
    %mul3A_4 = arith.muli %add3A, %mul3A_3 : i32
    %dma_start3A = arith.constant 0 : i32
    %dma_start3A_5 = arith.constant 0 : i32
    %dma_start3A_6 = arith.constant 0 : i32
    %dma_start3A_7 = arith.constant 0 : i32
    %dma_start3A_8 = tpu.memref_slice %arg10[%dma_start3A, %dma_start3A_6, %dma_start3A_7] : memref<5x128x128xf32, #tpu.memory_space<vmem>> -> memref<1x128x128xf32, #tpu.memory_space<vmem>>
    %dma_start3A_9 = tpu.memref_squeeze %dma_start3A_8 : memref<1x128x128xf32, #tpu.memory_space<vmem>> -> memref<128x128xf32, #tpu.memory_space<vmem>>
    %dma_start3A_10 = arith.constant 0 : i32
    %dma_start3A_11 = tpu.memref_slice %arg7[%dma_start3A_10] : memref<6400xi32, #tpu.memory_space<vmem>> -> memref<128xi32, #tpu.memory_space<vmem>>
    %dma_start3A_12 = arith.constant 0 : i32
    %dma_start3A_13 = arith.constant 0 : i32
    %dma_start3A_14 = tpu.memref_slice %arg3[%dma_start3A_12, %dma_start3A_13] : memref<1000000x128xf32, #tpu.memory_space<hbm>> -> memref<1000000x128xf32, #tpu.memory_space<hbm>>
    %dma_start3A_15 = tpu.memref_slice %arg11[%dma_start3A_5] : memref<5x!tpu.dma_semaphore, #tpu.memory_space<semaphore_mem>> -> memref<1x!tpu.dma_semaphore, #tpu.memory_space<semaphore_mem>>
    %dma_start3A_16 = tpu.memref_squeeze %dma_start3A_15 : memref<1x!tpu.dma_semaphore, #tpu.memory_space<semaphore_mem>> -> memref<!tpu.dma_semaphore, #tpu.memory_space<semaphore_mem>>
    tpu.enqueue_indirect_dma source(%dma_start3A_14 : memref<1000000x128xf32, #tpu.memory_space<hbm>>) target(%dma_start3A_9 : memref<128x128xf32, #tpu.memory_space<vmem>>) offsets(%dma_start3A_11 : memref<128xi32, #tpu.memory_space<vmem>>) semaphore(%dma_start3A_16 : memref<!tpu.dma_semaphore, #tpu.memory_space<semaphore_mem>>)
    %dma_start3A_17 = arith.constant 1 : i32
    %dma_start3A_18 = arith.constant 1 : i32
    %dma_start3A_19 = arith.constant 0 : i32
    %dma_start3A_20 = arith.constant 0 : i32
    %dma_start3A_21 = tpu.memref_slice %arg10[%dma_start3A_17, %dma_start3A_19, %dma_start3A_20] : memref<5x128x128xf32, #tpu.memory_space<vmem>> -> memref<1x128x128xf32, #tpu.memory_space<vmem>>
    %dma_start3A_22 = tpu.memref_squeeze %dma_start3A_21 : memref<1x128x128xf32, #tpu.memory_space<vmem>> -> memref<128x128xf32, #tpu.memory_space<vmem>>
    %dma_start3A_23 = arith.constant 128 : i32
    %dma_start3A_24 = tpu.memref_slice %arg7[%dma_start3A_23] : memref<6400xi32, #tpu.memory_space<vmem>> -> memref<128xi32, #tpu.memory_space<vmem>>
    %dma_start3A_25 = arith.constant 0 : i32
    %dma_start3A_26 = arith.constant 0 : i32
    %dma_start3A_27 = tpu.memref_slice %arg3[%dma_start3A_25, %dma_start3A_26] : memref<1000000x128xf32, #tpu.memory_space<hbm>> -> memref<1000000x128xf32, #tpu.memory_space<hbm>>
    %dma_start3A_28 = tpu.memref_slice %arg11[%dma_start3A_18] : memref<5x!tpu.dma_semaphore, #tpu.memory_space<semaphore_mem>> -> memref<1x!tpu.dma_semaphore, #tpu.memory_space<semaphore_mem>>
    %dma_start3A_29 = tpu.memref_squeeze %dma_start3A_28 : memref<1x!tpu.dma_semaphore, #tpu.memory_space<semaphore_mem>> -> memref<!tpu.dma_semaphore, #tpu.memory_space<semaphore_mem>>
    tpu.enqueue_indirect_dma source(%dma_start3A_27 : memref<1000000x128xf32, #tpu.memory_space<hbm>>) target(%dma_start3A_22 : memref<128x128xf32, #tpu.memory_space<vmem>>) offsets(%dma_start3A_24 : memref<128xi32, #tpu.memory_space<vmem>>) semaphore(%dma_start3A_29 : memref<!tpu.dma_semaphore, #tpu.memory_space<semaphore_mem>>)
    "tpu.region"() ({
      %run_scoped3A = tpu.sem_alloc : memref<!tpu.dma_semaphore, #tpu.memory_space<semaphore_mem>>
      %dma_start3A_727 = arith.constant 0 : i32
      %dma_start3A_728 = arith.constant 0 : i32
      %dma_start3A_729 = tpu.memref_slice %arg8[%dma_start3A_727, %dma_start3A_728] : memref<320x128xf32, #tpu.memory_space<vmem>> -> memref<200x128xf32, #tpu.memory_space<vmem>>
      %dma_start3A_730 = arith.constant 0 : i32
      %dma_start3A_731 = arith.constant 0 : i32
      %dma_start3A_732 = tpu.memref_slice %arg5[%dma_start3A_730, %dma_start3A_731] : memref<512x128xf32, #tpu.memory_space<hbm>> -> memref<200x128xf32, #tpu.memory_space<hbm>>
      %dma_start3A_733 = arith.constant 0 : i32
      %dma_start3A_734 = arith.constant 0 : i32
      %dma_start3A_735 = tpu.memref_slice %arg8[%dma_start3A_733, %dma_start3A_734] : memref<320x128xf32, #tpu.memory_space<vmem>> -> memref<200x128xf32, #tpu.memory_space<vmem>>
      %dma_start3A_736 = arith.constant 0 : i32
      %dma_start3A_737 = arith.constant 0 : i32
      %dma_start3A_738 = tpu.memref_slice %arg5[%dma_start3A_736, %dma_start3A_737] : memref<512x128xf32, #tpu.memory_space<hbm>> -> memref<200x128xf32, #tpu.memory_space<hbm>>
      tpu.enqueue_dma source(%dma_start3A_738 : memref<200x128xf32, #tpu.memory_space<hbm>>) target(%dma_start3A_735 : memref<200x128xf32, #tpu.memory_space<vmem>>) target_semaphore(%run_scoped3A : memref<!tpu.dma_semaphore, #tpu.memory_space<semaphore_mem>>)
      %dma_wait3A_739 = arith.constant 0 : i32
      %dma_wait3A_740 = arith.constant 0 : i32
      %dma_wait3A_741 = tpu.memref_slice %arg8[%dma_wait3A_739, %dma_wait3A_740] : memref<320x128xf32, #tpu.memory_space<vmem>> -> memref<200x128xf32, #tpu.memory_space<vmem>>
      %dma_wait3A_742 = arith.constant 0 : i32
      %dma_wait3A_743 = arith.constant 0 : i32
      %dma_wait3A_744 = tpu.memref_slice %arg5[%dma_wait3A_742, %dma_wait3A_743] : memref<512x128xf32, #tpu.memory_space<hbm>> -> memref<200x128xf32, #tpu.memory_space<hbm>>
      %dma_wait3A_745 = arith.constant 0 : i32
      %dma_wait3A_746 = arith.constant 0 : i32
      %dma_wait3A_747 = tpu.memref_slice %arg8[%dma_wait3A_745, %dma_wait3A_746] : memref<320x128xf32, #tpu.memory_space<vmem>> -> memref<200x128xf32, #tpu.memory_space<vmem>>
      %dma_wait3A_748 = arith.constant 0 : i32
      %dma_wait3A_749 = arith.constant 0 : i32
      %dma_wait3A_750 = tpu.memref_slice %arg5[%dma_wait3A_748, %dma_wait3A_749] : memref<512x128xf32, #tpu.memory_space<hbm>> -> memref<200x128xf32, #tpu.memory_space<hbm>>
      tpu.wait_dma2 semaphore(%run_scoped3A : memref<!tpu.dma_semaphore, #tpu.memory_space<semaphore_mem>>) src(%dma_wait3A_750 : memref<200x128xf32, #tpu.memory_space<hbm>>) dst(%dma_wait3A_747 : memref<200x128xf32, #tpu.memory_space<vmem>>)
      tpu.yield
    }) : () -> ()
    "tpu.region"() ({
      %run_scoped3A = tpu.sem_alloc : memref<!tpu.dma_semaphore, #tpu.memory_space<semaphore_mem>>
      %dma_start3A_727 = arith.constant 200 : i32
      %dma_start3A_728 = arith.constant 0 : i32
      %dma_start3A_729 = tpu.memref_slice %arg8[%dma_start3A_727, %dma_start3A_728] : memref<320x128xf32, #tpu.memory_space<vmem>> -> memref<120x128xf32, #tpu.memory_space<vmem>>
      %dma_start3A_730 = arith.constant 0 : i32
      %dma_start3A_731 = arith.constant 0 : i32
      %dma_start3A_732 = tpu.memref_slice %arg5[%dma_start3A_730, %dma_start3A_731] : memref<512x128xf32, #tpu.memory_space<hbm>> -> memref<120x128xf32, #tpu.memory_space<hbm>>
      %dma_start3A_733 = arith.constant 200 : i32
      %dma_start3A_734 = arith.constant 0 : i32
      %dma_start3A_735 = tpu.memref_slice %arg8[%dma_start3A_733, %dma_start3A_734] : memref<320x128xf32, #tpu.memory_space<vmem>> -> memref<120x128xf32, #tpu.memory_space<vmem>>
      %dma_start3A_736 = arith.constant 0 : i32
      %dma_start3A_737 = arith.constant 0 : i32
      %dma_start3A_738 = tpu.memref_slice %arg5[%dma_start3A_736, %dma_start3A_737] : memref<512x128xf32, #tpu.memory_space<hbm>> -> memref<120x128xf32, #tpu.memory_space<hbm>>
      tpu.enqueue_dma source(%dma_start3A_738 : memref<120x128xf32, #tpu.memory_space<hbm>>) target(%dma_start3A_735 : memref<120x128xf32, #tpu.memory_space<vmem>>) target_semaphore(%run_scoped3A : memref<!tpu.dma_semaphore, #tpu.memory_space<semaphore_mem>>)
      %dma_wait3A_739 = arith.constant 200 : i32
      %dma_wait3A_740 = arith.constant 0 : i32
      %dma_wait3A_741 = tpu.memref_slice %arg8[%dma_wait3A_739, %dma_wait3A_740] : memref<320x128xf32, #tpu.memory_space<vmem>> -> memref<120x128xf32, #tpu.memory_space<vmem>>
      %dma_wait3A_742 = arith.constant 0 : i32
      %dma_wait3A_743 = arith.constant 0 : i32
      %dma_wait3A_744 = tpu.memref_slice %arg5[%dma_wait3A_742, %dma_wait3A_743] : memref<512x128xf32, #tpu.memory_space<hbm>> -> memref<120x128xf32, #tpu.memory_space<hbm>>
      %dma_wait3A_745 = arith.constant 200 : i32
      %dma_wait3A_746 = arith.constant 0 : i32
      %dma_wait3A_747 = tpu.memref_slice %arg8[%dma_wait3A_745, %dma_wait3A_746] : memref<320x128xf32, #tpu.memory_space<vmem>> -> memref<120x128xf32, #tpu.memory_space<vmem>>
      %dma_wait3A_748 = arith.constant 0 : i32
      %dma_wait3A_749 = arith.constant 0 : i32
      %dma_wait3A_750 = tpu.memref_slice %arg5[%dma_wait3A_748, %dma_wait3A_749] : memref<512x128xf32, #tpu.memory_space<hbm>> -> memref<120x128xf32, #tpu.memory_space<hbm>>
      tpu.wait_dma2 semaphore(%run_scoped3A : memref<!tpu.dma_semaphore, #tpu.memory_space<semaphore_mem>>) src(%dma_wait3A_750 : memref<120x128xf32, #tpu.memory_space<hbm>>) dst(%dma_wait3A_747 : memref<120x128xf32, #tpu.memory_space<vmem>>)
      tpu.yield
    }) : () -> ()
    "tpu.region"() ({
      %run_scoped3A = tpu.sem_alloc : memref<!tpu.dma_semaphore, #tpu.memory_space<semaphore_mem>>
      tpu.enqueue_dma source(%arg4 : memref<2x128xf32, #tpu.memory_space<hbm>>) target(%arg9 : memref<2x128xf32, #tpu.memory_space<vmem>>) target_semaphore(%run_scoped3A : memref<!tpu.dma_semaphore, #tpu.memory_space<semaphore_mem>>)
      tpu.wait_dma2 semaphore(%run_scoped3A : memref<!tpu.dma_semaphore, #tpu.memory_space<semaphore_mem>>) src(%arg4 : memref<2x128xf32, #tpu.memory_space<hbm>>) dst(%arg9 : memref<2x128xf32, #tpu.memory_space<vmem>>)
      tpu.yield
    }) : () -> ()
    %get3A = arith.constant 0 : i32
    %get3A_30 = arith.index_cast %get3A : i32 to index
    %get3A_31 = arith.constant 0 : index
    %get3A_32 = tpu.vector_load %arg9[%get3A_30, %get3A_31] {strides = array<i32>} : memref<2x128xf32, #tpu.memory_space<vmem>>, vector<1x16xf32>,
    %get3A_33 = vector.shape_cast %get3A_32 : vector<1x16xf32> to vector<16xf32>
    %get3A_34 = arith.constant 0 : i32
    %get3A_35 = arith.index_cast %get3A_34 : i32 to index
    %get3A_36 = arith.constant 16 : index
    %get3A_37 = tpu.vector_load %arg9[%get3A_35, %get3A_36] {strides = array<i32>} : memref<2x128xf32, #tpu.memory_space<vmem>>, vector<1x16xf32>,
    %get3A_38 = vector.shape_cast %get3A_37 : vector<1x16xf32> to vector<16xf32>
    %get3A_39 = arith.constant 0 : i32
    %get3A_40 = arith.index_cast %get3A_39 : i32 to index
    %get3A_41 = arith.constant 32 : index
    %get3A_42 = tpu.vector_load %arg9[%get3A_40, %get3A_41] {strides = array<i32>} : memref<2x128xf32, #tpu.memory_space<vmem>>, vector<1x16xf32>,
    %get3A_43 = vector.shape_cast %get3A_42 : vector<1x16xf32> to vector<16xf32>
    %get3A_44 = arith.constant 0 : i32
    %get3A_45 = arith.index_cast %get3A_44 : i32 to index
    %get3A_46 = arith.constant 48 : index
    %get3A_47 = tpu.vector_load %arg9[%get3A_45, %get3A_46] {strides = array<i32>} : memref<2x128xf32, #tpu.memory_space<vmem>>, vector<1x16xf32>,
    %get3A_48 = vector.shape_cast %get3A_47 : vector<1x16xf32> to vector<16xf32>
    %get3A_49 = arith.constant 0 : i32
    %get3A_50 = arith.index_cast %get3A_49 : i32 to index
    %get3A_51 = arith.constant 64 : index
    %get3A_52 = tpu.vector_load %arg9[%get3A_50, %get3A_51] {strides = array<i32>} : memref<2x128xf32, #tpu.memory_space<vmem>>, vector<1x16xf32>,
    %get3A_53 = vector.shape_cast %get3A_52 : vector<1x16xf32> to vector<16xf32>
    %get3A_54 = arith.constant 0 : i32
    %get3A_55 = arith.index_cast %get3A_54 : i32 to index
    %get3A_56 = arith.constant 80 : index
    %get3A_57 = tpu.vector_load %arg9[%get3A_55, %get3A_56] {strides = array<i32>} : memref<2x128xf32, #tpu.memory_space<vmem>>, vector<1x16xf32>,
    %get3A_58 = vector.shape_cast %get3A_57 : vector<1x16xf32> to vector<16xf32>
    %get3A_59 = arith.constant 0 : i32
    %get3A_60 = arith.index_cast %get3A_59 : i32 to index
    %get3A_61 = arith.constant 96 : index
    %get3A_62 = tpu.vector_load %arg9[%get3A_60, %get3A_61] {strides = array<i32>} : memref<2x128xf32, #tpu.memory_space<vmem>>, vector<1x16xf32>,
    %get3A_63 = vector.shape_cast %get3A_62 : vector<1x16xf32> to vector<16xf32>
    %get3A_64 = arith.constant 0 : i32
    %get3A_65 = arith.index_cast %get3A_64 : i32 to index
    %get3A_66 = arith.constant 112 : index
    %get3A_67 = tpu.vector_load %arg9[%get3A_65, %get3A_66] {strides = array<i32>} : memref<2x128xf32, #tpu.memory_space<vmem>>, vector<1x16xf32>,
    %get3A_68 = vector.shape_cast %get3A_67 : vector<1x16xf32> to vector<16xf32>
    %parallel_loop3A = arith.constant 0 : i32
    %parallel_loop3A_69 = arith.constant 320 : i32
    %parallel_loop3A_70 = arith.constant 1 : i32
    scf.for %parallel_loop3A_727 = %parallel_loop3A to %parallel_loop3A_69 step %parallel_loop3A_70  : i32 {
      %parallel_loop3A_728 = arith.index_cast %parallel_loop3A_727 : i32 to index
      %parallel_loop3A_729 = arith.constant 0 : index
      %parallel_loop3A_730 = tpu.vector_load %arg8[%parallel_loop3A_728, %parallel_loop3A_729] {strides = array<i32>} : memref<320x128xf32, #tpu.memory_space<vmem>>, vector<1x16xf32>,
      %parallel_loop3A_731 = vector.shape_cast %parallel_loop3A_730 : vector<1x16xf32> to vector<16xf32>
      %parallel_loop3A_732 = vector.shape_cast %get3A_33 : vector<16xf32> to vector<1x16xf32>
      tpu.vector_store %arg8[%parallel_loop3A_728, %parallel_loop3A_729], %parallel_loop3A_732 {add = true, strides = array<i32>} : memref<320x128xf32, #tpu.memory_space<vmem>>, vector<1x16xf32>,
      %parallel_loop3A_733 = arith.index_cast %parallel_loop3A_727 : i32 to index
      %parallel_loop3A_734 = arith.constant 16 : index
      %parallel_loop3A_735 = tpu.vector_load %arg8[%parallel_loop3A_733, %parallel_loop3A_734] {strides = array<i32>} : memref<320x128xf32, #tpu.memory_space<vmem>>, vector<1x16xf32>,
      %parallel_loop3A_736 = vector.shape_cast %parallel_loop3A_735 : vector<1x16xf32> to vector<16xf32>
      %parallel_loop3A_737 = vector.shape_cast %get3A_38 : vector<16xf32> to vector<1x16xf32>
      tpu.vector_store %arg8[%parallel_loop3A_733, %parallel_loop3A_734], %parallel_loop3A_737 {add = true, strides = array<i32>} : memref<320x128xf32, #tpu.memory_space<vmem>>, vector<1x16xf32>,
      %parallel_loop3A_738 = arith.index_cast %parallel_loop3A_727 : i32 to index
      %parallel_loop3A_739 = arith.constant 32 : index
      %parallel_loop3A_740 = tpu.vector_load %arg8[%parallel_loop3A_738, %parallel_loop3A_739] {strides = array<i32>} : memref<320x128xf32, #tpu.memory_space<vmem>>, vector<1x16xf32>,
      %parallel_loop3A_741 = vector.shape_cast %parallel_loop3A_740 : vector<1x16xf32> to vector<16xf32>
      %parallel_loop3A_742 = vector.shape_cast %get3A_43 : vector<16xf32> to vector<1x16xf32>
      tpu.vector_store %arg8[%parallel_loop3A_738, %parallel_loop3A_739], %parallel_loop3A_742 {add = true, strides = array<i32>} : memref<320x128xf32, #tpu.memory_space<vmem>>, vector<1x16xf32>,
      %parallel_loop3A_743 = arith.index_cast %parallel_loop3A_727 : i32 to index
      %parallel_loop3A_744 = arith.constant 48 : index
      %parallel_loop3A_745 = tpu.vector_load %arg8[%parallel_loop3A_743, %parallel_loop3A_744] {strides = array<i32>} : memref<320x128xf32, #tpu.memory_space<vmem>>, vector<1x16xf32>,
      %parallel_loop3A_746 = vector.shape_cast %parallel_loop3A_745 : vector<1x16xf32> to vector<16xf32>
      %parallel_loop3A_747 = vector.shape_cast %get3A_48 : vector<16xf32> to vector<1x16xf32>
      tpu.vector_store %arg8[%parallel_loop3A_743, %parallel_loop3A_744], %parallel_loop3A_747 {add = true, strides = array<i32>} : memref<320x128xf32, #tpu.memory_space<vmem>>, vector<1x16xf32>,
      %parallel_loop3A_748 = arith.index_cast %parallel_loop3A_727 : i32 to index
      %parallel_loop3A_749 = arith.constant 64 : index
      %parallel_loop3A_750 = tpu.vector_load %arg8[%parallel_loop3A_748, %parallel_loop3A_749] {strides = array<i32>} : memref<320x128xf32, #tpu.memory_space<vmem>>, vector<1x16xf32>,
      %parallel_loop3A_751 = vector.shape_cast %parallel_loop3A_750 : vector<1x16xf32> to vector<16xf32>
      %parallel_loop3A_752 = vector.shape_cast %get3A_53 : vector<16xf32> to vector<1x16xf32>
      tpu.vector_store %arg8[%parallel_loop3A_748, %parallel_loop3A_749], %parallel_loop3A_752 {add = true, strides = array<i32>} : memref<320x128xf32, #tpu.memory_space<vmem>>, vector<1x16xf32>,
      %parallel_loop3A_753 = arith.index_cast %parallel_loop3A_727 : i32 to index
      %parallel_loop3A_754 = arith.constant 80 : index
      %parallel_loop3A_755 = tpu.vector_load %arg8[%parallel_loop3A_753, %parallel_loop3A_754] {strides = array<i32>} : memref<320x128xf32, #tpu.memory_space<vmem>>, vector<1x16xf32>,
      %parallel_loop3A_756 = vector.shape_cast %parallel_loop3A_755 : vector<1x16xf32> to vector<16xf32>
      %parallel_loop3A_757 = vector.shape_cast %get3A_58 : vector<16xf32> to vector<1x16xf32>
      tpu.vector_store %arg8[%parallel_loop3A_753, %parallel_loop3A_754], %parallel_loop3A_757 {add = true, strides = array<i32>} : memref<320x128xf32, #tpu.memory_space<vmem>>, vector<1x16xf32>,
      %parallel_loop3A_758 = arith.index_cast %parallel_loop3A_727 : i32 to index
      %parallel_loop3A_759 = arith.constant 96 : index
      %parallel_loop3A_760 = tpu.vector_load %arg8[%parallel_loop3A_758, %parallel_loop3A_759] {strides = array<i32>} : memref<320x128xf32, #tpu.memory_space<vmem>>, vector<1x16xf32>,
      %parallel_loop3A_761 = vector.shape_cast %parallel_loop3A_760 : vector<1x16xf32> to vector<16xf32>
      %parallel_loop3A_762 = vector.shape_cast %get3A_63 : vector<16xf32> to vector<1x16xf32>
      tpu.vector_store %arg8[%parallel_loop3A_758, %parallel_loop3A_759], %parallel_loop3A_762 {add = true, strides = array<i32>} : memref<320x128xf32, #tpu.memory_space<vmem>>, vector<1x16xf32>,
      %parallel_loop3A_763 = arith.index_cast %parallel_loop3A_727 : i32 to index
      %parallel_loop3A_764 = arith.constant 112 : index
      %parallel_loop3A_765 = tpu.vector_load %arg8[%parallel_loop3A_763, %parallel_loop3A_764] {strides = array<i32>} : memref<320x128xf32, #tpu.memory_space<vmem>>, vector<1x16xf32>,
      %parallel_loop3A_766 = vector.shape_cast %parallel_loop3A_765 : vector<1x16xf32> to vector<16xf32>
      %parallel_loop3A_767 = vector.shape_cast %get3A_68 : vector<16xf32> to vector<1x16xf32>
      tpu.vector_store %arg8[%parallel_loop3A_763, %parallel_loop3A_764], %parallel_loop3A_767 {add = true, strides = array<i32>} : memref<320x128xf32, #tpu.memory_space<vmem>>, vector<1x16xf32>,
    } {sc.loop_unroll_factor = 1 : i64, sc.parallel_access}
    %dma_start3A_71 = arith.constant 2 : i32
    %dma_start3A_72 = arith.constant 2 : i32
    %dma_start3A_73 = arith.constant 0 : i32
    %dma_start3A_74 = arith.constant 0 : i32
    %dma_start3A_75 = tpu.memref_slice %arg10[%dma_start3A_71, %dma_start3A_73, %dma_start3A_74] : memref<5x128x128xf32, #tpu.memory_space<vmem>> -> memref<1x128x128xf32, #tpu.memory_space<vmem>>
    %dma_start3A_76 = tpu.memref_squeeze %dma_start3A_75 : memref<1x128x128xf32, #tpu.memory_space<vmem>> -> memref<128x128xf32, #tpu.memory_space<vmem>>
    %dma_start3A_77 = arith.constant 256 : i32
    %dma_start3A_78 = tpu.memref_slice %arg7[%dma_start3A_77] : memref<6400xi32, #tpu.memory_space<vmem>> -> memref<128xi32, #tpu.memory_space<vmem>>
    %dma_start3A_79 = arith.constant 0 : i32
    %dma_start3A_80 = arith.constant 0 : i32
    %dma_start3A_81 = tpu.memref_slice %arg3[%dma_start3A_79, %dma_start3A_80] : memref<1000000x128xf32, #tpu.memory_space<hbm>> -> memref<1000000x128xf32, #tpu.memory_space<hbm>>
    %dma_start3A_82 = tpu.memref_slice %arg11[%dma_start3A_72] : memref<5x!tpu.dma_semaphore, #tpu.memory_space<semaphore_mem>> -> memref<1x!tpu.dma_semaphore, #tpu.memory_space<semaphore_mem>>
    %dma_start3A_83 = tpu.memref_squeeze %dma_start3A_82 : memref<1x!tpu.dma_semaphore, #tpu.memory_space<semaphore_mem>> -> memref<!tpu.dma_semaphore, #tpu.memory_space<semaphore_mem>>
    tpu.enqueue_indirect_dma source(%dma_start3A_81 : memref<1000000x128xf32, #tpu.memory_space<hbm>>) target(%dma_start3A_76 : memref<128x128xf32, #tpu.memory_space<vmem>>) offsets(%dma_start3A_78 : memref<128xi32, #tpu.memory_space<vmem>>) semaphore(%dma_start3A_83 : memref<!tpu.dma_semaphore, #tpu.memory_space<semaphore_mem>>)
    %dma_wait3A = arith.constant 0 : i32
    %dma_wait3A_84 = arith.constant 0 : i32
    %dma_wait3A_85 = arith.constant 0 : i32
    %dma_wait3A_86 = arith.constant 0 : i32
    %dma_wait3A_87 = tpu.memref_slice %arg10[%dma_wait3A, %dma_wait3A_85, %dma_wait3A_86] : memref<5x128x128xf32, #tpu.memory_space<vmem>> -> memref<1x128x128xf32, #tpu.memory_space<vmem>>
    %dma_wait3A_88 = tpu.memref_squeeze %dma_wait3A_87 : memref<1x128x128xf32, #tpu.memory_space<vmem>> -> memref<128x128xf32, #tpu.memory_space<vmem>>
    %dma_wait3A_89 = arith.constant 0 : i32
    %dma_wait3A_90 = tpu.memref_slice %arg7[%dma_wait3A_89] : memref<6400xi32, #tpu.memory_space<vmem>> -> memref<128xi32, #tpu.memory_space<vmem>>
    %dma_wait3A_91 = arith.constant 0 : i32
    %dma_wait3A_92 = arith.constant 0 : i32
    %dma_wait3A_93 = tpu.memref_slice %arg3[%dma_wait3A_91, %dma_wait3A_92] : memref<1000000x128xf32, #tpu.memory_space<hbm>> -> memref<1000000x128xf32, #tpu.memory_space<hbm>>
    %dma_wait3A_94 = tpu.memref_slice %arg11[%dma_wait3A_84] : memref<5x!tpu.dma_semaphore, #tpu.memory_space<semaphore_mem>> -> memref<1x!tpu.dma_semaphore, #tpu.memory_space<semaphore_mem>>
    %dma_wait3A_95 = tpu.memref_squeeze %dma_wait3A_94 : memref<1x!tpu.dma_semaphore, #tpu.memory_space<semaphore_mem>> -> memref<!tpu.dma_semaphore, #tpu.memory_space<semaphore_mem>>
    tpu.wait_indirect_dma semaphore(%dma_wait3A_95 : memref<!tpu.dma_semaphore, #tpu.memory_space<semaphore_mem>>) src(%dma_wait3A_93 : memref<1000000x128xf32, #tpu.memory_space<hbm>>) dst(%dma_wait3A_88 : memref<128x128xf32, #tpu.memory_space<vmem>>)
    %rem3A = arith.constant 0 : i32
    %rem3A_96 = arith.constant 200 : i32
    %rem3A_97 = arith.remsi %rem3A, %rem3A_96 : i32
    %parallel_loop3A_98 = arith.constant 0 : i32
    %parallel_loop3A_99 = arith.constant 128 : i32
    %parallel_loop3A_100 = arith.constant 1 : i32
    scf.for %parallel_loop3A_727 = %parallel_loop3A_98 to %parallel_loop3A_99 step %parallel_loop3A_100  : i32 {
      %parallel_loop3A_728 = arith.addi %rem3A_97, %parallel_loop3A_727 : i32
      %parallel_loop3A_729 = arith.index_cast %parallel_loop3A_728 : i32 to index
      %parallel_loop3A_730 = arith.constant 0 : index
      %parallel_loop3A_731 = tpu.vector_load %arg8[%parallel_loop3A_729, %parallel_loop3A_730] {strides = array<i32>} : memref<320x128xf32, #tpu.memory_space<vmem>>, vector<1x16xf32>,
      %parallel_loop3A_732 = vector.shape_cast %parallel_loop3A_731 : vector<1x16xf32> to vector<16xf32>
      %parallel_loop3A_733 = arith.constant 0 : i32
      %parallel_loop3A_734 = arith.index_cast %parallel_loop3A_733 : i32 to index
      %parallel_loop3A_735 = arith.index_cast %parallel_loop3A_727 : i32 to index
      %parallel_loop3A_736 = arith.constant 0 : index
      %parallel_loop3A_737 = tpu.vector_load %arg10[%parallel_loop3A_734, %parallel_loop3A_735, %parallel_loop3A_736] {strides = array<i32>} : memref<5x128x128xf32, #tpu.memory_space<vmem>>, vector<1x1x16xf32>,
      %parallel_loop3A_738 = vector.shape_cast %parallel_loop3A_737 : vector<1x1x16xf32> to vector<16xf32>
      %parallel_loop3A_739 = vector.shape_cast %parallel_loop3A_732 : vector<16xf32> to vector<1x1x16xf32>
      tpu.vector_store %arg10[%parallel_loop3A_734, %parallel_loop3A_735, %parallel_loop3A_736], %parallel_loop3A_739 {add = true, strides = array<i32>} : memref<5x128x128xf32, #tpu.memory_space<vmem>>, vector<1x1x16xf32>,
      %parallel_loop3A_740 = arith.addi %rem3A_97, %parallel_loop3A_727 : i32
      %parallel_loop3A_741 = arith.index_cast %parallel_loop3A_740 : i32 to index
      %parallel_loop3A_742 = arith.constant 16 : index
      %parallel_loop3A_743 = tpu.vector_load %arg8[%parallel_loop3A_741, %parallel_loop3A_742] {strides = array<i32>} : memref<320x128xf32, #tpu.memory_space<vmem>>, vector<1x16xf32>,
      %parallel_loop3A_744 = vector.shape_cast %parallel_loop3A_743 : vector<1x16xf32> to vector<16xf32>
      %parallel_loop3A_745 = arith.constant 0 : i32
      %parallel_loop3A_746 = arith.index_cast %parallel_loop3A_745 : i32 to index
      %parallel_loop3A_747 = arith.index_cast %parallel_loop3A_727 : i32 to index
      %parallel_loop3A_748 = arith.constant 16 : index
      %parallel_loop3A_749 = tpu.vector_load %arg10[%parallel_loop3A_746, %parallel_loop3A_747, %parallel_loop3A_748] {strides = array<i32>} : memref<5x128x128xf32, #tpu.memory_space<vmem>>, vector<1x1x16xf32>,
      %parallel_loop3A_750 = vector.shape_cast %parallel_loop3A_749 : vector<1x1x16xf32> to vector<16xf32>
      %parallel_loop3A_751 = vector.shape_cast %parallel_loop3A_744 : vector<16xf32> to vector<1x1x16xf32>
      tpu.vector_store %arg10[%parallel_loop3A_746, %parallel_loop3A_747, %parallel_loop3A_748], %parallel_loop3A_751 {add = true, strides = array<i32>} : memref<5x128x128xf32, #tpu.memory_space<vmem>>, vector<1x1x16xf32>,
      %parallel_loop3A_752 = arith.addi %rem3A_97, %parallel_loop3A_727 : i32
      %parallel_loop3A_753 = arith.index_cast %parallel_loop3A_752 : i32 to index
      %parallel_loop3A_754 = arith.constant 32 : index
      %parallel_loop3A_755 = tpu.vector_load %arg8[%parallel_loop3A_753, %parallel_loop3A_754] {strides = array<i32>} : memref<320x128xf32, #tpu.memory_space<vmem>>, vector<1x16xf32>,
      %parallel_loop3A_756 = vector.shape_cast %parallel_loop3A_755 : vector<1x16xf32> to vector<16xf32>
      %parallel_loop3A_757 = arith.constant 0 : i32
      %parallel_loop3A_758 = arith.index_cast %parallel_loop3A_757 : i32 to index
      %parallel_loop3A_759 = arith.index_cast %parallel_loop3A_727 : i32 to index
      %parallel_loop3A_760 = arith.constant 32 : index
      %parallel_loop3A_761 = tpu.vector_load %arg10[%parallel_loop3A_758, %parallel_loop3A_759, %parallel_loop3A_760] {strides = array<i32>} : memref<5x128x128xf32, #tpu.memory_space<vmem>>, vector<1x1x16xf32>,
      %parallel_loop3A_762 = vector.shape_cast %parallel_loop3A_761 : vector<1x1x16xf32> to vector<16xf32>
      %parallel_loop3A_763 = vector.shape_cast %parallel_loop3A_756 : vector<16xf32> to vector<1x1x16xf32>
      tpu.vector_store %arg10[%parallel_loop3A_758, %parallel_loop3A_759, %parallel_loop3A_760], %parallel_loop3A_763 {add = true, strides = array<i32>} : memref<5x128x128xf32, #tpu.memory_space<vmem>>, vector<1x1x16xf32>,
      %parallel_loop3A_764 = arith.addi %rem3A_97, %parallel_loop3A_727 : i32
      %parallel_loop3A_765 = arith.index_cast %parallel_loop3A_764 : i32 to index
      %parallel_loop3A_766 = arith.constant 48 : index
      %parallel_loop3A_767 = tpu.vector_load %arg8[%parallel_loop3A_765, %parallel_loop3A_766] {strides = array<i32>} : memref<320x128xf32, #tpu.memory_space<vmem>>, vector<1x16xf32>,
      %parallel_loop3A_768 = vector.shape_cast %parallel_loop3A_767 : vector<1x16xf32> to vector<16xf32>
      %parallel_loop3A_769 = arith.constant 0 : i32
      %parallel_loop3A_770 = arith.index_cast %parallel_loop3A_769 : i32 to index
      %parallel_loop3A_771 = arith.index_cast %parallel_loop3A_727 : i32 to index
      %parallel_loop3A_772 = arith.constant 48 : index
      %parallel_loop3A_773 = tpu.vector_load %arg10[%parallel_loop3A_770, %parallel_loop3A_771, %parallel_loop3A_772] {strides = array<i32>} : memref<5x128x128xf32, #tpu.memory_space<vmem>>, vector<1x1x16xf32>,
      %parallel_loop3A_774 = vector.shape_cast %parallel_loop3A_773 : vector<1x1x16xf32> to vector<16xf32>
      %parallel_loop3A_775 = vector.shape_cast %parallel_loop3A_768 : vector<16xf32> to vector<1x1x16xf32>
      tpu.vector_store %arg10[%parallel_loop3A_770, %parallel_loop3A_771, %parallel_loop3A_772], %parallel_loop3A_775 {add = true, strides = array<i32>} : memref<5x128x128xf32, #tpu.memory_space<vmem>>, vector<1x1x16xf32>,
      %parallel_loop3A_776 = arith.addi %rem3A_97, %parallel_loop3A_727 : i32
      %parallel_loop3A_777 = arith.index_cast %parallel_loop3A_776 : i32 to index
      %parallel_loop3A_778 = arith.constant 64 : index
      %parallel_loop3A_779 = tpu.vector_load %arg8[%parallel_loop3A_777, %parallel_loop3A_778] {strides = array<i32>} : memref<320x128xf32, #tpu.memory_space<vmem>>, vector<1x16xf32>,
      %parallel_loop3A_780 = vector.shape_cast %parallel_loop3A_779 : vector<1x16xf32> to vector<16xf32>
      %parallel_loop3A_781 = arith.constant 0 : i32
      %parallel_loop3A_782 = arith.index_cast %parallel_loop3A_781 : i32 to index
      %parallel_loop3A_783 = arith.index_cast %parallel_loop3A_727 : i32 to index
      %parallel_loop3A_784 = arith.constant 64 : index
      %parallel_loop3A_785 = tpu.vector_load %arg10[%parallel_loop3A_782, %parallel_loop3A_783, %parallel_loop3A_784] {strides = array<i32>} : memref<5x128x128xf32, #tpu.memory_space<vmem>>, vector<1x1x16xf32>,
      %parallel_loop3A_786 = vector.shape_cast %parallel_loop3A_785 : vector<1x1x16xf32> to vector<16xf32>
      %parallel_loop3A_787 = vector.shape_cast %parallel_loop3A_780 : vector<16xf32> to vector<1x1x16xf32>
      tpu.vector_store %arg10[%parallel_loop3A_782, %parallel_loop3A_783, %parallel_loop3A_784], %parallel_loop3A_787 {add = true, strides = array<i32>} : memref<5x128x128xf32, #tpu.memory_space<vmem>>, vector<1x1x16xf32>,
      %parallel_loop3A_788 = arith.addi %rem3A_97, %parallel_loop3A_727 : i32
      %parallel_loop3A_789 = arith.index_cast %parallel_loop3A_788 : i32 to index
      %parallel_loop3A_790 = arith.constant 80 : index
      %parallel_loop3A_791 = tpu.vector_load %arg8[%parallel_loop3A_789, %parallel_loop3A_790] {strides = array<i32>} : memref<320x128xf32, #tpu.memory_space<vmem>>, vector<1x16xf32>,
      %parallel_loop3A_792 = vector.shape_cast %parallel_loop3A_791 : vector<1x16xf32> to vector<16xf32>
      %parallel_loop3A_793 = arith.constant 0 : i32
      %parallel_loop3A_794 = arith.index_cast %parallel_loop3A_793 : i32 to index
      %parallel_loop3A_795 = arith.index_cast %parallel_loop3A_727 : i32 to index
      %parallel_loop3A_796 = arith.constant 80 : index
      %parallel_loop3A_797 = tpu.vector_load %arg10[%parallel_loop3A_794, %parallel_loop3A_795, %parallel_loop3A_796] {strides = array<i32>} : memref<5x128x128xf32, #tpu.memory_space<vmem>>, vector<1x1x16xf32>,
      %parallel_loop3A_798 = vector.shape_cast %parallel_loop3A_797 : vector<1x1x16xf32> to vector<16xf32>
      %parallel_loop3A_799 = vector.shape_cast %parallel_loop3A_792 : vector<16xf32> to vector<1x1x16xf32>
      tpu.vector_store %arg10[%parallel_loop3A_794, %parallel_loop3A_795, %parallel_loop3A_796], %parallel_loop3A_799 {add = true, strides = array<i32>} : memref<5x128x128xf32, #tpu.memory_space<vmem>>, vector<1x1x16xf32>,
      %parallel_loop3A_800 = arith.addi %rem3A_97, %parallel_loop3A_727 : i32
      %parallel_loop3A_801 = arith.index_cast %parallel_loop3A_800 : i32 to index
      %parallel_loop3A_802 = arith.constant 96 : index
      %parallel_loop3A_803 = tpu.vector_load %arg8[%parallel_loop3A_801, %parallel_loop3A_802] {strides = array<i32>} : memref<320x128xf32, #tpu.memory_space<vmem>>, vector<1x16xf32>,
      %parallel_loop3A_804 = vector.shape_cast %parallel_loop3A_803 : vector<1x16xf32> to vector<16xf32>
      %parallel_loop3A_805 = arith.constant 0 : i32
      %parallel_loop3A_806 = arith.index_cast %parallel_loop3A_805 : i32 to index
      %parallel_loop3A_807 = arith.index_cast %parallel_loop3A_727 : i32 to index
      %parallel_loop3A_808 = arith.constant 96 : index
      %parallel_loop3A_809 = tpu.vector_load %arg10[%parallel_loop3A_806, %parallel_loop3A_807, %parallel_loop3A_808] {strides = array<i32>} : memref<5x128x128xf32, #tpu.memory_space<vmem>>, vector<1x1x16xf32>,
      %parallel_loop3A_810 = vector.shape_cast %parallel_loop3A_809 : vector<1x1x16xf32> to vector<16xf32>
      %parallel_loop3A_811 = vector.shape_cast %parallel_loop3A_804 : vector<16xf32> to vector<1x1x16xf32>
      tpu.vector_store %arg10[%parallel_loop3A_806, %parallel_loop3A_807, %parallel_loop3A_808], %parallel_loop3A_811 {add = true, strides = array<i32>} : memref<5x128x128xf32, #tpu.memory_space<vmem>>, vector<1x1x16xf32>,
      %parallel_loop3A_812 = arith.addi %rem3A_97, %parallel_loop3A_727 : i32
      %parallel_loop3A_813 = arith.index_cast %parallel_loop3A_812 : i32 to index
      %parallel_loop3A_814 = arith.constant 112 : index
      %parallel_loop3A_815 = tpu.vector_load %arg8[%parallel_loop3A_813, %parallel_loop3A_814] {strides = array<i32>} : memref<320x128xf32, #tpu.memory_space<vmem>>, vector<1x16xf32>,
      %parallel_loop3A_816 = vector.shape_cast %parallel_loop3A_815 : vector<1x16xf32> to vector<16xf32>
      %parallel_loop3A_817 = arith.constant 0 : i32
      %parallel_loop3A_818 = arith.index_cast %parallel_loop3A_817 : i32 to index
      %parallel_loop3A_819 = arith.index_cast %parallel_loop3A_727 : i32 to index
      %parallel_loop3A_820 = arith.constant 112 : index
      %parallel_loop3A_821 = tpu.vector_load %arg10[%parallel_loop3A_818, %parallel_loop3A_819, %parallel_loop3A_820] {strides = array<i32>} : memref<5x128x128xf32, #tpu.memory_space<vmem>>, vector<1x1x16xf32>,
      %parallel_loop3A_822 = vector.shape_cast %parallel_loop3A_821 : vector<1x1x16xf32> to vector<16xf32>
      %parallel_loop3A_823 = vector.shape_cast %parallel_loop3A_816 : vector<16xf32> to vector<1x1x16xf32>
      tpu.vector_store %arg10[%parallel_loop3A_818, %parallel_loop3A_819, %parallel_loop3A_820], %parallel_loop3A_823 {add = true, strides = array<i32>} : memref<5x128x128xf32, #tpu.memory_space<vmem>>, vector<1x1x16xf32>,
    } {sc.loop_unroll_factor = 4 : i64, sc.parallel_access}
    %add3A_101 = arith.constant 0 : i32
    %add3A_102 = arith.addi %mul3A_4, %add3A_101 : i32
    %dma_start3A_103 = arith.constant 0 : i32
    %dma_start3A_104 = arith.constant 0 : i32
    %dma_start3A_105 = arith.constant 0 : i32
    %dma_start3A_106 = arith.constant 0 : i32
    %dma_start3A_107 = tpu.memref_slice %arg10[%dma_start3A_103, %dma_start3A_105, %dma_start3A_106] : memref<5x128x128xf32, #tpu.memory_space<vmem>> -> memref<1x128x128xf32, #tpu.memory_space<vmem>>
    %dma_start3A_108 = tpu.memref_squeeze %dma_start3A_107 : memref<1x128x128xf32, #tpu.memory_space<vmem>> -> memref<128x128xf32, #tpu.memory_space<vmem>>
    %dma_start3A_109 = arith.constant 0 : i32
    %dma_start3A_110 = tpu.memref_slice %arg6[%add3A_102, %dma_start3A_109] : memref<204800x128xf32, #tpu.memory_space<hbm>> -> memref<128x128xf32, #tpu.memory_space<hbm>>
    %dma_start3A_111 = tpu.memref_slice %arg12[%dma_start3A_104] : memref<5x!tpu.dma_semaphore, #tpu.memory_space<semaphore_mem>> -> memref<1x!tpu.dma_semaphore, #tpu.memory_space<semaphore_mem>>
    %dma_start3A_112 = tpu.memref_squeeze %dma_start3A_111 : memref<1x!tpu.dma_semaphore, #tpu.memory_space<semaphore_mem>> -> memref<!tpu.dma_semaphore, #tpu.memory_space<semaphore_mem>>
    %dma_start3A_113 = arith.constant 0 : i32
    %dma_start3A_114 = tpu.memref_slice %arg6[%add3A_102, %dma_start3A_113] : memref<204800x128xf32, #tpu.memory_space<hbm>> -> memref<128x128xf32, #tpu.memory_space<hbm>>
    %dma_start3A_115 = arith.constant 0 : i32
    %dma_start3A_116 = arith.constant 0 : i32
    %dma_start3A_117 = tpu.memref_slice %arg10[%dma_start3A_103, %dma_start3A_115, %dma_start3A_116] : memref<5x128x128xf32, #tpu.memory_space<vmem>> -> memref<1x128x128xf32, #tpu.memory_space<vmem>>
    %dma_start3A_118 = tpu.memref_squeeze %dma_start3A_117 : memref<1x128x128xf32, #tpu.memory_space<vmem>> -> memref<128x128xf32, #tpu.memory_space<vmem>>
    tpu.enqueue_dma source(%dma_start3A_118 : memref<128x128xf32, #tpu.memory_space<vmem>>) target(%dma_start3A_114 : memref<128x128xf32, #tpu.memory_space<hbm>>) target_semaphore(%dma_start3A_112 : memref<!tpu.dma_semaphore, #tpu.memory_space<semaphore_mem>>)
    %dma_start3A_119 = arith.constant 3 : i32
    %dma_start3A_120 = arith.constant 3 : i32
    %dma_start3A_121 = arith.constant 0 : i32
    %dma_start3A_122 = arith.constant 0 : i32
    %dma_start3A_123 = tpu.memref_slice %arg10[%dma_start3A_119, %dma_start3A_121, %dma_start3A_122] : memref<5x128x128xf32, #tpu.memory_space<vmem>> -> memref<1x128x128xf32, #tpu.memory_space<vmem>>
    %dma_start3A_124 = tpu.memref_squeeze %dma_start3A_123 : memref<1x128x128xf32, #tpu.memory_space<vmem>> -> memref<128x128xf32, #tpu.memory_space<vmem>>
    %dma_start3A_125 = arith.constant 384 : i32
    %dma_start3A_126 = tpu.memref_slice %arg7[%dma_start3A_125] : memref<6400xi32, #tpu.memory_space<vmem>> -> memref<128xi32, #tpu.memory_space<vmem>>
    %dma_start3A_127 = arith.constant 0 : i32
    %dma_start3A_128 = arith.constant 0 : i32
    %dma_start3A_129 = tpu.memref_slice %arg3[%dma_start3A_127, %dma_start3A_128] : memref<1000000x128xf32, #tpu.memory_space<hbm>> -> memref<1000000x128xf32, #tpu.memory_space<hbm>>
    %dma_start3A_130 = tpu.memref_slice %arg11[%dma_start3A_120] : memref<5x!tpu.dma_semaphore, #tpu.memory_space<semaphore_mem>> -> memref<1x!tpu.dma_semaphore, #tpu.memory_space<semaphore_mem>>
    %dma_start3A_131 = tpu.memref_squeeze %dma_start3A_130 : memref<1x!tpu.dma_semaphore, #tpu.memory_space<semaphore_mem>> -> memref<!tpu.dma_semaphore, #tpu.memory_space<semaphore_mem>>
    tpu.enqueue_indirect_dma source(%dma_start3A_129 : memref<1000000x128xf32, #tpu.memory_space<hbm>>) target(%dma_start3A_124 : memref<128x128xf32, #tpu.memory_space<vmem>>) offsets(%dma_start3A_126 : memref<128xi32, #tpu.memory_space<vmem>>) semaphore(%dma_start3A_131 : memref<!tpu.dma_semaphore, #tpu.memory_space<semaphore_mem>>)
    %dma_wait3A_132 = arith.constant 1 : i32
    %dma_wait3A_133 = arith.constant 1 : i32
    %dma_wait3A_134 = arith.constant 0 : i32
    %dma_wait3A_135 = arith.constant 0 : i32
    %dma_wait3A_136 = tpu.memref_slice %arg10[%dma_wait3A_132, %dma_wait3A_134, %dma_wait3A_135] : memref<5x128x128xf32, #tpu.memory_space<vmem>> -> memref<1x128x128xf32, #tpu.memory_space<vmem>>
    %dma_wait3A_137 = tpu.memref_squeeze %dma_wait3A_136 : memref<1x128x128xf32, #tpu.memory_space<vmem>> -> memref<128x128xf32, #tpu.memory_space<vmem>>
    %dma_wait3A_138 = arith.constant 128 : i32
    %dma_wait3A_139 = tpu.memref_slice %arg7[%dma_wait3A_138] : memref<6400xi32, #tpu.memory_space<vmem>> -> memref<128xi32, #tpu.memory_space<vmem>>
    %dma_wait3A_140 = arith.constant 0 : i32
    %dma_wait3A_141 = arith.constant 0 : i32
    %dma_wait3A_142 = tpu.memref_slice %arg3[%dma_wait3A_140, %dma_wait3A_141] : memref<1000000x128xf32, #tpu.memory_space<hbm>> -> memref<1000000x128xf32, #tpu.memory_space<hbm>>
    %dma_wait3A_143 = tpu.memref_slice %arg11[%dma_wait3A_133] : memref<5x!tpu.dma_semaphore, #tpu.memory_space<semaphore_mem>> -> memref<1x!tpu.dma_semaphore, #tpu.memory_space<semaphore_mem>>
    %dma_wait3A_144 = tpu.memref_squeeze %dma_wait3A_143 : memref<1x!tpu.dma_semaphore, #tpu.memory_space<semaphore_mem>> -> memref<!tpu.dma_semaphore, #tpu.memory_space<semaphore_mem>>
    tpu.wait_indirect_dma semaphore(%dma_wait3A_144 : memref<!tpu.dma_semaphore, #tpu.memory_space<semaphore_mem>>) src(%dma_wait3A_142 : memref<1000000x128xf32, #tpu.memory_space<hbm>>) dst(%dma_wait3A_137 : memref<128x128xf32, #tpu.memory_space<vmem>>)
    %rem3A_145 = arith.constant 128 : i32
    %rem3A_146 = arith.constant 200 : i32
    %rem3A_147 = arith.remsi %rem3A_145, %rem3A_146 : i32
    %parallel_loop3A_148 = arith.constant 0 : i32
    %parallel_loop3A_149 = arith.constant 128 : i32
    %parallel_loop3A_150 = arith.constant 1 : i32
    scf.for %parallel_loop3A_727 = %parallel_loop3A_148 to %parallel_loop3A_149 step %parallel_loop3A_150  : i32 {
      %parallel_loop3A_728 = arith.addi %rem3A_147, %parallel_loop3A_727 : i32
      %parallel_loop3A_729 = arith.index_cast %parallel_loop3A_728 : i32 to index
      %parallel_loop3A_730 = arith.constant 0 : index
      %parallel_loop3A_731 = tpu.vector_load %arg8[%parallel_loop3A_729, %parallel_loop3A_730] {strides = array<i32>} : memref<320x128xf32, #tpu.memory_space<vmem>>, vector<1x16xf32>,
      %parallel_loop3A_732 = vector.shape_cast %parallel_loop3A_731 : vector<1x16xf32> to vector<16xf32>
      %parallel_loop3A_733 = arith.constant 1 : i32
      %parallel_loop3A_734 = arith.index_cast %parallel_loop3A_733 : i32 to index
      %parallel_loop3A_735 = arith.index_cast %parallel_loop3A_727 : i32 to index
      %parallel_loop3A_736 = arith.constant 0 : index
      %parallel_loop3A_737 = tpu.vector_load %arg10[%parallel_loop3A_734, %parallel_loop3A_735, %parallel_loop3A_736] {strides = array<i32>} : memref<5x128x128xf32, #tpu.memory_space<vmem>>, vector<1x1x16xf32>,
      %parallel_loop3A_738 = vector.shape_cast %parallel_loop3A_737 : vector<1x1x16xf32> to vector<16xf32>
      %parallel_loop3A_739 = vector.shape_cast %parallel_loop3A_732 : vector<16xf32> to vector<1x1x16xf32>
      tpu.vector_store %arg10[%parallel_loop3A_734, %parallel_loop3A_735, %parallel_loop3A_736], %parallel_loop3A_739 {add = true, strides = array<i32>} : memref<5x128x128xf32, #tpu.memory_space<vmem>>, vector<1x1x16xf32>,
      %parallel_loop3A_740 = arith.addi %rem3A_147, %parallel_loop3A_727 : i32
      %parallel_loop3A_741 = arith.index_cast %parallel_loop3A_740 : i32 to index
      %parallel_loop3A_742 = arith.constant 16 : index
      %parallel_loop3A_743 = tpu.vector_load %arg8[%parallel_loop3A_741, %parallel_loop3A_742] {strides = array<i32>} : memref<320x128xf32, #tpu.memory_space<vmem>>, vector<1x16xf32>,
      %parallel_loop3A_744 = vector.shape_cast %parallel_loop3A_743 : vector<1x16xf32> to vector<16xf32>
      %parallel_loop3A_745 = arith.constant 1 : i32
      %parallel_loop3A_746 = arith.index_cast %parallel_loop3A_745 : i32 to index
      %parallel_loop3A_747 = arith.index_cast %parallel_loop3A_727 : i32 to index
      %parallel_loop3A_748 = arith.constant 16 : index
      %parallel_loop3A_749 = tpu.vector_load %arg10[%parallel_loop3A_746, %parallel_loop3A_747, %parallel_loop3A_748] {strides = array<i32>} : memref<5x128x128xf32, #tpu.memory_space<vmem>>, vector<1x1x16xf32>,
      %parallel_loop3A_750 = vector.shape_cast %parallel_loop3A_749 : vector<1x1x16xf32> to vector<16xf32>
      %parallel_loop3A_751 = vector.shape_cast %parallel_loop3A_744 : vector<16xf32> to vector<1x1x16xf32>
      tpu.vector_store %arg10[%parallel_loop3A_746, %parallel_loop3A_747, %parallel_loop3A_748], %parallel_loop3A_751 {add = true, strides = array<i32>} : memref<5x128x128xf32, #tpu.memory_space<vmem>>, vector<1x1x16xf32>,
      %parallel_loop3A_752 = arith.addi %rem3A_147, %parallel_loop3A_727 : i32
      %parallel_loop3A_753 = arith.index_cast %parallel_loop3A_752 : i32 to index
      %parallel_loop3A_754 = arith.constant 32 : index
      %parallel_loop3A_755 = tpu.vector_load %arg8[%parallel_loop3A_753, %parallel_loop3A_754] {strides = array<i32>} : memref<320x128xf32, #tpu.memory_space<vmem>>, vector<1x16xf32>,
      %parallel_loop3A_756 = vector.shape_cast %parallel_loop3A_755 : vector<1x16xf32> to vector<16xf32>
      %parallel_loop3A_757 = arith.constant 1 : i32
      %parallel_loop3A_758 = arith.index_cast %parallel_loop3A_757 : i32 to index
      %parallel_loop3A_759 = arith.index_cast %parallel_loop3A_727 : i32 to index
      %parallel_loop3A_760 = arith.constant 32 : index
      %parallel_loop3A_761 = tpu.vector_load %arg10[%parallel_loop3A_758, %parallel_loop3A_759, %parallel_loop3A_760] {strides = array<i32>} : memref<5x128x128xf32, #tpu.memory_space<vmem>>, vector<1x1x16xf32>,
      %parallel_loop3A_762 = vector.shape_cast %parallel_loop3A_761 : vector<1x1x16xf32> to vector<16xf32>
      %parallel_loop3A_763 = vector.shape_cast %parallel_loop3A_756 : vector<16xf32> to vector<1x1x16xf32>
      tpu.vector_store %arg10[%parallel_loop3A_758, %parallel_loop3A_759, %parallel_loop3A_760], %parallel_loop3A_763 {add = true, strides = array<i32>} : memref<5x128x128xf32, #tpu.memory_space<vmem>>, vector<1x1x16xf32>,
      %parallel_loop3A_764 = arith.addi %rem3A_147, %parallel_loop3A_727 : i32
      %parallel_loop3A_765 = arith.index_cast %parallel_loop3A_764 : i32 to index
      %parallel_loop3A_766 = arith.constant 48 : index
      %parallel_loop3A_767 = tpu.vector_load %arg8[%parallel_loop3A_765, %parallel_loop3A_766] {strides = array<i32>} : memref<320x128xf32, #tpu.memory_space<vmem>>, vector<1x16xf32>,
      %parallel_loop3A_768 = vector.shape_cast %parallel_loop3A_767 : vector<1x16xf32> to vector<16xf32>
      %parallel_loop3A_769 = arith.constant 1 : i32
      %parallel_loop3A_770 = arith.index_cast %parallel_loop3A_769 : i32 to index
      %parallel_loop3A_771 = arith.index_cast %parallel_loop3A_727 : i32 to index
      %parallel_loop3A_772 = arith.constant 48 : index
      %parallel_loop3A_773 = tpu.vector_load %arg10[%parallel_loop3A_770, %parallel_loop3A_771, %parallel_loop3A_772] {strides = array<i32>} : memref<5x128x128xf32, #tpu.memory_space<vmem>>, vector<1x1x16xf32>,
      %parallel_loop3A_774 = vector.shape_cast %parallel_loop3A_773 : vector<1x1x16xf32> to vector<16xf32>
      %parallel_loop3A_775 = vector.shape_cast %parallel_loop3A_768 : vector<16xf32> to vector<1x1x16xf32>
      tpu.vector_store %arg10[%parallel_loop3A_770, %parallel_loop3A_771, %parallel_loop3A_772], %parallel_loop3A_775 {add = true, strides = array<i32>} : memref<5x128x128xf32, #tpu.memory_space<vmem>>, vector<1x1x16xf32>,
      %parallel_loop3A_776 = arith.addi %rem3A_147, %parallel_loop3A_727 : i32
      %parallel_loop3A_777 = arith.index_cast %parallel_loop3A_776 : i32 to index
      %parallel_loop3A_778 = arith.constant 64 : index
      %parallel_loop3A_779 = tpu.vector_load %arg8[%parallel_loop3A_777, %parallel_loop3A_778] {strides = array<i32>} : memref<320x128xf32, #tpu.memory_space<vmem>>, vector<1x16xf32>,
      %parallel_loop3A_780 = vector.shape_cast %parallel_loop3A_779 : vector<1x16xf32> to vector<16xf32>
      %parallel_loop3A_781 = arith.constant 1 : i32
      %parallel_loop3A_782 = arith.index_cast %parallel_loop3A_781 : i32 to index
      %parallel_loop3A_783 = arith.index_cast %parallel_loop3A_727 : i32 to index
      %parallel_loop3A_784 = arith.constant 64 : index
      %parallel_loop3A_785 = tpu.vector_load %arg10[%parallel_loop3A_782, %parallel_loop3A_783, %parallel_loop3A_784] {strides = array<i32>} : memref<5x128x128xf32, #tpu.memory_space<vmem>>, vector<1x1x16xf32>,
      %parallel_loop3A_786 = vector.shape_cast %parallel_loop3A_785 : vector<1x1x16xf32> to vector<16xf32>
      %parallel_loop3A_787 = vector.shape_cast %parallel_loop3A_780 : vector<16xf32> to vector<1x1x16xf32>
      tpu.vector_store %arg10[%parallel_loop3A_782, %parallel_loop3A_783, %parallel_loop3A_784], %parallel_loop3A_787 {add = true, strides = array<i32>} : memref<5x128x128xf32, #tpu.memory_space<vmem>>, vector<1x1x16xf32>,
      %parallel_loop3A_788 = arith.addi %rem3A_147, %parallel_loop3A_727 : i32
      %parallel_loop3A_789 = arith.index_cast %parallel_loop3A_788 : i32 to index
      %parallel_loop3A_790 = arith.constant 80 : index
      %parallel_loop3A_791 = tpu.vector_load %arg8[%parallel_loop3A_789, %parallel_loop3A_790] {strides = array<i32>} : memref<320x128xf32, #tpu.memory_space<vmem>>, vector<1x16xf32>,
      %parallel_loop3A_792 = vector.shape_cast %parallel_loop3A_791 : vector<1x16xf32> to vector<16xf32>
      %parallel_loop3A_793 = arith.constant 1 : i32
      %parallel_loop3A_794 = arith.index_cast %parallel_loop3A_793 : i32 to index
      %parallel_loop3A_795 = arith.index_cast %parallel_loop3A_727 : i32 to index
      %parallel_loop3A_796 = arith.constant 80 : index
      %parallel_loop3A_797 = tpu.vector_load %arg10[%parallel_loop3A_794, %parallel_loop3A_795, %parallel_loop3A_796] {strides = array<i32>} : memref<5x128x128xf32, #tpu.memory_space<vmem>>, vector<1x1x16xf32>,
      %parallel_loop3A_798 = vector.shape_cast %parallel_loop3A_797 : vector<1x1x16xf32> to vector<16xf32>
      %parallel_loop3A_799 = vector.shape_cast %parallel_loop3A_792 : vector<16xf32> to vector<1x1x16xf32>
      tpu.vector_store %arg10[%parallel_loop3A_794, %parallel_loop3A_795, %parallel_loop3A_796], %parallel_loop3A_799 {add = true, strides = array<i32>} : memref<5x128x128xf32, #tpu.memory_space<vmem>>, vector<1x1x16xf32>,
      %parallel_loop3A_800 = arith.addi %rem3A_147, %parallel_loop3A_727 : i32
      %parallel_loop3A_801 = arith.index_cast %parallel_loop3A_800 : i32 to index
      %parallel_loop3A_802 = arith.constant 96 : index
      %parallel_loop3A_803 = tpu.vector_load %arg8[%parallel_loop3A_801, %parallel_loop3A_802] {strides = array<i32>} : memref<320x128xf32, #tpu.memory_space<vmem>>, vector<1x16xf32>,
      %parallel_loop3A_804 = vector.shape_cast %parallel_loop3A_803 : vector<1x16xf32> to vector<16xf32>
      %parallel_loop3A_805 = arith.constant 1 : i32
      %parallel_loop3A_806 = arith.index_cast %parallel_loop3A_805 : i32 to index
      %parallel_loop3A_807 = arith.index_cast %parallel_loop3A_727 : i32 to index
      %parallel_loop3A_808 = arith.constant 96 : index
      %parallel_loop3A_809 = tpu.vector_load %arg10[%parallel_loop3A_806, %parallel_loop3A_807, %parallel_loop3A_808] {strides = array<i32>} : memref<5x128x128xf32, #tpu.memory_space<vmem>>, vector<1x1x16xf32>,
      %parallel_loop3A_810 = vector.shape_cast %parallel_loop3A_809 : vector<1x1x16xf32> to vector<16xf32>
      %parallel_loop3A_811 = vector.shape_cast %parallel_loop3A_804 : vector<16xf32> to vector<1x1x16xf32>
      tpu.vector_store %arg10[%parallel_loop3A_806, %parallel_loop3A_807, %parallel_loop3A_808], %parallel_loop3A_811 {add = true, strides = array<i32>} : memref<5x128x128xf32, #tpu.memory_space<vmem>>, vector<1x1x16xf32>,
      %parallel_loop3A_812 = arith.addi %rem3A_147, %parallel_loop3A_727 : i32
      %parallel_loop3A_813 = arith.index_cast %parallel_loop3A_812 : i32 to index
      %parallel_loop3A_814 = arith.constant 112 : index
      %parallel_loop3A_815 = tpu.vector_load %arg8[%parallel_loop3A_813, %parallel_loop3A_814] {strides = array<i32>} : memref<320x128xf32, #tpu.memory_space<vmem>>, vector<1x16xf32>,
      %parallel_loop3A_816 = vector.shape_cast %parallel_loop3A_815 : vector<1x16xf32> to vector<16xf32>
      %parallel_loop3A_817 = arith.constant 1 : i32
      %parallel_loop3A_818 = arith.index_cast %parallel_loop3A_817 : i32 to index
      %parallel_loop3A_819 = arith.index_cast %parallel_loop3A_727 : i32 to index
      %parallel_loop3A_820 = arith.constant 112 : index
      %parallel_loop3A_821 = tpu.vector_load %arg10[%parallel_loop3A_818, %parallel_loop3A_819, %parallel_loop3A_820] {strides = array<i32>} : memref<5x128x128xf32, #tpu.memory_space<vmem>>, vector<1x1x16xf32>,
      %parallel_loop3A_822 = vector.shape_cast %parallel_loop3A_821 : vector<1x1x16xf32> to vector<16xf32>
      %parallel_loop3A_823 = vector.shape_cast %parallel_loop3A_816 : vector<16xf32> to vector<1x1x16xf32>
      tpu.vector_store %arg10[%parallel_loop3A_818, %parallel_loop3A_819, %parallel_loop3A_820], %parallel_loop3A_823 {add = true, strides = array<i32>} : memref<5x128x128xf32, #tpu.memory_space<vmem>>, vector<1x1x16xf32>,
    } {sc.loop_unroll_factor = 4 : i64, sc.parallel_access}
    %add3A_151 = arith.constant 128 : i32
    %add3A_152 = arith.addi %mul3A_4, %add3A_151 : i32
    %dma_start3A_153 = arith.constant 1 : i32
    %dma_start3A_154 = arith.constant 1 : i32
    %dma_start3A_155 = arith.constant 0 : i32
    %dma_start3A_156 = arith.constant 0 : i32
    %dma_start3A_157 = tpu.memref_slice %arg10[%dma_start3A_153, %dma_start3A_155, %dma_start3A_156] : memref<5x128x128xf32, #tpu.memory_space<vmem>> -> memref<1x128x128xf32, #tpu.memory_space<vmem>>
    %dma_start3A_158 = tpu.memref_squeeze %dma_start3A_157 : memref<1x128x128xf32, #tpu.memory_space<vmem>> -> memref<128x128xf32, #tpu.memory_space<vmem>>
    %dma_start3A_159 = arith.constant 0 : i32
    %dma_start3A_160 = tpu.memref_slice %arg6[%add3A_152, %dma_start3A_159] : memref<204800x128xf32, #tpu.memory_space<hbm>> -> memref<128x128xf32, #tpu.memory_space<hbm>>
    %dma_start3A_161 = tpu.memref_slice %arg12[%dma_start3A_154] : memref<5x!tpu.dma_semaphore, #tpu.memory_space<semaphore_mem>> -> memref<1x!tpu.dma_semaphore, #tpu.memory_space<semaphore_mem>>
    %dma_start3A_162 = tpu.memref_squeeze %dma_start3A_161 : memref<1x!tpu.dma_semaphore, #tpu.memory_space<semaphore_mem>> -> memref<!tpu.dma_semaphore, #tpu.memory_space<semaphore_mem>>
    %dma_start3A_163 = arith.constant 0 : i32
    %dma_start3A_164 = tpu.memref_slice %arg6[%add3A_152, %dma_start3A_163] : memref<204800x128xf32, #tpu.memory_space<hbm>> -> memref<128x128xf32, #tpu.memory_space<hbm>>
    %dma_start3A_165 = arith.constant 0 : i32
    %dma_start3A_166 = arith.constant 0 : i32
    %dma_start3A_167 = tpu.memref_slice %arg10[%dma_start3A_153, %dma_start3A_165, %dma_start3A_166] : memref<5x128x128xf32, #tpu.memory_space<vmem>> -> memref<1x128x128xf32, #tpu.memory_space<vmem>>
    %dma_start3A_168 = tpu.memref_squeeze %dma_start3A_167 : memref<1x128x128xf32, #tpu.memory_space<vmem>> -> memref<128x128xf32, #tpu.memory_space<vmem>>
    tpu.enqueue_dma source(%dma_start3A_168 : memref<128x128xf32, #tpu.memory_space<vmem>>) target(%dma_start3A_164 : memref<128x128xf32, #tpu.memory_space<hbm>>) target_semaphore(%dma_start3A_162 : memref<!tpu.dma_semaphore, #tpu.memory_space<semaphore_mem>>)
    %dma_start3A_169 = arith.constant 4 : i32
    %dma_start3A_170 = arith.constant 4 : i32
    %dma_start3A_171 = arith.constant 0 : i32
    %dma_start3A_172 = arith.constant 0 : i32
    %dma_start3A_173 = tpu.memref_slice %arg10[%dma_start3A_169, %dma_start3A_171, %dma_start3A_172] : memref<5x128x128xf32, #tpu.memory_space<vmem>> -> memref<1x128x128xf32, #tpu.memory_space<vmem>>
    %dma_start3A_174 = tpu.memref_squeeze %dma_start3A_173 : memref<1x128x128xf32, #tpu.memory_space<vmem>> -> memref<128x128xf32, #tpu.memory_space<vmem>>
    %dma_start3A_175 = arith.constant 512 : i32
    %dma_start3A_176 = tpu.memref_slice %arg7[%dma_start3A_175] : memref<6400xi32, #tpu.memory_space<vmem>> -> memref<128xi32, #tpu.memory_space<vmem>>
    %dma_start3A_177 = arith.constant 0 : i32
    %dma_start3A_178 = arith.constant 0 : i32
    %dma_start3A_179 = tpu.memref_slice %arg3[%dma_start3A_177, %dma_start3A_178] : memref<1000000x128xf32, #tpu.memory_space<hbm>> -> memref<1000000x128xf32, #tpu.memory_space<hbm>>
    %dma_start3A_180 = tpu.memref_slice %arg11[%dma_start3A_170] : memref<5x!tpu.dma_semaphore, #tpu.memory_space<semaphore_mem>> -> memref<1x!tpu.dma_semaphore, #tpu.memory_space<semaphore_mem>>
    %dma_start3A_181 = tpu.memref_squeeze %dma_start3A_180 : memref<1x!tpu.dma_semaphore, #tpu.memory_space<semaphore_mem>> -> memref<!tpu.dma_semaphore, #tpu.memory_space<semaphore_mem>>
    tpu.enqueue_indirect_dma source(%dma_start3A_179 : memref<1000000x128xf32, #tpu.memory_space<hbm>>) target(%dma_start3A_174 : memref<128x128xf32, #tpu.memory_space<vmem>>) offsets(%dma_start3A_176 : memref<128xi32, #tpu.memory_space<vmem>>) semaphore(%dma_start3A_181 : memref<!tpu.dma_semaphore, #tpu.memory_space<semaphore_mem>>)
    %dma_wait3A_182 = arith.constant 2 : i32
    %dma_wait3A_183 = arith.constant 2 : i32
    %dma_wait3A_184 = arith.constant 0 : i32
    %dma_wait3A_185 = arith.constant 0 : i32
    %dma_wait3A_186 = tpu.memref_slice %arg10[%dma_wait3A_182, %dma_wait3A_184, %dma_wait3A_185] : memref<5x128x128xf32, #tpu.memory_space<vmem>> -> memref<1x128x128xf32, #tpu.memory_space<vmem>>
    %dma_wait3A_187 = tpu.memref_squeeze %dma_wait3A_186 : memref<1x128x128xf32, #tpu.memory_space<vmem>> -> memref<128x128xf32, #tpu.memory_space<vmem>>
    %dma_wait3A_188 = arith.constant 256 : i32
    %dma_wait3A_189 = tpu.memref_slice %arg7[%dma_wait3A_188] : memref<6400xi32, #tpu.memory_space<vmem>> -> memref<128xi32, #tpu.memory_space<vmem>>
    %dma_wait3A_190 = arith.constant 0 : i32
    %dma_wait3A_191 = arith.constant 0 : i32
    %dma_wait3A_192 = tpu.memref_slice %arg3[%dma_wait3A_190, %dma_wait3A_191] : memref<1000000x128xf32, #tpu.memory_space<hbm>> -> memref<1000000x128xf32, #tpu.memory_space<hbm>>
    %dma_wait3A_193 = tpu.memref_slice %arg11[%dma_wait3A_183] : memref<5x!tpu.dma_semaphore, #tpu.memory_space<semaphore_mem>> -> memref<1x!tpu.dma_semaphore, #tpu.memory_space<semaphore_mem>>
    %dma_wait3A_194 = tpu.memref_squeeze %dma_wait3A_193 : memref<1x!tpu.dma_semaphore, #tpu.memory_space<semaphore_mem>> -> memref<!tpu.dma_semaphore, #tpu.memory_space<semaphore_mem>>
    tpu.wait_indirect_dma semaphore(%dma_wait3A_194 : memref<!tpu.dma_semaphore, #tpu.memory_space<semaphore_mem>>) src(%dma_wait3A_192 : memref<1000000x128xf32, #tpu.memory_space<hbm>>) dst(%dma_wait3A_187 : memref<128x128xf32, #tpu.memory_space<vmem>>)
    %rem3A_195 = arith.constant 256 : i32
    %rem3A_196 = arith.constant 200 : i32
    %rem3A_197 = arith.remsi %rem3A_195, %rem3A_196 : i32
    %parallel_loop3A_198 = arith.constant 0 : i32
    %parallel_loop3A_199 = arith.constant 128 : i32
    %parallel_loop3A_200 = arith.constant 1 : i32
    scf.for %parallel_loop3A_727 = %parallel_loop3A_198 to %parallel_loop3A_199 step %parallel_loop3A_200  : i32 {
      %parallel_loop3A_728 = arith.addi %rem3A_197, %parallel_loop3A_727 : i32
      %parallel_loop3A_729 = arith.index_cast %parallel_loop3A_728 : i32 to index
      %parallel_loop3A_730 = arith.constant 0 : index
      %parallel_loop3A_731 = tpu.vector_load %arg8[%parallel_loop3A_729, %parallel_loop3A_730] {strides = array<i32>} : memref<320x128xf32, #tpu.memory_space<vmem>>, vector<1x16xf32>,
      %parallel_loop3A_732 = vector.shape_cast %parallel_loop3A_731 : vector<1x16xf32> to vector<16xf32>
      %parallel_loop3A_733 = arith.constant 2 : i32
      %parallel_loop3A_734 = arith.index_cast %parallel_loop3A_733 : i32 to index
      %parallel_loop3A_735 = arith.index_cast %parallel_loop3A_727 : i32 to index
      %parallel_loop3A_736 = arith.constant 0 : index
      %parallel_loop3A_737 = tpu.vector_load %arg10[%parallel_loop3A_734, %parallel_loop3A_735, %parallel_loop3A_736] {strides = array<i32>} : memref<5x128x128xf32, #tpu.memory_space<vmem>>, vector<1x1x16xf32>,
      %parallel_loop3A_738 = vector.shape_cast %parallel_loop3A_737 : vector<1x1x16xf32> to vector<16xf32>
      %parallel_loop3A_739 = vector.shape_cast %parallel_loop3A_732 : vector<16xf32> to vector<1x1x16xf32>
      tpu.vector_store %arg10[%parallel_loop3A_734, %parallel_loop3A_735, %parallel_loop3A_736], %parallel_loop3A_739 {add = true, strides = array<i32>} : memref<5x128x128xf32, #tpu.memory_space<vmem>>, vector<1x1x16xf32>,
      %parallel_loop3A_740 = arith.addi %rem3A_197, %parallel_loop3A_727 : i32
      %parallel_loop3A_741 = arith.index_cast %parallel_loop3A_740 : i32 to index
      %parallel_loop3A_742 = arith.constant 16 : index
      %parallel_loop3A_743 = tpu.vector_load %arg8[%parallel_loop3A_741, %parallel_loop3A_742] {strides = array<i32>} : memref<320x128xf32, #tpu.memory_space<vmem>>, vector<1x16xf32>,
      %parallel_loop3A_744 = vector.shape_cast %parallel_loop3A_743 : vector<1x16xf32> to vector<16xf32>
      %parallel_loop3A_745 = arith.constant 2 : i32
      %parallel_loop3A_746 = arith.index_cast %parallel_loop3A_745 : i32 to index
      %parallel_loop3A_747 = arith.index_cast %parallel_loop3A_727 : i32 to index
      %parallel_loop3A_748 = arith.constant 16 : index
      %parallel_loop3A_749 = tpu.vector_load %arg10[%parallel_loop3A_746, %parallel_loop3A_747, %parallel_loop3A_748] {strides = array<i32>} : memref<5x128x128xf32, #tpu.memory_space<vmem>>, vector<1x1x16xf32>,
      %parallel_loop3A_750 = vector.shape_cast %parallel_loop3A_749 : vector<1x1x16xf32> to vector<16xf32>
      %parallel_loop3A_751 = vector.shape_cast %parallel_loop3A_744 : vector<16xf32> to vector<1x1x16xf32>
      tpu.vector_store %arg10[%parallel_loop3A_746, %parallel_loop3A_747, %parallel_loop3A_748], %parallel_loop3A_751 {add = true, strides = array<i32>} : memref<5x128x128xf32, #tpu.memory_space<vmem>>, vector<1x1x16xf32>,
      %parallel_loop3A_752 = arith.addi %rem3A_197, %parallel_loop3A_727 : i32
      %parallel_loop3A_753 = arith.index_cast %parallel_loop3A_752 : i32 to index
      %parallel_loop3A_754 = arith.constant 32 : index
      %parallel_loop3A_755 = tpu.vector_load %arg8[%parallel_loop3A_753, %parallel_loop3A_754] {strides = array<i32>} : memref<320x128xf32, #tpu.memory_space<vmem>>, vector<1x16xf32>,
      %parallel_loop3A_756 = vector.shape_cast %parallel_loop3A_755 : vector<1x16xf32> to vector<16xf32>
      %parallel_loop3A_757 = arith.constant 2 : i32
      %parallel_loop3A_758 = arith.index_cast %parallel_loop3A_757 : i32 to index
      %parallel_loop3A_759 = arith.index_cast %parallel_loop3A_727 : i32 to index
      %parallel_loop3A_760 = arith.constant 32 : index
      %parallel_loop3A_761 = tpu.vector_load %arg10[%parallel_loop3A_758, %parallel_loop3A_759, %parallel_loop3A_760] {strides = array<i32>} : memref<5x128x128xf32, #tpu.memory_space<vmem>>, vector<1x1x16xf32>,
      %parallel_loop3A_762 = vector.shape_cast %parallel_loop3A_761 : vector<1x1x16xf32> to vector<16xf32>
      %parallel_loop3A_763 = vector.shape_cast %parallel_loop3A_756 : vector<16xf32> to vector<1x1x16xf32>
      tpu.vector_store %arg10[%parallel_loop3A_758, %parallel_loop3A_759, %parallel_loop3A_760], %parallel_loop3A_763 {add = true, strides = array<i32>} : memref<5x128x128xf32, #tpu.memory_space<vmem>>, vector<1x1x16xf32>,
      %parallel_loop3A_764 = arith.addi %rem3A_197, %parallel_loop3A_727 : i32
      %parallel_loop3A_765 = arith.index_cast %parallel_loop3A_764 : i32 to index
      %parallel_loop3A_766 = arith.constant 48 : index
      %parallel_loop3A_767 = tpu.vector_load %arg8[%parallel_loop3A_765, %parallel_loop3A_766] {strides = array<i32>} : memref<320x128xf32, #tpu.memory_space<vmem>>, vector<1x16xf32>,
      %parallel_loop3A_768 = vector.shape_cast %parallel_loop3A_767 : vector<1x16xf32> to vector<16xf32>
      %parallel_loop3A_769 = arith.constant 2 : i32
      %parallel_loop3A_770 = arith.index_cast %parallel_loop3A_769 : i32 to index
      %parallel_loop3A_771 = arith.index_cast %parallel_loop3A_727 : i32 to index
      %parallel_loop3A_772 = arith.constant 48 : index
      %parallel_loop3A_773 = tpu.vector_load %arg10[%parallel_loop3A_770, %parallel_loop3A_771, %parallel_loop3A_772] {strides = array<i32>} : memref<5x128x128xf32, #tpu.memory_space<vmem>>, vector<1x1x16xf32>,
      %parallel_loop3A_774 = vector.shape_cast %parallel_loop3A_773 : vector<1x1x16xf32> to vector<16xf32>
      %parallel_loop3A_775 = vector.shape_cast %parallel_loop3A_768 : vector<16xf32> to vector<1x1x16xf32>
      tpu.vector_store %arg10[%parallel_loop3A_770, %parallel_loop3A_771, %parallel_loop3A_772], %parallel_loop3A_775 {add = true, strides = array<i32>} : memref<5x128x128xf32, #tpu.memory_space<vmem>>, vector<1x1x16xf32>,
      %parallel_loop3A_776 = arith.addi %rem3A_197, %parallel_loop3A_727 : i32
      %parallel_loop3A_777 = arith.index_cast %parallel_loop3A_776 : i32 to index
      %parallel_loop3A_778 = arith.constant 64 : index
      %parallel_loop3A_779 = tpu.vector_load %arg8[%parallel_loop3A_777, %parallel_loop3A_778] {strides = array<i32>} : memref<320x128xf32, #tpu.memory_space<vmem>>, vector<1x16xf32>,
      %parallel_loop3A_780 = vector.shape_cast %parallel_loop3A_779 : vector<1x16xf32> to vector<16xf32>
      %parallel_loop3A_781 = arith.constant 2 : i32
      %parallel_loop3A_782 = arith.index_cast %parallel_loop3A_781 : i32 to index
      %parallel_loop3A_783 = arith.index_cast %parallel_loop3A_727 : i32 to index
      %parallel_loop3A_784 = arith.constant 64 : index
      %parallel_loop3A_785 = tpu.vector_load %arg10[%parallel_loop3A_782, %parallel_loop3A_783, %parallel_loop3A_784] {strides = array<i32>} : memref<5x128x128xf32, #tpu.memory_space<vmem>>, vector<1x1x16xf32>,
      %parallel_loop3A_786 = vector.shape_cast %parallel_loop3A_785 : vector<1x1x16xf32> to vector<16xf32>
      %parallel_loop3A_787 = vector.shape_cast %parallel_loop3A_780 : vector<16xf32> to vector<1x1x16xf32>
      tpu.vector_store %arg10[%parallel_loop3A_782, %parallel_loop3A_783, %parallel_loop3A_784], %parallel_loop3A_787 {add = true, strides = array<i32>} : memref<5x128x128xf32, #tpu.memory_space<vmem>>, vector<1x1x16xf32>,
      %parallel_loop3A_788 = arith.addi %rem3A_197, %parallel_loop3A_727 : i32
      %parallel_loop3A_789 = arith.index_cast %parallel_loop3A_788 : i32 to index
      %parallel_loop3A_790 = arith.constant 80 : index
      %parallel_loop3A_791 = tpu.vector_load %arg8[%parallel_loop3A_789, %parallel_loop3A_790] {strides = array<i32>} : memref<320x128xf32, #tpu.memory_space<vmem>>, vector<1x16xf32>,
      %parallel_loop3A_792 = vector.shape_cast %parallel_loop3A_791 : vector<1x16xf32> to vector<16xf32>
      %parallel_loop3A_793 = arith.constant 2 : i32
      %parallel_loop3A_794 = arith.index_cast %parallel_loop3A_793 : i32 to index
      %parallel_loop3A_795 = arith.index_cast %parallel_loop3A_727 : i32 to index
      %parallel_loop3A_796 = arith.constant 80 : index
      %parallel_loop3A_797 = tpu.vector_load %arg10[%parallel_loop3A_794, %parallel_loop3A_795, %parallel_loop3A_796] {strides = array<i32>} : memref<5x128x128xf32, #tpu.memory_space<vmem>>, vector<1x1x16xf32>,
      %parallel_loop3A_798 = vector.shape_cast %parallel_loop3A_797 : vector<1x1x16xf32> to vector<16xf32>
      %parallel_loop3A_799 = vector.shape_cast %parallel_loop3A_792 : vector<16xf32> to vector<1x1x16xf32>
      tpu.vector_store %arg10[%parallel_loop3A_794, %parallel_loop3A_795, %parallel_loop3A_796], %parallel_loop3A_799 {add = true, strides = array<i32>} : memref<5x128x128xf32, #tpu.memory_space<vmem>>, vector<1x1x16xf32>,
      %parallel_loop3A_800 = arith.addi %rem3A_197, %parallel_loop3A_727 : i32
      %parallel_loop3A_801 = arith.index_cast %parallel_loop3A_800 : i32 to index
      %parallel_loop3A_802 = arith.constant 96 : index
      %parallel_loop3A_803 = tpu.vector_load %arg8[%parallel_loop3A_801, %parallel_loop3A_802] {strides = array<i32>} : memref<320x128xf32, #tpu.memory_space<vmem>>, vector<1x16xf32>,
      %parallel_loop3A_804 = vector.shape_cast %parallel_loop3A_803 : vector<1x16xf32> to vector<16xf32>
      %parallel_loop3A_805 = arith.constant 2 : i32
      %parallel_loop3A_806 = arith.index_cast %parallel_loop3A_805 : i32 to index
      %parallel_loop3A_807 = arith.index_cast %parallel_loop3A_727 : i32 to index
      %parallel_loop3A_808 = arith.constant 96 : index
      %parallel_loop3A_809 = tpu.vector_load %arg10[%parallel_loop3A_806, %parallel_loop3A_807, %parallel_loop3A_808] {strides = array<i32>} : memref<5x128x128xf32, #tpu.memory_space<vmem>>, vector<1x1x16xf32>,
      %parallel_loop3A_810 = vector.shape_cast %parallel_loop3A_809 : vector<1x1x16xf32> to vector<16xf32>
      %parallel_loop3A_811 = vector.shape_cast %parallel_loop3A_804 : vector<16xf32> to vector<1x1x16xf32>
      tpu.vector_store %arg10[%parallel_loop3A_806, %parallel_loop3A_807, %parallel_loop3A_808], %parallel_loop3A_811 {add = true, strides = array<i32>} : memref<5x128x128xf32, #tpu.memory_space<vmem>>, vector<1x1x16xf32>,
      %parallel_loop3A_812 = arith.addi %rem3A_197, %parallel_loop3A_727 : i32
      %parallel_loop3A_813 = arith.index_cast %parallel_loop3A_812 : i32 to index
      %parallel_loop3A_814 = arith.constant 112 : index
      %parallel_loop3A_815 = tpu.vector_load %arg8[%parallel_loop3A_813, %parallel_loop3A_814] {strides = array<i32>} : memref<320x128xf32, #tpu.memory_space<vmem>>, vector<1x16xf32>,
      %parallel_loop3A_816 = vector.shape_cast %parallel_loop3A_815 : vector<1x16xf32> to vector<16xf32>
      %parallel_loop3A_817 = arith.constant 2 : i32
      %parallel_loop3A_818 = arith.index_cast %parallel_loop3A_817 : i32 to index
      %parallel_loop3A_819 = arith.index_cast %parallel_loop3A_727 : i32 to index
      %parallel_loop3A_820 = arith.constant 112 : index
      %parallel_loop3A_821 = tpu.vector_load %arg10[%parallel_loop3A_818, %parallel_loop3A_819, %parallel_loop3A_820] {strides = array<i32>} : memref<5x128x128xf32, #tpu.memory_space<vmem>>, vector<1x1x16xf32>,
      %parallel_loop3A_822 = vector.shape_cast %parallel_loop3A_821 : vector<1x1x16xf32> to vector<16xf32>
      %parallel_loop3A_823 = vector.shape_cast %parallel_loop3A_816 : vector<16xf32> to vector<1x1x16xf32>
      tpu.vector_store %arg10[%parallel_loop3A_818, %parallel_loop3A_819, %parallel_loop3A_820], %parallel_loop3A_823 {add = true, strides = array<i32>} : memref<5x128x128xf32, #tpu.memory_space<vmem>>, vector<1x1x16xf32>,
    } {sc.loop_unroll_factor = 4 : i64, sc.parallel_access}
    %add3A_201 = arith.constant 256 : i32
    %add3A_202 = arith.addi %mul3A_4, %add3A_201 : i32
    %dma_start3A_203 = arith.constant 2 : i32
    %dma_start3A_204 = arith.constant 2 : i32
    %dma_start3A_205 = arith.constant 0 : i32
    %dma_start3A_206 = arith.constant 0 : i32
    %dma_start3A_207 = tpu.memref_slice %arg10[%dma_start3A_203, %dma_start3A_205, %dma_start3A_206] : memref<5x128x128xf32, #tpu.memory_space<vmem>> -> memref<1x128x128xf32, #tpu.memory_space<vmem>>
    %dma_start3A_208 = tpu.memref_squeeze %dma_start3A_207 : memref<1x128x128xf32, #tpu.memory_space<vmem>> -> memref<128x128xf32, #tpu.memory_space<vmem>>
    %dma_start3A_209 = arith.constant 0 : i32
    %dma_start3A_210 = tpu.memref_slice %arg6[%add3A_202, %dma_start3A_209] : memref<204800x128xf32, #tpu.memory_space<hbm>> -> memref<128x128xf32, #tpu.memory_space<hbm>>
    %dma_start3A_211 = tpu.memref_slice %arg12[%dma_start3A_204] : memref<5x!tpu.dma_semaphore, #tpu.memory_space<semaphore_mem>> -> memref<1x!tpu.dma_semaphore, #tpu.memory_space<semaphore_mem>>
    %dma_start3A_212 = tpu.memref_squeeze %dma_start3A_211 : memref<1x!tpu.dma_semaphore, #tpu.memory_space<semaphore_mem>> -> memref<!tpu.dma_semaphore, #tpu.memory_space<semaphore_mem>>
    %dma_start3A_213 = arith.constant 0 : i32
    %dma_start3A_214 = tpu.memref_slice %arg6[%add3A_202, %dma_start3A_213] : memref<204800x128xf32, #tpu.memory_space<hbm>> -> memref<128x128xf32, #tpu.memory_space<hbm>>
    %dma_start3A_215 = arith.constant 0 : i32
    %dma_start3A_216 = arith.constant 0 : i32
    %dma_start3A_217 = tpu.memref_slice %arg10[%dma_start3A_203, %dma_start3A_215, %dma_start3A_216] : memref<5x128x128xf32, #tpu.memory_space<vmem>> -> memref<1x128x128xf32, #tpu.memory_space<vmem>>
    %dma_start3A_218 = tpu.memref_squeeze %dma_start3A_217 : memref<1x128x128xf32, #tpu.memory_space<vmem>> -> memref<128x128xf32, #tpu.memory_space<vmem>>
    tpu.enqueue_dma source(%dma_start3A_218 : memref<128x128xf32, #tpu.memory_space<vmem>>) target(%dma_start3A_214 : memref<128x128xf32, #tpu.memory_space<hbm>>) target_semaphore(%dma_start3A_212 : memref<!tpu.dma_semaphore, #tpu.memory_space<semaphore_mem>>)
    %add3A_219 = arith.constant 0 : i32
    %add3A_220 = arith.addi %mul3A_4, %add3A_219 : i32
    %dma_wait3A_221 = arith.constant 0 : i32
    %dma_wait3A_222 = arith.constant 0 : i32
    %dma_wait3A_223 = arith.constant 0 : i32
    %dma_wait3A_224 = arith.constant 0 : i32
    %dma_wait3A_225 = tpu.memref_slice %arg10[%dma_wait3A_221, %dma_wait3A_223, %dma_wait3A_224] : memref<5x128x128xf32, #tpu.memory_space<vmem>> -> memref<1x128x128xf32, #tpu.memory_space<vmem>>
    %dma_wait3A_226 = tpu.memref_squeeze %dma_wait3A_225 : memref<1x128x128xf32, #tpu.memory_space<vmem>> -> memref<128x128xf32, #tpu.memory_space<vmem>>
    %dma_wait3A_227 = arith.constant 0 : i32
    %dma_wait3A_228 = tpu.memref_slice %arg6[%add3A_220, %dma_wait3A_227] : memref<204800x128xf32, #tpu.memory_space<hbm>> -> memref<128x128xf32, #tpu.memory_space<hbm>>
    %dma_wait3A_229 = tpu.memref_slice %arg12[%dma_wait3A_222] : memref<5x!tpu.dma_semaphore, #tpu.memory_space<semaphore_mem>> -> memref<1x!tpu.dma_semaphore, #tpu.memory_space<semaphore_mem>>
    %dma_wait3A_230 = tpu.memref_squeeze %dma_wait3A_229 : memref<1x!tpu.dma_semaphore, #tpu.memory_space<semaphore_mem>> -> memref<!tpu.dma_semaphore, #tpu.memory_space<semaphore_mem>>
    %dma_wait3A_231 = arith.constant 0 : i32
    %dma_wait3A_232 = tpu.memref_slice %arg6[%add3A_220, %dma_wait3A_231] : memref<204800x128xf32, #tpu.memory_space<hbm>> -> memref<128x128xf32, #tpu.memory_space<hbm>>
    %dma_wait3A_233 = arith.constant 0 : i32
    %dma_wait3A_234 = arith.constant 0 : i32
    %dma_wait3A_235 = tpu.memref_slice %arg10[%dma_wait3A_221, %dma_wait3A_233, %dma_wait3A_234] : memref<5x128x128xf32, #tpu.memory_space<vmem>> -> memref<1x128x128xf32, #tpu.memory_space<vmem>>
    %dma_wait3A_236 = tpu.memref_squeeze %dma_wait3A_235 : memref<1x128x128xf32, #tpu.memory_space<vmem>> -> memref<128x128xf32, #tpu.memory_space<vmem>>
    tpu.wait_dma2 semaphore(%dma_wait3A_230 : memref<!tpu.dma_semaphore, #tpu.memory_space<semaphore_mem>>) src(%dma_wait3A_236 : memref<128x128xf32, #tpu.memory_space<vmem>>) dst(%dma_wait3A_232 : memref<128x128xf32, #tpu.memory_space<hbm>>)
    %dma_start3A_237 = arith.constant 0 : i32
    %dma_start3A_238 = arith.constant 0 : i32
    %dma_start3A_239 = arith.constant 0 : i32
    %dma_start3A_240 = arith.constant 0 : i32
    %dma_start3A_241 = tpu.memref_slice %arg10[%dma_start3A_237, %dma_start3A_239, %dma_start3A_240] : memref<5x128x128xf32, #tpu.memory_space<vmem>> -> memref<1x128x128xf32, #tpu.memory_space<vmem>>
    %dma_start3A_242 = tpu.memref_squeeze %dma_start3A_241 : memref<1x128x128xf32, #tpu.memory_space<vmem>> -> memref<128x128xf32, #tpu.memory_space<vmem>>
    %dma_start3A_243 = arith.constant 640 : i32
    %dma_start3A_244 = tpu.memref_slice %arg7[%dma_start3A_243] : memref<6400xi32, #tpu.memory_space<vmem>> -> memref<128xi32, #tpu.memory_space<vmem>>
    %dma_start3A_245 = arith.constant 0 : i32
    %dma_start3A_246 = arith.constant 0 : i32
    %dma_start3A_247 = tpu.memref_slice %arg3[%dma_start3A_245, %dma_start3A_246] : memref<1000000x128xf32, #tpu.memory_space<hbm>> -> memref<1000000x128xf32, #tpu.memory_space<hbm>>
    %dma_start3A_248 = tpu.memref_slice %arg11[%dma_start3A_238] : memref<5x!tpu.dma_semaphore, #tpu.memory_space<semaphore_mem>> -> memref<1x!tpu.dma_semaphore, #tpu.memory_space<semaphore_mem>>
    %dma_start3A_249 = tpu.memref_squeeze %dma_start3A_248 : memref<1x!tpu.dma_semaphore, #tpu.memory_space<semaphore_mem>> -> memref<!tpu.dma_semaphore, #tpu.memory_space<semaphore_mem>>
    tpu.enqueue_indirect_dma source(%dma_start3A_247 : memref<1000000x128xf32, #tpu.memory_space<hbm>>) target(%dma_start3A_242 : memref<128x128xf32, #tpu.memory_space<vmem>>) offsets(%dma_start3A_244 : memref<128xi32, #tpu.memory_space<vmem>>) semaphore(%dma_start3A_249 : memref<!tpu.dma_semaphore, #tpu.memory_space<semaphore_mem>>)
    %dma_wait3A_250 = arith.constant 3 : i32
    %dma_wait3A_251 = arith.constant 3 : i32
    %dma_wait3A_252 = arith.constant 0 : i32
    %dma_wait3A_253 = arith.constant 0 : i32
    %dma_wait3A_254 = tpu.memref_slice %arg10[%dma_wait3A_250, %dma_wait3A_252, %dma_wait3A_253] : memref<5x128x128xf32, #tpu.memory_space<vmem>> -> memref<1x128x128xf32, #tpu.memory_space<vmem>>
    %dma_wait3A_255 = tpu.memref_squeeze %dma_wait3A_254 : memref<1x128x128xf32, #tpu.memory_space<vmem>> -> memref<128x128xf32, #tpu.memory_space<vmem>>
    %dma_wait3A_256 = arith.constant 384 : i32
    %dma_wait3A_257 = tpu.memref_slice %arg7[%dma_wait3A_256] : memref<6400xi32, #tpu.memory_space<vmem>> -> memref<128xi32, #tpu.memory_space<vmem>>
    %dma_wait3A_258 = arith.constant 0 : i32
    %dma_wait3A_259 = arith.constant 0 : i32
    %dma_wait3A_260 = tpu.memref_slice %arg3[%dma_wait3A_258, %dma_wait3A_259] : memref<1000000x128xf32, #tpu.memory_space<hbm>> -> memref<1000000x128xf32, #tpu.memory_space<hbm>>
    %dma_wait3A_261 = tpu.memref_slice %arg11[%dma_wait3A_251] : memref<5x!tpu.dma_semaphore, #tpu.memory_space<semaphore_mem>> -> memref<1x!tpu.dma_semaphore, #tpu.memory_space<semaphore_mem>>
    %dma_wait3A_262 = tpu.memref_squeeze %dma_wait3A_261 : memref<1x!tpu.dma_semaphore, #tpu.memory_space<semaphore_mem>> -> memref<!tpu.dma_semaphore, #tpu.memory_space<semaphore_mem>>
    tpu.wait_indirect_dma semaphore(%dma_wait3A_262 : memref<!tpu.dma_semaphore, #tpu.memory_space<semaphore_mem>>) src(%dma_wait3A_260 : memref<1000000x128xf32, #tpu.memory_space<hbm>>) dst(%dma_wait3A_255 : memref<128x128xf32, #tpu.memory_space<vmem>>)
    %rem3A_263 = arith.constant 384 : i32
    %rem3A_264 = arith.constant 200 : i32
    %rem3A_265 = arith.remsi %rem3A_263, %rem3A_264 : i32
    %parallel_loop3A_266 = arith.constant 0 : i32
    %parallel_loop3A_267 = arith.constant 128 : i32
    %parallel_loop3A_268 = arith.constant 1 : i32
    scf.for %parallel_loop3A_727 = %parallel_loop3A_266 to %parallel_loop3A_267 step %parallel_loop3A_268  : i32 {
      %parallel_loop3A_728 = arith.addi %rem3A_265, %parallel_loop3A_727 : i32
      %parallel_loop3A_729 = arith.index_cast %parallel_loop3A_728 : i32 to index
      %parallel_loop3A_730 = arith.constant 0 : index
      %parallel_loop3A_731 = tpu.vector_load %arg8[%parallel_loop3A_729, %parallel_loop3A_730] {strides = array<i32>} : memref<320x128xf32, #tpu.memory_space<vmem>>, vector<1x16xf32>,
      %parallel_loop3A_732 = vector.shape_cast %parallel_loop3A_731 : vector<1x16xf32> to vector<16xf32>
      %parallel_loop3A_733 = arith.constant 3 : i32
      %parallel_loop3A_734 = arith.index_cast %parallel_loop3A_733 : i32 to index
      %parallel_loop3A_735 = arith.index_cast %parallel_loop3A_727 : i32 to index
      %parallel_loop3A_736 = arith.constant 0 : index
      %parallel_loop3A_737 = tpu.vector_load %arg10[%parallel_loop3A_734, %parallel_loop3A_735, %parallel_loop3A_736] {strides = array<i32>} : memref<5x128x128xf32, #tpu.memory_space<vmem>>, vector<1x1x16xf32>,
      %parallel_loop3A_738 = vector.shape_cast %parallel_loop3A_737 : vector<1x1x16xf32> to vector<16xf32>
      %parallel_loop3A_739 = vector.shape_cast %parallel_loop3A_732 : vector<16xf32> to vector<1x1x16xf32>
      tpu.vector_store %arg10[%parallel_loop3A_734, %parallel_loop3A_735, %parallel_loop3A_736], %parallel_loop3A_739 {add = true, strides = array<i32>} : memref<5x128x128xf32, #tpu.memory_space<vmem>>, vector<1x1x16xf32>,
      %parallel_loop3A_740 = arith.addi %rem3A_265, %parallel_loop3A_727 : i32
      %parallel_loop3A_741 = arith.index_cast %parallel_loop3A_740 : i32 to index
      %parallel_loop3A_742 = arith.constant 16 : index
      %parallel_loop3A_743 = tpu.vector_load %arg8[%parallel_loop3A_741, %parallel_loop3A_742] {strides = array<i32>} : memref<320x128xf32, #tpu.memory_space<vmem>>, vector<1x16xf32>,
      %parallel_loop3A_744 = vector.shape_cast %parallel_loop3A_743 : vector<1x16xf32> to vector<16xf32>
      %parallel_loop3A_745 = arith.constant 3 : i32
      %parallel_loop3A_746 = arith.index_cast %parallel_loop3A_745 : i32 to index
      %parallel_loop3A_747 = arith.index_cast %parallel_loop3A_727 : i32 to index
      %parallel_loop3A_748 = arith.constant 16 : index
      %parallel_loop3A_749 = tpu.vector_load %arg10[%parallel_loop3A_746, %parallel_loop3A_747, %parallel_loop3A_748] {strides = array<i32>} : memref<5x128x128xf32, #tpu.memory_space<vmem>>, vector<1x1x16xf32>,
      %parallel_loop3A_750 = vector.shape_cast %parallel_loop3A_749 : vector<1x1x16xf32> to vector<16xf32>
      %parallel_loop3A_751 = vector.shape_cast %parallel_loop3A_744 : vector<16xf32> to vector<1x1x16xf32>
      tpu.vector_store %arg10[%parallel_loop3A_746, %parallel_loop3A_747, %parallel_loop3A_748], %parallel_loop3A_751 {add = true, strides = array<i32>} : memref<5x128x128xf32, #tpu.memory_space<vmem>>, vector<1x1x16xf32>,
      %parallel_loop3A_752 = arith.addi %rem3A_265, %parallel_loop3A_727 : i32
      %parallel_loop3A_753 = arith.index_cast %parallel_loop3A_752 : i32 to index
      %parallel_loop3A_754 = arith.constant 32 : index
      %parallel_loop3A_755 = tpu.vector_load %arg8[%parallel_loop3A_753, %parallel_loop3A_754] {strides = array<i32>} : memref<320x128xf32, #tpu.memory_space<vmem>>, vector<1x16xf32>,
      %parallel_loop3A_756 = vector.shape_cast %parallel_loop3A_755 : vector<1x16xf32> to vector<16xf32>
      %parallel_loop3A_757 = arith.constant 3 : i32
      %parallel_loop3A_758 = arith.index_cast %parallel_loop3A_757 : i32 to index
      %parallel_loop3A_759 = arith.index_cast %parallel_loop3A_727 : i32 to index
      %parallel_loop3A_760 = arith.constant 32 : index
      %parallel_loop3A_761 = tpu.vector_load %arg10[%parallel_loop3A_758, %parallel_loop3A_759, %parallel_loop3A_760] {strides = array<i32>} : memref<5x128x128xf32, #tpu.memory_space<vmem>>, vector<1x1x16xf32>,
      %parallel_loop3A_762 = vector.shape_cast %parallel_loop3A_761 : vector<1x1x16xf32> to vector<16xf32>
      %parallel_loop3A_763 = vector.shape_cast %parallel_loop3A_756 : vector<16xf32> to vector<1x1x16xf32>
      tpu.vector_store %arg10[%parallel_loop3A_758, %parallel_loop3A_759, %parallel_loop3A_760], %parallel_loop3A_763 {add = true, strides = array<i32>} : memref<5x128x128xf32, #tpu.memory_space<vmem>>, vector<1x1x16xf32>,
      %parallel_loop3A_764 = arith.addi %rem3A_265, %parallel_loop3A_727 : i32
      %parallel_loop3A_765 = arith.index_cast %parallel_loop3A_764 : i32 to index
      %parallel_loop3A_766 = arith.constant 48 : index
      %parallel_loop3A_767 = tpu.vector_load %arg8[%parallel_loop3A_765, %parallel_loop3A_766] {strides = array<i32>} : memref<320x128xf32, #tpu.memory_space<vmem>>, vector<1x16xf32>,
      %parallel_loop3A_768 = vector.shape_cast %parallel_loop3A_767 : vector<1x16xf32> to vector<16xf32>
      %parallel_loop3A_769 = arith.constant 3 : i32
      %parallel_loop3A_770 = arith.index_cast %parallel_loop3A_769 : i32 to index
      %parallel_loop3A_771 = arith.index_cast %parallel_loop3A_727 : i32 to index
      %parallel_loop3A_772 = arith.constant 48 : index
      %parallel_loop3A_773 = tpu.vector_load %arg10[%parallel_loop3A_770, %parallel_loop3A_771, %parallel_loop3A_772] {strides = array<i32>} : memref<5x128x128xf32, #tpu.memory_space<vmem>>, vector<1x1x16xf32>,
      %parallel_loop3A_774 = vector.shape_cast %parallel_loop3A_773 : vector<1x1x16xf32> to vector<16xf32>
      %parallel_loop3A_775 = vector.shape_cast %parallel_loop3A_768 : vector<16xf32> to vector<1x1x16xf32>
      tpu.vector_store %arg10[%parallel_loop3A_770, %parallel_loop3A_771, %parallel_loop3A_772], %parallel_loop3A_775 {add = true, strides = array<i32>} : memref<5x128x128xf32, #tpu.memory_space<vmem>>, vector<1x1x16xf32>,
      %parallel_loop3A_776 = arith.addi %rem3A_265, %parallel_loop3A_727 : i32
      %parallel_loop3A_777 = arith.index_cast %parallel_loop3A_776 : i32 to index
      %parallel_loop3A_778 = arith.constant 64 : index
      %parallel_loop3A_779 = tpu.vector_load %arg8[%parallel_loop3A_777, %parallel_loop3A_778] {strides = array<i32>} : memref<320x128xf32, #tpu.memory_space<vmem>>, vector<1x16xf32>,
      %parallel_loop3A_780 = vector.shape_cast %parallel_loop3A_779 : vector<1x16xf32> to vector<16xf32>
      %parallel_loop3A_781 = arith.constant 3 : i32
      %parallel_loop3A_782 = arith.index_cast %parallel_loop3A_781 : i32 to index
      %parallel_loop3A_783 = arith.index_cast %parallel_loop3A_727 : i32 to index
      %parallel_loop3A_784 = arith.constant 64 : index
      %parallel_loop3A_785 = tpu.vector_load %arg10[%parallel_loop3A_782, %parallel_loop3A_783, %parallel_loop3A_784] {strides = array<i32>} : memref<5x128x128xf32, #tpu.memory_space<vmem>>, vector<1x1x16xf32>,
      %parallel_loop3A_786 = vector.shape_cast %parallel_loop3A_785 : vector<1x1x16xf32> to vector<16xf32>
      %parallel_loop3A_787 = vector.shape_cast %parallel_loop3A_780 : vector<16xf32> to vector<1x1x16xf32>
      tpu.vector_store %arg10[%parallel_loop3A_782, %parallel_loop3A_783, %parallel_loop3A_784], %parallel_loop3A_787 {add = true, strides = array<i32>} : memref<5x128x128xf32, #tpu.memory_space<vmem>>, vector<1x1x16xf32>,
      %parallel_loop3A_788 = arith.addi %rem3A_265, %parallel_loop3A_727 : i32
      %parallel_loop3A_789 = arith.index_cast %parallel_loop3A_788 : i32 to index
      %parallel_loop3A_790 = arith.constant 80 : index
      %parallel_loop3A_791 = tpu.vector_load %arg8[%parallel_loop3A_789, %parallel_loop3A_790] {strides = array<i32>} : memref<320x128xf32, #tpu.memory_space<vmem>>, vector<1x16xf32>,
      %parallel_loop3A_792 = vector.shape_cast %parallel_loop3A_791 : vector<1x16xf32> to vector<16xf32>
      %parallel_loop3A_793 = arith.constant 3 : i32
      %parallel_loop3A_794 = arith.index_cast %parallel_loop3A_793 : i32 to index
      %parallel_loop3A_795 = arith.index_cast %parallel_loop3A_727 : i32 to index
      %parallel_loop3A_796 = arith.constant 80 : index
      %parallel_loop3A_797 = tpu.vector_load %arg10[%parallel_loop3A_794, %parallel_loop3A_795, %parallel_loop3A_796] {strides = array<i32>} : memref<5x128x128xf32, #tpu.memory_space<vmem>>, vector<1x1x16xf32>,
      %parallel_loop3A_798 = vector.shape_cast %parallel_loop3A_797 : vector<1x1x16xf32> to vector<16xf32>
      %parallel_loop3A_799 = vector.shape_cast %parallel_loop3A_792 : vector<16xf32> to vector<1x1x16xf32>
      tpu.vector_store %arg10[%parallel_loop3A_794, %parallel_loop3A_795, %parallel_loop3A_796], %parallel_loop3A_799 {add = true, strides = array<i32>} : memref<5x128x128xf32, #tpu.memory_space<vmem>>, vector<1x1x16xf32>,
      %parallel_loop3A_800 = arith.addi %rem3A_265, %parallel_loop3A_727 : i32
      %parallel_loop3A_801 = arith.index_cast %parallel_loop3A_800 : i32 to index
      %parallel_loop3A_802 = arith.constant 96 : index
      %parallel_loop3A_803 = tpu.vector_load %arg8[%parallel_loop3A_801, %parallel_loop3A_802] {strides = array<i32>} : memref<320x128xf32, #tpu.memory_space<vmem>>, vector<1x16xf32>,
      %parallel_loop3A_804 = vector.shape_cast %parallel_loop3A_803 : vector<1x16xf32> to vector<16xf32>
      %parallel_loop3A_805 = arith.constant 3 : i32
      %parallel_loop3A_806 = arith.index_cast %parallel_loop3A_805 : i32 to index
      %parallel_loop3A_807 = arith.index_cast %parallel_loop3A_727 : i32 to index
      %parallel_loop3A_808 = arith.constant 96 : index
      %parallel_loop3A_809 = tpu.vector_load %arg10[%parallel_loop3A_806, %parallel_loop3A_807, %parallel_loop3A_808] {strides = array<i32>} : memref<5x128x128xf32, #tpu.memory_space<vmem>>, vector<1x1x16xf32>,
      %parallel_loop3A_810 = vector.shape_cast %parallel_loop3A_809 : vector<1x1x16xf32> to vector<16xf32>
      %parallel_loop3A_811 = vector.shape_cast %parallel_loop3A_804 : vector<16xf32> to vector<1x1x16xf32>
      tpu.vector_store %arg10[%parallel_loop3A_806, %parallel_loop3A_807, %parallel_loop3A_808], %parallel_loop3A_811 {add = true, strides = array<i32>} : memref<5x128x128xf32, #tpu.memory_space<vmem>>, vector<1x1x16xf32>,
      %parallel_loop3A_812 = arith.addi %rem3A_265, %parallel_loop3A_727 : i32
      %parallel_loop3A_813 = arith.index_cast %parallel_loop3A_812 : i32 to index
      %parallel_loop3A_814 = arith.constant 112 : index
      %parallel_loop3A_815 = tpu.vector_load %arg8[%parallel_loop3A_813, %parallel_loop3A_814] {strides = array<i32>} : memref<320x128xf32, #tpu.memory_space<vmem>>, vector<1x16xf32>,
      %parallel_loop3A_816 = vector.shape_cast %parallel_loop3A_815 : vector<1x16xf32> to vector<16xf32>
      %parallel_loop3A_817 = arith.constant 3 : i32
      %parallel_loop3A_818 = arith.index_cast %parallel_loop3A_817 : i32 to index
      %parallel_loop3A_819 = arith.index_cast %parallel_loop3A_727 : i32 to index
      %parallel_loop3A_820 = arith.constant 112 : index
      %parallel_loop3A_821 = tpu.vector_load %arg10[%parallel_loop3A_818, %parallel_loop3A_819, %parallel_loop3A_820] {strides = array<i32>} : memref<5x128x128xf32, #tpu.memory_space<vmem>>, vector<1x1x16xf32>,
      %parallel_loop3A_822 = vector.shape_cast %parallel_loop3A_821 : vector<1x1x16xf32> to vector<16xf32>
      %parallel_loop3A_823 = vector.shape_cast %parallel_loop3A_816 : vector<16xf32> to vector<1x1x16xf32>
      tpu.vector_store %arg10[%parallel_loop3A_818, %parallel_loop3A_819, %parallel_loop3A_820], %parallel_loop3A_823 {add = true, strides = array<i32>} : memref<5x128x128xf32, #tpu.memory_space<vmem>>, vector<1x1x16xf32>,
    } {sc.loop_unroll_factor = 4 : i64, sc.parallel_access}
    %add3A_269 = arith.constant 384 : i32
    %add3A_270 = arith.addi %mul3A_4, %add3A_269 : i32
    %dma_start3A_271 = arith.constant 3 : i32
    %dma_start3A_272 = arith.constant 3 : i32
    %dma_start3A_273 = arith.constant 0 : i32
    %dma_start3A_274 = arith.constant 0 : i32
    %dma_start3A_275 = tpu.memref_slice %arg10[%dma_start3A_271, %dma_start3A_273, %dma_start3A_274] : memref<5x128x128xf32, #tpu.memory_space<vmem>> -> memref<1x128x128xf32, #tpu.memory_space<vmem>>
    %dma_start3A_276 = tpu.memref_squeeze %dma_start3A_275 : memref<1x128x128xf32, #tpu.memory_space<vmem>> -> memref<128x128xf32, #tpu.memory_space<vmem>>
    %dma_start3A_277 = arith.constant 0 : i32
    %dma_start3A_278 = tpu.memref_slice %arg6[%add3A_270, %dma_start3A_277] : memref<204800x128xf32, #tpu.memory_space<hbm>> -> memref<128x128xf32, #tpu.memory_space<hbm>>
    %dma_start3A_279 = tpu.memref_slice %arg12[%dma_start3A_272] : memref<5x!tpu.dma_semaphore, #tpu.memory_space<semaphore_mem>> -> memref<1x!tpu.dma_semaphore, #tpu.memory_space<semaphore_mem>>
    %dma_start3A_280 = tpu.memref_squeeze %dma_start3A_279 : memref<1x!tpu.dma_semaphore, #tpu.memory_space<semaphore_mem>> -> memref<!tpu.dma_semaphore, #tpu.memory_space<semaphore_mem>>
    %dma_start3A_281 = arith.constant 0 : i32
    %dma_start3A_282 = tpu.memref_slice %arg6[%add3A_270, %dma_start3A_281] : memref<204800x128xf32, #tpu.memory_space<hbm>> -> memref<128x128xf32, #tpu.memory_space<hbm>>
    %dma_start3A_283 = arith.constant 0 : i32
    %dma_start3A_284 = arith.constant 0 : i32
    %dma_start3A_285 = tpu.memref_slice %arg10[%dma_start3A_271, %dma_start3A_283, %dma_start3A_284] : memref<5x128x128xf32, #tpu.memory_space<vmem>> -> memref<1x128x128xf32, #tpu.memory_space<vmem>>
    %dma_start3A_286 = tpu.memref_squeeze %dma_start3A_285 : memref<1x128x128xf32, #tpu.memory_space<vmem>> -> memref<128x128xf32, #tpu.memory_space<vmem>>
    tpu.enqueue_dma source(%dma_start3A_286 : memref<128x128xf32, #tpu.memory_space<vmem>>) target(%dma_start3A_282 : memref<128x128xf32, #tpu.memory_space<hbm>>) target_semaphore(%dma_start3A_280 : memref<!tpu.dma_semaphore, #tpu.memory_space<semaphore_mem>>)
    %add3A_287 = arith.constant 128 : i32
    %add3A_288 = arith.addi %mul3A_4, %add3A_287 : i32
    %dma_wait3A_289 = arith.constant 1 : i32
    %dma_wait3A_290 = arith.constant 1 : i32
    %dma_wait3A_291 = arith.constant 0 : i32
    %dma_wait3A_292 = arith.constant 0 : i32
    %dma_wait3A_293 = tpu.memref_slice %arg10[%dma_wait3A_289, %dma_wait3A_291, %dma_wait3A_292] : memref<5x128x128xf32, #tpu.memory_space<vmem>> -> memref<1x128x128xf32, #tpu.memory_space<vmem>>
    %dma_wait3A_294 = tpu.memref_squeeze %dma_wait3A_293 : memref<1x128x128xf32, #tpu.memory_space<vmem>> -> memref<128x128xf32, #tpu.memory_space<vmem>>
    %dma_wait3A_295 = arith.constant 0 : i32
    %dma_wait3A_296 = tpu.memref_slice %arg6[%add3A_288, %dma_wait3A_295] : memref<204800x128xf32, #tpu.memory_space<hbm>> -> memref<128x128xf32, #tpu.memory_space<hbm>>
    %dma_wait3A_297 = tpu.memref_slice %arg12[%dma_wait3A_290] : memref<5x!tpu.dma_semaphore, #tpu.memory_space<semaphore_mem>> -> memref<1x!tpu.dma_semaphore, #tpu.memory_space<semaphore_mem>>
    %dma_wait3A_298 = tpu.memref_squeeze %dma_wait3A_297 : memref<1x!tpu.dma_semaphore, #tpu.memory_space<semaphore_mem>> -> memref<!tpu.dma_semaphore, #tpu.memory_space<semaphore_mem>>
    %dma_wait3A_299 = arith.constant 0 : i32
    %dma_wait3A_300 = tpu.memref_slice %arg6[%add3A_288, %dma_wait3A_299] : memref<204800x128xf32, #tpu.memory_space<hbm>> -> memref<128x128xf32, #tpu.memory_space<hbm>>
    %dma_wait3A_301 = arith.constant 0 : i32
    %dma_wait3A_302 = arith.constant 0 : i32
    %dma_wait3A_303 = tpu.memref_slice %arg10[%dma_wait3A_289, %dma_wait3A_301, %dma_wait3A_302] : memref<5x128x128xf32, #tpu.memory_space<vmem>> -> memref<1x128x128xf32, #tpu.memory_space<vmem>>
    %dma_wait3A_304 = tpu.memref_squeeze %dma_wait3A_303 : memref<1x128x128xf32, #tpu.memory_space<vmem>> -> memref<128x128xf32, #tpu.memory_space<vmem>>
    tpu.wait_dma2 semaphore(%dma_wait3A_298 : memref<!tpu.dma_semaphore, #tpu.memory_space<semaphore_mem>>) src(%dma_wait3A_304 : memref<128x128xf32, #tpu.memory_space<vmem>>) dst(%dma_wait3A_300 : memref<128x128xf32, #tpu.memory_space<hbm>>)
    %dma_start3A_305 = arith.constant 1 : i32
    %dma_start3A_306 = arith.constant 1 : i32
    %dma_start3A_307 = arith.constant 0 : i32
    %dma_start3A_308 = arith.constant 0 : i32
    %dma_start3A_309 = tpu.memref_slice %arg10[%dma_start3A_305, %dma_start3A_307, %dma_start3A_308] : memref<5x128x128xf32, #tpu.memory_space<vmem>> -> memref<1x128x128xf32, #tpu.memory_space<vmem>>
    %dma_start3A_310 = tpu.memref_squeeze %dma_start3A_309 : memref<1x128x128xf32, #tpu.memory_space<vmem>> -> memref<128x128xf32, #tpu.memory_space<vmem>>
    %dma_start3A_311 = arith.constant 768 : i32
    %dma_start3A_312 = tpu.memref_slice %arg7[%dma_start3A_311] : memref<6400xi32, #tpu.memory_space<vmem>> -> memref<128xi32, #tpu.memory_space<vmem>>
    %dma_start3A_313 = arith.constant 0 : i32
    %dma_start3A_314 = arith.constant 0 : i32
    %dma_start3A_315 = tpu.memref_slice %arg3[%dma_start3A_313, %dma_start3A_314] : memref<1000000x128xf32, #tpu.memory_space<hbm>> -> memref<1000000x128xf32, #tpu.memory_space<hbm>>
    %dma_start3A_316 = tpu.memref_slice %arg11[%dma_start3A_306] : memref<5x!tpu.dma_semaphore, #tpu.memory_space<semaphore_mem>> -> memref<1x!tpu.dma_semaphore, #tpu.memory_space<semaphore_mem>>
    %dma_start3A_317 = tpu.memref_squeeze %dma_start3A_316 : memref<1x!tpu.dma_semaphore, #tpu.memory_space<semaphore_mem>> -> memref<!tpu.dma_semaphore, #tpu.memory_space<semaphore_mem>>
    tpu.enqueue_indirect_dma source(%dma_start3A_315 : memref<1000000x128xf32, #tpu.memory_space<hbm>>) target(%dma_start3A_310 : memref<128x128xf32, #tpu.memory_space<vmem>>) offsets(%dma_start3A_312 : memref<128xi32, #tpu.memory_space<vmem>>) semaphore(%dma_start3A_317 : memref<!tpu.dma_semaphore, #tpu.memory_space<semaphore_mem>>)
    %dma_wait3A_318 = arith.constant 4 : i32
    %dma_wait3A_319 = arith.constant 4 : i32
    %dma_wait3A_320 = arith.constant 0 : i32
    %dma_wait3A_321 = arith.constant 0 : i32
    %dma_wait3A_322 = tpu.memref_slice %arg10[%dma_wait3A_318, %dma_wait3A_320, %dma_wait3A_321] : memref<5x128x128xf32, #tpu.memory_space<vmem>> -> memref<1x128x128xf32, #tpu.memory_space<vmem>>
    %dma_wait3A_323 = tpu.memref_squeeze %dma_wait3A_322 : memref<1x128x128xf32, #tpu.memory_space<vmem>> -> memref<128x128xf32, #tpu.memory_space<vmem>>
    %dma_wait3A_324 = arith.constant 512 : i32
    %dma_wait3A_325 = tpu.memref_slice %arg7[%dma_wait3A_324] : memref<6400xi32, #tpu.memory_space<vmem>> -> memref<128xi32, #tpu.memory_space<vmem>>
    %dma_wait3A_326 = arith.constant 0 : i32
    %dma_wait3A_327 = arith.constant 0 : i32
    %dma_wait3A_328 = tpu.memref_slice %arg3[%dma_wait3A_326, %dma_wait3A_327] : memref<1000000x128xf32, #tpu.memory_space<hbm>> -> memref<1000000x128xf32, #tpu.memory_space<hbm>>
    %dma_wait3A_329 = tpu.memref_slice %arg11[%dma_wait3A_319] : memref<5x!tpu.dma_semaphore, #tpu.memory_space<semaphore_mem>> -> memref<1x!tpu.dma_semaphore, #tpu.memory_space<semaphore_mem>>
    %dma_wait3A_330 = tpu.memref_squeeze %dma_wait3A_329 : memref<1x!tpu.dma_semaphore, #tpu.memory_space<semaphore_mem>> -> memref<!tpu.dma_semaphore, #tpu.memory_space<semaphore_mem>>
    tpu.wait_indirect_dma semaphore(%dma_wait3A_330 : memref<!tpu.dma_semaphore, #tpu.memory_space<semaphore_mem>>) src(%dma_wait3A_328 : memref<1000000x128xf32, #tpu.memory_space<hbm>>) dst(%dma_wait3A_323 : memref<128x128xf32, #tpu.memory_space<vmem>>)
    %rem3A_331 = arith.constant 512 : i32
    %rem3A_332 = arith.constant 200 : i32
    %rem3A_333 = arith.remsi %rem3A_331, %rem3A_332 : i32
    %parallel_loop3A_334 = arith.constant 0 : i32
    %parallel_loop3A_335 = arith.constant 128 : i32
    %parallel_loop3A_336 = arith.constant 1 : i32
    scf.for %parallel_loop3A_727 = %parallel_loop3A_334 to %parallel_loop3A_335 step %parallel_loop3A_336  : i32 {
      %parallel_loop3A_728 = arith.addi %rem3A_333, %parallel_loop3A_727 : i32
      %parallel_loop3A_729 = arith.index_cast %parallel_loop3A_728 : i32 to index
      %parallel_loop3A_730 = arith.constant 0 : index
      %parallel_loop3A_731 = tpu.vector_load %arg8[%parallel_loop3A_729, %parallel_loop3A_730] {strides = array<i32>} : memref<320x128xf32, #tpu.memory_space<vmem>>, vector<1x16xf32>,
      %parallel_loop3A_732 = vector.shape_cast %parallel_loop3A_731 : vector<1x16xf32> to vector<16xf32>
      %parallel_loop3A_733 = arith.constant 4 : i32
      %parallel_loop3A_734 = arith.index_cast %parallel_loop3A_733 : i32 to index
      %parallel_loop3A_735 = arith.index_cast %parallel_loop3A_727 : i32 to index
      %parallel_loop3A_736 = arith.constant 0 : index
      %parallel_loop3A_737 = tpu.vector_load %arg10[%parallel_loop3A_734, %parallel_loop3A_735, %parallel_loop3A_736] {strides = array<i32>} : memref<5x128x128xf32, #tpu.memory_space<vmem>>, vector<1x1x16xf32>,
      %parallel_loop3A_738 = vector.shape_cast %parallel_loop3A_737 : vector<1x1x16xf32> to vector<16xf32>
      %parallel_loop3A_739 = vector.shape_cast %parallel_loop3A_732 : vector<16xf32> to vector<1x1x16xf32>
      tpu.vector_store %arg10[%parallel_loop3A_734, %parallel_loop3A_735, %parallel_loop3A_736], %parallel_loop3A_739 {add = true, strides = array<i32>} : memref<5x128x128xf32, #tpu.memory_space<vmem>>, vector<1x1x16xf32>,
      %parallel_loop3A_740 = arith.addi %rem3A_333, %parallel_loop3A_727 : i32
      %parallel_loop3A_741 = arith.index_cast %parallel_loop3A_740 : i32 to index
      %parallel_loop3A_742 = arith.constant 16 : index
      %parallel_loop3A_743 = tpu.vector_load %arg8[%parallel_loop3A_741, %parallel_loop3A_742] {strides = array<i32>} : memref<320x128xf32, #tpu.memory_space<vmem>>, vector<1x16xf32>,
      %parallel_loop3A_744 = vector.shape_cast %parallel_loop3A_743 : vector<1x16xf32> to vector<16xf32>
      %parallel_loop3A_745 = arith.constant 4 : i32
      %parallel_loop3A_746 = arith.index_cast %parallel_loop3A_745 : i32 to index
      %parallel_loop3A_747 = arith.index_cast %parallel_loop3A_727 : i32 to index
      %parallel_loop3A_748 = arith.constant 16 : index
      %parallel_loop3A_749 = tpu.vector_load %arg10[%parallel_loop3A_746, %parallel_loop3A_747, %parallel_loop3A_748] {strides = array<i32>} : memref<5x128x128xf32, #tpu.memory_space<vmem>>, vector<1x1x16xf32>,
      %parallel_loop3A_750 = vector.shape_cast %parallel_loop3A_749 : vector<1x1x16xf32> to vector<16xf32>
      %parallel_loop3A_751 = vector.shape_cast %parallel_loop3A_744 : vector<16xf32> to vector<1x1x16xf32>
      tpu.vector_store %arg10[%parallel_loop3A_746, %parallel_loop3A_747, %parallel_loop3A_748], %parallel_loop3A_751 {add = true, strides = array<i32>} : memref<5x128x128xf32, #tpu.memory_space<vmem>>, vector<1x1x16xf32>,
      %parallel_loop3A_752 = arith.addi %rem3A_333, %parallel_loop3A_727 : i32
      %parallel_loop3A_753 = arith.index_cast %parallel_loop3A_752 : i32 to index
      %parallel_loop3A_754 = arith.constant 32 : index
      %parallel_loop3A_755 = tpu.vector_load %arg8[%parallel_loop3A_753, %parallel_loop3A_754] {strides = array<i32>} : memref<320x128xf32, #tpu.memory_space<vmem>>, vector<1x16xf32>,
      %parallel_loop3A_756 = vector.shape_cast %parallel_loop3A_755 : vector<1x16xf32> to vector<16xf32>
      %parallel_loop3A_757 = arith.constant 4 : i32
      %parallel_loop3A_758 = arith.index_cast %parallel_loop3A_757 : i32 to index
      %parallel_loop3A_759 = arith.index_cast %parallel_loop3A_727 : i32 to index
      %parallel_loop3A_760 = arith.constant 32 : index
      %parallel_loop3A_761 = tpu.vector_load %arg10[%parallel_loop3A_758, %parallel_loop3A_759, %parallel_loop3A_760] {strides = array<i32>} : memref<5x128x128xf32, #tpu.memory_space<vmem>>, vector<1x1x16xf32>,
      %parallel_loop3A_762 = vector.shape_cast %parallel_loop3A_761 : vector<1x1x16xf32> to vector<16xf32>
      %parallel_loop3A_763 = vector.shape_cast %parallel_loop3A_756 : vector<16xf32> to vector<1x1x16xf32>
      tpu.vector_store %arg10[%parallel_loop3A_758, %parallel_loop3A_759, %parallel_loop3A_760], %parallel_loop3A_763 {add = true, strides = array<i32>} : memref<5x128x128xf32, #tpu.memory_space<vmem>>, vector<1x1x16xf32>,
      %parallel_loop3A_764 = arith.addi %rem3A_333, %parallel_loop3A_727 : i32
      %parallel_loop3A_765 = arith.index_cast %parallel_loop3A_764 : i32 to index
      %parallel_loop3A_766 = arith.constant 48 : index
      %parallel_loop3A_767 = tpu.vector_load %arg8[%parallel_loop3A_765, %parallel_loop3A_766] {strides = array<i32>} : memref<320x128xf32, #tpu.memory_space<vmem>>, vector<1x16xf32>,
      %parallel_loop3A_768 = vector.shape_cast %parallel_loop3A_767 : vector<1x16xf32> to vector<16xf32>
      %parallel_loop3A_769 = arith.constant 4 : i32
      %parallel_loop3A_770 = arith.index_cast %parallel_loop3A_769 : i32 to index
      %parallel_loop3A_771 = arith.index_cast %parallel_loop3A_727 : i32 to index
      %parallel_loop3A_772 = arith.constant 48 : index
      %parallel_loop3A_773 = tpu.vector_load %arg10[%parallel_loop3A_770, %parallel_loop3A_771, %parallel_loop3A_772] {strides = array<i32>} : memref<5x128x128xf32, #tpu.memory_space<vmem>>, vector<1x1x16xf32>,
      %parallel_loop3A_774 = vector.shape_cast %parallel_loop3A_773 : vector<1x1x16xf32> to vector<16xf32>
      %parallel_loop3A_775 = vector.shape_cast %parallel_loop3A_768 : vector<16xf32> to vector<1x1x16xf32>
      tpu.vector_store %arg10[%parallel_loop3A_770, %parallel_loop3A_771, %parallel_loop3A_772], %parallel_loop3A_775 {add = true, strides = array<i32>} : memref<5x128x128xf32, #tpu.memory_space<vmem>>, vector<1x1x16xf32>,
      %parallel_loop3A_776 = arith.addi %rem3A_333, %parallel_loop3A_727 : i32
      %parallel_loop3A_777 = arith.index_cast %parallel_loop3A_776 : i32 to index
      %parallel_loop3A_778 = arith.constant 64 : index
      %parallel_loop3A_779 = tpu.vector_load %arg8[%parallel_loop3A_777, %parallel_loop3A_778] {strides = array<i32>} : memref<320x128xf32, #tpu.memory_space<vmem>>, vector<1x16xf32>,
      %parallel_loop3A_780 = vector.shape_cast %parallel_loop3A_779 : vector<1x16xf32> to vector<16xf32>
      %parallel_loop3A_781 = arith.constant 4 : i32
      %parallel_loop3A_782 = arith.index_cast %parallel_loop3A_781 : i32 to index
      %parallel_loop3A_783 = arith.index_cast %parallel_loop3A_727 : i32 to index
      %parallel_loop3A_784 = arith.constant 64 : index
      %parallel_loop3A_785 = tpu.vector_load %arg10[%parallel_loop3A_782, %parallel_loop3A_783, %parallel_loop3A_784] {strides = array<i32>} : memref<5x128x128xf32, #tpu.memory_space<vmem>>, vector<1x1x16xf32>,
      %parallel_loop3A_786 = vector.shape_cast %parallel_loop3A_785 : vector<1x1x16xf32> to vector<16xf32>
      %parallel_loop3A_787 = vector.shape_cast %parallel_loop3A_780 : vector<16xf32> to vector<1x1x16xf32>
      tpu.vector_store %arg10[%parallel_loop3A_782, %parallel_loop3A_783, %parallel_loop3A_784], %parallel_loop3A_787 {add = true, strides = array<i32>} : memref<5x128x128xf32, #tpu.memory_space<vmem>>, vector<1x1x16xf32>,
      %parallel_loop3A_788 = arith.addi %rem3A_333, %parallel_loop3A_727 : i32
      %parallel_loop3A_789 = arith.index_cast %parallel_loop3A_788 : i32 to index
      %parallel_loop3A_790 = arith.constant 80 : index
      %parallel_loop3A_791 = tpu.vector_load %arg8[%parallel_loop3A_789, %parallel_loop3A_790] {strides = array<i32>} : memref<320x128xf32, #tpu.memory_space<vmem>>, vector<1x16xf32>,
      %parallel_loop3A_792 = vector.shape_cast %parallel_loop3A_791 : vector<1x16xf32> to vector<16xf32>
      %parallel_loop3A_793 = arith.constant 4 : i32
      %parallel_loop3A_794 = arith.index_cast %parallel_loop3A_793 : i32 to index
      %parallel_loop3A_795 = arith.index_cast %parallel_loop3A_727 : i32 to index
      %parallel_loop3A_796 = arith.constant 80 : index
      %parallel_loop3A_797 = tpu.vector_load %arg10[%parallel_loop3A_794, %parallel_loop3A_795, %parallel_loop3A_796] {strides = array<i32>} : memref<5x128x128xf32, #tpu.memory_space<vmem>>, vector<1x1x16xf32>,
      %parallel_loop3A_798 = vector.shape_cast %parallel_loop3A_797 : vector<1x1x16xf32> to vector<16xf32>
      %parallel_loop3A_799 = vector.shape_cast %parallel_loop3A_792 : vector<16xf32> to vector<1x1x16xf32>
      tpu.vector_store %arg10[%parallel_loop3A_794, %parallel_loop3A_795, %parallel_loop3A_796], %parallel_loop3A_799 {add = true, strides = array<i32>} : memref<5x128x128xf32, #tpu.memory_space<vmem>>, vector<1x1x16xf32>,
      %parallel_loop3A_800 = arith.addi %rem3A_333, %parallel_loop3A_727 : i32
      %parallel_loop3A_801 = arith.index_cast %parallel_loop3A_800 : i32 to index
      %parallel_loop3A_802 = arith.constant 96 : index
      %parallel_loop3A_803 = tpu.vector_load %arg8[%parallel_loop3A_801, %parallel_loop3A_802] {strides = array<i32>} : memref<320x128xf32, #tpu.memory_space<vmem>>, vector<1x16xf32>,
      %parallel_loop3A_804 = vector.shape_cast %parallel_loop3A_803 : vector<1x16xf32> to vector<16xf32>
      %parallel_loop3A_805 = arith.constant 4 : i32
      %parallel_loop3A_806 = arith.index_cast %parallel_loop3A_805 : i32 to index
      %parallel_loop3A_807 = arith.index_cast %parallel_loop3A_727 : i32 to index
      %parallel_loop3A_808 = arith.constant 96 : index
      %parallel_loop3A_809 = tpu.vector_load %arg10[%parallel_loop3A_806, %parallel_loop3A_807, %parallel_loop3A_808] {strides = array<i32>} : memref<5x128x128xf32, #tpu.memory_space<vmem>>, vector<1x1x16xf32>,
      %parallel_loop3A_810 = vector.shape_cast %parallel_loop3A_809 : vector<1x1x16xf32> to vector<16xf32>
      %parallel_loop3A_811 = vector.shape_cast %parallel_loop3A_804 : vector<16xf32> to vector<1x1x16xf32>
      tpu.vector_store %arg10[%parallel_loop3A_806, %parallel_loop3A_807, %parallel_loop3A_808], %parallel_loop3A_811 {add = true, strides = array<i32>} : memref<5x128x128xf32, #tpu.memory_space<vmem>>, vector<1x1x16xf32>,
      %parallel_loop3A_812 = arith.addi %rem3A_333, %parallel_loop3A_727 : i32
      %parallel_loop3A_813 = arith.index_cast %parallel_loop3A_812 : i32 to index
      %parallel_loop3A_814 = arith.constant 112 : index
      %parallel_loop3A_815 = tpu.vector_load %arg8[%parallel_loop3A_813, %parallel_loop3A_814] {strides = array<i32>} : memref<320x128xf32, #tpu.memory_space<vmem>>, vector<1x16xf32>,
      %parallel_loop3A_816 = vector.shape_cast %parallel_loop3A_815 : vector<1x16xf32> to vector<16xf32>
      %parallel_loop3A_817 = arith.constant 4 : i32
      %parallel_loop3A_818 = arith.index_cast %parallel_loop3A_817 : i32 to index
      %parallel_loop3A_819 = arith.index_cast %parallel_loop3A_727 : i32 to index
      %parallel_loop3A_820 = arith.constant 112 : index
      %parallel_loop3A_821 = tpu.vector_load %arg10[%parallel_loop3A_818, %parallel_loop3A_819, %parallel_loop3A_820] {strides = array<i32>} : memref<5x128x128xf32, #tpu.memory_space<vmem>>, vector<1x1x16xf32>,
      %parallel_loop3A_822 = vector.shape_cast %parallel_loop3A_821 : vector<1x1x16xf32> to vector<16xf32>
      %parallel_loop3A_823 = vector.shape_cast %parallel_loop3A_816 : vector<16xf32> to vector<1x1x16xf32>
      tpu.vector_store %arg10[%parallel_loop3A_818, %parallel_loop3A_819, %parallel_loop3A_820], %parallel_loop3A_823 {add = true, strides = array<i32>} : memref<5x128x128xf32, #tpu.memory_space<vmem>>, vector<1x1x16xf32>,
    } {sc.loop_unroll_factor = 4 : i64, sc.parallel_access}
    %add3A_337 = arith.constant 512 : i32
    %add3A_338 = arith.addi %mul3A_4, %add3A_337 : i32
    %dma_start3A_339 = arith.constant 4 : i32
    %dma_start3A_340 = arith.constant 4 : i32
    %dma_start3A_341 = arith.constant 0 : i32
    %dma_start3A_342 = arith.constant 0 : i32
    %dma_start3A_343 = tpu.memref_slice %arg10[%dma_start3A_339, %dma_start3A_341, %dma_start3A_342] : memref<5x128x128xf32, #tpu.memory_space<vmem>> -> memref<1x128x128xf32, #tpu.memory_space<vmem>>
    %dma_start3A_344 = tpu.memref_squeeze %dma_start3A_343 : memref<1x128x128xf32, #tpu.memory_space<vmem>> -> memref<128x128xf32, #tpu.memory_space<vmem>>
    %dma_start3A_345 = arith.constant 0 : i32
    %dma_start3A_346 = tpu.memref_slice %arg6[%add3A_338, %dma_start3A_345] : memref<204800x128xf32, #tpu.memory_space<hbm>> -> memref<128x128xf32, #tpu.memory_space<hbm>>
    %dma_start3A_347 = tpu.memref_slice %arg12[%dma_start3A_340] : memref<5x!tpu.dma_semaphore, #tpu.memory_space<semaphore_mem>> -> memref<1x!tpu.dma_semaphore, #tpu.memory_space<semaphore_mem>>
    %dma_start3A_348 = tpu.memref_squeeze %dma_start3A_347 : memref<1x!tpu.dma_semaphore, #tpu.memory_space<semaphore_mem>> -> memref<!tpu.dma_semaphore, #tpu.memory_space<semaphore_mem>>
    %dma_start3A_349 = arith.constant 0 : i32
    %dma_start3A_350 = tpu.memref_slice %arg6[%add3A_338, %dma_start3A_349] : memref<204800x128xf32, #tpu.memory_space<hbm>> -> memref<128x128xf32, #tpu.memory_space<hbm>>
    %dma_start3A_351 = arith.constant 0 : i32
    %dma_start3A_352 = arith.constant 0 : i32
    %dma_start3A_353 = tpu.memref_slice %arg10[%dma_start3A_339, %dma_start3A_351, %dma_start3A_352] : memref<5x128x128xf32, #tpu.memory_space<vmem>> -> memref<1x128x128xf32, #tpu.memory_space<vmem>>
    %dma_start3A_354 = tpu.memref_squeeze %dma_start3A_353 : memref<1x128x128xf32, #tpu.memory_space<vmem>> -> memref<128x128xf32, #tpu.memory_space<vmem>>
    tpu.enqueue_dma source(%dma_start3A_354 : memref<128x128xf32, #tpu.memory_space<vmem>>) target(%dma_start3A_350 : memref<128x128xf32, #tpu.memory_space<hbm>>) target_semaphore(%dma_start3A_348 : memref<!tpu.dma_semaphore, #tpu.memory_space<semaphore_mem>>)
    %scan3A = arith.constant 1 : i32
    %scan3A_355 = arith.constant 8 : i32
    %scan3A_356 = arith.addi %scan3A, %scan3A_355 : i32
    %scan3A_357 = arith.constant 1 : i32
    scf.for %scan3A_727 = %scan3A to %scan3A_356 step %scan3A_357  : i32 {
      %mul3A_728 = arith.constant 5 : i32
      %mul3A_729 = arith.muli %scan3A_727, %mul3A_728 : i32
      %add3A_730 = arith.constant 0 : i32
      %add3A_731 = arith.addi %mul3A_729, %add3A_730 : i32
      %sub3A = arith.constant 3 : i32
      %sub3A_732 = arith.subi %add3A_731, %sub3A : i32
      %mul3A_733 = arith.constant 128 : i32
      %mul3A_734 = arith.muli %sub3A_732, %mul3A_733 : i32
      %add3A_735 = arith.addi %mul3A_4, %mul3A_734 : i32
      %dma_wait3A_736 = arith.constant 2 : i32
      %dma_wait3A_737 = arith.constant 2 : i32
      %dma_wait3A_738 = arith.constant 0 : i32
      %dma_wait3A_739 = arith.constant 0 : i32
      %dma_wait3A_740 = tpu.memref_slice %arg10[%dma_wait3A_736, %dma_wait3A_738, %dma_wait3A_739] : memref<5x128x128xf32, #tpu.memory_space<vmem>> -> memref<1x128x128xf32, #tpu.memory_space<vmem>>
      %dma_wait3A_741 = tpu.memref_squeeze %dma_wait3A_740 : memref<1x128x128xf32, #tpu.memory_space<vmem>> -> memref<128x128xf32, #tpu.memory_space<vmem>>
      %dma_wait3A_742 = arith.constant 0 : i32
      %dma_wait3A_743 = tpu.memref_slice %arg6[%add3A_735, %dma_wait3A_742] : memref<204800x128xf32, #tpu.memory_space<hbm>> -> memref<128x128xf32, #tpu.memory_space<hbm>>
      %dma_wait3A_744 = tpu.memref_slice %arg12[%dma_wait3A_737] : memref<5x!tpu.dma_semaphore, #tpu.memory_space<semaphore_mem>> -> memref<1x!tpu.dma_semaphore, #tpu.memory_space<semaphore_mem>>
      %dma_wait3A_745 = tpu.memref_squeeze %dma_wait3A_744 : memref<1x!tpu.dma_semaphore, #tpu.memory_space<semaphore_mem>> -> memref<!tpu.dma_semaphore, #tpu.memory_space<semaphore_mem>>
      %dma_wait3A_746 = arith.constant 0 : i32
      %dma_wait3A_747 = tpu.memref_slice %arg6[%add3A_735, %dma_wait3A_746] : memref<204800x128xf32, #tpu.memory_space<hbm>> -> memref<128x128xf32, #tpu.memory_space<hbm>>
      %dma_wait3A_748 = arith.constant 0 : i32
      %dma_wait3A_749 = arith.constant 0 : i32
      %dma_wait3A_750 = tpu.memref_slice %arg10[%dma_wait3A_736, %dma_wait3A_748, %dma_wait3A_749] : memref<5x128x128xf32, #tpu.memory_space<vmem>> -> memref<1x128x128xf32, #tpu.memory_space<vmem>>
      %dma_wait3A_751 = tpu.memref_squeeze %dma_wait3A_750 : memref<1x128x128xf32, #tpu.memory_space<vmem>> -> memref<128x128xf32, #tpu.memory_space<vmem>>
      tpu.wait_dma2 semaphore(%dma_wait3A_745 : memref<!tpu.dma_semaphore, #tpu.memory_space<semaphore_mem>>) src(%dma_wait3A_751 : memref<128x128xf32, #tpu.memory_space<vmem>>) dst(%dma_wait3A_747 : memref<128x128xf32, #tpu.memory_space<hbm>>)
      %add3A_752 = arith.constant 2 : i32
      %add3A_753 = arith.addi %add3A_731, %add3A_752 : i32
      %mul3A_754 = arith.constant 128 : i32
      %mul3A_755 = arith.muli %add3A_753, %mul3A_754 : i32
      %dma_start3A_756 = arith.constant 2 : i32
      %dma_start3A_757 = arith.constant 2 : i32
      %dma_start3A_758 = arith.constant 0 : i32
      %dma_start3A_759 = arith.constant 0 : i32
      %dma_start3A_760 = tpu.memref_slice %arg10[%dma_start3A_756, %dma_start3A_758, %dma_start3A_759] : memref<5x128x128xf32, #tpu.memory_space<vmem>> -> memref<1x128x128xf32, #tpu.memory_space<vmem>>
      %dma_start3A_761 = tpu.memref_squeeze %dma_start3A_760 : memref<1x128x128xf32, #tpu.memory_space<vmem>> -> memref<128x128xf32, #tpu.memory_space<vmem>>
      %dma_start3A_762 = tpu.memref_slice %arg7[%mul3A_755] : memref<6400xi32, #tpu.memory_space<vmem>> -> memref<128xi32, #tpu.memory_space<vmem>>
      %dma_start3A_763 = arith.constant 0 : i32
      %dma_start3A_764 = arith.constant 0 : i32
      %dma_start3A_765 = tpu.memref_slice %arg3[%dma_start3A_763, %dma_start3A_764] : memref<1000000x128xf32, #tpu.memory_space<hbm>> -> memref<1000000x128xf32, #tpu.memory_space<hbm>>
      %dma_start3A_766 = tpu.memref_slice %arg11[%dma_start3A_757] : memref<5x!tpu.dma_semaphore, #tpu.memory_space<semaphore_mem>> -> memref<1x!tpu.dma_semaphore, #tpu.memory_space<semaphore_mem>>
      %dma_start3A_767 = tpu.memref_squeeze %dma_start3A_766 : memref<1x!tpu.dma_semaphore, #tpu.memory_space<semaphore_mem>> -> memref<!tpu.dma_semaphore, #tpu.memory_space<semaphore_mem>>
      tpu.enqueue_indirect_dma source(%dma_start3A_765 : memref<1000000x128xf32, #tpu.memory_space<hbm>>) target(%dma_start3A_761 : memref<128x128xf32, #tpu.memory_space<vmem>>) offsets(%dma_start3A_762 : memref<128xi32, #tpu.memory_space<vmem>>) semaphore(%dma_start3A_767 : memref<!tpu.dma_semaphore, #tpu.memory_space<semaphore_mem>>)
      %mul3A_768 = arith.constant 128 : i32
      %mul3A_769 = arith.muli %add3A_731, %mul3A_768 : i32
      %dma_wait3A_770 = arith.constant 0 : i32
      %dma_wait3A_771 = arith.constant 0 : i32
      %dma_wait3A_772 = arith.constant 0 : i32
      %dma_wait3A_773 = arith.constant 0 : i32
      %dma_wait3A_774 = tpu.memref_slice %arg10[%dma_wait3A_770, %dma_wait3A_772, %dma_wait3A_773] : memref<5x128x128xf32, #tpu.memory_space<vmem>> -> memref<1x128x128xf32, #tpu.memory_space<vmem>>
      %dma_wait3A_775 = tpu.memref_squeeze %dma_wait3A_774 : memref<1x128x128xf32, #tpu.memory_space<vmem>> -> memref<128x128xf32, #tpu.memory_space<vmem>>
      %dma_wait3A_776 = tpu.memref_slice %arg7[%mul3A_769] : memref<6400xi32, #tpu.memory_space<vmem>> -> memref<128xi32, #tpu.memory_space<vmem>>
      %dma_wait3A_777 = arith.constant 0 : i32
      %dma_wait3A_778 = arith.constant 0 : i32
      %dma_wait3A_779 = tpu.memref_slice %arg3[%dma_wait3A_777, %dma_wait3A_778] : memref<1000000x128xf32, #tpu.memory_space<hbm>> -> memref<1000000x128xf32, #tpu.memory_space<hbm>>
      %dma_wait3A_780 = tpu.memref_slice %arg11[%dma_wait3A_771] : memref<5x!tpu.dma_semaphore, #tpu.memory_space<semaphore_mem>> -> memref<1x!tpu.dma_semaphore, #tpu.memory_space<semaphore_mem>>
      %dma_wait3A_781 = tpu.memref_squeeze %dma_wait3A_780 : memref<1x!tpu.dma_semaphore, #tpu.memory_space<semaphore_mem>> -> memref<!tpu.dma_semaphore, #tpu.memory_space<semaphore_mem>>
      tpu.wait_indirect_dma semaphore(%dma_wait3A_781 : memref<!tpu.dma_semaphore, #tpu.memory_space<semaphore_mem>>) src(%dma_wait3A_779 : memref<1000000x128xf32, #tpu.memory_space<hbm>>) dst(%dma_wait3A_775 : memref<128x128xf32, #tpu.memory_space<vmem>>)
      %mul3A_782 = arith.constant 128 : i32
      %mul3A_783 = arith.muli %add3A_731, %mul3A_782 : i32
      %rem3A_784 = arith.constant 200 : i32
      %rem3A_785 = arith.remsi %mul3A_783, %rem3A_784 : i32
      %parallel_loop3A_786 = arith.constant 0 : i32
      %parallel_loop3A_787 = arith.constant 128 : i32
      %parallel_loop3A_788 = arith.constant 1 : i32
      scf.for %parallel_loop3A_1132 = %parallel_loop3A_786 to %parallel_loop3A_787 step %parallel_loop3A_788  : i32 {
        %parallel_loop3A_1133 = arith.addi %rem3A_785, %parallel_loop3A_1132 : i32
        %parallel_loop3A_1134 = arith.index_cast %parallel_loop3A_1133 : i32 to index
        %parallel_loop3A_1135 = arith.constant 0 : index
        %parallel_loop3A_1136 = tpu.vector_load %arg8[%parallel_loop3A_1134, %parallel_loop3A_1135] {strides = array<i32>} : memref<320x128xf32, #tpu.memory_space<vmem>>, vector<1x16xf32>,
        %parallel_loop3A_1137 = vector.shape_cast %parallel_loop3A_1136 : vector<1x16xf32> to vector<16xf32>
        %parallel_loop3A_1138 = arith.constant 0 : i32
        %parallel_loop3A_1139 = arith.index_cast %parallel_loop3A_1138 : i32 to index
        %parallel_loop3A_1140 = arith.index_cast %parallel_loop3A_1132 : i32 to index
        %parallel_loop3A_1141 = arith.constant 0 : index
        %parallel_loop3A_1142 = tpu.vector_load %arg10[%parallel_loop3A_1139, %parallel_loop3A_1140, %parallel_loop3A_1141] {strides = array<i32>} : memref<5x128x128xf32, #tpu.memory_space<vmem>>, vector<1x1x16xf32>,
        %parallel_loop3A_1143 = vector.shape_cast %parallel_loop3A_1142 : vector<1x1x16xf32> to vector<16xf32>
        %parallel_loop3A_1144 = vector.shape_cast %parallel_loop3A_1137 : vector<16xf32> to vector<1x1x16xf32>
        tpu.vector_store %arg10[%parallel_loop3A_1139, %parallel_loop3A_1140, %parallel_loop3A_1141], %parallel_loop3A_1144 {add = true, strides = array<i32>} : memref<5x128x128xf32, #tpu.memory_space<vmem>>, vector<1x1x16xf32>,
        %parallel_loop3A_1145 = arith.addi %rem3A_785, %parallel_loop3A_1132 : i32
        %parallel_loop3A_1146 = arith.index_cast %parallel_loop3A_1145 : i32 to index
        %parallel_loop3A_1147 = arith.constant 16 : index
        %parallel_loop3A_1148 = tpu.vector_load %arg8[%parallel_loop3A_1146, %parallel_loop3A_1147] {strides = array<i32>} : memref<320x128xf32, #tpu.memory_space<vmem>>, vector<1x16xf32>,
        %parallel_loop3A_1149 = vector.shape_cast %parallel_loop3A_1148 : vector<1x16xf32> to vector<16xf32>
        %parallel_loop3A_1150 = arith.constant 0 : i32
        %parallel_loop3A_1151 = arith.index_cast %parallel_loop3A_1150 : i32 to index
        %parallel_loop3A_1152 = arith.index_cast %parallel_loop3A_1132 : i32 to index
        %parallel_loop3A_1153 = arith.constant 16 : index
        %parallel_loop3A_1154 = tpu.vector_load %arg10[%parallel_loop3A_1151, %parallel_loop3A_1152, %parallel_loop3A_1153] {strides = array<i32>} : memref<5x128x128xf32, #tpu.memory_space<vmem>>, vector<1x1x16xf32>,
        %parallel_loop3A_1155 = vector.shape_cast %parallel_loop3A_1154 : vector<1x1x16xf32> to vector<16xf32>
        %parallel_loop3A_1156 = vector.shape_cast %parallel_loop3A_1149 : vector<16xf32> to vector<1x1x16xf32>
        tpu.vector_store %arg10[%parallel_loop3A_1151, %parallel_loop3A_1152, %parallel_loop3A_1153], %parallel_loop3A_1156 {add = true, strides = array<i32>} : memref<5x128x128xf32, #tpu.memory_space<vmem>>, vector<1x1x16xf32>,
        %parallel_loop3A_1157 = arith.addi %rem3A_785, %parallel_loop3A_1132 : i32
        %parallel_loop3A_1158 = arith.index_cast %parallel_loop3A_1157 : i32 to index
        %parallel_loop3A_1159 = arith.constant 32 : index
        %parallel_loop3A_1160 = tpu.vector_load %arg8[%parallel_loop3A_1158, %parallel_loop3A_1159] {strides = array<i32>} : memref<320x128xf32, #tpu.memory_space<vmem>>, vector<1x16xf32>,
        %parallel_loop3A_1161 = vector.shape_cast %parallel_loop3A_1160 : vector<1x16xf32> to vector<16xf32>
        %parallel_loop3A_1162 = arith.constant 0 : i32
        %parallel_loop3A_1163 = arith.index_cast %parallel_loop3A_1162 : i32 to index
        %parallel_loop3A_1164 = arith.index_cast %parallel_loop3A_1132 : i32 to index
        %parallel_loop3A_1165 = arith.constant 32 : index
        %parallel_loop3A_1166 = tpu.vector_load %arg10[%parallel_loop3A_1163, %parallel_loop3A_1164, %parallel_loop3A_1165] {strides = array<i32>} : memref<5x128x128xf32, #tpu.memory_space<vmem>>, vector<1x1x16xf32>,
        %parallel_loop3A_1167 = vector.shape_cast %parallel_loop3A_1166 : vector<1x1x16xf32> to vector<16xf32>
        %parallel_loop3A_1168 = vector.shape_cast %parallel_loop3A_1161 : vector<16xf32> to vector<1x1x16xf32>
        tpu.vector_store %arg10[%parallel_loop3A_1163, %parallel_loop3A_1164, %parallel_loop3A_1165], %parallel_loop3A_1168 {add = true, strides = array<i32>} : memref<5x128x128xf32, #tpu.memory_space<vmem>>, vector<1x1x16xf32>,
        %parallel_loop3A_1169 = arith.addi %rem3A_785, %parallel_loop3A_1132 : i32
        %parallel_loop3A_1170 = arith.index_cast %parallel_loop3A_1169 : i32 to index
        %parallel_loop3A_1171 = arith.constant 48 : index
        %parallel_loop3A_1172 = tpu.vector_load %arg8[%parallel_loop3A_1170, %parallel_loop3A_1171] {strides = array<i32>} : memref<320x128xf32, #tpu.memory_space<vmem>>, vector<1x16xf32>,
        %parallel_loop3A_1173 = vector.shape_cast %parallel_loop3A_1172 : vector<1x16xf32> to vector<16xf32>
        %parallel_loop3A_1174 = arith.constant 0 : i32
        %parallel_loop3A_1175 = arith.index_cast %parallel_loop3A_1174 : i32 to index
        %parallel_loop3A_1176 = arith.index_cast %parallel_loop3A_1132 : i32 to index
        %parallel_loop3A_1177 = arith.constant 48 : index
        %parallel_loop3A_1178 = tpu.vector_load %arg10[%parallel_loop3A_1175, %parallel_loop3A_1176, %parallel_loop3A_1177] {strides = array<i32>} : memref<5x128x128xf32, #tpu.memory_space<vmem>>, vector<1x1x16xf32>,
        %parallel_loop3A_1179 = vector.shape_cast %parallel_loop3A_1178 : vector<1x1x16xf32> to vector<16xf32>
        %parallel_loop3A_1180 = vector.shape_cast %parallel_loop3A_1173 : vector<16xf32> to vector<1x1x16xf32>
        tpu.vector_store %arg10[%parallel_loop3A_1175, %parallel_loop3A_1176, %parallel_loop3A_1177], %parallel_loop3A_1180 {add = true, strides = array<i32>} : memref<5x128x128xf32, #tpu.memory_space<vmem>>, vector<1x1x16xf32>,
        %parallel_loop3A_1181 = arith.addi %rem3A_785, %parallel_loop3A_1132 : i32
        %parallel_loop3A_1182 = arith.index_cast %parallel_loop3A_1181 : i32 to index
        %parallel_loop3A_1183 = arith.constant 64 : index
        %parallel_loop3A_1184 = tpu.vector_load %arg8[%parallel_loop3A_1182, %parallel_loop3A_1183] {strides = array<i32>} : memref<320x128xf32, #tpu.memory_space<vmem>>, vector<1x16xf32>,
        %parallel_loop3A_1185 = vector.shape_cast %parallel_loop3A_1184 : vector<1x16xf32> to vector<16xf32>
        %parallel_loop3A_1186 = arith.constant 0 : i32
        %parallel_loop3A_1187 = arith.index_cast %parallel_loop3A_1186 : i32 to index
        %parallel_loop3A_1188 = arith.index_cast %parallel_loop3A_1132 : i32 to index
        %parallel_loop3A_1189 = arith.constant 64 : index
        %parallel_loop3A_1190 = tpu.vector_load %arg10[%parallel_loop3A_1187, %parallel_loop3A_1188, %parallel_loop3A_1189] {strides = array<i32>} : memref<5x128x128xf32, #tpu.memory_space<vmem>>, vector<1x1x16xf32>,
        %parallel_loop3A_1191 = vector.shape_cast %parallel_loop3A_1190 : vector<1x1x16xf32> to vector<16xf32>
        %parallel_loop3A_1192 = vector.shape_cast %parallel_loop3A_1185 : vector<16xf32> to vector<1x1x16xf32>
        tpu.vector_store %arg10[%parallel_loop3A_1187, %parallel_loop3A_1188, %parallel_loop3A_1189], %parallel_loop3A_1192 {add = true, strides = array<i32>} : memref<5x128x128xf32, #tpu.memory_space<vmem>>, vector<1x1x16xf32>,
        %parallel_loop3A_1193 = arith.addi %rem3A_785, %parallel_loop3A_1132 : i32
        %parallel_loop3A_1194 = arith.index_cast %parallel_loop3A_1193 : i32 to index
        %parallel_loop3A_1195 = arith.constant 80 : index
        %parallel_loop3A_1196 = tpu.vector_load %arg8[%parallel_loop3A_1194, %parallel_loop3A_1195] {strides = array<i32>} : memref<320x128xf32, #tpu.memory_space<vmem>>, vector<1x16xf32>,
        %parallel_loop3A_1197 = vector.shape_cast %parallel_loop3A_1196 : vector<1x16xf32> to vector<16xf32>
        %parallel_loop3A_1198 = arith.constant 0 : i32
        %parallel_loop3A_1199 = arith.index_cast %parallel_loop3A_1198 : i32 to index
        %parallel_loop3A_1200 = arith.index_cast %parallel_loop3A_1132 : i32 to index
        %parallel_loop3A_1201 = arith.constant 80 : index
        %parallel_loop3A_1202 = tpu.vector_load %arg10[%parallel_loop3A_1199, %parallel_loop3A_1200, %parallel_loop3A_1201] {strides = array<i32>} : memref<5x128x128xf32, #tpu.memory_space<vmem>>, vector<1x1x16xf32>,
        %parallel_loop3A_1203 = vector.shape_cast %parallel_loop3A_1202 : vector<1x1x16xf32> to vector<16xf32>
        %parallel_loop3A_1204 = vector.shape_cast %parallel_loop3A_1197 : vector<16xf32> to vector<1x1x16xf32>
        tpu.vector_store %arg10[%parallel_loop3A_1199, %parallel_loop3A_1200, %parallel_loop3A_1201], %parallel_loop3A_1204 {add = true, strides = array<i32>} : memref<5x128x128xf32, #tpu.memory_space<vmem>>, vector<1x1x16xf32>,
        %parallel_loop3A_1205 = arith.addi %rem3A_785, %parallel_loop3A_1132 : i32
        %parallel_loop3A_1206 = arith.index_cast %parallel_loop3A_1205 : i32 to index
        %parallel_loop3A_1207 = arith.constant 96 : index
        %parallel_loop3A_1208 = tpu.vector_load %arg8[%parallel_loop3A_1206, %parallel_loop3A_1207] {strides = array<i32>} : memref<320x128xf32, #tpu.memory_space<vmem>>, vector<1x16xf32>,
        %parallel_loop3A_1209 = vector.shape_cast %parallel_loop3A_1208 : vector<1x16xf32> to vector<16xf32>
        %parallel_loop3A_1210 = arith.constant 0 : i32
        %parallel_loop3A_1211 = arith.index_cast %parallel_loop3A_1210 : i32 to index
        %parallel_loop3A_1212 = arith.index_cast %parallel_loop3A_1132 : i32 to index
        %parallel_loop3A_1213 = arith.constant 96 : index
        %parallel_loop3A_1214 = tpu.vector_load %arg10[%parallel_loop3A_1211, %parallel_loop3A_1212, %parallel_loop3A_1213] {strides = array<i32>} : memref<5x128x128xf32, #tpu.memory_space<vmem>>, vector<1x1x16xf32>,
        %parallel_loop3A_1215 = vector.shape_cast %parallel_loop3A_1214 : vector<1x1x16xf32> to vector<16xf32>
        %parallel_loop3A_1216 = vector.shape_cast %parallel_loop3A_1209 : vector<16xf32> to vector<1x1x16xf32>
        tpu.vector_store %arg10[%parallel_loop3A_1211, %parallel_loop3A_1212, %parallel_loop3A_1213], %parallel_loop3A_1216 {add = true, strides = array<i32>} : memref<5x128x128xf32, #tpu.memory_space<vmem>>, vector<1x1x16xf32>,
        %parallel_loop3A_1217 = arith.addi %rem3A_785, %parallel_loop3A_1132 : i32
        %parallel_loop3A_1218 = arith.index_cast %parallel_loop3A_1217 : i32 to index
        %parallel_loop3A_1219 = arith.constant 112 : index
        %parallel_loop3A_1220 = tpu.vector_load %arg8[%parallel_loop3A_1218, %parallel_loop3A_1219] {strides = array<i32>} : memref<320x128xf32, #tpu.memory_space<vmem>>, vector<1x16xf32>,
        %parallel_loop3A_1221 = vector.shape_cast %parallel_loop3A_1220 : vector<1x16xf32> to vector<16xf32>
        %parallel_loop3A_1222 = arith.constant 0 : i32
        %parallel_loop3A_1223 = arith.index_cast %parallel_loop3A_1222 : i32 to index
        %parallel_loop3A_1224 = arith.index_cast %parallel_loop3A_1132 : i32 to index
        %parallel_loop3A_1225 = arith.constant 112 : index
        %parallel_loop3A_1226 = tpu.vector_load %arg10[%parallel_loop3A_1223, %parallel_loop3A_1224, %parallel_loop3A_1225] {strides = array<i32>} : memref<5x128x128xf32, #tpu.memory_space<vmem>>, vector<1x1x16xf32>,
        %parallel_loop3A_1227 = vector.shape_cast %parallel_loop3A_1226 : vector<1x1x16xf32> to vector<16xf32>
        %parallel_loop3A_1228 = vector.shape_cast %parallel_loop3A_1221 : vector<16xf32> to vector<1x1x16xf32>
        tpu.vector_store %arg10[%parallel_loop3A_1223, %parallel_loop3A_1224, %parallel_loop3A_1225], %parallel_loop3A_1228 {add = true, strides = array<i32>} : memref<5x128x128xf32, #tpu.memory_space<vmem>>, vector<1x1x16xf32>,
      } {sc.loop_unroll_factor = 4 : i64, sc.parallel_access}
      %mul3A_789 = arith.constant 128 : i32
      %mul3A_790 = arith.muli %add3A_731, %mul3A_789 : i32
      %add3A_791 = arith.addi %mul3A_4, %mul3A_790 : i32
      %dma_start3A_792 = arith.constant 0 : i32
      %dma_start3A_793 = arith.constant 0 : i32
      %dma_start3A_794 = arith.constant 0 : i32
      %dma_start3A_795 = arith.constant 0 : i32
      %dma_start3A_796 = tpu.memref_slice %arg10[%dma_start3A_792, %dma_start3A_794, %dma_start3A_795] : memref<5x128x128xf32, #tpu.memory_space<vmem>> -> memref<1x128x128xf32, #tpu.memory_space<vmem>>
      %dma_start3A_797 = tpu.memref_squeeze %dma_start3A_796 : memref<1x128x128xf32, #tpu.memory_space<vmem>> -> memref<128x128xf32, #tpu.memory_space<vmem>>
      %dma_start3A_798 = arith.constant 0 : i32
      %dma_start3A_799 = tpu.memref_slice %arg6[%add3A_791, %dma_start3A_798] : memref<204800x128xf32, #tpu.memory_space<hbm>> -> memref<128x128xf32, #tpu.memory_space<hbm>>
      %dma_start3A_800 = tpu.memref_slice %arg12[%dma_start3A_793] : memref<5x!tpu.dma_semaphore, #tpu.memory_space<semaphore_mem>> -> memref<1x!tpu.dma_semaphore, #tpu.memory_space<semaphore_mem>>
      %dma_start3A_801 = tpu.memref_squeeze %dma_start3A_800 : memref<1x!tpu.dma_semaphore, #tpu.memory_space<semaphore_mem>> -> memref<!tpu.dma_semaphore, #tpu.memory_space<semaphore_mem>>
      %dma_start3A_802 = arith.constant 0 : i32
      %dma_start3A_803 = tpu.memref_slice %arg6[%add3A_791, %dma_start3A_802] : memref<204800x128xf32, #tpu.memory_space<hbm>> -> memref<128x128xf32, #tpu.memory_space<hbm>>
      %dma_start3A_804 = arith.constant 0 : i32
      %dma_start3A_805 = arith.constant 0 : i32
      %dma_start3A_806 = tpu.memref_slice %arg10[%dma_start3A_792, %dma_start3A_804, %dma_start3A_805] : memref<5x128x128xf32, #tpu.memory_space<vmem>> -> memref<1x128x128xf32, #tpu.memory_space<vmem>>
      %dma_start3A_807 = tpu.memref_squeeze %dma_start3A_806 : memref<1x128x128xf32, #tpu.memory_space<vmem>> -> memref<128x128xf32, #tpu.memory_space<vmem>>
      tpu.enqueue_dma source(%dma_start3A_807 : memref<128x128xf32, #tpu.memory_space<vmem>>) target(%dma_start3A_803 : memref<128x128xf32, #tpu.memory_space<hbm>>) target_semaphore(%dma_start3A_801 : memref<!tpu.dma_semaphore, #tpu.memory_space<semaphore_mem>>)
      %mul3A_808 = arith.constant 5 : i32
      %mul3A_809 = arith.muli %scan3A_727, %mul3A_808 : i32
      %add3A_810 = arith.constant 1 : i32
      %add3A_811 = arith.addi %mul3A_809, %add3A_810 : i32
      %sub3A_812 = arith.constant 3 : i32
      %sub3A_813 = arith.subi %add3A_811, %sub3A_812 : i32
      %mul3A_814 = arith.constant 128 : i32
      %mul3A_815 = arith.muli %sub3A_813, %mul3A_814 : i32
      %add3A_816 = arith.addi %mul3A_4, %mul3A_815 : i32
      %dma_wait3A_817 = arith.constant 3 : i32
      %dma_wait3A_818 = arith.constant 3 : i32
      %dma_wait3A_819 = arith.constant 0 : i32
      %dma_wait3A_820 = arith.constant 0 : i32
      %dma_wait3A_821 = tpu.memref_slice %arg10[%dma_wait3A_817, %dma_wait3A_819, %dma_wait3A_820] : memref<5x128x128xf32, #tpu.memory_space<vmem>> -> memref<1x128x128xf32, #tpu.memory_space<vmem>>
      %dma_wait3A_822 = tpu.memref_squeeze %dma_wait3A_821 : memref<1x128x128xf32, #tpu.memory_space<vmem>> -> memref<128x128xf32, #tpu.memory_space<vmem>>
      %dma_wait3A_823 = arith.constant 0 : i32
      %dma_wait3A_824 = tpu.memref_slice %arg6[%add3A_816, %dma_wait3A_823] : memref<204800x128xf32, #tpu.memory_space<hbm>> -> memref<128x128xf32, #tpu.memory_space<hbm>>
      %dma_wait3A_825 = tpu.memref_slice %arg12[%dma_wait3A_818] : memref<5x!tpu.dma_semaphore, #tpu.memory_space<semaphore_mem>> -> memref<1x!tpu.dma_semaphore, #tpu.memory_space<semaphore_mem>>
      %dma_wait3A_826 = tpu.memref_squeeze %dma_wait3A_825 : memref<1x!tpu.dma_semaphore, #tpu.memory_space<semaphore_mem>> -> memref<!tpu.dma_semaphore, #tpu.memory_space<semaphore_mem>>
      %dma_wait3A_827 = arith.constant 0 : i32
      %dma_wait3A_828 = tpu.memref_slice %arg6[%add3A_816, %dma_wait3A_827] : memref<204800x128xf32, #tpu.memory_space<hbm>> -> memref<128x128xf32, #tpu.memory_space<hbm>>
      %dma_wait3A_829 = arith.constant 0 : i32
      %dma_wait3A_830 = arith.constant 0 : i32
      %dma_wait3A_831 = tpu.memref_slice %arg10[%dma_wait3A_817, %dma_wait3A_829, %dma_wait3A_830] : memref<5x128x128xf32, #tpu.memory_space<vmem>> -> memref<1x128x128xf32, #tpu.memory_space<vmem>>
      %dma_wait3A_832 = tpu.memref_squeeze %dma_wait3A_831 : memref<1x128x128xf32, #tpu.memory_space<vmem>> -> memref<128x128xf32, #tpu.memory_space<vmem>>
      tpu.wait_dma2 semaphore(%dma_wait3A_826 : memref<!tpu.dma_semaphore, #tpu.memory_space<semaphore_mem>>) src(%dma_wait3A_832 : memref<128x128xf32, #tpu.memory_space<vmem>>) dst(%dma_wait3A_828 : memref<128x128xf32, #tpu.memory_space<hbm>>)
      %add3A_833 = arith.constant 2 : i32
      %add3A_834 = arith.addi %add3A_811, %add3A_833 : i32
      %mul3A_835 = arith.constant 128 : i32
      %mul3A_836 = arith.muli %add3A_834, %mul3A_835 : i32
      %dma_start3A_837 = arith.constant 3 : i32
      %dma_start3A_838 = arith.constant 3 : i32
      %dma_start3A_839 = arith.constant 0 : i32
      %dma_start3A_840 = arith.constant 0 : i32
      %dma_start3A_841 = tpu.memref_slice %arg10[%dma_start3A_837, %dma_start3A_839, %dma_start3A_840] : memref<5x128x128xf32, #tpu.memory_space<vmem>> -> memref<1x128x128xf32, #tpu.memory_space<vmem>>
      %dma_start3A_842 = tpu.memref_squeeze %dma_start3A_841 : memref<1x128x128xf32, #tpu.memory_space<vmem>> -> memref<128x128xf32, #tpu.memory_space<vmem>>
      %dma_start3A_843 = tpu.memref_slice %arg7[%mul3A_836] : memref<6400xi32, #tpu.memory_space<vmem>> -> memref<128xi32, #tpu.memory_space<vmem>>
      %dma_start3A_844 = arith.constant 0 : i32
      %dma_start3A_845 = arith.constant 0 : i32
      %dma_start3A_846 = tpu.memref_slice %arg3[%dma_start3A_844, %dma_start3A_845] : memref<1000000x128xf32, #tpu.memory_space<hbm>> -> memref<1000000x128xf32, #tpu.memory_space<hbm>>
      %dma_start3A_847 = tpu.memref_slice %arg11[%dma_start3A_838] : memref<5x!tpu.dma_semaphore, #tpu.memory_space<semaphore_mem>> -> memref<1x!tpu.dma_semaphore, #tpu.memory_space<semaphore_mem>>
      %dma_start3A_848 = tpu.memref_squeeze %dma_start3A_847 : memref<1x!tpu.dma_semaphore, #tpu.memory_space<semaphore_mem>> -> memref<!tpu.dma_semaphore, #tpu.memory_space<semaphore_mem>>
      tpu.enqueue_indirect_dma source(%dma_start3A_846 : memref<1000000x128xf32, #tpu.memory_space<hbm>>) target(%dma_start3A_842 : memref<128x128xf32, #tpu.memory_space<vmem>>) offsets(%dma_start3A_843 : memref<128xi32, #tpu.memory_space<vmem>>) semaphore(%dma_start3A_848 : memref<!tpu.dma_semaphore, #tpu.memory_space<semaphore_mem>>)
      %mul3A_849 = arith.constant 128 : i32
      %mul3A_850 = arith.muli %add3A_811, %mul3A_849 : i32
      %dma_wait3A_851 = arith.constant 1 : i32
      %dma_wait3A_852 = arith.constant 1 : i32
      %dma_wait3A_853 = arith.constant 0 : i32
      %dma_wait3A_854 = arith.constant 0 : i32
      %dma_wait3A_855 = tpu.memref_slice %arg10[%dma_wait3A_851, %dma_wait3A_853, %dma_wait3A_854] : memref<5x128x128xf32, #tpu.memory_space<vmem>> -> memref<1x128x128xf32, #tpu.memory_space<vmem>>
      %dma_wait3A_856 = tpu.memref_squeeze %dma_wait3A_855 : memref<1x128x128xf32, #tpu.memory_space<vmem>> -> memref<128x128xf32, #tpu.memory_space<vmem>>
      %dma_wait3A_857 = tpu.memref_slice %arg7[%mul3A_850] : memref<6400xi32, #tpu.memory_space<vmem>> -> memref<128xi32, #tpu.memory_space<vmem>>
      %dma_wait3A_858 = arith.constant 0 : i32
      %dma_wait3A_859 = arith.constant 0 : i32
      %dma_wait3A_860 = tpu.memref_slice %arg3[%dma_wait3A_858, %dma_wait3A_859] : memref<1000000x128xf32, #tpu.memory_space<hbm>> -> memref<1000000x128xf32, #tpu.memory_space<hbm>>
      %dma_wait3A_861 = tpu.memref_slice %arg11[%dma_wait3A_852] : memref<5x!tpu.dma_semaphore, #tpu.memory_space<semaphore_mem>> -> memref<1x!tpu.dma_semaphore, #tpu.memory_space<semaphore_mem>>
      %dma_wait3A_862 = tpu.memref_squeeze %dma_wait3A_861 : memref<1x!tpu.dma_semaphore, #tpu.memory_space<semaphore_mem>> -> memref<!tpu.dma_semaphore, #tpu.memory_space<semaphore_mem>>
      tpu.wait_indirect_dma semaphore(%dma_wait3A_862 : memref<!tpu.dma_semaphore, #tpu.memory_space<semaphore_mem>>) src(%dma_wait3A_860 : memref<1000000x128xf32, #tpu.memory_space<hbm>>) dst(%dma_wait3A_856 : memref<128x128xf32, #tpu.memory_space<vmem>>)
      %mul3A_863 = arith.constant 128 : i32
      %mul3A_864 = arith.muli %add3A_811, %mul3A_863 : i32
      %rem3A_865 = arith.constant 200 : i32
      %rem3A_866 = arith.remsi %mul3A_864, %rem3A_865 : i32
      %parallel_loop3A_867 = arith.constant 0 : i32
      %parallel_loop3A_868 = arith.constant 128 : i32
      %parallel_loop3A_869 = arith.constant 1 : i32
      scf.for %parallel_loop3A_1132 = %parallel_loop3A_867 to %parallel_loop3A_868 step %parallel_loop3A_869  : i32 {
        %parallel_loop3A_1133 = arith.addi %rem3A_866, %parallel_loop3A_1132 : i32
        %parallel_loop3A_1134 = arith.index_cast %parallel_loop3A_1133 : i32 to index
        %parallel_loop3A_1135 = arith.constant 0 : index
        %parallel_loop3A_1136 = tpu.vector_load %arg8[%parallel_loop3A_1134, %parallel_loop3A_1135] {strides = array<i32>} : memref<320x128xf32, #tpu.memory_space<vmem>>, vector<1x16xf32>,
        %parallel_loop3A_1137 = vector.shape_cast %parallel_loop3A_1136 : vector<1x16xf32> to vector<16xf32>
        %parallel_loop3A_1138 = arith.constant 1 : i32
        %parallel_loop3A_1139 = arith.index_cast %parallel_loop3A_1138 : i32 to index
        %parallel_loop3A_1140 = arith.index_cast %parallel_loop3A_1132 : i32 to index
        %parallel_loop3A_1141 = arith.constant 0 : index
        %parallel_loop3A_1142 = tpu.vector_load %arg10[%parallel_loop3A_1139, %parallel_loop3A_1140, %parallel_loop3A_1141] {strides = array<i32>} : memref<5x128x128xf32, #tpu.memory_space<vmem>>, vector<1x1x16xf32>,
        %parallel_loop3A_1143 = vector.shape_cast %parallel_loop3A_1142 : vector<1x1x16xf32> to vector<16xf32>
        %parallel_loop3A_1144 = vector.shape_cast %parallel_loop3A_1137 : vector<16xf32> to vector<1x1x16xf32>
        tpu.vector_store %arg10[%parallel_loop3A_1139, %parallel_loop3A_1140, %parallel_loop3A_1141], %parallel_loop3A_1144 {add = true, strides = array<i32>} : memref<5x128x128xf32, #tpu.memory_space<vmem>>, vector<1x1x16xf32>,
        %parallel_loop3A_1145 = arith.addi %rem3A_866, %parallel_loop3A_1132 : i32
        %parallel_loop3A_1146 = arith.index_cast %parallel_loop3A_1145 : i32 to index
        %parallel_loop3A_1147 = arith.constant 16 : index
        %parallel_loop3A_1148 = tpu.vector_load %arg8[%parallel_loop3A_1146, %parallel_loop3A_1147] {strides = array<i32>} : memref<320x128xf32, #tpu.memory_space<vmem>>, vector<1x16xf32>,
        %parallel_loop3A_1149 = vector.shape_cast %parallel_loop3A_1148 : vector<1x16xf32> to vector<16xf32>
        %parallel_loop3A_1150 = arith.constant 1 : i32
        %parallel_loop3A_1151 = arith.index_cast %parallel_loop3A_1150 : i32 to index
        %parallel_loop3A_1152 = arith.index_cast %parallel_loop3A_1132 : i32 to index
        %parallel_loop3A_1153 = arith.constant 16 : index
        %parallel_loop3A_1154 = tpu.vector_load %arg10[%parallel_loop3A_1151, %parallel_loop3A_1152, %parallel_loop3A_1153] {strides = array<i32>} : memref<5x128x128xf32, #tpu.memory_space<vmem>>, vector<1x1x16xf32>,
        %parallel_loop3A_1155 = vector.shape_cast %parallel_loop3A_1154 : vector<1x1x16xf32> to vector<16xf32>
        %parallel_loop3A_1156 = vector.shape_cast %parallel_loop3A_1149 : vector<16xf32> to vector<1x1x16xf32>
        tpu.vector_store %arg10[%parallel_loop3A_1151, %parallel_loop3A_1152, %parallel_loop3A_1153], %parallel_loop3A_1156 {add = true, strides = array<i32>} : memref<5x128x128xf32, #tpu.memory_space<vmem>>, vector<1x1x16xf32>,
        %parallel_loop3A_1157 = arith.addi %rem3A_866, %parallel_loop3A_1132 : i32
        %parallel_loop3A_1158 = arith.index_cast %parallel_loop3A_1157 : i32 to index
        %parallel_loop3A_1159 = arith.constant 32 : index
        %parallel_loop3A_1160 = tpu.vector_load %arg8[%parallel_loop3A_1158, %parallel_loop3A_1159] {strides = array<i32>} : memref<320x128xf32, #tpu.memory_space<vmem>>, vector<1x16xf32>,
        %parallel_loop3A_1161 = vector.shape_cast %parallel_loop3A_1160 : vector<1x16xf32> to vector<16xf32>
        %parallel_loop3A_1162 = arith.constant 1 : i32
        %parallel_loop3A_1163 = arith.index_cast %parallel_loop3A_1162 : i32 to index
        %parallel_loop3A_1164 = arith.index_cast %parallel_loop3A_1132 : i32 to index
        %parallel_loop3A_1165 = arith.constant 32 : index
        %parallel_loop3A_1166 = tpu.vector_load %arg10[%parallel_loop3A_1163, %parallel_loop3A_1164, %parallel_loop3A_1165] {strides = array<i32>} : memref<5x128x128xf32, #tpu.memory_space<vmem>>, vector<1x1x16xf32>,
        %parallel_loop3A_1167 = vector.shape_cast %parallel_loop3A_1166 : vector<1x1x16xf32> to vector<16xf32>
        %parallel_loop3A_1168 = vector.shape_cast %parallel_loop3A_1161 : vector<16xf32> to vector<1x1x16xf32>
        tpu.vector_store %arg10[%parallel_loop3A_1163, %parallel_loop3A_1164, %parallel_loop3A_1165], %parallel_loop3A_1168 {add = true, strides = array<i32>} : memref<5x128x128xf32, #tpu.memory_space<vmem>>, vector<1x1x16xf32>,
        %parallel_loop3A_1169 = arith.addi %rem3A_866, %parallel_loop3A_1132 : i32
        %parallel_loop3A_1170 = arith.index_cast %parallel_loop3A_1169 : i32 to index
        %parallel_loop3A_1171 = arith.constant 48 : index
        %parallel_loop3A_1172 = tpu.vector_load %arg8[%parallel_loop3A_1170, %parallel_loop3A_1171] {strides = array<i32>} : memref<320x128xf32, #tpu.memory_space<vmem>>, vector<1x16xf32>,
        %parallel_loop3A_1173 = vector.shape_cast %parallel_loop3A_1172 : vector<1x16xf32> to vector<16xf32>
        %parallel_loop3A_1174 = arith.constant 1 : i32
        %parallel_loop3A_1175 = arith.index_cast %parallel_loop3A_1174 : i32 to index
        %parallel_loop3A_1176 = arith.index_cast %parallel_loop3A_1132 : i32 to index
        %parallel_loop3A_1177 = arith.constant 48 : index
        %parallel_loop3A_1178 = tpu.vector_load %arg10[%parallel_loop3A_1175, %parallel_loop3A_1176, %parallel_loop3A_1177] {strides = array<i32>} : memref<5x128x128xf32, #tpu.memory_space<vmem>>, vector<1x1x16xf32>,
        %parallel_loop3A_1179 = vector.shape_cast %parallel_loop3A_1178 : vector<1x1x16xf32> to vector<16xf32>
        %parallel_loop3A_1180 = vector.shape_cast %parallel_loop3A_1173 : vector<16xf32> to vector<1x1x16xf32>
        tpu.vector_store %arg10[%parallel_loop3A_1175, %parallel_loop3A_1176, %parallel_loop3A_1177], %parallel_loop3A_1180 {add = true, strides = array<i32>} : memref<5x128x128xf32, #tpu.memory_space<vmem>>, vector<1x1x16xf32>,
        %parallel_loop3A_1181 = arith.addi %rem3A_866, %parallel_loop3A_1132 : i32
        %parallel_loop3A_1182 = arith.index_cast %parallel_loop3A_1181 : i32 to index
        %parallel_loop3A_1183 = arith.constant 64 : index
        %parallel_loop3A_1184 = tpu.vector_load %arg8[%parallel_loop3A_1182, %parallel_loop3A_1183] {strides = array<i32>} : memref<320x128xf32, #tpu.memory_space<vmem>>, vector<1x16xf32>,
        %parallel_loop3A_1185 = vector.shape_cast %parallel_loop3A_1184 : vector<1x16xf32> to vector<16xf32>
        %parallel_loop3A_1186 = arith.constant 1 : i32
        %parallel_loop3A_1187 = arith.index_cast %parallel_loop3A_1186 : i32 to index
        %parallel_loop3A_1188 = arith.index_cast %parallel_loop3A_1132 : i32 to index
        %parallel_loop3A_1189 = arith.constant 64 : index
        %parallel_loop3A_1190 = tpu.vector_load %arg10[%parallel_loop3A_1187, %parallel_loop3A_1188, %parallel_loop3A_1189] {strides = array<i32>} : memref<5x128x128xf32, #tpu.memory_space<vmem>>, vector<1x1x16xf32>,
        %parallel_loop3A_1191 = vector.shape_cast %parallel_loop3A_1190 : vector<1x1x16xf32> to vector<16xf32>
        %parallel_loop3A_1192 = vector.shape_cast %parallel_loop3A_1185 : vector<16xf32> to vector<1x1x16xf32>
        tpu.vector_store %arg10[%parallel_loop3A_1187, %parallel_loop3A_1188, %parallel_loop3A_1189], %parallel_loop3A_1192 {add = true, strides = array<i32>} : memref<5x128x128xf32, #tpu.memory_space<vmem>>, vector<1x1x16xf32>,
        %parallel_loop3A_1193 = arith.addi %rem3A_866, %parallel_loop3A_1132 : i32
        %parallel_loop3A_1194 = arith.index_cast %parallel_loop3A_1193 : i32 to index
        %parallel_loop3A_1195 = arith.constant 80 : index
        %parallel_loop3A_1196 = tpu.vector_load %arg8[%parallel_loop3A_1194, %parallel_loop3A_1195] {strides = array<i32>} : memref<320x128xf32, #tpu.memory_space<vmem>>, vector<1x16xf32>,
        %parallel_loop3A_1197 = vector.shape_cast %parallel_loop3A_1196 : vector<1x16xf32> to vector<16xf32>
        %parallel_loop3A_1198 = arith.constant 1 : i32
        %parallel_loop3A_1199 = arith.index_cast %parallel_loop3A_1198 : i32 to index
        %parallel_loop3A_1200 = arith.index_cast %parallel_loop3A_1132 : i32 to index
        %parallel_loop3A_1201 = arith.constant 80 : index
        %parallel_loop3A_1202 = tpu.vector_load %arg10[%parallel_loop3A_1199, %parallel_loop3A_1200, %parallel_loop3A_1201] {strides = array<i32>} : memref<5x128x128xf32, #tpu.memory_space<vmem>>, vector<1x1x16xf32>,
        %parallel_loop3A_1203 = vector.shape_cast %parallel_loop3A_1202 : vector<1x1x16xf32> to vector<16xf32>
        %parallel_loop3A_1204 = vector.shape_cast %parallel_loop3A_1197 : vector<16xf32> to vector<1x1x16xf32>
        tpu.vector_store %arg10[%parallel_loop3A_1199, %parallel_loop3A_1200, %parallel_loop3A_1201], %parallel_loop3A_1204 {add = true, strides = array<i32>} : memref<5x128x128xf32, #tpu.memory_space<vmem>>, vector<1x1x16xf32>,
        %parallel_loop3A_1205 = arith.addi %rem3A_866, %parallel_loop3A_1132 : i32
        %parallel_loop3A_1206 = arith.index_cast %parallel_loop3A_1205 : i32 to index
        %parallel_loop3A_1207 = arith.constant 96 : index
        %parallel_loop3A_1208 = tpu.vector_load %arg8[%parallel_loop3A_1206, %parallel_loop3A_1207] {strides = array<i32>} : memref<320x128xf32, #tpu.memory_space<vmem>>, vector<1x16xf32>,
        %parallel_loop3A_1209 = vector.shape_cast %parallel_loop3A_1208 : vector<1x16xf32> to vector<16xf32>
        %parallel_loop3A_1210 = arith.constant 1 : i32
        %parallel_loop3A_1211 = arith.index_cast %parallel_loop3A_1210 : i32 to index
        %parallel_loop3A_1212 = arith.index_cast %parallel_loop3A_1132 : i32 to index
        %parallel_loop3A_1213 = arith.constant 96 : index
        %parallel_loop3A_1214 = tpu.vector_load %arg10[%parallel_loop3A_1211, %parallel_loop3A_1212, %parallel_loop3A_1213] {strides = array<i32>} : memref<5x128x128xf32, #tpu.memory_space<vmem>>, vector<1x1x16xf32>,
        %parallel_loop3A_1215 = vector.shape_cast %parallel_loop3A_1214 : vector<1x1x16xf32> to vector<16xf32>
        %parallel_loop3A_1216 = vector.shape_cast %parallel_loop3A_1209 : vector<16xf32> to vector<1x1x16xf32>
        tpu.vector_store %arg10[%parallel_loop3A_1211, %parallel_loop3A_1212, %parallel_loop3A_1213], %parallel_loop3A_1216 {add = true, strides = array<i32>} : memref<5x128x128xf32, #tpu.memory_space<vmem>>, vector<1x1x16xf32>,
        %parallel_loop3A_1217 = arith.addi %rem3A_866, %parallel_loop3A_1132 : i32
        %parallel_loop3A_1218 = arith.index_cast %parallel_loop3A_1217 : i32 to index
        %parallel_loop3A_1219 = arith.constant 112 : index
        %parallel_loop3A_1220 = tpu.vector_load %arg8[%parallel_loop3A_1218, %parallel_loop3A_1219] {strides = array<i32>} : memref<320x128xf32, #tpu.memory_space<vmem>>, vector<1x16xf32>,
        %parallel_loop3A_1221 = vector.shape_cast %parallel_loop3A_1220 : vector<1x16xf32> to vector<16xf32>
        %parallel_loop3A_1222 = arith.constant 1 : i32
        %parallel_loop3A_1223 = arith.index_cast %parallel_loop3A_1222 : i32 to index
        %parallel_loop3A_1224 = arith.index_cast %parallel_loop3A_1132 : i32 to index
        %parallel_loop3A_1225 = arith.constant 112 : index
        %parallel_loop3A_1226 = tpu.vector_load %arg10[%parallel_loop3A_1223, %parallel_loop3A_1224, %parallel_loop3A_1225] {strides = array<i32>} : memref<5x128x128xf32, #tpu.memory_space<vmem>>, vector<1x1x16xf32>,
        %parallel_loop3A_1227 = vector.shape_cast %parallel_loop3A_1226 : vector<1x1x16xf32> to vector<16xf32>
        %parallel_loop3A_1228 = vector.shape_cast %parallel_loop3A_1221 : vector<16xf32> to vector<1x1x16xf32>
        tpu.vector_store %arg10[%parallel_loop3A_1223, %parallel_loop3A_1224, %parallel_loop3A_1225], %parallel_loop3A_1228 {add = true, strides = array<i32>} : memref<5x128x128xf32, #tpu.memory_space<vmem>>, vector<1x1x16xf32>,
      } {sc.loop_unroll_factor = 4 : i64, sc.parallel_access}
      %mul3A_870 = arith.constant 128 : i32
      %mul3A_871 = arith.muli %add3A_811, %mul3A_870 : i32
      %add3A_872 = arith.addi %mul3A_4, %mul3A_871 : i32
      %dma_start3A_873 = arith.constant 1 : i32
      %dma_start3A_874 = arith.constant 1 : i32
      %dma_start3A_875 = arith.constant 0 : i32
      %dma_start3A_876 = arith.constant 0 : i32
      %dma_start3A_877 = tpu.memref_slice %arg10[%dma_start3A_873, %dma_start3A_875, %dma_start3A_876] : memref<5x128x128xf32, #tpu.memory_space<vmem>> -> memref<1x128x128xf32, #tpu.memory_space<vmem>>
      %dma_start3A_878 = tpu.memref_squeeze %dma_start3A_877 : memref<1x128x128xf32, #tpu.memory_space<vmem>> -> memref<128x128xf32, #tpu.memory_space<vmem>>
      %dma_start3A_879 = arith.constant 0 : i32
      %dma_start3A_880 = tpu.memref_slice %arg6[%add3A_872, %dma_start3A_879] : memref<204800x128xf32, #tpu.memory_space<hbm>> -> memref<128x128xf32, #tpu.memory_space<hbm>>
      %dma_start3A_881 = tpu.memref_slice %arg12[%dma_start3A_874] : memref<5x!tpu.dma_semaphore, #tpu.memory_space<semaphore_mem>> -> memref<1x!tpu.dma_semaphore, #tpu.memory_space<semaphore_mem>>
      %dma_start3A_882 = tpu.memref_squeeze %dma_start3A_881 : memref<1x!tpu.dma_semaphore, #tpu.memory_space<semaphore_mem>> -> memref<!tpu.dma_semaphore, #tpu.memory_space<semaphore_mem>>
      %dma_start3A_883 = arith.constant 0 : i32
      %dma_start3A_884 = tpu.memref_slice %arg6[%add3A_872, %dma_start3A_883] : memref<204800x128xf32, #tpu.memory_space<hbm>> -> memref<128x128xf32, #tpu.memory_space<hbm>>
      %dma_start3A_885 = arith.constant 0 : i32
      %dma_start3A_886 = arith.constant 0 : i32
      %dma_start3A_887 = tpu.memref_slice %arg10[%dma_start3A_873, %dma_start3A_885, %dma_start3A_886] : memref<5x128x128xf32, #tpu.memory_space<vmem>> -> memref<1x128x128xf32, #tpu.memory_space<vmem>>
      %dma_start3A_888 = tpu.memref_squeeze %dma_start3A_887 : memref<1x128x128xf32, #tpu.memory_space<vmem>> -> memref<128x128xf32, #tpu.memory_space<vmem>>
      tpu.enqueue_dma source(%dma_start3A_888 : memref<128x128xf32, #tpu.memory_space<vmem>>) target(%dma_start3A_884 : memref<128x128xf32, #tpu.memory_space<hbm>>) target_semaphore(%dma_start3A_882 : memref<!tpu.dma_semaphore, #tpu.memory_space<semaphore_mem>>)
      %mul3A_889 = arith.constant 5 : i32
      %mul3A_890 = arith.muli %scan3A_727, %mul3A_889 : i32
      %add3A_891 = arith.constant 2 : i32
      %add3A_892 = arith.addi %mul3A_890, %add3A_891 : i32
      %sub3A_893 = arith.constant 3 : i32
      %sub3A_894 = arith.subi %add3A_892, %sub3A_893 : i32
      %mul3A_895 = arith.constant 128 : i32
      %mul3A_896 = arith.muli %sub3A_894, %mul3A_895 : i32
      %add3A_897 = arith.addi %mul3A_4, %mul3A_896 : i32
      %dma_wait3A_898 = arith.constant 4 : i32
      %dma_wait3A_899 = arith.constant 4 : i32
      %dma_wait3A_900 = arith.constant 0 : i32
      %dma_wait3A_901 = arith.constant 0 : i32
      %dma_wait3A_902 = tpu.memref_slice %arg10[%dma_wait3A_898, %dma_wait3A_900, %dma_wait3A_901] : memref<5x128x128xf32, #tpu.memory_space<vmem>> -> memref<1x128x128xf32, #tpu.memory_space<vmem>>
      %dma_wait3A_903 = tpu.memref_squeeze %dma_wait3A_902 : memref<1x128x128xf32, #tpu.memory_space<vmem>> -> memref<128x128xf32, #tpu.memory_space<vmem>>
      %dma_wait3A_904 = arith.constant 0 : i32
      %dma_wait3A_905 = tpu.memref_slice %arg6[%add3A_897, %dma_wait3A_904] : memref<204800x128xf32, #tpu.memory_space<hbm>> -> memref<128x128xf32, #tpu.memory_space<hbm>>
      %dma_wait3A_906 = tpu.memref_slice %arg12[%dma_wait3A_899] : memref<5x!tpu.dma_semaphore, #tpu.memory_space<semaphore_mem>> -> memref<1x!tpu.dma_semaphore, #tpu.memory_space<semaphore_mem>>
      %dma_wait3A_907 = tpu.memref_squeeze %dma_wait3A_906 : memref<1x!tpu.dma_semaphore, #tpu.memory_space<semaphore_mem>> -> memref<!tpu.dma_semaphore, #tpu.memory_space<semaphore_mem>>
      %dma_wait3A_908 = arith.constant 0 : i32
      %dma_wait3A_909 = tpu.memref_slice %arg6[%add3A_897, %dma_wait3A_908] : memref<204800x128xf32, #tpu.memory_space<hbm>> -> memref<128x128xf32, #tpu.memory_space<hbm>>
      %dma_wait3A_910 = arith.constant 0 : i32
      %dma_wait3A_911 = arith.constant 0 : i32
      %dma_wait3A_912 = tpu.memref_slice %arg10[%dma_wait3A_898, %dma_wait3A_910, %dma_wait3A_911] : memref<5x128x128xf32, #tpu.memory_space<vmem>> -> memref<1x128x128xf32, #tpu.memory_space<vmem>>
      %dma_wait3A_913 = tpu.memref_squeeze %dma_wait3A_912 : memref<1x128x128xf32, #tpu.memory_space<vmem>> -> memref<128x128xf32, #tpu.memory_space<vmem>>
      tpu.wait_dma2 semaphore(%dma_wait3A_907 : memref<!tpu.dma_semaphore, #tpu.memory_space<semaphore_mem>>) src(%dma_wait3A_913 : memref<128x128xf32, #tpu.memory_space<vmem>>) dst(%dma_wait3A_909 : memref<128x128xf32, #tpu.memory_space<hbm>>)
      %add3A_914 = arith.constant 2 : i32
      %add3A_915 = arith.addi %add3A_892, %add3A_914 : i32
      %mul3A_916 = arith.constant 128 : i32
      %mul3A_917 = arith.muli %add3A_915, %mul3A_916 : i32
      %dma_start3A_918 = arith.constant 4 : i32
      %dma_start3A_919 = arith.constant 4 : i32
      %dma_start3A_920 = arith.constant 0 : i32
      %dma_start3A_921 = arith.constant 0 : i32
      %dma_start3A_922 = tpu.memref_slice %arg10[%dma_start3A_918, %dma_start3A_920, %dma_start3A_921] : memref<5x128x128xf32, #tpu.memory_space<vmem>> -> memref<1x128x128xf32, #tpu.memory_space<vmem>>
      %dma_start3A_923 = tpu.memref_squeeze %dma_start3A_922 : memref<1x128x128xf32, #tpu.memory_space<vmem>> -> memref<128x128xf32, #tpu.memory_space<vmem>>
      %dma_start3A_924 = tpu.memref_slice %arg7[%mul3A_917] : memref<6400xi32, #tpu.memory_space<vmem>> -> memref<128xi32, #tpu.memory_space<vmem>>
      %dma_start3A_925 = arith.constant 0 : i32
      %dma_start3A_926 = arith.constant 0 : i32
      %dma_start3A_927 = tpu.memref_slice %arg3[%dma_start3A_925, %dma_start3A_926] : memref<1000000x128xf32, #tpu.memory_space<hbm>> -> memref<1000000x128xf32, #tpu.memory_space<hbm>>
      %dma_start3A_928 = tpu.memref_slice %arg11[%dma_start3A_919] : memref<5x!tpu.dma_semaphore, #tpu.memory_space<semaphore_mem>> -> memref<1x!tpu.dma_semaphore, #tpu.memory_space<semaphore_mem>>
      %dma_start3A_929 = tpu.memref_squeeze %dma_start3A_928 : memref<1x!tpu.dma_semaphore, #tpu.memory_space<semaphore_mem>> -> memref<!tpu.dma_semaphore, #tpu.memory_space<semaphore_mem>>
      tpu.enqueue_indirect_dma source(%dma_start3A_927 : memref<1000000x128xf32, #tpu.memory_space<hbm>>) target(%dma_start3A_923 : memref<128x128xf32, #tpu.memory_space<vmem>>) offsets(%dma_start3A_924 : memref<128xi32, #tpu.memory_space<vmem>>) semaphore(%dma_start3A_929 : memref<!tpu.dma_semaphore, #tpu.memory_space<semaphore_mem>>)
      %mul3A_930 = arith.constant 128 : i32
      %mul3A_931 = arith.muli %add3A_892, %mul3A_930 : i32
      %dma_wait3A_932 = arith.constant 2 : i32
      %dma_wait3A_933 = arith.constant 2 : i32
      %dma_wait3A_934 = arith.constant 0 : i32
      %dma_wait3A_935 = arith.constant 0 : i32
      %dma_wait3A_936 = tpu.memref_slice %arg10[%dma_wait3A_932, %dma_wait3A_934, %dma_wait3A_935] : memref<5x128x128xf32, #tpu.memory_space<vmem>> -> memref<1x128x128xf32, #tpu.memory_space<vmem>>
      %dma_wait3A_937 = tpu.memref_squeeze %dma_wait3A_936 : memref<1x128x128xf32, #tpu.memory_space<vmem>> -> memref<128x128xf32, #tpu.memory_space<vmem>>
      %dma_wait3A_938 = tpu.memref_slice %arg7[%mul3A_931] : memref<6400xi32, #tpu.memory_space<vmem>> -> memref<128xi32, #tpu.memory_space<vmem>>
      %dma_wait3A_939 = arith.constant 0 : i32
      %dma_wait3A_940 = arith.constant 0 : i32
      %dma_wait3A_941 = tpu.memref_slice %arg3[%dma_wait3A_939, %dma_wait3A_940] : memref<1000000x128xf32, #tpu.memory_space<hbm>> -> memref<1000000x128xf32, #tpu.memory_space<hbm>>
      %dma_wait3A_942 = tpu.memref_slice %arg11[%dma_wait3A_933] : memref<5x!tpu.dma_semaphore, #tpu.memory_space<semaphore_mem>> -> memref<1x!tpu.dma_semaphore, #tpu.memory_space<semaphore_mem>>
      %dma_wait3A_943 = tpu.memref_squeeze %dma_wait3A_942 : memref<1x!tpu.dma_semaphore, #tpu.memory_space<semaphore_mem>> -> memref<!tpu.dma_semaphore, #tpu.memory_space<semaphore_mem>>
      tpu.wait_indirect_dma semaphore(%dma_wait3A_943 : memref<!tpu.dma_semaphore, #tpu.memory_space<semaphore_mem>>) src(%dma_wait3A_941 : memref<1000000x128xf32, #tpu.memory_space<hbm>>) dst(%dma_wait3A_937 : memref<128x128xf32, #tpu.memory_space<vmem>>)
      %mul3A_944 = arith.constant 128 : i32
      %mul3A_945 = arith.muli %add3A_892, %mul3A_944 : i32
      %rem3A_946 = arith.constant 200 : i32
      %rem3A_947 = arith.remsi %mul3A_945, %rem3A_946 : i32
      %parallel_loop3A_948 = arith.constant 0 : i32
      %parallel_loop3A_949 = arith.constant 128 : i32
      %parallel_loop3A_950 = arith.constant 1 : i32
      scf.for %parallel_loop3A_1132 = %parallel_loop3A_948 to %parallel_loop3A_949 step %parallel_loop3A_950  : i32 {
        %parallel_loop3A_1133 = arith.addi %rem3A_947, %parallel_loop3A_1132 : i32
        %parallel_loop3A_1134 = arith.index_cast %parallel_loop3A_1133 : i32 to index
        %parallel_loop3A_1135 = arith.constant 0 : index
        %parallel_loop3A_1136 = tpu.vector_load %arg8[%parallel_loop3A_1134, %parallel_loop3A_1135] {strides = array<i32>} : memref<320x128xf32, #tpu.memory_space<vmem>>, vector<1x16xf32>,
        %parallel_loop3A_1137 = vector.shape_cast %parallel_loop3A_1136 : vector<1x16xf32> to vector<16xf32>
        %parallel_loop3A_1138 = arith.constant 2 : i32
        %parallel_loop3A_1139 = arith.index_cast %parallel_loop3A_1138 : i32 to index
        %parallel_loop3A_1140 = arith.index_cast %parallel_loop3A_1132 : i32 to index
        %parallel_loop3A_1141 = arith.constant 0 : index
        %parallel_loop3A_1142 = tpu.vector_load %arg10[%parallel_loop3A_1139, %parallel_loop3A_1140, %parallel_loop3A_1141] {strides = array<i32>} : memref<5x128x128xf32, #tpu.memory_space<vmem>>, vector<1x1x16xf32>,
        %parallel_loop3A_1143 = vector.shape_cast %parallel_loop3A_1142 : vector<1x1x16xf32> to vector<16xf32>
        %parallel_loop3A_1144 = vector.shape_cast %parallel_loop3A_1137 : vector<16xf32> to vector<1x1x16xf32>
        tpu.vector_store %arg10[%parallel_loop3A_1139, %parallel_loop3A_1140, %parallel_loop3A_1141], %parallel_loop3A_1144 {add = true, strides = array<i32>} : memref<5x128x128xf32, #tpu.memory_space<vmem>>, vector<1x1x16xf32>,
        %parallel_loop3A_1145 = arith.addi %rem3A_947, %parallel_loop3A_1132 : i32
        %parallel_loop3A_1146 = arith.index_cast %parallel_loop3A_1145 : i32 to index
        %parallel_loop3A_1147 = arith.constant 16 : index
        %parallel_loop3A_1148 = tpu.vector_load %arg8[%parallel_loop3A_1146, %parallel_loop3A_1147] {strides = array<i32>} : memref<320x128xf32, #tpu.memory_space<vmem>>, vector<1x16xf32>,
        %parallel_loop3A_1149 = vector.shape_cast %parallel_loop3A_1148 : vector<1x16xf32> to vector<16xf32>
        %parallel_loop3A_1150 = arith.constant 2 : i32
        %parallel_loop3A_1151 = arith.index_cast %parallel_loop3A_1150 : i32 to index
        %parallel_loop3A_1152 = arith.index_cast %parallel_loop3A_1132 : i32 to index
        %parallel_loop3A_1153 = arith.constant 16 : index
        %parallel_loop3A_1154 = tpu.vector_load %arg10[%parallel_loop3A_1151, %parallel_loop3A_1152, %parallel_loop3A_1153] {strides = array<i32>} : memref<5x128x128xf32, #tpu.memory_space<vmem>>, vector<1x1x16xf32>,
        %parallel_loop3A_1155 = vector.shape_cast %parallel_loop3A_1154 : vector<1x1x16xf32> to vector<16xf32>
        %parallel_loop3A_1156 = vector.shape_cast %parallel_loop3A_1149 : vector<16xf32> to vector<1x1x16xf32>
        tpu.vector_store %arg10[%parallel_loop3A_1151, %parallel_loop3A_1152, %parallel_loop3A_1153], %parallel_loop3A_1156 {add = true, strides = array<i32>} : memref<5x128x128xf32, #tpu.memory_space<vmem>>, vector<1x1x16xf32>,
        %parallel_loop3A_1157 = arith.addi %rem3A_947, %parallel_loop3A_1132 : i32
        %parallel_loop3A_1158 = arith.index_cast %parallel_loop3A_1157 : i32 to index
        %parallel_loop3A_1159 = arith.constant 32 : index
        %parallel_loop3A_1160 = tpu.vector_load %arg8[%parallel_loop3A_1158, %parallel_loop3A_1159] {strides = array<i32>} : memref<320x128xf32, #tpu.memory_space<vmem>>, vector<1x16xf32>,
        %parallel_loop3A_1161 = vector.shape_cast %parallel_loop3A_1160 : vector<1x16xf32> to vector<16xf32>
        %parallel_loop3A_1162 = arith.constant 2 : i32
        %parallel_loop3A_1163 = arith.index_cast %parallel_loop3A_1162 : i32 to index
        %parallel_loop3A_1164 = arith.index_cast %parallel_loop3A_1132 : i32 to index
        %parallel_loop3A_1165 = arith.constant 32 : index
        %parallel_loop3A_1166 = tpu.vector_load %arg10[%parallel_loop3A_1163, %parallel_loop3A_1164, %parallel_loop3A_1165] {strides = array<i32>} : memref<5x128x128xf32, #tpu.memory_space<vmem>>, vector<1x1x16xf32>,
        %parallel_loop3A_1167 = vector.shape_cast %parallel_loop3A_1166 : vector<1x1x16xf32> to vector<16xf32>
        %parallel_loop3A_1168 = vector.shape_cast %parallel_loop3A_1161 : vector<16xf32> to vector<1x1x16xf32>
        tpu.vector_store %arg10[%parallel_loop3A_1163, %parallel_loop3A_1164, %parallel_loop3A_1165], %parallel_loop3A_1168 {add = true, strides = array<i32>} : memref<5x128x128xf32, #tpu.memory_space<vmem>>, vector<1x1x16xf32>,
        %parallel_loop3A_1169 = arith.addi %rem3A_947, %parallel_loop3A_1132 : i32
        %parallel_loop3A_1170 = arith.index_cast %parallel_loop3A_1169 : i32 to index
        %parallel_loop3A_1171 = arith.constant 48 : index
        %parallel_loop3A_1172 = tpu.vector_load %arg8[%parallel_loop3A_1170, %parallel_loop3A_1171] {strides = array<i32>} : memref<320x128xf32, #tpu.memory_space<vmem>>, vector<1x16xf32>,
        %parallel_loop3A_1173 = vector.shape_cast %parallel_loop3A_1172 : vector<1x16xf32> to vector<16xf32>
        %parallel_loop3A_1174 = arith.constant 2 : i32
        %parallel_loop3A_1175 = arith.index_cast %parallel_loop3A_1174 : i32 to index
        %parallel_loop3A_1176 = arith.index_cast %parallel_loop3A_1132 : i32 to index
        %parallel_loop3A_1177 = arith.constant 48 : index
        %parallel_loop3A_1178 = tpu.vector_load %arg10[%parallel_loop3A_1175, %parallel_loop3A_1176, %parallel_loop3A_1177] {strides = array<i32>} : memref<5x128x128xf32, #tpu.memory_space<vmem>>, vector<1x1x16xf32>,
        %parallel_loop3A_1179 = vector.shape_cast %parallel_loop3A_1178 : vector<1x1x16xf32> to vector<16xf32>
        %parallel_loop3A_1180 = vector.shape_cast %parallel_loop3A_1173 : vector<16xf32> to vector<1x1x16xf32>
        tpu.vector_store %arg10[%parallel_loop3A_1175, %parallel_loop3A_1176, %parallel_loop3A_1177], %parallel_loop3A_1180 {add = true, strides = array<i32>} : memref<5x128x128xf32, #tpu.memory_space<vmem>>, vector<1x1x16xf32>,
        %parallel_loop3A_1181 = arith.addi %rem3A_947, %parallel_loop3A_1132 : i32
        %parallel_loop3A_1182 = arith.index_cast %parallel_loop3A_1181 : i32 to index
        %parallel_loop3A_1183 = arith.constant 64 : index
        %parallel_loop3A_1184 = tpu.vector_load %arg8[%parallel_loop3A_1182, %parallel_loop3A_1183] {strides = array<i32>} : memref<320x128xf32, #tpu.memory_space<vmem>>, vector<1x16xf32>,
        %parallel_loop3A_1185 = vector.shape_cast %parallel_loop3A_1184 : vector<1x16xf32> to vector<16xf32>
        %parallel_loop3A_1186 = arith.constant 2 : i32
        %parallel_loop3A_1187 = arith.index_cast %parallel_loop3A_1186 : i32 to index
        %parallel_loop3A_1188 = arith.index_cast %parallel_loop3A_1132 : i32 to index
        %parallel_loop3A_1189 = arith.constant 64 : index
        %parallel_loop3A_1190 = tpu.vector_load %arg10[%parallel_loop3A_1187, %parallel_loop3A_1188, %parallel_loop3A_1189] {strides = array<i32>} : memref<5x128x128xf32, #tpu.memory_space<vmem>>, vector<1x1x16xf32>,
        %parallel_loop3A_1191 = vector.shape_cast %parallel_loop3A_1190 : vector<1x1x16xf32> to vector<16xf32>
        %parallel_loop3A_1192 = vector.shape_cast %parallel_loop3A_1185 : vector<16xf32> to vector<1x1x16xf32>
        tpu.vector_store %arg10[%parallel_loop3A_1187, %parallel_loop3A_1188, %parallel_loop3A_1189], %parallel_loop3A_1192 {add = true, strides = array<i32>} : memref<5x128x128xf32, #tpu.memory_space<vmem>>, vector<1x1x16xf32>,
        %parallel_loop3A_1193 = arith.addi %rem3A_947, %parallel_loop3A_1132 : i32
        %parallel_loop3A_1194 = arith.index_cast %parallel_loop3A_1193 : i32 to index
        %parallel_loop3A_1195 = arith.constant 80 : index
        %parallel_loop3A_1196 = tpu.vector_load %arg8[%parallel_loop3A_1194, %parallel_loop3A_1195] {strides = array<i32>} : memref<320x128xf32, #tpu.memory_space<vmem>>, vector<1x16xf32>,
        %parallel_loop3A_1197 = vector.shape_cast %parallel_loop3A_1196 : vector<1x16xf32> to vector<16xf32>
        %parallel_loop3A_1198 = arith.constant 2 : i32
        %parallel_loop3A_1199 = arith.index_cast %parallel_loop3A_1198 : i32 to index
        %parallel_loop3A_1200 = arith.index_cast %parallel_loop3A_1132 : i32 to index
        %parallel_loop3A_1201 = arith.constant 80 : index
        %parallel_loop3A_1202 = tpu.vector_load %arg10[%parallel_loop3A_1199, %parallel_loop3A_1200, %parallel_loop3A_1201] {strides = array<i32>} : memref<5x128x128xf32, #tpu.memory_space<vmem>>, vector<1x1x16xf32>,
        %parallel_loop3A_1203 = vector.shape_cast %parallel_loop3A_1202 : vector<1x1x16xf32> to vector<16xf32>
        %parallel_loop3A_1204 = vector.shape_cast %parallel_loop3A_1197 : vector<16xf32> to vector<1x1x16xf32>
        tpu.vector_store %arg10[%parallel_loop3A_1199, %parallel_loop3A_1200, %parallel_loop3A_1201], %parallel_loop3A_1204 {add = true, strides = array<i32>} : memref<5x128x128xf32, #tpu.memory_space<vmem>>, vector<1x1x16xf32>,
        %parallel_loop3A_1205 = arith.addi %rem3A_947, %parallel_loop3A_1132 : i32
        %parallel_loop3A_1206 = arith.index_cast %parallel_loop3A_1205 : i32 to index
        %parallel_loop3A_1207 = arith.constant 96 : index
        %parallel_loop3A_1208 = tpu.vector_load %arg8[%parallel_loop3A_1206, %parallel_loop3A_1207] {strides = array<i32>} : memref<320x128xf32, #tpu.memory_space<vmem>>, vector<1x16xf32>,
        %parallel_loop3A_1209 = vector.shape_cast %parallel_loop3A_1208 : vector<1x16xf32> to vector<16xf32>
        %parallel_loop3A_1210 = arith.constant 2 : i32
        %parallel_loop3A_1211 = arith.index_cast %parallel_loop3A_1210 : i32 to index
        %parallel_loop3A_1212 = arith.index_cast %parallel_loop3A_1132 : i32 to index
        %parallel_loop3A_1213 = arith.constant 96 : index
        %parallel_loop3A_1214 = tpu.vector_load %arg10[%parallel_loop3A_1211, %parallel_loop3A_1212, %parallel_loop3A_1213] {strides = array<i32>} : memref<5x128x128xf32, #tpu.memory_space<vmem>>, vector<1x1x16xf32>,
        %parallel_loop3A_1215 = vector.shape_cast %parallel_loop3A_1214 : vector<1x1x16xf32> to vector<16xf32>
        %parallel_loop3A_1216 = vector.shape_cast %parallel_loop3A_1209 : vector<16xf32> to vector<1x1x16xf32>
        tpu.vector_store %arg10[%parallel_loop3A_1211, %parallel_loop3A_1212, %parallel_loop3A_1213], %parallel_loop3A_1216 {add = true, strides = array<i32>} : memref<5x128x128xf32, #tpu.memory_space<vmem>>, vector<1x1x16xf32>,
        %parallel_loop3A_1217 = arith.addi %rem3A_947, %parallel_loop3A_1132 : i32
        %parallel_loop3A_1218 = arith.index_cast %parallel_loop3A_1217 : i32 to index
        %parallel_loop3A_1219 = arith.constant 112 : index
        %parallel_loop3A_1220 = tpu.vector_load %arg8[%parallel_loop3A_1218, %parallel_loop3A_1219] {strides = array<i32>} : memref<320x128xf32, #tpu.memory_space<vmem>>, vector<1x16xf32>,
        %parallel_loop3A_1221 = vector.shape_cast %parallel_loop3A_1220 : vector<1x16xf32> to vector<16xf32>
        %parallel_loop3A_1222 = arith.constant 2 : i32
        %parallel_loop3A_1223 = arith.index_cast %parallel_loop3A_1222 : i32 to index
        %parallel_loop3A_1224 = arith.index_cast %parallel_loop3A_1132 : i32 to index
        %parallel_loop3A_1225 = arith.constant 112 : index
        %parallel_loop3A_1226 = tpu.vector_load %arg10[%parallel_loop3A_1223, %parallel_loop3A_1224, %parallel_loop3A_1225] {strides = array<i32>} : memref<5x128x128xf32, #tpu.memory_space<vmem>>, vector<1x1x16xf32>,
        %parallel_loop3A_1227 = vector.shape_cast %parallel_loop3A_1226 : vector<1x1x16xf32> to vector<16xf32>
        %parallel_loop3A_1228 = vector.shape_cast %parallel_loop3A_1221 : vector<16xf32> to vector<1x1x16xf32>
        tpu.vector_store %arg10[%parallel_loop3A_1223, %parallel_loop3A_1224, %parallel_loop3A_1225], %parallel_loop3A_1228 {add = true, strides = array<i32>} : memref<5x128x128xf32, #tpu.memory_space<vmem>>, vector<1x1x16xf32>,
      } {sc.loop_unroll_factor = 4 : i64, sc.parallel_access}
      %mul3A_951 = arith.constant 128 : i32
      %mul3A_952 = arith.muli %add3A_892, %mul3A_951 : i32
      %add3A_953 = arith.addi %mul3A_4, %mul3A_952 : i32
      %dma_start3A_954 = arith.constant 2 : i32
      %dma_start3A_955 = arith.constant 2 : i32
      %dma_start3A_956 = arith.constant 0 : i32
      %dma_start3A_957 = arith.constant 0 : i32
      %dma_start3A_958 = tpu.memref_slice %arg10[%dma_start3A_954, %dma_start3A_956, %dma_start3A_957] : memref<5x128x128xf32, #tpu.memory_space<vmem>> -> memref<1x128x128xf32, #tpu.memory_space<vmem>>
      %dma_start3A_959 = tpu.memref_squeeze %dma_start3A_958 : memref<1x128x128xf32, #tpu.memory_space<vmem>> -> memref<128x128xf32, #tpu.memory_space<vmem>>
      %dma_start3A_960 = arith.constant 0 : i32
      %dma_start3A_961 = tpu.memref_slice %arg6[%add3A_953, %dma_start3A_960] : memref<204800x128xf32, #tpu.memory_space<hbm>> -> memref<128x128xf32, #tpu.memory_space<hbm>>
      %dma_start3A_962 = tpu.memref_slice %arg12[%dma_start3A_955] : memref<5x!tpu.dma_semaphore, #tpu.memory_space<semaphore_mem>> -> memref<1x!tpu.dma_semaphore, #tpu.memory_space<semaphore_mem>>
      %dma_start3A_963 = tpu.memref_squeeze %dma_start3A_962 : memref<1x!tpu.dma_semaphore, #tpu.memory_space<semaphore_mem>> -> memref<!tpu.dma_semaphore, #tpu.memory_space<semaphore_mem>>
      %dma_start3A_964 = arith.constant 0 : i32
      %dma_start3A_965 = tpu.memref_slice %arg6[%add3A_953, %dma_start3A_964] : memref<204800x128xf32, #tpu.memory_space<hbm>> -> memref<128x128xf32, #tpu.memory_space<hbm>>
      %dma_start3A_966 = arith.constant 0 : i32
      %dma_start3A_967 = arith.constant 0 : i32
      %dma_start3A_968 = tpu.memref_slice %arg10[%dma_start3A_954, %dma_start3A_966, %dma_start3A_967] : memref<5x128x128xf32, #tpu.memory_space<vmem>> -> memref<1x128x128xf32, #tpu.memory_space<vmem>>
      %dma_start3A_969 = tpu.memref_squeeze %dma_start3A_968 : memref<1x128x128xf32, #tpu.memory_space<vmem>> -> memref<128x128xf32, #tpu.memory_space<vmem>>
      tpu.enqueue_dma source(%dma_start3A_969 : memref<128x128xf32, #tpu.memory_space<vmem>>) target(%dma_start3A_965 : memref<128x128xf32, #tpu.memory_space<hbm>>) target_semaphore(%dma_start3A_963 : memref<!tpu.dma_semaphore, #tpu.memory_space<semaphore_mem>>)
      %mul3A_970 = arith.constant 5 : i32
      %mul3A_971 = arith.muli %scan3A_727, %mul3A_970 : i32
      %add3A_972 = arith.constant 3 : i32
      %add3A_973 = arith.addi %mul3A_971, %add3A_972 : i32
      %sub3A_974 = arith.constant 3 : i32
      %sub3A_975 = arith.subi %add3A_973, %sub3A_974 : i32
      %mul3A_976 = arith.constant 128 : i32
      %mul3A_977 = arith.muli %sub3A_975, %mul3A_976 : i32
      %add3A_978 = arith.addi %mul3A_4, %mul3A_977 : i32
      %dma_wait3A_979 = arith.constant 0 : i32
      %dma_wait3A_980 = arith.constant 0 : i32
      %dma_wait3A_981 = arith.constant 0 : i32
      %dma_wait3A_982 = arith.constant 0 : i32
      %dma_wait3A_983 = tpu.memref_slice %arg10[%dma_wait3A_979, %dma_wait3A_981, %dma_wait3A_982] : memref<5x128x128xf32, #tpu.memory_space<vmem>> -> memref<1x128x128xf32, #tpu.memory_space<vmem>>
      %dma_wait3A_984 = tpu.memref_squeeze %dma_wait3A_983 : memref<1x128x128xf32, #tpu.memory_space<vmem>> -> memref<128x128xf32, #tpu.memory_space<vmem>>
      %dma_wait3A_985 = arith.constant 0 : i32
      %dma_wait3A_986 = tpu.memref_slice %arg6[%add3A_978, %dma_wait3A_985] : memref<204800x128xf32, #tpu.memory_space<hbm>> -> memref<128x128xf32, #tpu.memory_space<hbm>>
      %dma_wait3A_987 = tpu.memref_slice %arg12[%dma_wait3A_980] : memref<5x!tpu.dma_semaphore, #tpu.memory_space<semaphore_mem>> -> memref<1x!tpu.dma_semaphore, #tpu.memory_space<semaphore_mem>>
      %dma_wait3A_988 = tpu.memref_squeeze %dma_wait3A_987 : memref<1x!tpu.dma_semaphore, #tpu.memory_space<semaphore_mem>> -> memref<!tpu.dma_semaphore, #tpu.memory_space<semaphore_mem>>
      %dma_wait3A_989 = arith.constant 0 : i32
      %dma_wait3A_990 = tpu.memref_slice %arg6[%add3A_978, %dma_wait3A_989] : memref<204800x128xf32, #tpu.memory_space<hbm>> -> memref<128x128xf32, #tpu.memory_space<hbm>>
      %dma_wait3A_991 = arith.constant 0 : i32
      %dma_wait3A_992 = arith.constant 0 : i32
      %dma_wait3A_993 = tpu.memref_slice %arg10[%dma_wait3A_979, %dma_wait3A_991, %dma_wait3A_992] : memref<5x128x128xf32, #tpu.memory_space<vmem>> -> memref<1x128x128xf32, #tpu.memory_space<vmem>>
      %dma_wait3A_994 = tpu.memref_squeeze %dma_wait3A_993 : memref<1x128x128xf32, #tpu.memory_space<vmem>> -> memref<128x128xf32, #tpu.memory_space<vmem>>
      tpu.wait_dma2 semaphore(%dma_wait3A_988 : memref<!tpu.dma_semaphore, #tpu.memory_space<semaphore_mem>>) src(%dma_wait3A_994 : memref<128x128xf32, #tpu.memory_space<vmem>>) dst(%dma_wait3A_990 : memref<128x128xf32, #tpu.memory_space<hbm>>)
      %add3A_995 = arith.constant 2 : i32
      %add3A_996 = arith.addi %add3A_973, %add3A_995 : i32
      %mul3A_997 = arith.constant 128 : i32
      %mul3A_998 = arith.muli %add3A_996, %mul3A_997 : i32
      %dma_start3A_999 = arith.constant 0 : i32
      %dma_start3A_1000 = arith.constant 0 : i32
      %dma_start3A_1001 = arith.constant 0 : i32
      %dma_start3A_1002 = arith.constant 0 : i32
      %dma_start3A_1003 = tpu.memref_slice %arg10[%dma_start3A_999, %dma_start3A_1001, %dma_start3A_1002] : memref<5x128x128xf32, #tpu.memory_space<vmem>> -> memref<1x128x128xf32, #tpu.memory_space<vmem>>
      %dma_start3A_1004 = tpu.memref_squeeze %dma_start3A_1003 : memref<1x128x128xf32, #tpu.memory_space<vmem>> -> memref<128x128xf32, #tpu.memory_space<vmem>>
      %dma_start3A_1005 = tpu.memref_slice %arg7[%mul3A_998] : memref<6400xi32, #tpu.memory_space<vmem>> -> memref<128xi32, #tpu.memory_space<vmem>>
      %dma_start3A_1006 = arith.constant 0 : i32
      %dma_start3A_1007 = arith.constant 0 : i32
      %dma_start3A_1008 = tpu.memref_slice %arg3[%dma_start3A_1006, %dma_start3A_1007] : memref<1000000x128xf32, #tpu.memory_space<hbm>> -> memref<1000000x128xf32, #tpu.memory_space<hbm>>
      %dma_start3A_1009 = tpu.memref_slice %arg11[%dma_start3A_1000] : memref<5x!tpu.dma_semaphore, #tpu.memory_space<semaphore_mem>> -> memref<1x!tpu.dma_semaphore, #tpu.memory_space<semaphore_mem>>
      %dma_start3A_1010 = tpu.memref_squeeze %dma_start3A_1009 : memref<1x!tpu.dma_semaphore, #tpu.memory_space<semaphore_mem>> -> memref<!tpu.dma_semaphore, #tpu.memory_space<semaphore_mem>>
      tpu.enqueue_indirect_dma source(%dma_start3A_1008 : memref<1000000x128xf32, #tpu.memory_space<hbm>>) target(%dma_start3A_1004 : memref<128x128xf32, #tpu.memory_space<vmem>>) offsets(%dma_start3A_1005 : memref<128xi32, #tpu.memory_space<vmem>>) semaphore(%dma_start3A_1010 : memref<!tpu.dma_semaphore, #tpu.memory_space<semaphore_mem>>)
      %mul3A_1011 = arith.constant 128 : i32
      %mul3A_1012 = arith.muli %add3A_973, %mul3A_1011 : i32
      %dma_wait3A_1013 = arith.constant 3 : i32
      %dma_wait3A_1014 = arith.constant 3 : i32
      %dma_wait3A_1015 = arith.constant 0 : i32
      %dma_wait3A_1016 = arith.constant 0 : i32
      %dma_wait3A_1017 = tpu.memref_slice %arg10[%dma_wait3A_1013, %dma_wait3A_1015, %dma_wait3A_1016] : memref<5x128x128xf32, #tpu.memory_space<vmem>> -> memref<1x128x128xf32, #tpu.memory_space<vmem>>
      %dma_wait3A_1018 = tpu.memref_squeeze %dma_wait3A_1017 : memref<1x128x128xf32, #tpu.memory_space<vmem>> -> memref<128x128xf32, #tpu.memory_space<vmem>>
      %dma_wait3A_1019 = tpu.memref_slice %arg7[%mul3A_1012] : memref<6400xi32, #tpu.memory_space<vmem>> -> memref<128xi32, #tpu.memory_space<vmem>>
      %dma_wait3A_1020 = arith.constant 0 : i32
      %dma_wait3A_1021 = arith.constant 0 : i32
      %dma_wait3A_1022 = tpu.memref_slice %arg3[%dma_wait3A_1020, %dma_wait3A_1021] : memref<1000000x128xf32, #tpu.memory_space<hbm>> -> memref<1000000x128xf32, #tpu.memory_space<hbm>>
      %dma_wait3A_1023 = tpu.memref_slice %arg11[%dma_wait3A_1014] : memref<5x!tpu.dma_semaphore, #tpu.memory_space<semaphore_mem>> -> memref<1x!tpu.dma_semaphore, #tpu.memory_space<semaphore_mem>>
      %dma_wait3A_1024 = tpu.memref_squeeze %dma_wait3A_1023 : memref<1x!tpu.dma_semaphore, #tpu.memory_space<semaphore_mem>> -> memref<!tpu.dma_semaphore, #tpu.memory_space<semaphore_mem>>
      tpu.wait_indirect_dma semaphore(%dma_wait3A_1024 : memref<!tpu.dma_semaphore, #tpu.memory_space<semaphore_mem>>) src(%dma_wait3A_1022 : memref<1000000x128xf32, #tpu.memory_space<hbm>>) dst(%dma_wait3A_1018 : memref<128x128xf32, #tpu.memory_space<vmem>>)
      %mul3A_1025 = arith.constant 128 : i32
      %mul3A_1026 = arith.muli %add3A_973, %mul3A_1025 : i32
      %rem3A_1027 = arith.constant 200 : i32
      %rem3A_1028 = arith.remsi %mul3A_1026, %rem3A_1027 : i32
      %parallel_loop3A_1029 = arith.constant 0 : i32
      %parallel_loop3A_1030 = arith.constant 128 : i32
      %parallel_loop3A_1031 = arith.constant 1 : i32
      scf.for %parallel_loop3A_1132 = %parallel_loop3A_1029 to %parallel_loop3A_1030 step %parallel_loop3A_1031  : i32 {
        %parallel_loop3A_1133 = arith.addi %rem3A_1028, %parallel_loop3A_1132 : i32
        %parallel_loop3A_1134 = arith.index_cast %parallel_loop3A_1133 : i32 to index
        %parallel_loop3A_1135 = arith.constant 0 : index
        %parallel_loop3A_1136 = tpu.vector_load %arg8[%parallel_loop3A_1134, %parallel_loop3A_1135] {strides = array<i32>} : memref<320x128xf32, #tpu.memory_space<vmem>>, vector<1x16xf32>,
        %parallel_loop3A_1137 = vector.shape_cast %parallel_loop3A_1136 : vector<1x16xf32> to vector<16xf32>
        %parallel_loop3A_1138 = arith.constant 3 : i32
        %parallel_loop3A_1139 = arith.index_cast %parallel_loop3A_1138 : i32 to index
        %parallel_loop3A_1140 = arith.index_cast %parallel_loop3A_1132 : i32 to index
        %parallel_loop3A_1141 = arith.constant 0 : index
        %parallel_loop3A_1142 = tpu.vector_load %arg10[%parallel_loop3A_1139, %parallel_loop3A_1140, %parallel_loop3A_1141] {strides = array<i32>} : memref<5x128x128xf32, #tpu.memory_space<vmem>>, vector<1x1x16xf32>,
        %parallel_loop3A_1143 = vector.shape_cast %parallel_loop3A_1142 : vector<1x1x16xf32> to vector<16xf32>
        %parallel_loop3A_1144 = vector.shape_cast %parallel_loop3A_1137 : vector<16xf32> to vector<1x1x16xf32>
        tpu.vector_store %arg10[%parallel_loop3A_1139, %parallel_loop3A_1140, %parallel_loop3A_1141], %parallel_loop3A_1144 {add = true, strides = array<i32>} : memref<5x128x128xf32, #tpu.memory_space<vmem>>, vector<1x1x16xf32>,
        %parallel_loop3A_1145 = arith.addi %rem3A_1028, %parallel_loop3A_1132 : i32
        %parallel_loop3A_1146 = arith.index_cast %parallel_loop3A_1145 : i32 to index
        %parallel_loop3A_1147 = arith.constant 16 : index
        %parallel_loop3A_1148 = tpu.vector_load %arg8[%parallel_loop3A_1146, %parallel_loop3A_1147] {strides = array<i32>} : memref<320x128xf32, #tpu.memory_space<vmem>>, vector<1x16xf32>,
        %parallel_loop3A_1149 = vector.shape_cast %parallel_loop3A_1148 : vector<1x16xf32> to vector<16xf32>
        %parallel_loop3A_1150 = arith.constant 3 : i32
        %parallel_loop3A_1151 = arith.index_cast %parallel_loop3A_1150 : i32 to index
        %parallel_loop3A_1152 = arith.index_cast %parallel_loop3A_1132 : i32 to index
        %parallel_loop3A_1153 = arith.constant 16 : index
        %parallel_loop3A_1154 = tpu.vector_load %arg10[%parallel_loop3A_1151, %parallel_loop3A_1152, %parallel_loop3A_1153] {strides = array<i32>} : memref<5x128x128xf32, #tpu.memory_space<vmem>>, vector<1x1x16xf32>,
        %parallel_loop3A_1155 = vector.shape_cast %parallel_loop3A_1154 : vector<1x1x16xf32> to vector<16xf32>
        %parallel_loop3A_1156 = vector.shape_cast %parallel_loop3A_1149 : vector<16xf32> to vector<1x1x16xf32>
        tpu.vector_store %arg10[%parallel_loop3A_1151, %parallel_loop3A_1152, %parallel_loop3A_1153], %parallel_loop3A_1156 {add = true, strides = array<i32>} : memref<5x128x128xf32, #tpu.memory_space<vmem>>, vector<1x1x16xf32>,
        %parallel_loop3A_1157 = arith.addi %rem3A_1028, %parallel_loop3A_1132 : i32
        %parallel_loop3A_1158 = arith.index_cast %parallel_loop3A_1157 : i32 to index
        %parallel_loop3A_1159 = arith.constant 32 : index
        %parallel_loop3A_1160 = tpu.vector_load %arg8[%parallel_loop3A_1158, %parallel_loop3A_1159] {strides = array<i32>} : memref<320x128xf32, #tpu.memory_space<vmem>>, vector<1x16xf32>,
        %parallel_loop3A_1161 = vector.shape_cast %parallel_loop3A_1160 : vector<1x16xf32> to vector<16xf32>
        %parallel_loop3A_1162 = arith.constant 3 : i32
        %parallel_loop3A_1163 = arith.index_cast %parallel_loop3A_1162 : i32 to index
        %parallel_loop3A_1164 = arith.index_cast %parallel_loop3A_1132 : i32 to index
        %parallel_loop3A_1165 = arith.constant 32 : index
        %parallel_loop3A_1166 = tpu.vector_load %arg10[%parallel_loop3A_1163, %parallel_loop3A_1164, %parallel_loop3A_1165] {strides = array<i32>} : memref<5x128x128xf32, #tpu.memory_space<vmem>>, vector<1x1x16xf32>,
        %parallel_loop3A_1167 = vector.shape_cast %parallel_loop3A_1166 : vector<1x1x16xf32> to vector<16xf32>
        %parallel_loop3A_1168 = vector.shape_cast %parallel_loop3A_1161 : vector<16xf32> to vector<1x1x16xf32>
        tpu.vector_store %arg10[%parallel_loop3A_1163, %parallel_loop3A_1164, %parallel_loop3A_1165], %parallel_loop3A_1168 {add = true, strides = array<i32>} : memref<5x128x128xf32, #tpu.memory_space<vmem>>, vector<1x1x16xf32>,
        %parallel_loop3A_1169 = arith.addi %rem3A_1028, %parallel_loop3A_1132 : i32
        %parallel_loop3A_1170 = arith.index_cast %parallel_loop3A_1169 : i32 to index
        %parallel_loop3A_1171 = arith.constant 48 : index
        %parallel_loop3A_1172 = tpu.vector_load %arg8[%parallel_loop3A_1170, %parallel_loop3A_1171] {strides = array<i32>} : memref<320x128xf32, #tpu.memory_space<vmem>>, vector<1x16xf32>,
        %parallel_loop3A_1173 = vector.shape_cast %parallel_loop3A_1172 : vector<1x16xf32> to vector<16xf32>
        %parallel_loop3A_1174 = arith.constant 3 : i32
        %parallel_loop3A_1175 = arith.index_cast %parallel_loop3A_1174 : i32 to index
        %parallel_loop3A_1176 = arith.index_cast %parallel_loop3A_1132 : i32 to index
        %parallel_loop3A_1177 = arith.constant 48 : index
        %parallel_loop3A_1178 = tpu.vector_load %arg10[%parallel_loop3A_1175, %parallel_loop3A_1176, %parallel_loop3A_1177] {strides = array<i32>} : memref<5x128x128xf32, #tpu.memory_space<vmem>>, vector<1x1x16xf32>,
        %parallel_loop3A_1179 = vector.shape_cast %parallel_loop3A_1178 : vector<1x1x16xf32> to vector<16xf32>
        %parallel_loop3A_1180 = vector.shape_cast %parallel_loop3A_1173 : vector<16xf32> to vector<1x1x16xf32>
        tpu.vector_store %arg10[%parallel_loop3A_1175, %parallel_loop3A_1176, %parallel_loop3A_1177], %parallel_loop3A_1180 {add = true, strides = array<i32>} : memref<5x128x128xf32, #tpu.memory_space<vmem>>, vector<1x1x16xf32>,
        %parallel_loop3A_1181 = arith.addi %rem3A_1028, %parallel_loop3A_1132 : i32
        %parallel_loop3A_1182 = arith.index_cast %parallel_loop3A_1181 : i32 to index
        %parallel_loop3A_1183 = arith.constant 64 : index
        %parallel_loop3A_1184 = tpu.vector_load %arg8[%parallel_loop3A_1182, %parallel_loop3A_1183] {strides = array<i32>} : memref<320x128xf32, #tpu.memory_space<vmem>>, vector<1x16xf32>,
        %parallel_loop3A_1185 = vector.shape_cast %parallel_loop3A_1184 : vector<1x16xf32> to vector<16xf32>
        %parallel_loop3A_1186 = arith.constant 3 : i32
        %parallel_loop3A_1187 = arith.index_cast %parallel_loop3A_1186 : i32 to index
        %parallel_loop3A_1188 = arith.index_cast %parallel_loop3A_1132 : i32 to index
        %parallel_loop3A_1189 = arith.constant 64 : index
        %parallel_loop3A_1190 = tpu.vector_load %arg10[%parallel_loop3A_1187, %parallel_loop3A_1188, %parallel_loop3A_1189] {strides = array<i32>} : memref<5x128x128xf32, #tpu.memory_space<vmem>>, vector<1x1x16xf32>,
        %parallel_loop3A_1191 = vector.shape_cast %parallel_loop3A_1190 : vector<1x1x16xf32> to vector<16xf32>
        %parallel_loop3A_1192 = vector.shape_cast %parallel_loop3A_1185 : vector<16xf32> to vector<1x1x16xf32>
        tpu.vector_store %arg10[%parallel_loop3A_1187, %parallel_loop3A_1188, %parallel_loop3A_1189], %parallel_loop3A_1192 {add = true, strides = array<i32>} : memref<5x128x128xf32, #tpu.memory_space<vmem>>, vector<1x1x16xf32>,
        %parallel_loop3A_1193 = arith.addi %rem3A_1028, %parallel_loop3A_1132 : i32
        %parallel_loop3A_1194 = arith.index_cast %parallel_loop3A_1193 : i32 to index
        %parallel_loop3A_1195 = arith.constant 80 : index
        %parallel_loop3A_1196 = tpu.vector_load %arg8[%parallel_loop3A_1194, %parallel_loop3A_1195] {strides = array<i32>} : memref<320x128xf32, #tpu.memory_space<vmem>>, vector<1x16xf32>,
        %parallel_loop3A_1197 = vector.shape_cast %parallel_loop3A_1196 : vector<1x16xf32> to vector<16xf32>
        %parallel_loop3A_1198 = arith.constant 3 : i32
        %parallel_loop3A_1199 = arith.index_cast %parallel_loop3A_1198 : i32 to index
        %parallel_loop3A_1200 = arith.index_cast %parallel_loop3A_1132 : i32 to index
        %parallel_loop3A_1201 = arith.constant 80 : index
        %parallel_loop3A_1202 = tpu.vector_load %arg10[%parallel_loop3A_1199, %parallel_loop3A_1200, %parallel_loop3A_1201] {strides = array<i32>} : memref<5x128x128xf32, #tpu.memory_space<vmem>>, vector<1x1x16xf32>,
        %parallel_loop3A_1203 = vector.shape_cast %parallel_loop3A_1202 : vector<1x1x16xf32> to vector<16xf32>
        %parallel_loop3A_1204 = vector.shape_cast %parallel_loop3A_1197 : vector<16xf32> to vector<1x1x16xf32>
        tpu.vector_store %arg10[%parallel_loop3A_1199, %parallel_loop3A_1200, %parallel_loop3A_1201], %parallel_loop3A_1204 {add = true, strides = array<i32>} : memref<5x128x128xf32, #tpu.memory_space<vmem>>, vector<1x1x16xf32>,
        %parallel_loop3A_1205 = arith.addi %rem3A_1028, %parallel_loop3A_1132 : i32
        %parallel_loop3A_1206 = arith.index_cast %parallel_loop3A_1205 : i32 to index
        %parallel_loop3A_1207 = arith.constant 96 : index
        %parallel_loop3A_1208 = tpu.vector_load %arg8[%parallel_loop3A_1206, %parallel_loop3A_1207] {strides = array<i32>} : memref<320x128xf32, #tpu.memory_space<vmem>>, vector<1x16xf32>,
        %parallel_loop3A_1209 = vector.shape_cast %parallel_loop3A_1208 : vector<1x16xf32> to vector<16xf32>
        %parallel_loop3A_1210 = arith.constant 3 : i32
        %parallel_loop3A_1211 = arith.index_cast %parallel_loop3A_1210 : i32 to index
        %parallel_loop3A_1212 = arith.index_cast %parallel_loop3A_1132 : i32 to index
        %parallel_loop3A_1213 = arith.constant 96 : index
        %parallel_loop3A_1214 = tpu.vector_load %arg10[%parallel_loop3A_1211, %parallel_loop3A_1212, %parallel_loop3A_1213] {strides = array<i32>} : memref<5x128x128xf32, #tpu.memory_space<vmem>>, vector<1x1x16xf32>,
        %parallel_loop3A_1215 = vector.shape_cast %parallel_loop3A_1214 : vector<1x1x16xf32> to vector<16xf32>
        %parallel_loop3A_1216 = vector.shape_cast %parallel_loop3A_1209 : vector<16xf32> to vector<1x1x16xf32>
        tpu.vector_store %arg10[%parallel_loop3A_1211, %parallel_loop3A_1212, %parallel_loop3A_1213], %parallel_loop3A_1216 {add = true, strides = array<i32>} : memref<5x128x128xf32, #tpu.memory_space<vmem>>, vector<1x1x16xf32>,
        %parallel_loop3A_1217 = arith.addi %rem3A_1028, %parallel_loop3A_1132 : i32
        %parallel_loop3A_1218 = arith.index_cast %parallel_loop3A_1217 : i32 to index
        %parallel_loop3A_1219 = arith.constant 112 : index
        %parallel_loop3A_1220 = tpu.vector_load %arg8[%parallel_loop3A_1218, %parallel_loop3A_1219] {strides = array<i32>} : memref<320x128xf32, #tpu.memory_space<vmem>>, vector<1x16xf32>,
        %parallel_loop3A_1221 = vector.shape_cast %parallel_loop3A_1220 : vector<1x16xf32> to vector<16xf32>
        %parallel_loop3A_1222 = arith.constant 3 : i32
        %parallel_loop3A_1223 = arith.index_cast %parallel_loop3A_1222 : i32 to index
        %parallel_loop3A_1224 = arith.index_cast %parallel_loop3A_1132 : i32 to index
        %parallel_loop3A_1225 = arith.constant 112 : index
        %parallel_loop3A_1226 = tpu.vector_load %arg10[%parallel_loop3A_1223, %parallel_loop3A_1224, %parallel_loop3A_1225] {strides = array<i32>} : memref<5x128x128xf32, #tpu.memory_space<vmem>>, vector<1x1x16xf32>,
        %parallel_loop3A_1227 = vector.shape_cast %parallel_loop3A_1226 : vector<1x1x16xf32> to vector<16xf32>
        %parallel_loop3A_1228 = vector.shape_cast %parallel_loop3A_1221 : vector<16xf32> to vector<1x1x16xf32>
        tpu.vector_store %arg10[%parallel_loop3A_1223, %parallel_loop3A_1224, %parallel_loop3A_1225], %parallel_loop3A_1228 {add = true, strides = array<i32>} : memref<5x128x128xf32, #tpu.memory_space<vmem>>, vector<1x1x16xf32>,
      } {sc.loop_unroll_factor = 4 : i64, sc.parallel_access}
      %mul3A_1032 = arith.constant 128 : i32
      %mul3A_1033 = arith.muli %add3A_973, %mul3A_1032 : i32
      %add3A_1034 = arith.addi %mul3A_4, %mul3A_1033 : i32
      %dma_start3A_1035 = arith.constant 3 : i32
      %dma_start3A_1036 = arith.constant 3 : i32
      %dma_start3A_1037 = arith.constant 0 : i32
      %dma_start3A_1038 = arith.constant 0 : i32
      %dma_start3A_1039 = tpu.memref_slice %arg10[%dma_start3A_1035, %dma_start3A_1037, %dma_start3A_1038] : memref<5x128x128xf32, #tpu.memory_space<vmem>> -> memref<1x128x128xf32, #tpu.memory_space<vmem>>
      %dma_start3A_1040 = tpu.memref_squeeze %dma_start3A_1039 : memref<1x128x128xf32, #tpu.memory_space<vmem>> -> memref<128x128xf32, #tpu.memory_space<vmem>>
      %dma_start3A_1041 = arith.constant 0 : i32
      %dma_start3A_1042 = tpu.memref_slice %arg6[%add3A_1034, %dma_start3A_1041] : memref<204800x128xf32, #tpu.memory_space<hbm>> -> memref<128x128xf32, #tpu.memory_space<hbm>>
      %dma_start3A_1043 = tpu.memref_slice %arg12[%dma_start3A_1036] : memref<5x!tpu.dma_semaphore, #tpu.memory_space<semaphore_mem>> -> memref<1x!tpu.dma_semaphore, #tpu.memory_space<semaphore_mem>>
      %dma_start3A_1044 = tpu.memref_squeeze %dma_start3A_1043 : memref<1x!tpu.dma_semaphore, #tpu.memory_space<semaphore_mem>> -> memref<!tpu.dma_semaphore, #tpu.memory_space<semaphore_mem>>
      %dma_start3A_1045 = arith.constant 0 : i32
      %dma_start3A_1046 = tpu.memref_slice %arg6[%add3A_1034, %dma_start3A_1045] : memref<204800x128xf32, #tpu.memory_space<hbm>> -> memref<128x128xf32, #tpu.memory_space<hbm>>
      %dma_start3A_1047 = arith.constant 0 : i32
      %dma_start3A_1048 = arith.constant 0 : i32
      %dma_start3A_1049 = tpu.memref_slice %arg10[%dma_start3A_1035, %dma_start3A_1047, %dma_start3A_1048] : memref<5x128x128xf32, #tpu.memory_space<vmem>> -> memref<1x128x128xf32, #tpu.memory_space<vmem>>
      %dma_start3A_1050 = tpu.memref_squeeze %dma_start3A_1049 : memref<1x128x128xf32, #tpu.memory_space<vmem>> -> memref<128x128xf32, #tpu.memory_space<vmem>>
      tpu.enqueue_dma source(%dma_start3A_1050 : memref<128x128xf32, #tpu.memory_space<vmem>>) target(%dma_start3A_1046 : memref<128x128xf32, #tpu.memory_space<hbm>>) target_semaphore(%dma_start3A_1044 : memref<!tpu.dma_semaphore, #tpu.memory_space<semaphore_mem>>)
      %mul3A_1051 = arith.constant 5 : i32
      %mul3A_1052 = arith.muli %scan3A_727, %mul3A_1051 : i32
      %add3A_1053 = arith.constant 4 : i32
      %add3A_1054 = arith.addi %mul3A_1052, %add3A_1053 : i32
      %sub3A_1055 = arith.constant 3 : i32
      %sub3A_1056 = arith.subi %add3A_1054, %sub3A_1055 : i32
      %mul3A_1057 = arith.constant 128 : i32
      %mul3A_1058 = arith.muli %sub3A_1056, %mul3A_1057 : i32
      %add3A_1059 = arith.addi %mul3A_4, %mul3A_1058 : i32
      %dma_wait3A_1060 = arith.constant 1 : i32
      %dma_wait3A_1061 = arith.constant 1 : i32
      %dma_wait3A_1062 = arith.constant 0 : i32
      %dma_wait3A_1063 = arith.constant 0 : i32
      %dma_wait3A_1064 = tpu.memref_slice %arg10[%dma_wait3A_1060, %dma_wait3A_1062, %dma_wait3A_1063] : memref<5x128x128xf32, #tpu.memory_space<vmem>> -> memref<1x128x128xf32, #tpu.memory_space<vmem>>
      %dma_wait3A_1065 = tpu.memref_squeeze %dma_wait3A_1064 : memref<1x128x128xf32, #tpu.memory_space<vmem>> -> memref<128x128xf32, #tpu.memory_space<vmem>>
      %dma_wait3A_1066 = arith.constant 0 : i32
      %dma_wait3A_1067 = tpu.memref_slice %arg6[%add3A_1059, %dma_wait3A_1066] : memref<204800x128xf32, #tpu.memory_space<hbm>> -> memref<128x128xf32, #tpu.memory_space<hbm>>
      %dma_wait3A_1068 = tpu.memref_slice %arg12[%dma_wait3A_1061] : memref<5x!tpu.dma_semaphore, #tpu.memory_space<semaphore_mem>> -> memref<1x!tpu.dma_semaphore, #tpu.memory_space<semaphore_mem>>
      %dma_wait3A_1069 = tpu.memref_squeeze %dma_wait3A_1068 : memref<1x!tpu.dma_semaphore, #tpu.memory_space<semaphore_mem>> -> memref<!tpu.dma_semaphore, #tpu.memory_space<semaphore_mem>>
      %dma_wait3A_1070 = arith.constant 0 : i32
      %dma_wait3A_1071 = tpu.memref_slice %arg6[%add3A_1059, %dma_wait3A_1070] : memref<204800x128xf32, #tpu.memory_space<hbm>> -> memref<128x128xf32, #tpu.memory_space<hbm>>
      %dma_wait3A_1072 = arith.constant 0 : i32
      %dma_wait3A_1073 = arith.constant 0 : i32
      %dma_wait3A_1074 = tpu.memref_slice %arg10[%dma_wait3A_1060, %dma_wait3A_1072, %dma_wait3A_1073] : memref<5x128x128xf32, #tpu.memory_space<vmem>> -> memref<1x128x128xf32, #tpu.memory_space<vmem>>
      %dma_wait3A_1075 = tpu.memref_squeeze %dma_wait3A_1074 : memref<1x128x128xf32, #tpu.memory_space<vmem>> -> memref<128x128xf32, #tpu.memory_space<vmem>>
      tpu.wait_dma2 semaphore(%dma_wait3A_1069 : memref<!tpu.dma_semaphore, #tpu.memory_space<semaphore_mem>>) src(%dma_wait3A_1075 : memref<128x128xf32, #tpu.memory_space<vmem>>) dst(%dma_wait3A_1071 : memref<128x128xf32, #tpu.memory_space<hbm>>)
      %add3A_1076 = arith.constant 2 : i32
      %add3A_1077 = arith.addi %add3A_1054, %add3A_1076 : i32
      %mul3A_1078 = arith.constant 128 : i32
      %mul3A_1079 = arith.muli %add3A_1077, %mul3A_1078 : i32
      %dma_start3A_1080 = arith.constant 1 : i32
      %dma_start3A_1081 = arith.constant 1 : i32
      %dma_start3A_1082 = arith.constant 0 : i32
      %dma_start3A_1083 = arith.constant 0 : i32
      %dma_start3A_1084 = tpu.memref_slice %arg10[%dma_start3A_1080, %dma_start3A_1082, %dma_start3A_1083] : memref<5x128x128xf32, #tpu.memory_space<vmem>> -> memref<1x128x128xf32, #tpu.memory_space<vmem>>
      %dma_start3A_1085 = tpu.memref_squeeze %dma_start3A_1084 : memref<1x128x128xf32, #tpu.memory_space<vmem>> -> memref<128x128xf32, #tpu.memory_space<vmem>>
      %dma_start3A_1086 = tpu.memref_slice %arg7[%mul3A_1079] : memref<6400xi32, #tpu.memory_space<vmem>> -> memref<128xi32, #tpu.memory_space<vmem>>
      %dma_start3A_1087 = arith.constant 0 : i32
      %dma_start3A_1088 = arith.constant 0 : i32
      %dma_start3A_1089 = tpu.memref_slice %arg3[%dma_start3A_1087, %dma_start3A_1088] : memref<1000000x128xf32, #tpu.memory_space<hbm>> -> memref<1000000x128xf32, #tpu.memory_space<hbm>>
      %dma_start3A_1090 = tpu.memref_slice %arg11[%dma_start3A_1081] : memref<5x!tpu.dma_semaphore, #tpu.memory_space<semaphore_mem>> -> memref<1x!tpu.dma_semaphore, #tpu.memory_space<semaphore_mem>>
      %dma_start3A_1091 = tpu.memref_squeeze %dma_start3A_1090 : memref<1x!tpu.dma_semaphore, #tpu.memory_space<semaphore_mem>> -> memref<!tpu.dma_semaphore, #tpu.memory_space<semaphore_mem>>
      tpu.enqueue_indirect_dma source(%dma_start3A_1089 : memref<1000000x128xf32, #tpu.memory_space<hbm>>) target(%dma_start3A_1085 : memref<128x128xf32, #tpu.memory_space<vmem>>) offsets(%dma_start3A_1086 : memref<128xi32, #tpu.memory_space<vmem>>) semaphore(%dma_start3A_1091 : memref<!tpu.dma_semaphore, #tpu.memory_space<semaphore_mem>>)
      %mul3A_1092 = arith.constant 128 : i32
      %mul3A_1093 = arith.muli %add3A_1054, %mul3A_1092 : i32
      %dma_wait3A_1094 = arith.constant 4 : i32
      %dma_wait3A_1095 = arith.constant 4 : i32
      %dma_wait3A_1096 = arith.constant 0 : i32
      %dma_wait3A_1097 = arith.constant 0 : i32
      %dma_wait3A_1098 = tpu.memref_slice %arg10[%dma_wait3A_1094, %dma_wait3A_1096, %dma_wait3A_1097] : memref<5x128x128xf32, #tpu.memory_space<vmem>> -> memref<1x128x128xf32, #tpu.memory_space<vmem>>
      %dma_wait3A_1099 = tpu.memref_squeeze %dma_wait3A_1098 : memref<1x128x128xf32, #tpu.memory_space<vmem>> -> memref<128x128xf32, #tpu.memory_space<vmem>>
      %dma_wait3A_1100 = tpu.memref_slice %arg7[%mul3A_1093] : memref<6400xi32, #tpu.memory_space<vmem>> -> memref<128xi32, #tpu.memory_space<vmem>>
      %dma_wait3A_1101 = arith.constant 0 : i32
      %dma_wait3A_1102 = arith.constant 0 : i32
      %dma_wait3A_1103 = tpu.memref_slice %arg3[%dma_wait3A_1101, %dma_wait3A_1102] : memref<1000000x128xf32, #tpu.memory_space<hbm>> -> memref<1000000x128xf32, #tpu.memory_space<hbm>>
      %dma_wait3A_1104 = tpu.memref_slice %arg11[%dma_wait3A_1095] : memref<5x!tpu.dma_semaphore, #tpu.memory_space<semaphore_mem>> -> memref<1x!tpu.dma_semaphore, #tpu.memory_space<semaphore_mem>>
      %dma_wait3A_1105 = tpu.memref_squeeze %dma_wait3A_1104 : memref<1x!tpu.dma_semaphore, #tpu.memory_space<semaphore_mem>> -> memref<!tpu.dma_semaphore, #tpu.memory_space<semaphore_mem>>
      tpu.wait_indirect_dma semaphore(%dma_wait3A_1105 : memref<!tpu.dma_semaphore, #tpu.memory_space<semaphore_mem>>) src(%dma_wait3A_1103 : memref<1000000x128xf32, #tpu.memory_space<hbm>>) dst(%dma_wait3A_1099 : memref<128x128xf32, #tpu.memory_space<vmem>>)
      %mul3A_1106 = arith.constant 128 : i32
      %mul3A_1107 = arith.muli %add3A_1054, %mul3A_1106 : i32
      %rem3A_1108 = arith.constant 200 : i32
      %rem3A_1109 = arith.remsi %mul3A_1107, %rem3A_1108 : i32
      %parallel_loop3A_1110 = arith.constant 0 : i32
      %parallel_loop3A_1111 = arith.constant 128 : i32
      %parallel_loop3A_1112 = arith.constant 1 : i32
      scf.for %parallel_loop3A_1132 = %parallel_loop3A_1110 to %parallel_loop3A_1111 step %parallel_loop3A_1112  : i32 {
        %parallel_loop3A_1133 = arith.addi %rem3A_1109, %parallel_loop3A_1132 : i32
        %parallel_loop3A_1134 = arith.index_cast %parallel_loop3A_1133 : i32 to index
        %parallel_loop3A_1135 = arith.constant 0 : index
        %parallel_loop3A_1136 = tpu.vector_load %arg8[%parallel_loop3A_1134, %parallel_loop3A_1135] {strides = array<i32>} : memref<320x128xf32, #tpu.memory_space<vmem>>, vector<1x16xf32>,
        %parallel_loop3A_1137 = vector.shape_cast %parallel_loop3A_1136 : vector<1x16xf32> to vector<16xf32>
        %parallel_loop3A_1138 = arith.constant 4 : i32
        %parallel_loop3A_1139 = arith.index_cast %parallel_loop3A_1138 : i32 to index
        %parallel_loop3A_1140 = arith.index_cast %parallel_loop3A_1132 : i32 to index
        %parallel_loop3A_1141 = arith.constant 0 : index
        %parallel_loop3A_1142 = tpu.vector_load %arg10[%parallel_loop3A_1139, %parallel_loop3A_1140, %parallel_loop3A_1141] {strides = array<i32>} : memref<5x128x128xf32, #tpu.memory_space<vmem>>, vector<1x1x16xf32>,
        %parallel_loop3A_1143 = vector.shape_cast %parallel_loop3A_1142 : vector<1x1x16xf32> to vector<16xf32>
        %parallel_loop3A_1144 = vector.shape_cast %parallel_loop3A_1137 : vector<16xf32> to vector<1x1x16xf32>
        tpu.vector_store %arg10[%parallel_loop3A_1139, %parallel_loop3A_1140, %parallel_loop3A_1141], %parallel_loop3A_1144 {add = true, strides = array<i32>} : memref<5x128x128xf32, #tpu.memory_space<vmem>>, vector<1x1x16xf32>,
        %parallel_loop3A_1145 = arith.addi %rem3A_1109, %parallel_loop3A_1132 : i32
        %parallel_loop3A_1146 = arith.index_cast %parallel_loop3A_1145 : i32 to index
        %parallel_loop3A_1147 = arith.constant 16 : index
        %parallel_loop3A_1148 = tpu.vector_load %arg8[%parallel_loop3A_1146, %parallel_loop3A_1147] {strides = array<i32>} : memref<320x128xf32, #tpu.memory_space<vmem>>, vector<1x16xf32>,
        %parallel_loop3A_1149 = vector.shape_cast %parallel_loop3A_1148 : vector<1x16xf32> to vector<16xf32>
        %parallel_loop3A_1150 = arith.constant 4 : i32
        %parallel_loop3A_1151 = arith.index_cast %parallel_loop3A_1150 : i32 to index
        %parallel_loop3A_1152 = arith.index_cast %parallel_loop3A_1132 : i32 to index
        %parallel_loop3A_1153 = arith.constant 16 : index
        %parallel_loop3A_1154 = tpu.vector_load %arg10[%parallel_loop3A_1151, %parallel_loop3A_1152, %parallel_loop3A_1153] {strides = array<i32>} : memref<5x128x128xf32, #tpu.memory_space<vmem>>, vector<1x1x16xf32>,
        %parallel_loop3A_1155 = vector.shape_cast %parallel_loop3A_1154 : vector<1x1x16xf32> to vector<16xf32>
        %parallel_loop3A_1156 = vector.shape_cast %parallel_loop3A_1149 : vector<16xf32> to vector<1x1x16xf32>
        tpu.vector_store %arg10[%parallel_loop3A_1151, %parallel_loop3A_1152, %parallel_loop3A_1153], %parallel_loop3A_1156 {add = true, strides = array<i32>} : memref<5x128x128xf32, #tpu.memory_space<vmem>>, vector<1x1x16xf32>,
        %parallel_loop3A_1157 = arith.addi %rem3A_1109, %parallel_loop3A_1132 : i32
        %parallel_loop3A_1158 = arith.index_cast %parallel_loop3A_1157 : i32 to index
        %parallel_loop3A_1159 = arith.constant 32 : index
        %parallel_loop3A_1160 = tpu.vector_load %arg8[%parallel_loop3A_1158, %parallel_loop3A_1159] {strides = array<i32>} : memref<320x128xf32, #tpu.memory_space<vmem>>, vector<1x16xf32>,
        %parallel_loop3A_1161 = vector.shape_cast %parallel_loop3A_1160 : vector<1x16xf32> to vector<16xf32>
        %parallel_loop3A_1162 = arith.constant 4 : i32
        %parallel_loop3A_1163 = arith.index_cast %parallel_loop3A_1162 : i32 to index
        %parallel_loop3A_1164 = arith.index_cast %parallel_loop3A_1132 : i32 to index
        %parallel_loop3A_1165 = arith.constant 32 : index
        %parallel_loop3A_1166 = tpu.vector_load %arg10[%parallel_loop3A_1163, %parallel_loop3A_1164, %parallel_loop3A_1165] {strides = array<i32>} : memref<5x128x128xf32, #tpu.memory_space<vmem>>, vector<1x1x16xf32>,
        %parallel_loop3A_1167 = vector.shape_cast %parallel_loop3A_1166 : vector<1x1x16xf32> to vector<16xf32>
        %parallel_loop3A_1168 = vector.shape_cast %parallel_loop3A_1161 : vector<16xf32> to vector<1x1x16xf32>
        tpu.vector_store %arg10[%parallel_loop3A_1163, %parallel_loop3A_1164, %parallel_loop3A_1165], %parallel_loop3A_1168 {add = true, strides = array<i32>} : memref<5x128x128xf32, #tpu.memory_space<vmem>>, vector<1x1x16xf32>,
        %parallel_loop3A_1169 = arith.addi %rem3A_1109, %parallel_loop3A_1132 : i32
        %parallel_loop3A_1170 = arith.index_cast %parallel_loop3A_1169 : i32 to index
        %parallel_loop3A_1171 = arith.constant 48 : index
        %parallel_loop3A_1172 = tpu.vector_load %arg8[%parallel_loop3A_1170, %parallel_loop3A_1171] {strides = array<i32>} : memref<320x128xf32, #tpu.memory_space<vmem>>, vector<1x16xf32>,
        %parallel_loop3A_1173 = vector.shape_cast %parallel_loop3A_1172 : vector<1x16xf32> to vector<16xf32>
        %parallel_loop3A_1174 = arith.constant 4 : i32
        %parallel_loop3A_1175 = arith.index_cast %parallel_loop3A_1174 : i32 to index
        %parallel_loop3A_1176 = arith.index_cast %parallel_loop3A_1132 : i32 to index
        %parallel_loop3A_1177 = arith.constant 48 : index
        %parallel_loop3A_1178 = tpu.vector_load %arg10[%parallel_loop3A_1175, %parallel_loop3A_1176, %parallel_loop3A_1177] {strides = array<i32>} : memref<5x128x128xf32, #tpu.memory_space<vmem>>, vector<1x1x16xf32>,
        %parallel_loop3A_1179 = vector.shape_cast %parallel_loop3A_1178 : vector<1x1x16xf32> to vector<16xf32>
        %parallel_loop3A_1180 = vector.shape_cast %parallel_loop3A_1173 : vector<16xf32> to vector<1x1x16xf32>
        tpu.vector_store %arg10[%parallel_loop3A_1175, %parallel_loop3A_1176, %parallel_loop3A_1177], %parallel_loop3A_1180 {add = true, strides = array<i32>} : memref<5x128x128xf32, #tpu.memory_space<vmem>>, vector<1x1x16xf32>,
        %parallel_loop3A_1181 = arith.addi %rem3A_1109, %parallel_loop3A_1132 : i32
        %parallel_loop3A_1182 = arith.index_cast %parallel_loop3A_1181 : i32 to index
        %parallel_loop3A_1183 = arith.constant 64 : index
        %parallel_loop3A_1184 = tpu.vector_load %arg8[%parallel_loop3A_1182, %parallel_loop3A_1183] {strides = array<i32>} : memref<320x128xf32, #tpu.memory_space<vmem>>, vector<1x16xf32>,
        %parallel_loop3A_1185 = vector.shape_cast %parallel_loop3A_1184 : vector<1x16xf32> to vector<16xf32>
        %parallel_loop3A_1186 = arith.constant 4 : i32
        %parallel_loop3A_1187 = arith.index_cast %parallel_loop3A_1186 : i32 to index
        %parallel_loop3A_1188 = arith.index_cast %parallel_loop3A_1132 : i32 to index
        %parallel_loop3A_1189 = arith.constant 64 : index
        %parallel_loop3A_1190 = tpu.vector_load %arg10[%parallel_loop3A_1187, %parallel_loop3A_1188, %parallel_loop3A_1189] {strides = array<i32>} : memref<5x128x128xf32, #tpu.memory_space<vmem>>, vector<1x1x16xf32>,
        %parallel_loop3A_1191 = vector.shape_cast %parallel_loop3A_1190 : vector<1x1x16xf32> to vector<16xf32>
        %parallel_loop3A_1192 = vector.shape_cast %parallel_loop3A_1185 : vector<16xf32> to vector<1x1x16xf32>
        tpu.vector_store %arg10[%parallel_loop3A_1187, %parallel_loop3A_1188, %parallel_loop3A_1189], %parallel_loop3A_1192 {add = true, strides = array<i32>} : memref<5x128x128xf32, #tpu.memory_space<vmem>>, vector<1x1x16xf32>,
        %parallel_loop3A_1193 = arith.addi %rem3A_1109, %parallel_loop3A_1132 : i32
        %parallel_loop3A_1194 = arith.index_cast %parallel_loop3A_1193 : i32 to index
        %parallel_loop3A_1195 = arith.constant 80 : index
        %parallel_loop3A_1196 = tpu.vector_load %arg8[%parallel_loop3A_1194, %parallel_loop3A_1195] {strides = array<i32>} : memref<320x128xf32, #tpu.memory_space<vmem>>, vector<1x16xf32>,
        %parallel_loop3A_1197 = vector.shape_cast %parallel_loop3A_1196 : vector<1x16xf32> to vector<16xf32>
        %parallel_loop3A_1198 = arith.constant 4 : i32
        %parallel_loop3A_1199 = arith.index_cast %parallel_loop3A_1198 : i32 to index
        %parallel_loop3A_1200 = arith.index_cast %parallel_loop3A_1132 : i32 to index
        %parallel_loop3A_1201 = arith.constant 80 : index
        %parallel_loop3A_1202 = tpu.vector_load %arg10[%parallel_loop3A_1199, %parallel_loop3A_1200, %parallel_loop3A_1201] {strides = array<i32>} : memref<5x128x128xf32, #tpu.memory_space<vmem>>, vector<1x1x16xf32>,
        %parallel_loop3A_1203 = vector.shape_cast %parallel_loop3A_1202 : vector<1x1x16xf32> to vector<16xf32>
        %parallel_loop3A_1204 = vector.shape_cast %parallel_loop3A_1197 : vector<16xf32> to vector<1x1x16xf32>
        tpu.vector_store %arg10[%parallel_loop3A_1199, %parallel_loop3A_1200, %parallel_loop3A_1201], %parallel_loop3A_1204 {add = true, strides = array<i32>} : memref<5x128x128xf32, #tpu.memory_space<vmem>>, vector<1x1x16xf32>,
        %parallel_loop3A_1205 = arith.addi %rem3A_1109, %parallel_loop3A_1132 : i32
        %parallel_loop3A_1206 = arith.index_cast %parallel_loop3A_1205 : i32 to index
        %parallel_loop3A_1207 = arith.constant 96 : index
        %parallel_loop3A_1208 = tpu.vector_load %arg8[%parallel_loop3A_1206, %parallel_loop3A_1207] {strides = array<i32>} : memref<320x128xf32, #tpu.memory_space<vmem>>, vector<1x16xf32>,
        %parallel_loop3A_1209 = vector.shape_cast %parallel_loop3A_1208 : vector<1x16xf32> to vector<16xf32>
        %parallel_loop3A_1210 = arith.constant 4 : i32
        %parallel_loop3A_1211 = arith.index_cast %parallel_loop3A_1210 : i32 to index
        %parallel_loop3A_1212 = arith.index_cast %parallel_loop3A_1132 : i32 to index
        %parallel_loop3A_1213 = arith.constant 96 : index
        %parallel_loop3A_1214 = tpu.vector_load %arg10[%parallel_loop3A_1211, %parallel_loop3A_1212, %parallel_loop3A_1213] {strides = array<i32>} : memref<5x128x128xf32, #tpu.memory_space<vmem>>, vector<1x1x16xf32>,
        %parallel_loop3A_1215 = vector.shape_cast %parallel_loop3A_1214 : vector<1x1x16xf32> to vector<16xf32>
        %parallel_loop3A_1216 = vector.shape_cast %parallel_loop3A_1209 : vector<16xf32> to vector<1x1x16xf32>
        tpu.vector_store %arg10[%parallel_loop3A_1211, %parallel_loop3A_1212, %parallel_loop3A_1213], %parallel_loop3A_1216 {add = true, strides = array<i32>} : memref<5x128x128xf32, #tpu.memory_space<vmem>>, vector<1x1x16xf32>,
        %parallel_loop3A_1217 = arith.addi %rem3A_1109, %parallel_loop3A_1132 : i32
        %parallel_loop3A_1218 = arith.index_cast %parallel_loop3A_1217 : i32 to index
        %parallel_loop3A_1219 = arith.constant 112 : index
        %parallel_loop3A_1220 = tpu.vector_load %arg8[%parallel_loop3A_1218, %parallel_loop3A_1219] {strides = array<i32>} : memref<320x128xf32, #tpu.memory_space<vmem>>, vector<1x16xf32>,
        %parallel_loop3A_1221 = vector.shape_cast %parallel_loop3A_1220 : vector<1x16xf32> to vector<16xf32>
        %parallel_loop3A_1222 = arith.constant 4 : i32
        %parallel_loop3A_1223 = arith.index_cast %parallel_loop3A_1222 : i32 to index
        %parallel_loop3A_1224 = arith.index_cast %parallel_loop3A_1132 : i32 to index
        %parallel_loop3A_1225 = arith.constant 112 : index
        %parallel_loop3A_1226 = tpu.vector_load %arg10[%parallel_loop3A_1223, %parallel_loop3A_1224, %parallel_loop3A_1225] {strides = array<i32>} : memref<5x128x128xf32, #tpu.memory_space<vmem>>, vector<1x1x16xf32>,
        %parallel_loop3A_1227 = vector.shape_cast %parallel_loop3A_1226 : vector<1x1x16xf32> to vector<16xf32>
        %parallel_loop3A_1228 = vector.shape_cast %parallel_loop3A_1221 : vector<16xf32> to vector<1x1x16xf32>
        tpu.vector_store %arg10[%parallel_loop3A_1223, %parallel_loop3A_1224, %parallel_loop3A_1225], %parallel_loop3A_1228 {add = true, strides = array<i32>} : memref<5x128x128xf32, #tpu.memory_space<vmem>>, vector<1x1x16xf32>,
      } {sc.loop_unroll_factor = 4 : i64, sc.parallel_access}
      %mul3A_1113 = arith.constant 128 : i32
      %mul3A_1114 = arith.muli %add3A_1054, %mul3A_1113 : i32
      %add3A_1115 = arith.addi %mul3A_4, %mul3A_1114 : i32
      %dma_start3A_1116 = arith.constant 4 : i32
      %dma_start3A_1117 = arith.constant 4 : i32
      %dma_start3A_1118 = arith.constant 0 : i32
      %dma_start3A_1119 = arith.constant 0 : i32
      %dma_start3A_1120 = tpu.memref_slice %arg10[%dma_start3A_1116, %dma_start3A_1118, %dma_start3A_1119] : memref<5x128x128xf32, #tpu.memory_space<vmem>> -> memref<1x128x128xf32, #tpu.memory_space<vmem>>
      %dma_start3A_1121 = tpu.memref_squeeze %dma_start3A_1120 : memref<1x128x128xf32, #tpu.memory_space<vmem>> -> memref<128x128xf32, #tpu.memory_space<vmem>>
      %dma_start3A_1122 = arith.constant 0 : i32
      %dma_start3A_1123 = tpu.memref_slice %arg6[%add3A_1115, %dma_start3A_1122] : memref<204800x128xf32, #tpu.memory_space<hbm>> -> memref<128x128xf32, #tpu.memory_space<hbm>>
      %dma_start3A_1124 = tpu.memref_slice %arg12[%dma_start3A_1117] : memref<5x!tpu.dma_semaphore, #tpu.memory_space<semaphore_mem>> -> memref<1x!tpu.dma_semaphore, #tpu.memory_space<semaphore_mem>>
      %dma_start3A_1125 = tpu.memref_squeeze %dma_start3A_1124 : memref<1x!tpu.dma_semaphore, #tpu.memory_space<semaphore_mem>> -> memref<!tpu.dma_semaphore, #tpu.memory_space<semaphore_mem>>
      %dma_start3A_1126 = arith.constant 0 : i32
      %dma_start3A_1127 = tpu.memref_slice %arg6[%add3A_1115, %dma_start3A_1126] : memref<204800x128xf32, #tpu.memory_space<hbm>> -> memref<128x128xf32, #tpu.memory_space<hbm>>
      %dma_start3A_1128 = arith.constant 0 : i32
      %dma_start3A_1129 = arith.constant 0 : i32
      %dma_start3A_1130 = tpu.memref_slice %arg10[%dma_start3A_1116, %dma_start3A_1128, %dma_start3A_1129] : memref<5x128x128xf32, #tpu.memory_space<vmem>> -> memref<1x128x128xf32, #tpu.memory_space<vmem>>
      %dma_start3A_1131 = tpu.memref_squeeze %dma_start3A_1130 : memref<1x128x128xf32, #tpu.memory_space<vmem>> -> memref<128x128xf32, #tpu.memory_space<vmem>>
      tpu.enqueue_dma source(%dma_start3A_1131 : memref<128x128xf32, #tpu.memory_space<vmem>>) target(%dma_start3A_1127 : memref<128x128xf32, #tpu.memory_space<hbm>>) target_semaphore(%dma_start3A_1125 : memref<!tpu.dma_semaphore, #tpu.memory_space<semaphore_mem>>)
    }
    %scan3A_358 = arith.constant 8 : i32
    %add3A_359 = arith.constant 5376 : i32
    %add3A_360 = arith.addi %mul3A_4, %add3A_359 : i32
    %dma_wait3A_361 = arith.constant 2 : i32
    %dma_wait3A_362 = arith.constant 2 : i32
    %dma_wait3A_363 = arith.constant 0 : i32
    %dma_wait3A_364 = arith.constant 0 : i32
    %dma_wait3A_365 = tpu.memref_slice %arg10[%dma_wait3A_361, %dma_wait3A_363, %dma_wait3A_364] : memref<5x128x128xf32, #tpu.memory_space<vmem>> -> memref<1x128x128xf32, #tpu.memory_space<vmem>>
    %dma_wait3A_366 = tpu.memref_squeeze %dma_wait3A_365 : memref<1x128x128xf32, #tpu.memory_space<vmem>> -> memref<128x128xf32, #tpu.memory_space<vmem>>
    %dma_wait3A_367 = arith.constant 0 : i32
    %dma_wait3A_368 = tpu.memref_slice %arg6[%add3A_360, %dma_wait3A_367] : memref<204800x128xf32, #tpu.memory_space<hbm>> -> memref<128x128xf32, #tpu.memory_space<hbm>>
    %dma_wait3A_369 = tpu.memref_slice %arg12[%dma_wait3A_362] : memref<5x!tpu.dma_semaphore, #tpu.memory_space<semaphore_mem>> -> memref<1x!tpu.dma_semaphore, #tpu.memory_space<semaphore_mem>>
    %dma_wait3A_370 = tpu.memref_squeeze %dma_wait3A_369 : memref<1x!tpu.dma_semaphore, #tpu.memory_space<semaphore_mem>> -> memref<!tpu.dma_semaphore, #tpu.memory_space<semaphore_mem>>
    %dma_wait3A_371 = arith.constant 0 : i32
    %dma_wait3A_372 = tpu.memref_slice %arg6[%add3A_360, %dma_wait3A_371] : memref<204800x128xf32, #tpu.memory_space<hbm>> -> memref<128x128xf32, #tpu.memory_space<hbm>>
    %dma_wait3A_373 = arith.constant 0 : i32
    %dma_wait3A_374 = arith.constant 0 : i32
    %dma_wait3A_375 = tpu.memref_slice %arg10[%dma_wait3A_361, %dma_wait3A_373, %dma_wait3A_374] : memref<5x128x128xf32, #tpu.memory_space<vmem>> -> memref<1x128x128xf32, #tpu.memory_space<vmem>>
    %dma_wait3A_376 = tpu.memref_squeeze %dma_wait3A_375 : memref<1x128x128xf32, #tpu.memory_space<vmem>> -> memref<128x128xf32, #tpu.memory_space<vmem>>
    tpu.wait_dma2 semaphore(%dma_wait3A_370 : memref<!tpu.dma_semaphore, #tpu.memory_space<semaphore_mem>>) src(%dma_wait3A_376 : memref<128x128xf32, #tpu.memory_space<vmem>>) dst(%dma_wait3A_372 : memref<128x128xf32, #tpu.memory_space<hbm>>)
    %dma_start3A_377 = arith.constant 2 : i32
    %dma_start3A_378 = arith.constant 2 : i32
    %dma_start3A_379 = arith.constant 0 : i32
    %dma_start3A_380 = arith.constant 0 : i32
    %dma_start3A_381 = tpu.memref_slice %arg10[%dma_start3A_377, %dma_start3A_379, %dma_start3A_380] : memref<5x128x128xf32, #tpu.memory_space<vmem>> -> memref<1x128x128xf32, #tpu.memory_space<vmem>>
    %dma_start3A_382 = tpu.memref_squeeze %dma_start3A_381 : memref<1x128x128xf32, #tpu.memory_space<vmem>> -> memref<128x128xf32, #tpu.memory_space<vmem>>
    %dma_start3A_383 = arith.constant 6016 : i32
    %dma_start3A_384 = tpu.memref_slice %arg7[%dma_start3A_383] : memref<6400xi32, #tpu.memory_space<vmem>> -> memref<128xi32, #tpu.memory_space<vmem>>
    %dma_start3A_385 = arith.constant 0 : i32
    %dma_start3A_386 = arith.constant 0 : i32
    %dma_start3A_387 = tpu.memref_slice %arg3[%dma_start3A_385, %dma_start3A_386] : memref<1000000x128xf32, #tpu.memory_space<hbm>> -> memref<1000000x128xf32, #tpu.memory_space<hbm>>
    %dma_start3A_388 = tpu.memref_slice %arg11[%dma_start3A_378] : memref<5x!tpu.dma_semaphore, #tpu.memory_space<semaphore_mem>> -> memref<1x!tpu.dma_semaphore, #tpu.memory_space<semaphore_mem>>
    %dma_start3A_389 = tpu.memref_squeeze %dma_start3A_388 : memref<1x!tpu.dma_semaphore, #tpu.memory_space<semaphore_mem>> -> memref<!tpu.dma_semaphore, #tpu.memory_space<semaphore_mem>>
    tpu.enqueue_indirect_dma source(%dma_start3A_387 : memref<1000000x128xf32, #tpu.memory_space<hbm>>) target(%dma_start3A_382 : memref<128x128xf32, #tpu.memory_space<vmem>>) offsets(%dma_start3A_384 : memref<128xi32, #tpu.memory_space<vmem>>) semaphore(%dma_start3A_389 : memref<!tpu.dma_semaphore, #tpu.memory_space<semaphore_mem>>)
    %dma_wait3A_390 = arith.constant 0 : i32
    %dma_wait3A_391 = arith.constant 0 : i32
    %dma_wait3A_392 = arith.constant 0 : i32
    %dma_wait3A_393 = arith.constant 0 : i32
    %dma_wait3A_394 = tpu.memref_slice %arg10[%dma_wait3A_390, %dma_wait3A_392, %dma_wait3A_393] : memref<5x128x128xf32, #tpu.memory_space<vmem>> -> memref<1x128x128xf32, #tpu.memory_space<vmem>>
    %dma_wait3A_395 = tpu.memref_squeeze %dma_wait3A_394 : memref<1x128x128xf32, #tpu.memory_space<vmem>> -> memref<128x128xf32, #tpu.memory_space<vmem>>
    %dma_wait3A_396 = arith.constant 5760 : i32
    %dma_wait3A_397 = tpu.memref_slice %arg7[%dma_wait3A_396] : memref<6400xi32, #tpu.memory_space<vmem>> -> memref<128xi32, #tpu.memory_space<vmem>>
    %dma_wait3A_398 = arith.constant 0 : i32
    %dma_wait3A_399 = arith.constant 0 : i32
    %dma_wait3A_400 = tpu.memref_slice %arg3[%dma_wait3A_398, %dma_wait3A_399] : memref<1000000x128xf32, #tpu.memory_space<hbm>> -> memref<1000000x128xf32, #tpu.memory_space<hbm>>
    %dma_wait3A_401 = tpu.memref_slice %arg11[%dma_wait3A_391] : memref<5x!tpu.dma_semaphore, #tpu.memory_space<semaphore_mem>> -> memref<1x!tpu.dma_semaphore, #tpu.memory_space<semaphore_mem>>
    %dma_wait3A_402 = tpu.memref_squeeze %dma_wait3A_401 : memref<1x!tpu.dma_semaphore, #tpu.memory_space<semaphore_mem>> -> memref<!tpu.dma_semaphore, #tpu.memory_space<semaphore_mem>>
    tpu.wait_indirect_dma semaphore(%dma_wait3A_402 : memref<!tpu.dma_semaphore, #tpu.memory_space<semaphore_mem>>) src(%dma_wait3A_400 : memref<1000000x128xf32, #tpu.memory_space<hbm>>) dst(%dma_wait3A_395 : memref<128x128xf32, #tpu.memory_space<vmem>>)
    %rem3A_403 = arith.constant 5760 : i32
    %rem3A_404 = arith.constant 200 : i32
    %rem3A_405 = arith.remsi %rem3A_403, %rem3A_404 : i32
    %parallel_loop3A_406 = arith.constant 0 : i32
    %parallel_loop3A_407 = arith.constant 128 : i32
    %parallel_loop3A_408 = arith.constant 1 : i32
    scf.for %parallel_loop3A_727 = %parallel_loop3A_406 to %parallel_loop3A_407 step %parallel_loop3A_408  : i32 {
      %parallel_loop3A_728 = arith.addi %rem3A_405, %parallel_loop3A_727 : i32
      %parallel_loop3A_729 = arith.index_cast %parallel_loop3A_728 : i32 to index
      %parallel_loop3A_730 = arith.constant 0 : index
      %parallel_loop3A_731 = tpu.vector_load %arg8[%parallel_loop3A_729, %parallel_loop3A_730] {strides = array<i32>} : memref<320x128xf32, #tpu.memory_space<vmem>>, vector<1x16xf32>,
      %parallel_loop3A_732 = vector.shape_cast %parallel_loop3A_731 : vector<1x16xf32> to vector<16xf32>
      %parallel_loop3A_733 = arith.constant 0 : i32
      %parallel_loop3A_734 = arith.index_cast %parallel_loop3A_733 : i32 to index
      %parallel_loop3A_735 = arith.index_cast %parallel_loop3A_727 : i32 to index
      %parallel_loop3A_736 = arith.constant 0 : index
      %parallel_loop3A_737 = tpu.vector_load %arg10[%parallel_loop3A_734, %parallel_loop3A_735, %parallel_loop3A_736] {strides = array<i32>} : memref<5x128x128xf32, #tpu.memory_space<vmem>>, vector<1x1x16xf32>,
      %parallel_loop3A_738 = vector.shape_cast %parallel_loop3A_737 : vector<1x1x16xf32> to vector<16xf32>
      %parallel_loop3A_739 = vector.shape_cast %parallel_loop3A_732 : vector<16xf32> to vector<1x1x16xf32>
      tpu.vector_store %arg10[%parallel_loop3A_734, %parallel_loop3A_735, %parallel_loop3A_736], %parallel_loop3A_739 {add = true, strides = array<i32>} : memref<5x128x128xf32, #tpu.memory_space<vmem>>, vector<1x1x16xf32>,
      %parallel_loop3A_740 = arith.addi %rem3A_405, %parallel_loop3A_727 : i32
      %parallel_loop3A_741 = arith.index_cast %parallel_loop3A_740 : i32 to index
      %parallel_loop3A_742 = arith.constant 16 : index
      %parallel_loop3A_743 = tpu.vector_load %arg8[%parallel_loop3A_741, %parallel_loop3A_742] {strides = array<i32>} : memref<320x128xf32, #tpu.memory_space<vmem>>, vector<1x16xf32>,
      %parallel_loop3A_744 = vector.shape_cast %parallel_loop3A_743 : vector<1x16xf32> to vector<16xf32>
      %parallel_loop3A_745 = arith.constant 0 : i32
      %parallel_loop3A_746 = arith.index_cast %parallel_loop3A_745 : i32 to index
      %parallel_loop3A_747 = arith.index_cast %parallel_loop3A_727 : i32 to index
      %parallel_loop3A_748 = arith.constant 16 : index
      %parallel_loop3A_749 = tpu.vector_load %arg10[%parallel_loop3A_746, %parallel_loop3A_747, %parallel_loop3A_748] {strides = array<i32>} : memref<5x128x128xf32, #tpu.memory_space<vmem>>, vector<1x1x16xf32>,
      %parallel_loop3A_750 = vector.shape_cast %parallel_loop3A_749 : vector<1x1x16xf32> to vector<16xf32>
      %parallel_loop3A_751 = vector.shape_cast %parallel_loop3A_744 : vector<16xf32> to vector<1x1x16xf32>
      tpu.vector_store %arg10[%parallel_loop3A_746, %parallel_loop3A_747, %parallel_loop3A_748], %parallel_loop3A_751 {add = true, strides = array<i32>} : memref<5x128x128xf32, #tpu.memory_space<vmem>>, vector<1x1x16xf32>,
      %parallel_loop3A_752 = arith.addi %rem3A_405, %parallel_loop3A_727 : i32
      %parallel_loop3A_753 = arith.index_cast %parallel_loop3A_752 : i32 to index
      %parallel_loop3A_754 = arith.constant 32 : index
      %parallel_loop3A_755 = tpu.vector_load %arg8[%parallel_loop3A_753, %parallel_loop3A_754] {strides = array<i32>} : memref<320x128xf32, #tpu.memory_space<vmem>>, vector<1x16xf32>,
      %parallel_loop3A_756 = vector.shape_cast %parallel_loop3A_755 : vector<1x16xf32> to vector<16xf32>
      %parallel_loop3A_757 = arith.constant 0 : i32
      %parallel_loop3A_758 = arith.index_cast %parallel_loop3A_757 : i32 to index
      %parallel_loop3A_759 = arith.index_cast %parallel_loop3A_727 : i32 to index
      %parallel_loop3A_760 = arith.constant 32 : index
      %parallel_loop3A_761 = tpu.vector_load %arg10[%parallel_loop3A_758, %parallel_loop3A_759, %parallel_loop3A_760] {strides = array<i32>} : memref<5x128x128xf32, #tpu.memory_space<vmem>>, vector<1x1x16xf32>,
      %parallel_loop3A_762 = vector.shape_cast %parallel_loop3A_761 : vector<1x1x16xf32> to vector<16xf32>
      %parallel_loop3A_763 = vector.shape_cast %parallel_loop3A_756 : vector<16xf32> to vector<1x1x16xf32>
      tpu.vector_store %arg10[%parallel_loop3A_758, %parallel_loop3A_759, %parallel_loop3A_760], %parallel_loop3A_763 {add = true, strides = array<i32>} : memref<5x128x128xf32, #tpu.memory_space<vmem>>, vector<1x1x16xf32>,
      %parallel_loop3A_764 = arith.addi %rem3A_405, %parallel_loop3A_727 : i32
      %parallel_loop3A_765 = arith.index_cast %parallel_loop3A_764 : i32 to index
      %parallel_loop3A_766 = arith.constant 48 : index
      %parallel_loop3A_767 = tpu.vector_load %arg8[%parallel_loop3A_765, %parallel_loop3A_766] {strides = array<i32>} : memref<320x128xf32, #tpu.memory_space<vmem>>, vector<1x16xf32>,
      %parallel_loop3A_768 = vector.shape_cast %parallel_loop3A_767 : vector<1x16xf32> to vector<16xf32>
      %parallel_loop3A_769 = arith.constant 0 : i32
      %parallel_loop3A_770 = arith.index_cast %parallel_loop3A_769 : i32 to index
      %parallel_loop3A_771 = arith.index_cast %parallel_loop3A_727 : i32 to index
      %parallel_loop3A_772 = arith.constant 48 : index
      %parallel_loop3A_773 = tpu.vector_load %arg10[%parallel_loop3A_770, %parallel_loop3A_771, %parallel_loop3A_772] {strides = array<i32>} : memref<5x128x128xf32, #tpu.memory_space<vmem>>, vector<1x1x16xf32>,
      %parallel_loop3A_774 = vector.shape_cast %parallel_loop3A_773 : vector<1x1x16xf32> to vector<16xf32>
      %parallel_loop3A_775 = vector.shape_cast %parallel_loop3A_768 : vector<16xf32> to vector<1x1x16xf32>
      tpu.vector_store %arg10[%parallel_loop3A_770, %parallel_loop3A_771, %parallel_loop3A_772], %parallel_loop3A_775 {add = true, strides = array<i32>} : memref<5x128x128xf32, #tpu.memory_space<vmem>>, vector<1x1x16xf32>,
      %parallel_loop3A_776 = arith.addi %rem3A_405, %parallel_loop3A_727 : i32
      %parallel_loop3A_777 = arith.index_cast %parallel_loop3A_776 : i32 to index
      %parallel_loop3A_778 = arith.constant 64 : index
      %parallel_loop3A_779 = tpu.vector_load %arg8[%parallel_loop3A_777, %parallel_loop3A_778] {strides = array<i32>} : memref<320x128xf32, #tpu.memory_space<vmem>>, vector<1x16xf32>,
      %parallel_loop3A_780 = vector.shape_cast %parallel_loop3A_779 : vector<1x16xf32> to vector<16xf32>
      %parallel_loop3A_781 = arith.constant 0 : i32
      %parallel_loop3A_782 = arith.index_cast %parallel_loop3A_781 : i32 to index
      %parallel_loop3A_783 = arith.index_cast %parallel_loop3A_727 : i32 to index
      %parallel_loop3A_784 = arith.constant 64 : index
      %parallel_loop3A_785 = tpu.vector_load %arg10[%parallel_loop3A_782, %parallel_loop3A_783, %parallel_loop3A_784] {strides = array<i32>} : memref<5x128x128xf32, #tpu.memory_space<vmem>>, vector<1x1x16xf32>,
      %parallel_loop3A_786 = vector.shape_cast %parallel_loop3A_785 : vector<1x1x16xf32> to vector<16xf32>
      %parallel_loop3A_787 = vector.shape_cast %parallel_loop3A_780 : vector<16xf32> to vector<1x1x16xf32>
      tpu.vector_store %arg10[%parallel_loop3A_782, %parallel_loop3A_783, %parallel_loop3A_784], %parallel_loop3A_787 {add = true, strides = array<i32>} : memref<5x128x128xf32, #tpu.memory_space<vmem>>, vector<1x1x16xf32>,
      %parallel_loop3A_788 = arith.addi %rem3A_405, %parallel_loop3A_727 : i32
      %parallel_loop3A_789 = arith.index_cast %parallel_loop3A_788 : i32 to index
      %parallel_loop3A_790 = arith.constant 80 : index
      %parallel_loop3A_791 = tpu.vector_load %arg8[%parallel_loop3A_789, %parallel_loop3A_790] {strides = array<i32>} : memref<320x128xf32, #tpu.memory_space<vmem>>, vector<1x16xf32>,
      %parallel_loop3A_792 = vector.shape_cast %parallel_loop3A_791 : vector<1x16xf32> to vector<16xf32>
      %parallel_loop3A_793 = arith.constant 0 : i32
      %parallel_loop3A_794 = arith.index_cast %parallel_loop3A_793 : i32 to index
      %parallel_loop3A_795 = arith.index_cast %parallel_loop3A_727 : i32 to index
      %parallel_loop3A_796 = arith.constant 80 : index
      %parallel_loop3A_797 = tpu.vector_load %arg10[%parallel_loop3A_794, %parallel_loop3A_795, %parallel_loop3A_796] {strides = array<i32>} : memref<5x128x128xf32, #tpu.memory_space<vmem>>, vector<1x1x16xf32>,
      %parallel_loop3A_798 = vector.shape_cast %parallel_loop3A_797 : vector<1x1x16xf32> to vector<16xf32>
      %parallel_loop3A_799 = vector.shape_cast %parallel_loop3A_792 : vector<16xf32> to vector<1x1x16xf32>
      tpu.vector_store %arg10[%parallel_loop3A_794, %parallel_loop3A_795, %parallel_loop3A_796], %parallel_loop3A_799 {add = true, strides = array<i32>} : memref<5x128x128xf32, #tpu.memory_space<vmem>>, vector<1x1x16xf32>,
      %parallel_loop3A_800 = arith.addi %rem3A_405, %parallel_loop3A_727 : i32
      %parallel_loop3A_801 = arith.index_cast %parallel_loop3A_800 : i32 to index
      %parallel_loop3A_802 = arith.constant 96 : index
      %parallel_loop3A_803 = tpu.vector_load %arg8[%parallel_loop3A_801, %parallel_loop3A_802] {strides = array<i32>} : memref<320x128xf32, #tpu.memory_space<vmem>>, vector<1x16xf32>,
      %parallel_loop3A_804 = vector.shape_cast %parallel_loop3A_803 : vector<1x16xf32> to vector<16xf32>
      %parallel_loop3A_805 = arith.constant 0 : i32
      %parallel_loop3A_806 = arith.index_cast %parallel_loop3A_805 : i32 to index
      %parallel_loop3A_807 = arith.index_cast %parallel_loop3A_727 : i32 to index
      %parallel_loop3A_808 = arith.constant 96 : index
      %parallel_loop3A_809 = tpu.vector_load %arg10[%parallel_loop3A_806, %parallel_loop3A_807, %parallel_loop3A_808] {strides = array<i32>} : memref<5x128x128xf32, #tpu.memory_space<vmem>>, vector<1x1x16xf32>,
      %parallel_loop3A_810 = vector.shape_cast %parallel_loop3A_809 : vector<1x1x16xf32> to vector<16xf32>
      %parallel_loop3A_811 = vector.shape_cast %parallel_loop3A_804 : vector<16xf32> to vector<1x1x16xf32>
      tpu.vector_store %arg10[%parallel_loop3A_806, %parallel_loop3A_807, %parallel_loop3A_808], %parallel_loop3A_811 {add = true, strides = array<i32>} : memref<5x128x128xf32, #tpu.memory_space<vmem>>, vector<1x1x16xf32>,
      %parallel_loop3A_812 = arith.addi %rem3A_405, %parallel_loop3A_727 : i32
      %parallel_loop3A_813 = arith.index_cast %parallel_loop3A_812 : i32 to index
      %parallel_loop3A_814 = arith.constant 112 : index
      %parallel_loop3A_815 = tpu.vector_load %arg8[%parallel_loop3A_813, %parallel_loop3A_814] {strides = array<i32>} : memref<320x128xf32, #tpu.memory_space<vmem>>, vector<1x16xf32>,
      %parallel_loop3A_816 = vector.shape_cast %parallel_loop3A_815 : vector<1x16xf32> to vector<16xf32>
      %parallel_loop3A_817 = arith.constant 0 : i32
      %parallel_loop3A_818 = arith.index_cast %parallel_loop3A_817 : i32 to index
      %parallel_loop3A_819 = arith.index_cast %parallel_loop3A_727 : i32 to index
      %parallel_loop3A_820 = arith.constant 112 : index
      %parallel_loop3A_821 = tpu.vector_load %arg10[%parallel_loop3A_818, %parallel_loop3A_819, %parallel_loop3A_820] {strides = array<i32>} : memref<5x128x128xf32, #tpu.memory_space<vmem>>, vector<1x1x16xf32>,
      %parallel_loop3A_822 = vector.shape_cast %parallel_loop3A_821 : vector<1x1x16xf32> to vector<16xf32>
      %parallel_loop3A_823 = vector.shape_cast %parallel_loop3A_816 : vector<16xf32> to vector<1x1x16xf32>
      tpu.vector_store %arg10[%parallel_loop3A_818, %parallel_loop3A_819, %parallel_loop3A_820], %parallel_loop3A_823 {add = true, strides = array<i32>} : memref<5x128x128xf32, #tpu.memory_space<vmem>>, vector<1x1x16xf32>,
    } {sc.loop_unroll_factor = 4 : i64, sc.parallel_access}
    %add3A_409 = arith.constant 5760 : i32
    %add3A_410 = arith.addi %mul3A_4, %add3A_409 : i32
    %dma_start3A_411 = arith.constant 0 : i32
    %dma_start3A_412 = arith.constant 0 : i32
    %dma_start3A_413 = arith.constant 0 : i32
    %dma_start3A_414 = arith.constant 0 : i32
    %dma_start3A_415 = tpu.memref_slice %arg10[%dma_start3A_411, %dma_start3A_413, %dma_start3A_414] : memref<5x128x128xf32, #tpu.memory_space<vmem>> -> memref<1x128x128xf32, #tpu.memory_space<vmem>>
    %dma_start3A_416 = tpu.memref_squeeze %dma_start3A_415 : memref<1x128x128xf32, #tpu.memory_space<vmem>> -> memref<128x128xf32, #tpu.memory_space<vmem>>
    %dma_start3A_417 = arith.constant 0 : i32
    %dma_start3A_418 = tpu.memref_slice %arg6[%add3A_410, %dma_start3A_417] : memref<204800x128xf32, #tpu.memory_space<hbm>> -> memref<128x128xf32, #tpu.memory_space<hbm>>
    %dma_start3A_419 = tpu.memref_slice %arg12[%dma_start3A_412] : memref<5x!tpu.dma_semaphore, #tpu.memory_space<semaphore_mem>> -> memref<1x!tpu.dma_semaphore, #tpu.memory_space<semaphore_mem>>
    %dma_start3A_420 = tpu.memref_squeeze %dma_start3A_419 : memref<1x!tpu.dma_semaphore, #tpu.memory_space<semaphore_mem>> -> memref<!tpu.dma_semaphore, #tpu.memory_space<semaphore_mem>>
    %dma_start3A_421 = arith.constant 0 : i32
    %dma_start3A_422 = tpu.memref_slice %arg6[%add3A_410, %dma_start3A_421] : memref<204800x128xf32, #tpu.memory_space<hbm>> -> memref<128x128xf32, #tpu.memory_space<hbm>>
    %dma_start3A_423 = arith.constant 0 : i32
    %dma_start3A_424 = arith.constant 0 : i32
    %dma_start3A_425 = tpu.memref_slice %arg10[%dma_start3A_411, %dma_start3A_423, %dma_start3A_424] : memref<5x128x128xf32, #tpu.memory_space<vmem>> -> memref<1x128x128xf32, #tpu.memory_space<vmem>>
    %dma_start3A_426 = tpu.memref_squeeze %dma_start3A_425 : memref<1x128x128xf32, #tpu.memory_space<vmem>> -> memref<128x128xf32, #tpu.memory_space<vmem>>
    tpu.enqueue_dma source(%dma_start3A_426 : memref<128x128xf32, #tpu.memory_space<vmem>>) target(%dma_start3A_422 : memref<128x128xf32, #tpu.memory_space<hbm>>) target_semaphore(%dma_start3A_420 : memref<!tpu.dma_semaphore, #tpu.memory_space<semaphore_mem>>)
    %add3A_427 = arith.constant 5504 : i32
    %add3A_428 = arith.addi %mul3A_4, %add3A_427 : i32
    %dma_wait3A_429 = arith.constant 3 : i32
    %dma_wait3A_430 = arith.constant 3 : i32
    %dma_wait3A_431 = arith.constant 0 : i32
    %dma_wait3A_432 = arith.constant 0 : i32
    %dma_wait3A_433 = tpu.memref_slice %arg10[%dma_wait3A_429, %dma_wait3A_431, %dma_wait3A_432] : memref<5x128x128xf32, #tpu.memory_space<vmem>> -> memref<1x128x128xf32, #tpu.memory_space<vmem>>
    %dma_wait3A_434 = tpu.memref_squeeze %dma_wait3A_433 : memref<1x128x128xf32, #tpu.memory_space<vmem>> -> memref<128x128xf32, #tpu.memory_space<vmem>>
    %dma_wait3A_435 = arith.constant 0 : i32
    %dma_wait3A_436 = tpu.memref_slice %arg6[%add3A_428, %dma_wait3A_435] : memref<204800x128xf32, #tpu.memory_space<hbm>> -> memref<128x128xf32, #tpu.memory_space<hbm>>
    %dma_wait3A_437 = tpu.memref_slice %arg12[%dma_wait3A_430] : memref<5x!tpu.dma_semaphore, #tpu.memory_space<semaphore_mem>> -> memref<1x!tpu.dma_semaphore, #tpu.memory_space<semaphore_mem>>
    %dma_wait3A_438 = tpu.memref_squeeze %dma_wait3A_437 : memref<1x!tpu.dma_semaphore, #tpu.memory_space<semaphore_mem>> -> memref<!tpu.dma_semaphore, #tpu.memory_space<semaphore_mem>>
    %dma_wait3A_439 = arith.constant 0 : i32
    %dma_wait3A_440 = tpu.memref_slice %arg6[%add3A_428, %dma_wait3A_439] : memref<204800x128xf32, #tpu.memory_space<hbm>> -> memref<128x128xf32, #tpu.memory_space<hbm>>
    %dma_wait3A_441 = arith.constant 0 : i32
    %dma_wait3A_442 = arith.constant 0 : i32
    %dma_wait3A_443 = tpu.memref_slice %arg10[%dma_wait3A_429, %dma_wait3A_441, %dma_wait3A_442] : memref<5x128x128xf32, #tpu.memory_space<vmem>> -> memref<1x128x128xf32, #tpu.memory_space<vmem>>
    %dma_wait3A_444 = tpu.memref_squeeze %dma_wait3A_443 : memref<1x128x128xf32, #tpu.memory_space<vmem>> -> memref<128x128xf32, #tpu.memory_space<vmem>>
    tpu.wait_dma2 semaphore(%dma_wait3A_438 : memref<!tpu.dma_semaphore, #tpu.memory_space<semaphore_mem>>) src(%dma_wait3A_444 : memref<128x128xf32, #tpu.memory_space<vmem>>) dst(%dma_wait3A_440 : memref<128x128xf32, #tpu.memory_space<hbm>>)
    %dma_start3A_445 = arith.constant 3 : i32
    %dma_start3A_446 = arith.constant 3 : i32
    %dma_start3A_447 = arith.constant 0 : i32
    %dma_start3A_448 = arith.constant 0 : i32
    %dma_start3A_449 = tpu.memref_slice %arg10[%dma_start3A_445, %dma_start3A_447, %dma_start3A_448] : memref<5x128x128xf32, #tpu.memory_space<vmem>> -> memref<1x128x128xf32, #tpu.memory_space<vmem>>
    %dma_start3A_450 = tpu.memref_squeeze %dma_start3A_449 : memref<1x128x128xf32, #tpu.memory_space<vmem>> -> memref<128x128xf32, #tpu.memory_space<vmem>>
    %dma_start3A_451 = arith.constant 6144 : i32
    %dma_start3A_452 = tpu.memref_slice %arg7[%dma_start3A_451] : memref<6400xi32, #tpu.memory_space<vmem>> -> memref<128xi32, #tpu.memory_space<vmem>>
    %dma_start3A_453 = arith.constant 0 : i32
    %dma_start3A_454 = arith.constant 0 : i32
    %dma_start3A_455 = tpu.memref_slice %arg3[%dma_start3A_453, %dma_start3A_454] : memref<1000000x128xf32, #tpu.memory_space<hbm>> -> memref<1000000x128xf32, #tpu.memory_space<hbm>>
    %dma_start3A_456 = tpu.memref_slice %arg11[%dma_start3A_446] : memref<5x!tpu.dma_semaphore, #tpu.memory_space<semaphore_mem>> -> memref<1x!tpu.dma_semaphore, #tpu.memory_space<semaphore_mem>>
    %dma_start3A_457 = tpu.memref_squeeze %dma_start3A_456 : memref<1x!tpu.dma_semaphore, #tpu.memory_space<semaphore_mem>> -> memref<!tpu.dma_semaphore, #tpu.memory_space<semaphore_mem>>
    tpu.enqueue_indirect_dma source(%dma_start3A_455 : memref<1000000x128xf32, #tpu.memory_space<hbm>>) target(%dma_start3A_450 : memref<128x128xf32, #tpu.memory_space<vmem>>) offsets(%dma_start3A_452 : memref<128xi32, #tpu.memory_space<vmem>>) semaphore(%dma_start3A_457 : memref<!tpu.dma_semaphore, #tpu.memory_space<semaphore_mem>>)
    %dma_wait3A_458 = arith.constant 1 : i32
    %dma_wait3A_459 = arith.constant 1 : i32
    %dma_wait3A_460 = arith.constant 0 : i32
    %dma_wait3A_461 = arith.constant 0 : i32
    %dma_wait3A_462 = tpu.memref_slice %arg10[%dma_wait3A_458, %dma_wait3A_460, %dma_wait3A_461] : memref<5x128x128xf32, #tpu.memory_space<vmem>> -> memref<1x128x128xf32, #tpu.memory_space<vmem>>
    %dma_wait3A_463 = tpu.memref_squeeze %dma_wait3A_462 : memref<1x128x128xf32, #tpu.memory_space<vmem>> -> memref<128x128xf32, #tpu.memory_space<vmem>>
    %dma_wait3A_464 = arith.constant 5888 : i32
    %dma_wait3A_465 = tpu.memref_slice %arg7[%dma_wait3A_464] : memref<6400xi32, #tpu.memory_space<vmem>> -> memref<128xi32, #tpu.memory_space<vmem>>
    %dma_wait3A_466 = arith.constant 0 : i32
    %dma_wait3A_467 = arith.constant 0 : i32
    %dma_wait3A_468 = tpu.memref_slice %arg3[%dma_wait3A_466, %dma_wait3A_467] : memref<1000000x128xf32, #tpu.memory_space<hbm>> -> memref<1000000x128xf32, #tpu.memory_space<hbm>>
    %dma_wait3A_469 = tpu.memref_slice %arg11[%dma_wait3A_459] : memref<5x!tpu.dma_semaphore, #tpu.memory_space<semaphore_mem>> -> memref<1x!tpu.dma_semaphore, #tpu.memory_space<semaphore_mem>>
    %dma_wait3A_470 = tpu.memref_squeeze %dma_wait3A_469 : memref<1x!tpu.dma_semaphore, #tpu.memory_space<semaphore_mem>> -> memref<!tpu.dma_semaphore, #tpu.memory_space<semaphore_mem>>
    tpu.wait_indirect_dma semaphore(%dma_wait3A_470 : memref<!tpu.dma_semaphore, #tpu.memory_space<semaphore_mem>>) src(%dma_wait3A_468 : memref<1000000x128xf32, #tpu.memory_space<hbm>>) dst(%dma_wait3A_463 : memref<128x128xf32, #tpu.memory_space<vmem>>)
    %rem3A_471 = arith.constant 5888 : i32
    %rem3A_472 = arith.constant 200 : i32
    %rem3A_473 = arith.remsi %rem3A_471, %rem3A_472 : i32
    %parallel_loop3A_474 = arith.constant 0 : i32
    %parallel_loop3A_475 = arith.constant 128 : i32
    %parallel_loop3A_476 = arith.constant 1 : i32
    scf.for %parallel_loop3A_727 = %parallel_loop3A_474 to %parallel_loop3A_475 step %parallel_loop3A_476  : i32 {
      %parallel_loop3A_728 = arith.addi %rem3A_473, %parallel_loop3A_727 : i32
      %parallel_loop3A_729 = arith.index_cast %parallel_loop3A_728 : i32 to index
      %parallel_loop3A_730 = arith.constant 0 : index
      %parallel_loop3A_731 = tpu.vector_load %arg8[%parallel_loop3A_729, %parallel_loop3A_730] {strides = array<i32>} : memref<320x128xf32, #tpu.memory_space<vmem>>, vector<1x16xf32>,
      %parallel_loop3A_732 = vector.shape_cast %parallel_loop3A_731 : vector<1x16xf32> to vector<16xf32>
      %parallel_loop3A_733 = arith.constant 1 : i32
      %parallel_loop3A_734 = arith.index_cast %parallel_loop3A_733 : i32 to index
      %parallel_loop3A_735 = arith.index_cast %parallel_loop3A_727 : i32 to index
      %parallel_loop3A_736 = arith.constant 0 : index
      %parallel_loop3A_737 = tpu.vector_load %arg10[%parallel_loop3A_734, %parallel_loop3A_735, %parallel_loop3A_736] {strides = array<i32>} : memref<5x128x128xf32, #tpu.memory_space<vmem>>, vector<1x1x16xf32>,
      %parallel_loop3A_738 = vector.shape_cast %parallel_loop3A_737 : vector<1x1x16xf32> to vector<16xf32>
      %parallel_loop3A_739 = vector.shape_cast %parallel_loop3A_732 : vector<16xf32> to vector<1x1x16xf32>
      tpu.vector_store %arg10[%parallel_loop3A_734, %parallel_loop3A_735, %parallel_loop3A_736], %parallel_loop3A_739 {add = true, strides = array<i32>} : memref<5x128x128xf32, #tpu.memory_space<vmem>>, vector<1x1x16xf32>,
      %parallel_loop3A_740 = arith.addi %rem3A_473, %parallel_loop3A_727 : i32
      %parallel_loop3A_741 = arith.index_cast %parallel_loop3A_740 : i32 to index
      %parallel_loop3A_742 = arith.constant 16 : index
      %parallel_loop3A_743 = tpu.vector_load %arg8[%parallel_loop3A_741, %parallel_loop3A_742] {strides = array<i32>} : memref<320x128xf32, #tpu.memory_space<vmem>>, vector<1x16xf32>,
      %parallel_loop3A_744 = vector.shape_cast %parallel_loop3A_743 : vector<1x16xf32> to vector<16xf32>
      %parallel_loop3A_745 = arith.constant 1 : i32
      %parallel_loop3A_746 = arith.index_cast %parallel_loop3A_745 : i32 to index
      %parallel_loop3A_747 = arith.index_cast %parallel_loop3A_727 : i32 to index
      %parallel_loop3A_748 = arith.constant 16 : index
      %parallel_loop3A_749 = tpu.vector_load %arg10[%parallel_loop3A_746, %parallel_loop3A_747, %parallel_loop3A_748] {strides = array<i32>} : memref<5x128x128xf32, #tpu.memory_space<vmem>>, vector<1x1x16xf32>,
      %parallel_loop3A_750 = vector.shape_cast %parallel_loop3A_749 : vector<1x1x16xf32> to vector<16xf32>
      %parallel_loop3A_751 = vector.shape_cast %parallel_loop3A_744 : vector<16xf32> to vector<1x1x16xf32>
      tpu.vector_store %arg10[%parallel_loop3A_746, %parallel_loop3A_747, %parallel_loop3A_748], %parallel_loop3A_751 {add = true, strides = array<i32>} : memref<5x128x128xf32, #tpu.memory_space<vmem>>, vector<1x1x16xf32>,
      %parallel_loop3A_752 = arith.addi %rem3A_473, %parallel_loop3A_727 : i32
      %parallel_loop3A_753 = arith.index_cast %parallel_loop3A_752 : i32 to index
      %parallel_loop3A_754 = arith.constant 32 : index
      %parallel_loop3A_755 = tpu.vector_load %arg8[%parallel_loop3A_753, %parallel_loop3A_754] {strides = array<i32>} : memref<320x128xf32, #tpu.memory_space<vmem>>, vector<1x16xf32>,
      %parallel_loop3A_756 = vector.shape_cast %parallel_loop3A_755 : vector<1x16xf32> to vector<16xf32>
      %parallel_loop3A_757 = arith.constant 1 : i32
      %parallel_loop3A_758 = arith.index_cast %parallel_loop3A_757 : i32 to index
      %parallel_loop3A_759 = arith.index_cast %parallel_loop3A_727 : i32 to index
      %parallel_loop3A_760 = arith.constant 32 : index
      %parallel_loop3A_761 = tpu.vector_load %arg10[%parallel_loop3A_758, %parallel_loop3A_759, %parallel_loop3A_760] {strides = array<i32>} : memref<5x128x128xf32, #tpu.memory_space<vmem>>, vector<1x1x16xf32>,
      %parallel_loop3A_762 = vector.shape_cast %parallel_loop3A_761 : vector<1x1x16xf32> to vector<16xf32>
      %parallel_loop3A_763 = vector.shape_cast %parallel_loop3A_756 : vector<16xf32> to vector<1x1x16xf32>
      tpu.vector_store %arg10[%parallel_loop3A_758, %parallel_loop3A_759, %parallel_loop3A_760], %parallel_loop3A_763 {add = true, strides = array<i32>} : memref<5x128x128xf32, #tpu.memory_space<vmem>>, vector<1x1x16xf32>,
      %parallel_loop3A_764 = arith.addi %rem3A_473, %parallel_loop3A_727 : i32
      %parallel_loop3A_765 = arith.index_cast %parallel_loop3A_764 : i32 to index
      %parallel_loop3A_766 = arith.constant 48 : index
      %parallel_loop3A_767 = tpu.vector_load %arg8[%parallel_loop3A_765, %parallel_loop3A_766] {strides = array<i32>} : memref<320x128xf32, #tpu.memory_space<vmem>>, vector<1x16xf32>,
      %parallel_loop3A_768 = vector.shape_cast %parallel_loop3A_767 : vector<1x16xf32> to vector<16xf32>
      %parallel_loop3A_769 = arith.constant 1 : i32
      %parallel_loop3A_770 = arith.index_cast %parallel_loop3A_769 : i32 to index
      %parallel_loop3A_771 = arith.index_cast %parallel_loop3A_727 : i32 to index
      %parallel_loop3A_772 = arith.constant 48 : index
      %parallel_loop3A_773 = tpu.vector_load %arg10[%parallel_loop3A_770, %parallel_loop3A_771, %parallel_loop3A_772] {strides = array<i32>} : memref<5x128x128xf32, #tpu.memory_space<vmem>>, vector<1x1x16xf32>,
      %parallel_loop3A_774 = vector.shape_cast %parallel_loop3A_773 : vector<1x1x16xf32> to vector<16xf32>
      %parallel_loop3A_775 = vector.shape_cast %parallel_loop3A_768 : vector<16xf32> to vector<1x1x16xf32>
      tpu.vector_store %arg10[%parallel_loop3A_770, %parallel_loop3A_771, %parallel_loop3A_772], %parallel_loop3A_775 {add = true, strides = array<i32>} : memref<5x128x128xf32, #tpu.memory_space<vmem>>, vector<1x1x16xf32>,
      %parallel_loop3A_776 = arith.addi %rem3A_473, %parallel_loop3A_727 : i32
      %parallel_loop3A_777 = arith.index_cast %parallel_loop3A_776 : i32 to index
      %parallel_loop3A_778 = arith.constant 64 : index
      %parallel_loop3A_779 = tpu.vector_load %arg8[%parallel_loop3A_777, %parallel_loop3A_778] {strides = array<i32>} : memref<320x128xf32, #tpu.memory_space<vmem>>, vector<1x16xf32>,
      %parallel_loop3A_780 = vector.shape_cast %parallel_loop3A_779 : vector<1x16xf32> to vector<16xf32>
      %parallel_loop3A_781 = arith.constant 1 : i32
      %parallel_loop3A_782 = arith.index_cast %parallel_loop3A_781 : i32 to index
      %parallel_loop3A_783 = arith.index_cast %parallel_loop3A_727 : i32 to index
      %parallel_loop3A_784 = arith.constant 64 : index
      %parallel_loop3A_785 = tpu.vector_load %arg10[%parallel_loop3A_782, %parallel_loop3A_783, %parallel_loop3A_784] {strides = array<i32>} : memref<5x128x128xf32, #tpu.memory_space<vmem>>, vector<1x1x16xf32>,
      %parallel_loop3A_786 = vector.shape_cast %parallel_loop3A_785 : vector<1x1x16xf32> to vector<16xf32>
      %parallel_loop3A_787 = vector.shape_cast %parallel_loop3A_780 : vector<16xf32> to vector<1x1x16xf32>
      tpu.vector_store %arg10[%parallel_loop3A_782, %parallel_loop3A_783, %parallel_loop3A_784], %parallel_loop3A_787 {add = true, strides = array<i32>} : memref<5x128x128xf32, #tpu.memory_space<vmem>>, vector<1x1x16xf32>,
      %parallel_loop3A_788 = arith.addi %rem3A_473, %parallel_loop3A_727 : i32
      %parallel_loop3A_789 = arith.index_cast %parallel_loop3A_788 : i32 to index
      %parallel_loop3A_790 = arith.constant 80 : index
      %parallel_loop3A_791 = tpu.vector_load %arg8[%parallel_loop3A_789, %parallel_loop3A_790] {strides = array<i32>} : memref<320x128xf32, #tpu.memory_space<vmem>>, vector<1x16xf32>,
      %parallel_loop3A_792 = vector.shape_cast %parallel_loop3A_791 : vector<1x16xf32> to vector<16xf32>
      %parallel_loop3A_793 = arith.constant 1 : i32
      %parallel_loop3A_794 = arith.index_cast %parallel_loop3A_793 : i32 to index
      %parallel_loop3A_795 = arith.index_cast %parallel_loop3A_727 : i32 to index
      %parallel_loop3A_796 = arith.constant 80 : index
      %parallel_loop3A_797 = tpu.vector_load %arg10[%parallel_loop3A_794, %parallel_loop3A_795, %parallel_loop3A_796] {strides = array<i32>} : memref<5x128x128xf32, #tpu.memory_space<vmem>>, vector<1x1x16xf32>,
      %parallel_loop3A_798 = vector.shape_cast %parallel_loop3A_797 : vector<1x1x16xf32> to vector<16xf32>
      %parallel_loop3A_799 = vector.shape_cast %parallel_loop3A_792 : vector<16xf32> to vector<1x1x16xf32>
      tpu.vector_store %arg10[%parallel_loop3A_794, %parallel_loop3A_795, %parallel_loop3A_796], %parallel_loop3A_799 {add = true, strides = array<i32>} : memref<5x128x128xf32, #tpu.memory_space<vmem>>, vector<1x1x16xf32>,
      %parallel_loop3A_800 = arith.addi %rem3A_473, %parallel_loop3A_727 : i32
      %parallel_loop3A_801 = arith.index_cast %parallel_loop3A_800 : i32 to index
      %parallel_loop3A_802 = arith.constant 96 : index
      %parallel_loop3A_803 = tpu.vector_load %arg8[%parallel_loop3A_801, %parallel_loop3A_802] {strides = array<i32>} : memref<320x128xf32, #tpu.memory_space<vmem>>, vector<1x16xf32>,
      %parallel_loop3A_804 = vector.shape_cast %parallel_loop3A_803 : vector<1x16xf32> to vector<16xf32>
      %parallel_loop3A_805 = arith.constant 1 : i32
      %parallel_loop3A_806 = arith.index_cast %parallel_loop3A_805 : i32 to index
      %parallel_loop3A_807 = arith.index_cast %parallel_loop3A_727 : i32 to index
      %parallel_loop3A_808 = arith.constant 96 : index
      %parallel_loop3A_809 = tpu.vector_load %arg10[%parallel_loop3A_806, %parallel_loop3A_807, %parallel_loop3A_808] {strides = array<i32>} : memref<5x128x128xf32, #tpu.memory_space<vmem>>, vector<1x1x16xf32>,
      %parallel_loop3A_810 = vector.shape_cast %parallel_loop3A_809 : vector<1x1x16xf32> to vector<16xf32>
      %parallel_loop3A_811 = vector.shape_cast %parallel_loop3A_804 : vector<16xf32> to vector<1x1x16xf32>
      tpu.vector_store %arg10[%parallel_loop3A_806, %parallel_loop3A_807, %parallel_loop3A_808], %parallel_loop3A_811 {add = true, strides = array<i32>} : memref<5x128x128xf32, #tpu.memory_space<vmem>>, vector<1x1x16xf32>,
      %parallel_loop3A_812 = arith.addi %rem3A_473, %parallel_loop3A_727 : i32
      %parallel_loop3A_813 = arith.index_cast %parallel_loop3A_812 : i32 to index
      %parallel_loop3A_814 = arith.constant 112 : index
      %parallel_loop3A_815 = tpu.vector_load %arg8[%parallel_loop3A_813, %parallel_loop3A_814] {strides = array<i32>} : memref<320x128xf32, #tpu.memory_space<vmem>>, vector<1x16xf32>,
      %parallel_loop3A_816 = vector.shape_cast %parallel_loop3A_815 : vector<1x16xf32> to vector<16xf32>
      %parallel_loop3A_817 = arith.constant 1 : i32
      %parallel_loop3A_818 = arith.index_cast %parallel_loop3A_817 : i32 to index
      %parallel_loop3A_819 = arith.index_cast %parallel_loop3A_727 : i32 to index
      %parallel_loop3A_820 = arith.constant 112 : index
      %parallel_loop3A_821 = tpu.vector_load %arg10[%parallel_loop3A_818, %parallel_loop3A_819, %parallel_loop3A_820] {strides = array<i32>} : memref<5x128x128xf32, #tpu.memory_space<vmem>>, vector<1x1x16xf32>,
      %parallel_loop3A_822 = vector.shape_cast %parallel_loop3A_821 : vector<1x1x16xf32> to vector<16xf32>
      %parallel_loop3A_823 = vector.shape_cast %parallel_loop3A_816 : vector<16xf32> to vector<1x1x16xf32>
      tpu.vector_store %arg10[%parallel_loop3A_818, %parallel_loop3A_819, %parallel_loop3A_820], %parallel_loop3A_823 {add = true, strides = array<i32>} : memref<5x128x128xf32, #tpu.memory_space<vmem>>, vector<1x1x16xf32>,
    } {sc.loop_unroll_factor = 4 : i64, sc.parallel_access}
    %add3A_477 = arith.constant 5888 : i32
    %add3A_478 = arith.addi %mul3A_4, %add3A_477 : i32
    %dma_start3A_479 = arith.constant 1 : i32
    %dma_start3A_480 = arith.constant 1 : i32
    %dma_start3A_481 = arith.constant 0 : i32
    %dma_start3A_482 = arith.constant 0 : i32
    %dma_start3A_483 = tpu.memref_slice %arg10[%dma_start3A_479, %dma_start3A_481, %dma_start3A_482] : memref<5x128x128xf32, #tpu.memory_space<vmem>> -> memref<1x128x128xf32, #tpu.memory_space<vmem>>
    %dma_start3A_484 = tpu.memref_squeeze %dma_start3A_483 : memref<1x128x128xf32, #tpu.memory_space<vmem>> -> memref<128x128xf32, #tpu.memory_space<vmem>>
    %dma_start3A_485 = arith.constant 0 : i32
    %dma_start3A_486 = tpu.memref_slice %arg6[%add3A_478, %dma_start3A_485] : memref<204800x128xf32, #tpu.memory_space<hbm>> -> memref<128x128xf32, #tpu.memory_space<hbm>>
    %dma_start3A_487 = tpu.memref_slice %arg12[%dma_start3A_480] : memref<5x!tpu.dma_semaphore, #tpu.memory_space<semaphore_mem>> -> memref<1x!tpu.dma_semaphore, #tpu.memory_space<semaphore_mem>>
    %dma_start3A_488 = tpu.memref_squeeze %dma_start3A_487 : memref<1x!tpu.dma_semaphore, #tpu.memory_space<semaphore_mem>> -> memref<!tpu.dma_semaphore, #tpu.memory_space<semaphore_mem>>
    %dma_start3A_489 = arith.constant 0 : i32
    %dma_start3A_490 = tpu.memref_slice %arg6[%add3A_478, %dma_start3A_489] : memref<204800x128xf32, #tpu.memory_space<hbm>> -> memref<128x128xf32, #tpu.memory_space<hbm>>
    %dma_start3A_491 = arith.constant 0 : i32
    %dma_start3A_492 = arith.constant 0 : i32
    %dma_start3A_493 = tpu.memref_slice %arg10[%dma_start3A_479, %dma_start3A_491, %dma_start3A_492] : memref<5x128x128xf32, #tpu.memory_space<vmem>> -> memref<1x128x128xf32, #tpu.memory_space<vmem>>
    %dma_start3A_494 = tpu.memref_squeeze %dma_start3A_493 : memref<1x128x128xf32, #tpu.memory_space<vmem>> -> memref<128x128xf32, #tpu.memory_space<vmem>>
    tpu.enqueue_dma source(%dma_start3A_494 : memref<128x128xf32, #tpu.memory_space<vmem>>) target(%dma_start3A_490 : memref<128x128xf32, #tpu.memory_space<hbm>>) target_semaphore(%dma_start3A_488 : memref<!tpu.dma_semaphore, #tpu.memory_space<semaphore_mem>>)
    %add3A_495 = arith.constant 5632 : i32
    %add3A_496 = arith.addi %mul3A_4, %add3A_495 : i32
    %dma_wait3A_497 = arith.constant 4 : i32
    %dma_wait3A_498 = arith.constant 4 : i32
    %dma_wait3A_499 = arith.constant 0 : i32
    %dma_wait3A_500 = arith.constant 0 : i32
    %dma_wait3A_501 = tpu.memref_slice %arg10[%dma_wait3A_497, %dma_wait3A_499, %dma_wait3A_500] : memref<5x128x128xf32, #tpu.memory_space<vmem>> -> memref<1x128x128xf32, #tpu.memory_space<vmem>>
    %dma_wait3A_502 = tpu.memref_squeeze %dma_wait3A_501 : memref<1x128x128xf32, #tpu.memory_space<vmem>> -> memref<128x128xf32, #tpu.memory_space<vmem>>
    %dma_wait3A_503 = arith.constant 0 : i32
    %dma_wait3A_504 = tpu.memref_slice %arg6[%add3A_496, %dma_wait3A_503] : memref<204800x128xf32, #tpu.memory_space<hbm>> -> memref<128x128xf32, #tpu.memory_space<hbm>>
    %dma_wait3A_505 = tpu.memref_slice %arg12[%dma_wait3A_498] : memref<5x!tpu.dma_semaphore, #tpu.memory_space<semaphore_mem>> -> memref<1x!tpu.dma_semaphore, #tpu.memory_space<semaphore_mem>>
    %dma_wait3A_506 = tpu.memref_squeeze %dma_wait3A_505 : memref<1x!tpu.dma_semaphore, #tpu.memory_space<semaphore_mem>> -> memref<!tpu.dma_semaphore, #tpu.memory_space<semaphore_mem>>
    %dma_wait3A_507 = arith.constant 0 : i32
    %dma_wait3A_508 = tpu.memref_slice %arg6[%add3A_496, %dma_wait3A_507] : memref<204800x128xf32, #tpu.memory_space<hbm>> -> memref<128x128xf32, #tpu.memory_space<hbm>>
    %dma_wait3A_509 = arith.constant 0 : i32
    %dma_wait3A_510 = arith.constant 0 : i32
    %dma_wait3A_511 = tpu.memref_slice %arg10[%dma_wait3A_497, %dma_wait3A_509, %dma_wait3A_510] : memref<5x128x128xf32, #tpu.memory_space<vmem>> -> memref<1x128x128xf32, #tpu.memory_space<vmem>>
    %dma_wait3A_512 = tpu.memref_squeeze %dma_wait3A_511 : memref<1x128x128xf32, #tpu.memory_space<vmem>> -> memref<128x128xf32, #tpu.memory_space<vmem>>
    tpu.wait_dma2 semaphore(%dma_wait3A_506 : memref<!tpu.dma_semaphore, #tpu.memory_space<semaphore_mem>>) src(%dma_wait3A_512 : memref<128x128xf32, #tpu.memory_space<vmem>>) dst(%dma_wait3A_508 : memref<128x128xf32, #tpu.memory_space<hbm>>)
    %dma_start3A_513 = arith.constant 4 : i32
    %dma_start3A_514 = arith.constant 4 : i32
    %dma_start3A_515 = arith.constant 0 : i32
    %dma_start3A_516 = arith.constant 0 : i32
    %dma_start3A_517 = tpu.memref_slice %arg10[%dma_start3A_513, %dma_start3A_515, %dma_start3A_516] : memref<5x128x128xf32, #tpu.memory_space<vmem>> -> memref<1x128x128xf32, #tpu.memory_space<vmem>>
    %dma_start3A_518 = tpu.memref_squeeze %dma_start3A_517 : memref<1x128x128xf32, #tpu.memory_space<vmem>> -> memref<128x128xf32, #tpu.memory_space<vmem>>
    %dma_start3A_519 = arith.constant 6272 : i32
    %dma_start3A_520 = tpu.memref_slice %arg7[%dma_start3A_519] : memref<6400xi32, #tpu.memory_space<vmem>> -> memref<128xi32, #tpu.memory_space<vmem>>
    %dma_start3A_521 = arith.constant 0 : i32
    %dma_start3A_522 = arith.constant 0 : i32
    %dma_start3A_523 = tpu.memref_slice %arg3[%dma_start3A_521, %dma_start3A_522] : memref<1000000x128xf32, #tpu.memory_space<hbm>> -> memref<1000000x128xf32, #tpu.memory_space<hbm>>
    %dma_start3A_524 = tpu.memref_slice %arg11[%dma_start3A_514] : memref<5x!tpu.dma_semaphore, #tpu.memory_space<semaphore_mem>> -> memref<1x!tpu.dma_semaphore, #tpu.memory_space<semaphore_mem>>
    %dma_start3A_525 = tpu.memref_squeeze %dma_start3A_524 : memref<1x!tpu.dma_semaphore, #tpu.memory_space<semaphore_mem>> -> memref<!tpu.dma_semaphore, #tpu.memory_space<semaphore_mem>>
    tpu.enqueue_indirect_dma source(%dma_start3A_523 : memref<1000000x128xf32, #tpu.memory_space<hbm>>) target(%dma_start3A_518 : memref<128x128xf32, #tpu.memory_space<vmem>>) offsets(%dma_start3A_520 : memref<128xi32, #tpu.memory_space<vmem>>) semaphore(%dma_start3A_525 : memref<!tpu.dma_semaphore, #tpu.memory_space<semaphore_mem>>)
    %dma_wait3A_526 = arith.constant 2 : i32
    %dma_wait3A_527 = arith.constant 2 : i32
    %dma_wait3A_528 = arith.constant 0 : i32
    %dma_wait3A_529 = arith.constant 0 : i32
    %dma_wait3A_530 = tpu.memref_slice %arg10[%dma_wait3A_526, %dma_wait3A_528, %dma_wait3A_529] : memref<5x128x128xf32, #tpu.memory_space<vmem>> -> memref<1x128x128xf32, #tpu.memory_space<vmem>>
    %dma_wait3A_531 = tpu.memref_squeeze %dma_wait3A_530 : memref<1x128x128xf32, #tpu.memory_space<vmem>> -> memref<128x128xf32, #tpu.memory_space<vmem>>
    %dma_wait3A_532 = arith.constant 6016 : i32
    %dma_wait3A_533 = tpu.memref_slice %arg7[%dma_wait3A_532] : memref<6400xi32, #tpu.memory_space<vmem>> -> memref<128xi32, #tpu.memory_space<vmem>>
    %dma_wait3A_534 = arith.constant 0 : i32
    %dma_wait3A_535 = arith.constant 0 : i32
    %dma_wait3A_536 = tpu.memref_slice %arg3[%dma_wait3A_534, %dma_wait3A_535] : memref<1000000x128xf32, #tpu.memory_space<hbm>> -> memref<1000000x128xf32, #tpu.memory_space<hbm>>
    %dma_wait3A_537 = tpu.memref_slice %arg11[%dma_wait3A_527] : memref<5x!tpu.dma_semaphore, #tpu.memory_space<semaphore_mem>> -> memref<1x!tpu.dma_semaphore, #tpu.memory_space<semaphore_mem>>
    %dma_wait3A_538 = tpu.memref_squeeze %dma_wait3A_537 : memref<1x!tpu.dma_semaphore, #tpu.memory_space<semaphore_mem>> -> memref<!tpu.dma_semaphore, #tpu.memory_space<semaphore_mem>>
    tpu.wait_indirect_dma semaphore(%dma_wait3A_538 : memref<!tpu.dma_semaphore, #tpu.memory_space<semaphore_mem>>) src(%dma_wait3A_536 : memref<1000000x128xf32, #tpu.memory_space<hbm>>) dst(%dma_wait3A_531 : memref<128x128xf32, #tpu.memory_space<vmem>>)
    %rem3A_539 = arith.constant 6016 : i32
    %rem3A_540 = arith.constant 200 : i32
    %rem3A_541 = arith.remsi %rem3A_539, %rem3A_540 : i32
    %parallel_loop3A_542 = arith.constant 0 : i32
    %parallel_loop3A_543 = arith.constant 128 : i32
    %parallel_loop3A_544 = arith.constant 1 : i32
    scf.for %parallel_loop3A_727 = %parallel_loop3A_542 to %parallel_loop3A_543 step %parallel_loop3A_544  : i32 {
      %parallel_loop3A_728 = arith.addi %rem3A_541, %parallel_loop3A_727 : i32
      %parallel_loop3A_729 = arith.index_cast %parallel_loop3A_728 : i32 to index
      %parallel_loop3A_730 = arith.constant 0 : index
      %parallel_loop3A_731 = tpu.vector_load %arg8[%parallel_loop3A_729, %parallel_loop3A_730] {strides = array<i32>} : memref<320x128xf32, #tpu.memory_space<vmem>>, vector<1x16xf32>,
      %parallel_loop3A_732 = vector.shape_cast %parallel_loop3A_731 : vector<1x16xf32> to vector<16xf32>
      %parallel_loop3A_733 = arith.constant 2 : i32
      %parallel_loop3A_734 = arith.index_cast %parallel_loop3A_733 : i32 to index
      %parallel_loop3A_735 = arith.index_cast %parallel_loop3A_727 : i32 to index
      %parallel_loop3A_736 = arith.constant 0 : index
      %parallel_loop3A_737 = tpu.vector_load %arg10[%parallel_loop3A_734, %parallel_loop3A_735, %parallel_loop3A_736] {strides = array<i32>} : memref<5x128x128xf32, #tpu.memory_space<vmem>>, vector<1x1x16xf32>,
      %parallel_loop3A_738 = vector.shape_cast %parallel_loop3A_737 : vector<1x1x16xf32> to vector<16xf32>
      %parallel_loop3A_739 = vector.shape_cast %parallel_loop3A_732 : vector<16xf32> to vector<1x1x16xf32>
      tpu.vector_store %arg10[%parallel_loop3A_734, %parallel_loop3A_735, %parallel_loop3A_736], %parallel_loop3A_739 {add = true, strides = array<i32>} : memref<5x128x128xf32, #tpu.memory_space<vmem>>, vector<1x1x16xf32>,
      %parallel_loop3A_740 = arith.addi %rem3A_541, %parallel_loop3A_727 : i32
      %parallel_loop3A_741 = arith.index_cast %parallel_loop3A_740 : i32 to index
      %parallel_loop3A_742 = arith.constant 16 : index
      %parallel_loop3A_743 = tpu.vector_load %arg8[%parallel_loop3A_741, %parallel_loop3A_742] {strides = array<i32>} : memref<320x128xf32, #tpu.memory_space<vmem>>, vector<1x16xf32>,
      %parallel_loop3A_744 = vector.shape_cast %parallel_loop3A_743 : vector<1x16xf32> to vector<16xf32>
      %parallel_loop3A_745 = arith.constant 2 : i32
      %parallel_loop3A_746 = arith.index_cast %parallel_loop3A_745 : i32 to index
      %parallel_loop3A_747 = arith.index_cast %parallel_loop3A_727 : i32 to index
      %parallel_loop3A_748 = arith.constant 16 : index
      %parallel_loop3A_749 = tpu.vector_load %arg10[%parallel_loop3A_746, %parallel_loop3A_747, %parallel_loop3A_748] {strides = array<i32>} : memref<5x128x128xf32, #tpu.memory_space<vmem>>, vector<1x1x16xf32>,
      %parallel_loop3A_750 = vector.shape_cast %parallel_loop3A_749 : vector<1x1x16xf32> to vector<16xf32>
      %parallel_loop3A_751 = vector.shape_cast %parallel_loop3A_744 : vector<16xf32> to vector<1x1x16xf32>
      tpu.vector_store %arg10[%parallel_loop3A_746, %parallel_loop3A_747, %parallel_loop3A_748], %parallel_loop3A_751 {add = true, strides = array<i32>} : memref<5x128x128xf32, #tpu.memory_space<vmem>>, vector<1x1x16xf32>,
      %parallel_loop3A_752 = arith.addi %rem3A_541, %parallel_loop3A_727 : i32
      %parallel_loop3A_753 = arith.index_cast %parallel_loop3A_752 : i32 to index
      %parallel_loop3A_754 = arith.constant 32 : index
      %parallel_loop3A_755 = tpu.vector_load %arg8[%parallel_loop3A_753, %parallel_loop3A_754] {strides = array<i32>} : memref<320x128xf32, #tpu.memory_space<vmem>>, vector<1x16xf32>,
      %parallel_loop3A_756 = vector.shape_cast %parallel_loop3A_755 : vector<1x16xf32> to vector<16xf32>
      %parallel_loop3A_757 = arith.constant 2 : i32
      %parallel_loop3A_758 = arith.index_cast %parallel_loop3A_757 : i32 to index
      %parallel_loop3A_759 = arith.index_cast %parallel_loop3A_727 : i32 to index
      %parallel_loop3A_760 = arith.constant 32 : index
      %parallel_loop3A_761 = tpu.vector_load %arg10[%parallel_loop3A_758, %parallel_loop3A_759, %parallel_loop3A_760] {strides = array<i32>} : memref<5x128x128xf32, #tpu.memory_space<vmem>>, vector<1x1x16xf32>,
      %parallel_loop3A_762 = vector.shape_cast %parallel_loop3A_761 : vector<1x1x16xf32> to vector<16xf32>
      %parallel_loop3A_763 = vector.shape_cast %parallel_loop3A_756 : vector<16xf32> to vector<1x1x16xf32>
      tpu.vector_store %arg10[%parallel_loop3A_758, %parallel_loop3A_759, %parallel_loop3A_760], %parallel_loop3A_763 {add = true, strides = array<i32>} : memref<5x128x128xf32, #tpu.memory_space<vmem>>, vector<1x1x16xf32>,
      %parallel_loop3A_764 = arith.addi %rem3A_541, %parallel_loop3A_727 : i32
      %parallel_loop3A_765 = arith.index_cast %parallel_loop3A_764 : i32 to index
      %parallel_loop3A_766 = arith.constant 48 : index
      %parallel_loop3A_767 = tpu.vector_load %arg8[%parallel_loop3A_765, %parallel_loop3A_766] {strides = array<i32>} : memref<320x128xf32, #tpu.memory_space<vmem>>, vector<1x16xf32>,
      %parallel_loop3A_768 = vector.shape_cast %parallel_loop3A_767 : vector<1x16xf32> to vector<16xf32>
      %parallel_loop3A_769 = arith.constant 2 : i32
      %parallel_loop3A_770 = arith.index_cast %parallel_loop3A_769 : i32 to index
      %parallel_loop3A_771 = arith.index_cast %parallel_loop3A_727 : i32 to index
      %parallel_loop3A_772 = arith.constant 48 : index
      %parallel_loop3A_773 = tpu.vector_load %arg10[%parallel_loop3A_770, %parallel_loop3A_771, %parallel_loop3A_772] {strides = array<i32>} : memref<5x128x128xf32, #tpu.memory_space<vmem>>, vector<1x1x16xf32>,
      %parallel_loop3A_774 = vector.shape_cast %parallel_loop3A_773 : vector<1x1x16xf32> to vector<16xf32>
      %parallel_loop3A_775 = vector.shape_cast %parallel_loop3A_768 : vector<16xf32> to vector<1x1x16xf32>
      tpu.vector_store %arg10[%parallel_loop3A_770, %parallel_loop3A_771, %parallel_loop3A_772], %parallel_loop3A_775 {add = true, strides = array<i32>} : memref<5x128x128xf32, #tpu.memory_space<vmem>>, vector<1x1x16xf32>,
      %parallel_loop3A_776 = arith.addi %rem3A_541, %parallel_loop3A_727 : i32
      %parallel_loop3A_777 = arith.index_cast %parallel_loop3A_776 : i32 to index
      %parallel_loop3A_778 = arith.constant 64 : index
      %parallel_loop3A_779 = tpu.vector_load %arg8[%parallel_loop3A_777, %parallel_loop3A_778] {strides = array<i32>} : memref<320x128xf32, #tpu.memory_space<vmem>>, vector<1x16xf32>,
      %parallel_loop3A_780 = vector.shape_cast %parallel_loop3A_779 : vector<1x16xf32> to vector<16xf32>
      %parallel_loop3A_781 = arith.constant 2 : i32
      %parallel_loop3A_782 = arith.index_cast %parallel_loop3A_781 : i32 to index
      %parallel_loop3A_783 = arith.index_cast %parallel_loop3A_727 : i32 to index
      %parallel_loop3A_784 = arith.constant 64 : index
      %parallel_loop3A_785 = tpu.vector_load %arg10[%parallel_loop3A_782, %parallel_loop3A_783, %parallel_loop3A_784] {strides = array<i32>} : memref<5x128x128xf32, #tpu.memory_space<vmem>>, vector<1x1x16xf32>,
      %parallel_loop3A_786 = vector.shape_cast %parallel_loop3A_785 : vector<1x1x16xf32> to vector<16xf32>
      %parallel_loop3A_787 = vector.shape_cast %parallel_loop3A_780 : vector<16xf32> to vector<1x1x16xf32>
      tpu.vector_store %arg10[%parallel_loop3A_782, %parallel_loop3A_783, %parallel_loop3A_784], %parallel_loop3A_787 {add = true, strides = array<i32>} : memref<5x128x128xf32, #tpu.memory_space<vmem>>, vector<1x1x16xf32>,
      %parallel_loop3A_788 = arith.addi %rem3A_541, %parallel_loop3A_727 : i32
      %parallel_loop3A_789 = arith.index_cast %parallel_loop3A_788 : i32 to index
      %parallel_loop3A_790 = arith.constant 80 : index
      %parallel_loop3A_791 = tpu.vector_load %arg8[%parallel_loop3A_789, %parallel_loop3A_790] {strides = array<i32>} : memref<320x128xf32, #tpu.memory_space<vmem>>, vector<1x16xf32>,
      %parallel_loop3A_792 = vector.shape_cast %parallel_loop3A_791 : vector<1x16xf32> to vector<16xf32>
      %parallel_loop3A_793 = arith.constant 2 : i32
      %parallel_loop3A_794 = arith.index_cast %parallel_loop3A_793 : i32 to index
      %parallel_loop3A_795 = arith.index_cast %parallel_loop3A_727 : i32 to index
      %parallel_loop3A_796 = arith.constant 80 : index
      %parallel_loop3A_797 = tpu.vector_load %arg10[%parallel_loop3A_794, %parallel_loop3A_795, %parallel_loop3A_796] {strides = array<i32>} : memref<5x128x128xf32, #tpu.memory_space<vmem>>, vector<1x1x16xf32>,
      %parallel_loop3A_798 = vector.shape_cast %parallel_loop3A_797 : vector<1x1x16xf32> to vector<16xf32>
      %parallel_loop3A_799 = vector.shape_cast %parallel_loop3A_792 : vector<16xf32> to vector<1x1x16xf32>
      tpu.vector_store %arg10[%parallel_loop3A_794, %parallel_loop3A_795, %parallel_loop3A_796], %parallel_loop3A_799 {add = true, strides = array<i32>} : memref<5x128x128xf32, #tpu.memory_space<vmem>>, vector<1x1x16xf32>,
      %parallel_loop3A_800 = arith.addi %rem3A_541, %parallel_loop3A_727 : i32
      %parallel_loop3A_801 = arith.index_cast %parallel_loop3A_800 : i32 to index
      %parallel_loop3A_802 = arith.constant 96 : index
      %parallel_loop3A_803 = tpu.vector_load %arg8[%parallel_loop3A_801, %parallel_loop3A_802] {strides = array<i32>} : memref<320x128xf32, #tpu.memory_space<vmem>>, vector<1x16xf32>,
      %parallel_loop3A_804 = vector.shape_cast %parallel_loop3A_803 : vector<1x16xf32> to vector<16xf32>
      %parallel_loop3A_805 = arith.constant 2 : i32
      %parallel_loop3A_806 = arith.index_cast %parallel_loop3A_805 : i32 to index
      %parallel_loop3A_807 = arith.index_cast %parallel_loop3A_727 : i32 to index
      %parallel_loop3A_808 = arith.constant 96 : index
      %parallel_loop3A_809 = tpu.vector_load %arg10[%parallel_loop3A_806, %parallel_loop3A_807, %parallel_loop3A_808] {strides = array<i32>} : memref<5x128x128xf32, #tpu.memory_space<vmem>>, vector<1x1x16xf32>,
      %parallel_loop3A_810 = vector.shape_cast %parallel_loop3A_809 : vector<1x1x16xf32> to vector<16xf32>
      %parallel_loop3A_811 = vector.shape_cast %parallel_loop3A_804 : vector<16xf32> to vector<1x1x16xf32>
      tpu.vector_store %arg10[%parallel_loop3A_806, %parallel_loop3A_807, %parallel_loop3A_808], %parallel_loop3A_811 {add = true, strides = array<i32>} : memref<5x128x128xf32, #tpu.memory_space<vmem>>, vector<1x1x16xf32>,
      %parallel_loop3A_812 = arith.addi %rem3A_541, %parallel_loop3A_727 : i32
      %parallel_loop3A_813 = arith.index_cast %parallel_loop3A_812 : i32 to index
      %parallel_loop3A_814 = arith.constant 112 : index
      %parallel_loop3A_815 = tpu.vector_load %arg8[%parallel_loop3A_813, %parallel_loop3A_814] {strides = array<i32>} : memref<320x128xf32, #tpu.memory_space<vmem>>, vector<1x16xf32>,
      %parallel_loop3A_816 = vector.shape_cast %parallel_loop3A_815 : vector<1x16xf32> to vector<16xf32>
      %parallel_loop3A_817 = arith.constant 2 : i32
      %parallel_loop3A_818 = arith.index_cast %parallel_loop3A_817 : i32 to index
      %parallel_loop3A_819 = arith.index_cast %parallel_loop3A_727 : i32 to index
      %parallel_loop3A_820 = arith.constant 112 : index
      %parallel_loop3A_821 = tpu.vector_load %arg10[%parallel_loop3A_818, %parallel_loop3A_819, %parallel_loop3A_820] {strides = array<i32>} : memref<5x128x128xf32, #tpu.memory_space<vmem>>, vector<1x1x16xf32>,
      %parallel_loop3A_822 = vector.shape_cast %parallel_loop3A_821 : vector<1x1x16xf32> to vector<16xf32>
      %parallel_loop3A_823 = vector.shape_cast %parallel_loop3A_816 : vector<16xf32> to vector<1x1x16xf32>
      tpu.vector_store %arg10[%parallel_loop3A_818, %parallel_loop3A_819, %parallel_loop3A_820], %parallel_loop3A_823 {add = true, strides = array<i32>} : memref<5x128x128xf32, #tpu.memory_space<vmem>>, vector<1x1x16xf32>,
    } {sc.loop_unroll_factor = 4 : i64, sc.parallel_access}
    %add3A_545 = arith.constant 6016 : i32
    %add3A_546 = arith.addi %mul3A_4, %add3A_545 : i32
    %dma_start3A_547 = arith.constant 2 : i32
    %dma_start3A_548 = arith.constant 2 : i32
    %dma_start3A_549 = arith.constant 0 : i32
    %dma_start3A_550 = arith.constant 0 : i32
    %dma_start3A_551 = tpu.memref_slice %arg10[%dma_start3A_547, %dma_start3A_549, %dma_start3A_550] : memref<5x128x128xf32, #tpu.memory_space<vmem>> -> memref<1x128x128xf32, #tpu.memory_space<vmem>>
    %dma_start3A_552 = tpu.memref_squeeze %dma_start3A_551 : memref<1x128x128xf32, #tpu.memory_space<vmem>> -> memref<128x128xf32, #tpu.memory_space<vmem>>
    %dma_start3A_553 = arith.constant 0 : i32
    %dma_start3A_554 = tpu.memref_slice %arg6[%add3A_546, %dma_start3A_553] : memref<204800x128xf32, #tpu.memory_space<hbm>> -> memref<128x128xf32, #tpu.memory_space<hbm>>
    %dma_start3A_555 = tpu.memref_slice %arg12[%dma_start3A_548] : memref<5x!tpu.dma_semaphore, #tpu.memory_space<semaphore_mem>> -> memref<1x!tpu.dma_semaphore, #tpu.memory_space<semaphore_mem>>
    %dma_start3A_556 = tpu.memref_squeeze %dma_start3A_555 : memref<1x!tpu.dma_semaphore, #tpu.memory_space<semaphore_mem>> -> memref<!tpu.dma_semaphore, #tpu.memory_space<semaphore_mem>>
    %dma_start3A_557 = arith.constant 0 : i32
    %dma_start3A_558 = tpu.memref_slice %arg6[%add3A_546, %dma_start3A_557] : memref<204800x128xf32, #tpu.memory_space<hbm>> -> memref<128x128xf32, #tpu.memory_space<hbm>>
    %dma_start3A_559 = arith.constant 0 : i32
    %dma_start3A_560 = arith.constant 0 : i32
    %dma_start3A_561 = tpu.memref_slice %arg10[%dma_start3A_547, %dma_start3A_559, %dma_start3A_560] : memref<5x128x128xf32, #tpu.memory_space<vmem>> -> memref<1x128x128xf32, #tpu.memory_space<vmem>>
    %dma_start3A_562 = tpu.memref_squeeze %dma_start3A_561 : memref<1x128x128xf32, #tpu.memory_space<vmem>> -> memref<128x128xf32, #tpu.memory_space<vmem>>
    tpu.enqueue_dma source(%dma_start3A_562 : memref<128x128xf32, #tpu.memory_space<vmem>>) target(%dma_start3A_558 : memref<128x128xf32, #tpu.memory_space<hbm>>) target_semaphore(%dma_start3A_556 : memref<!tpu.dma_semaphore, #tpu.memory_space<semaphore_mem>>)
    %dma_wait3A_563 = arith.constant 3 : i32
    %dma_wait3A_564 = arith.constant 3 : i32
    %dma_wait3A_565 = arith.constant 0 : i32
    %dma_wait3A_566 = arith.constant 0 : i32
    %dma_wait3A_567 = tpu.memref_slice %arg10[%dma_wait3A_563, %dma_wait3A_565, %dma_wait3A_566] : memref<5x128x128xf32, #tpu.memory_space<vmem>> -> memref<1x128x128xf32, #tpu.memory_space<vmem>>
    %dma_wait3A_568 = tpu.memref_squeeze %dma_wait3A_567 : memref<1x128x128xf32, #tpu.memory_space<vmem>> -> memref<128x128xf32, #tpu.memory_space<vmem>>
    %dma_wait3A_569 = arith.constant 6144 : i32
    %dma_wait3A_570 = tpu.memref_slice %arg7[%dma_wait3A_569] : memref<6400xi32, #tpu.memory_space<vmem>> -> memref<128xi32, #tpu.memory_space<vmem>>
    %dma_wait3A_571 = arith.constant 0 : i32
    %dma_wait3A_572 = arith.constant 0 : i32
    %dma_wait3A_573 = tpu.memref_slice %arg3[%dma_wait3A_571, %dma_wait3A_572] : memref<1000000x128xf32, #tpu.memory_space<hbm>> -> memref<1000000x128xf32, #tpu.memory_space<hbm>>
    %dma_wait3A_574 = tpu.memref_slice %arg11[%dma_wait3A_564] : memref<5x!tpu.dma_semaphore, #tpu.memory_space<semaphore_mem>> -> memref<1x!tpu.dma_semaphore, #tpu.memory_space<semaphore_mem>>
    %dma_wait3A_575 = tpu.memref_squeeze %dma_wait3A_574 : memref<1x!tpu.dma_semaphore, #tpu.memory_space<semaphore_mem>> -> memref<!tpu.dma_semaphore, #tpu.memory_space<semaphore_mem>>
    tpu.wait_indirect_dma semaphore(%dma_wait3A_575 : memref<!tpu.dma_semaphore, #tpu.memory_space<semaphore_mem>>) src(%dma_wait3A_573 : memref<1000000x128xf32, #tpu.memory_space<hbm>>) dst(%dma_wait3A_568 : memref<128x128xf32, #tpu.memory_space<vmem>>)
    %rem3A_576 = arith.constant 6144 : i32
    %rem3A_577 = arith.constant 200 : i32
    %rem3A_578 = arith.remsi %rem3A_576, %rem3A_577 : i32
    %parallel_loop3A_579 = arith.constant 0 : i32
    %parallel_loop3A_580 = arith.constant 128 : i32
    %parallel_loop3A_581 = arith.constant 1 : i32
    scf.for %parallel_loop3A_727 = %parallel_loop3A_579 to %parallel_loop3A_580 step %parallel_loop3A_581  : i32 {
      %parallel_loop3A_728 = arith.addi %rem3A_578, %parallel_loop3A_727 : i32
      %parallel_loop3A_729 = arith.index_cast %parallel_loop3A_728 : i32 to index
      %parallel_loop3A_730 = arith.constant 0 : index
      %parallel_loop3A_731 = tpu.vector_load %arg8[%parallel_loop3A_729, %parallel_loop3A_730] {strides = array<i32>} : memref<320x128xf32, #tpu.memory_space<vmem>>, vector<1x16xf32>,
      %parallel_loop3A_732 = vector.shape_cast %parallel_loop3A_731 : vector<1x16xf32> to vector<16xf32>
      %parallel_loop3A_733 = arith.constant 3 : i32
      %parallel_loop3A_734 = arith.index_cast %parallel_loop3A_733 : i32 to index
      %parallel_loop3A_735 = arith.index_cast %parallel_loop3A_727 : i32 to index
      %parallel_loop3A_736 = arith.constant 0 : index
      %parallel_loop3A_737 = tpu.vector_load %arg10[%parallel_loop3A_734, %parallel_loop3A_735, %parallel_loop3A_736] {strides = array<i32>} : memref<5x128x128xf32, #tpu.memory_space<vmem>>, vector<1x1x16xf32>,
      %parallel_loop3A_738 = vector.shape_cast %parallel_loop3A_737 : vector<1x1x16xf32> to vector<16xf32>
      %parallel_loop3A_739 = vector.shape_cast %parallel_loop3A_732 : vector<16xf32> to vector<1x1x16xf32>
      tpu.vector_store %arg10[%parallel_loop3A_734, %parallel_loop3A_735, %parallel_loop3A_736], %parallel_loop3A_739 {add = true, strides = array<i32>} : memref<5x128x128xf32, #tpu.memory_space<vmem>>, vector<1x1x16xf32>,
      %parallel_loop3A_740 = arith.addi %rem3A_578, %parallel_loop3A_727 : i32
      %parallel_loop3A_741 = arith.index_cast %parallel_loop3A_740 : i32 to index
      %parallel_loop3A_742 = arith.constant 16 : index
      %parallel_loop3A_743 = tpu.vector_load %arg8[%parallel_loop3A_741, %parallel_loop3A_742] {strides = array<i32>} : memref<320x128xf32, #tpu.memory_space<vmem>>, vector<1x16xf32>,
      %parallel_loop3A_744 = vector.shape_cast %parallel_loop3A_743 : vector<1x16xf32> to vector<16xf32>
      %parallel_loop3A_745 = arith.constant 3 : i32
      %parallel_loop3A_746 = arith.index_cast %parallel_loop3A_745 : i32 to index
      %parallel_loop3A_747 = arith.index_cast %parallel_loop3A_727 : i32 to index
      %parallel_loop3A_748 = arith.constant 16 : index
      %parallel_loop3A_749 = tpu.vector_load %arg10[%parallel_loop3A_746, %parallel_loop3A_747, %parallel_loop3A_748] {strides = array<i32>} : memref<5x128x128xf32, #tpu.memory_space<vmem>>, vector<1x1x16xf32>,
      %parallel_loop3A_750 = vector.shape_cast %parallel_loop3A_749 : vector<1x1x16xf32> to vector<16xf32>
      %parallel_loop3A_751 = vector.shape_cast %parallel_loop3A_744 : vector<16xf32> to vector<1x1x16xf32>
      tpu.vector_store %arg10[%parallel_loop3A_746, %parallel_loop3A_747, %parallel_loop3A_748], %parallel_loop3A_751 {add = true, strides = array<i32>} : memref<5x128x128xf32, #tpu.memory_space<vmem>>, vector<1x1x16xf32>,
      %parallel_loop3A_752 = arith.addi %rem3A_578, %parallel_loop3A_727 : i32
      %parallel_loop3A_753 = arith.index_cast %parallel_loop3A_752 : i32 to index
      %parallel_loop3A_754 = arith.constant 32 : index
      %parallel_loop3A_755 = tpu.vector_load %arg8[%parallel_loop3A_753, %parallel_loop3A_754] {strides = array<i32>} : memref<320x128xf32, #tpu.memory_space<vmem>>, vector<1x16xf32>,
      %parallel_loop3A_756 = vector.shape_cast %parallel_loop3A_755 : vector<1x16xf32> to vector<16xf32>
      %parallel_loop3A_757 = arith.constant 3 : i32
      %parallel_loop3A_758 = arith.index_cast %parallel_loop3A_757 : i32 to index
      %parallel_loop3A_759 = arith.index_cast %parallel_loop3A_727 : i32 to index
      %parallel_loop3A_760 = arith.constant 32 : index
      %parallel_loop3A_761 = tpu.vector_load %arg10[%parallel_loop3A_758, %parallel_loop3A_759, %parallel_loop3A_760] {strides = array<i32>} : memref<5x128x128xf32, #tpu.memory_space<vmem>>, vector<1x1x16xf32>,
      %parallel_loop3A_762 = vector.shape_cast %parallel_loop3A_761 : vector<1x1x16xf32> to vector<16xf32>
      %parallel_loop3A_763 = vector.shape_cast %parallel_loop3A_756 : vector<16xf32> to vector<1x1x16xf32>
      tpu.vector_store %arg10[%parallel_loop3A_758, %parallel_loop3A_759, %parallel_loop3A_760], %parallel_loop3A_763 {add = true, strides = array<i32>} : memref<5x128x128xf32, #tpu.memory_space<vmem>>, vector<1x1x16xf32>,
      %parallel_loop3A_764 = arith.addi %rem3A_578, %parallel_loop3A_727 : i32
      %parallel_loop3A_765 = arith.index_cast %parallel_loop3A_764 : i32 to index
      %parallel_loop3A_766 = arith.constant 48 : index
      %parallel_loop3A_767 = tpu.vector_load %arg8[%parallel_loop3A_765, %parallel_loop3A_766] {strides = array<i32>} : memref<320x128xf32, #tpu.memory_space<vmem>>, vector<1x16xf32>,
      %parallel_loop3A_768 = vector.shape_cast %parallel_loop3A_767 : vector<1x16xf32> to vector<16xf32>
      %parallel_loop3A_769 = arith.constant 3 : i32
      %parallel_loop3A_770 = arith.index_cast %parallel_loop3A_769 : i32 to index
      %parallel_loop3A_771 = arith.index_cast %parallel_loop3A_727 : i32 to index
      %parallel_loop3A_772 = arith.constant 48 : index
      %parallel_loop3A_773 = tpu.vector_load %arg10[%parallel_loop3A_770, %parallel_loop3A_771, %parallel_loop3A_772] {strides = array<i32>} : memref<5x128x128xf32, #tpu.memory_space<vmem>>, vector<1x1x16xf32>,
      %parallel_loop3A_774 = vector.shape_cast %parallel_loop3A_773 : vector<1x1x16xf32> to vector<16xf32>
      %parallel_loop3A_775 = vector.shape_cast %parallel_loop3A_768 : vector<16xf32> to vector<1x1x16xf32>
      tpu.vector_store %arg10[%parallel_loop3A_770, %parallel_loop3A_771, %parallel_loop3A_772], %parallel_loop3A_775 {add = true, strides = array<i32>} : memref<5x128x128xf32, #tpu.memory_space<vmem>>, vector<1x1x16xf32>,
      %parallel_loop3A_776 = arith.addi %rem3A_578, %parallel_loop3A_727 : i32
      %parallel_loop3A_777 = arith.index_cast %parallel_loop3A_776 : i32 to index
      %parallel_loop3A_778 = arith.constant 64 : index
      %parallel_loop3A_779 = tpu.vector_load %arg8[%parallel_loop3A_777, %parallel_loop3A_778] {strides = array<i32>} : memref<320x128xf32, #tpu.memory_space<vmem>>, vector<1x16xf32>,
      %parallel_loop3A_780 = vector.shape_cast %parallel_loop3A_779 : vector<1x16xf32> to vector<16xf32>
      %parallel_loop3A_781 = arith.constant 3 : i32
      %parallel_loop3A_782 = arith.index_cast %parallel_loop3A_781 : i32 to index
      %parallel_loop3A_783 = arith.index_cast %parallel_loop3A_727 : i32 to index
      %parallel_loop3A_784 = arith.constant 64 : index
      %parallel_loop3A_785 = tpu.vector_load %arg10[%parallel_loop3A_782, %parallel_loop3A_783, %parallel_loop3A_784] {strides = array<i32>} : memref<5x128x128xf32, #tpu.memory_space<vmem>>, vector<1x1x16xf32>,
      %parallel_loop3A_786 = vector.shape_cast %parallel_loop3A_785 : vector<1x1x16xf32> to vector<16xf32>
      %parallel_loop3A_787 = vector.shape_cast %parallel_loop3A_780 : vector<16xf32> to vector<1x1x16xf32>
      tpu.vector_store %arg10[%parallel_loop3A_782, %parallel_loop3A_783, %parallel_loop3A_784], %parallel_loop3A_787 {add = true, strides = array<i32>} : memref<5x128x128xf32, #tpu.memory_space<vmem>>, vector<1x1x16xf32>,
      %parallel_loop3A_788 = arith.addi %rem3A_578, %parallel_loop3A_727 : i32
      %parallel_loop3A_789 = arith.index_cast %parallel_loop3A_788 : i32 to index
      %parallel_loop3A_790 = arith.constant 80 : index
      %parallel_loop3A_791 = tpu.vector_load %arg8[%parallel_loop3A_789, %parallel_loop3A_790] {strides = array<i32>} : memref<320x128xf32, #tpu.memory_space<vmem>>, vector<1x16xf32>,
      %parallel_loop3A_792 = vector.shape_cast %parallel_loop3A_791 : vector<1x16xf32> to vector<16xf32>
      %parallel_loop3A_793 = arith.constant 3 : i32
      %parallel_loop3A_794 = arith.index_cast %parallel_loop3A_793 : i32 to index
      %parallel_loop3A_795 = arith.index_cast %parallel_loop3A_727 : i32 to index
      %parallel_loop3A_796 = arith.constant 80 : index
      %parallel_loop3A_797 = tpu.vector_load %arg10[%parallel_loop3A_794, %parallel_loop3A_795, %parallel_loop3A_796] {strides = array<i32>} : memref<5x128x128xf32, #tpu.memory_space<vmem>>, vector<1x1x16xf32>,
      %parallel_loop3A_798 = vector.shape_cast %parallel_loop3A_797 : vector<1x1x16xf32> to vector<16xf32>
      %parallel_loop3A_799 = vector.shape_cast %parallel_loop3A_792 : vector<16xf32> to vector<1x1x16xf32>
      tpu.vector_store %arg10[%parallel_loop3A_794, %parallel_loop3A_795, %parallel_loop3A_796], %parallel_loop3A_799 {add = true, strides = array<i32>} : memref<5x128x128xf32, #tpu.memory_space<vmem>>, vector<1x1x16xf32>,
      %parallel_loop3A_800 = arith.addi %rem3A_578, %parallel_loop3A_727 : i32
      %parallel_loop3A_801 = arith.index_cast %parallel_loop3A_800 : i32 to index
      %parallel_loop3A_802 = arith.constant 96 : index
      %parallel_loop3A_803 = tpu.vector_load %arg8[%parallel_loop3A_801, %parallel_loop3A_802] {strides = array<i32>} : memref<320x128xf32, #tpu.memory_space<vmem>>, vector<1x16xf32>,
      %parallel_loop3A_804 = vector.shape_cast %parallel_loop3A_803 : vector<1x16xf32> to vector<16xf32>
      %parallel_loop3A_805 = arith.constant 3 : i32
      %parallel_loop3A_806 = arith.index_cast %parallel_loop3A_805 : i32 to index
      %parallel_loop3A_807 = arith.index_cast %parallel_loop3A_727 : i32 to index
      %parallel_loop3A_808 = arith.constant 96 : index
      %parallel_loop3A_809 = tpu.vector_load %arg10[%parallel_loop3A_806, %parallel_loop3A_807, %parallel_loop3A_808] {strides = array<i32>} : memref<5x128x128xf32, #tpu.memory_space<vmem>>, vector<1x1x16xf32>,
      %parallel_loop3A_810 = vector.shape_cast %parallel_loop3A_809 : vector<1x1x16xf32> to vector<16xf32>
      %parallel_loop3A_811 = vector.shape_cast %parallel_loop3A_804 : vector<16xf32> to vector<1x1x16xf32>
      tpu.vector_store %arg10[%parallel_loop3A_806, %parallel_loop3A_807, %parallel_loop3A_808], %parallel_loop3A_811 {add = true, strides = array<i32>} : memref<5x128x128xf32, #tpu.memory_space<vmem>>, vector<1x1x16xf32>,
      %parallel_loop3A_812 = arith.addi %rem3A_578, %parallel_loop3A_727 : i32
      %parallel_loop3A_813 = arith.index_cast %parallel_loop3A_812 : i32 to index
      %parallel_loop3A_814 = arith.constant 112 : index
      %parallel_loop3A_815 = tpu.vector_load %arg8[%parallel_loop3A_813, %parallel_loop3A_814] {strides = array<i32>} : memref<320x128xf32, #tpu.memory_space<vmem>>, vector<1x16xf32>,
      %parallel_loop3A_816 = vector.shape_cast %parallel_loop3A_815 : vector<1x16xf32> to vector<16xf32>
      %parallel_loop3A_817 = arith.constant 3 : i32
      %parallel_loop3A_818 = arith.index_cast %parallel_loop3A_817 : i32 to index
      %parallel_loop3A_819 = arith.index_cast %parallel_loop3A_727 : i32 to index
      %parallel_loop3A_820 = arith.constant 112 : index
      %parallel_loop3A_821 = tpu.vector_load %arg10[%parallel_loop3A_818, %parallel_loop3A_819, %parallel_loop3A_820] {strides = array<i32>} : memref<5x128x128xf32, #tpu.memory_space<vmem>>, vector<1x1x16xf32>,
      %parallel_loop3A_822 = vector.shape_cast %parallel_loop3A_821 : vector<1x1x16xf32> to vector<16xf32>
      %parallel_loop3A_823 = vector.shape_cast %parallel_loop3A_816 : vector<16xf32> to vector<1x1x16xf32>
      tpu.vector_store %arg10[%parallel_loop3A_818, %parallel_loop3A_819, %parallel_loop3A_820], %parallel_loop3A_823 {add = true, strides = array<i32>} : memref<5x128x128xf32, #tpu.memory_space<vmem>>, vector<1x1x16xf32>,
    } {sc.loop_unroll_factor = 4 : i64, sc.parallel_access}
    %add3A_582 = arith.constant 6144 : i32
    %add3A_583 = arith.addi %mul3A_4, %add3A_582 : i32
    %dma_start3A_584 = arith.constant 3 : i32
    %dma_start3A_585 = arith.constant 3 : i32
    %dma_start3A_586 = arith.constant 0 : i32
    %dma_start3A_587 = arith.constant 0 : i32
    %dma_start3A_588 = tpu.memref_slice %arg10[%dma_start3A_584, %dma_start3A_586, %dma_start3A_587] : memref<5x128x128xf32, #tpu.memory_space<vmem>> -> memref<1x128x128xf32, #tpu.memory_space<vmem>>
    %dma_start3A_589 = tpu.memref_squeeze %dma_start3A_588 : memref<1x128x128xf32, #tpu.memory_space<vmem>> -> memref<128x128xf32, #tpu.memory_space<vmem>>
    %dma_start3A_590 = arith.constant 0 : i32
    %dma_start3A_591 = tpu.memref_slice %arg6[%add3A_583, %dma_start3A_590] : memref<204800x128xf32, #tpu.memory_space<hbm>> -> memref<128x128xf32, #tpu.memory_space<hbm>>
    %dma_start3A_592 = tpu.memref_slice %arg12[%dma_start3A_585] : memref<5x!tpu.dma_semaphore, #tpu.memory_space<semaphore_mem>> -> memref<1x!tpu.dma_semaphore, #tpu.memory_space<semaphore_mem>>
    %dma_start3A_593 = tpu.memref_squeeze %dma_start3A_592 : memref<1x!tpu.dma_semaphore, #tpu.memory_space<semaphore_mem>> -> memref<!tpu.dma_semaphore, #tpu.memory_space<semaphore_mem>>
    %dma_start3A_594 = arith.constant 0 : i32
    %dma_start3A_595 = tpu.memref_slice %arg6[%add3A_583, %dma_start3A_594] : memref<204800x128xf32, #tpu.memory_space<hbm>> -> memref<128x128xf32, #tpu.memory_space<hbm>>
    %dma_start3A_596 = arith.constant 0 : i32
    %dma_start3A_597 = arith.constant 0 : i32
    %dma_start3A_598 = tpu.memref_slice %arg10[%dma_start3A_584, %dma_start3A_596, %dma_start3A_597] : memref<5x128x128xf32, #tpu.memory_space<vmem>> -> memref<1x128x128xf32, #tpu.memory_space<vmem>>
    %dma_start3A_599 = tpu.memref_squeeze %dma_start3A_598 : memref<1x128x128xf32, #tpu.memory_space<vmem>> -> memref<128x128xf32, #tpu.memory_space<vmem>>
    tpu.enqueue_dma source(%dma_start3A_599 : memref<128x128xf32, #tpu.memory_space<vmem>>) target(%dma_start3A_595 : memref<128x128xf32, #tpu.memory_space<hbm>>) target_semaphore(%dma_start3A_593 : memref<!tpu.dma_semaphore, #tpu.memory_space<semaphore_mem>>)
    %dma_wait3A_600 = arith.constant 4 : i32
    %dma_wait3A_601 = arith.constant 4 : i32
    %dma_wait3A_602 = arith.constant 0 : i32
    %dma_wait3A_603 = arith.constant 0 : i32
    %dma_wait3A_604 = tpu.memref_slice %arg10[%dma_wait3A_600, %dma_wait3A_602, %dma_wait3A_603] : memref<5x128x128xf32, #tpu.memory_space<vmem>> -> memref<1x128x128xf32, #tpu.memory_space<vmem>>
    %dma_wait3A_605 = tpu.memref_squeeze %dma_wait3A_604 : memref<1x128x128xf32, #tpu.memory_space<vmem>> -> memref<128x128xf32, #tpu.memory_space<vmem>>
    %dma_wait3A_606 = arith.constant 6272 : i32
    %dma_wait3A_607 = tpu.memref_slice %arg7[%dma_wait3A_606] : memref<6400xi32, #tpu.memory_space<vmem>> -> memref<128xi32, #tpu.memory_space<vmem>>
    %dma_wait3A_608 = arith.constant 0 : i32
    %dma_wait3A_609 = arith.constant 0 : i32
    %dma_wait3A_610 = tpu.memref_slice %arg3[%dma_wait3A_608, %dma_wait3A_609] : memref<1000000x128xf32, #tpu.memory_space<hbm>> -> memref<1000000x128xf32, #tpu.memory_space<hbm>>
    %dma_wait3A_611 = tpu.memref_slice %arg11[%dma_wait3A_601] : memref<5x!tpu.dma_semaphore, #tpu.memory_space<semaphore_mem>> -> memref<1x!tpu.dma_semaphore, #tpu.memory_space<semaphore_mem>>
    %dma_wait3A_612 = tpu.memref_squeeze %dma_wait3A_611 : memref<1x!tpu.dma_semaphore, #tpu.memory_space<semaphore_mem>> -> memref<!tpu.dma_semaphore, #tpu.memory_space<semaphore_mem>>
    tpu.wait_indirect_dma semaphore(%dma_wait3A_612 : memref<!tpu.dma_semaphore, #tpu.memory_space<semaphore_mem>>) src(%dma_wait3A_610 : memref<1000000x128xf32, #tpu.memory_space<hbm>>) dst(%dma_wait3A_605 : memref<128x128xf32, #tpu.memory_space<vmem>>)
    %rem3A_613 = arith.constant 6272 : i32
    %rem3A_614 = arith.constant 200 : i32
    %rem3A_615 = arith.remsi %rem3A_613, %rem3A_614 : i32
    %parallel_loop3A_616 = arith.constant 0 : i32
    %parallel_loop3A_617 = arith.constant 128 : i32
    %parallel_loop3A_618 = arith.constant 1 : i32
    scf.for %parallel_loop3A_727 = %parallel_loop3A_616 to %parallel_loop3A_617 step %parallel_loop3A_618  : i32 {
      %parallel_loop3A_728 = arith.addi %rem3A_615, %parallel_loop3A_727 : i32
      %parallel_loop3A_729 = arith.index_cast %parallel_loop3A_728 : i32 to index
      %parallel_loop3A_730 = arith.constant 0 : index
      %parallel_loop3A_731 = tpu.vector_load %arg8[%parallel_loop3A_729, %parallel_loop3A_730] {strides = array<i32>} : memref<320x128xf32, #tpu.memory_space<vmem>>, vector<1x16xf32>,
      %parallel_loop3A_732 = vector.shape_cast %parallel_loop3A_731 : vector<1x16xf32> to vector<16xf32>
      %parallel_loop3A_733 = arith.constant 4 : i32
      %parallel_loop3A_734 = arith.index_cast %parallel_loop3A_733 : i32 to index
      %parallel_loop3A_735 = arith.index_cast %parallel_loop3A_727 : i32 to index
      %parallel_loop3A_736 = arith.constant 0 : index
      %parallel_loop3A_737 = tpu.vector_load %arg10[%parallel_loop3A_734, %parallel_loop3A_735, %parallel_loop3A_736] {strides = array<i32>} : memref<5x128x128xf32, #tpu.memory_space<vmem>>, vector<1x1x16xf32>,
      %parallel_loop3A_738 = vector.shape_cast %parallel_loop3A_737 : vector<1x1x16xf32> to vector<16xf32>
      %parallel_loop3A_739 = vector.shape_cast %parallel_loop3A_732 : vector<16xf32> to vector<1x1x16xf32>
      tpu.vector_store %arg10[%parallel_loop3A_734, %parallel_loop3A_735, %parallel_loop3A_736], %parallel_loop3A_739 {add = true, strides = array<i32>} : memref<5x128x128xf32, #tpu.memory_space<vmem>>, vector<1x1x16xf32>,
      %parallel_loop3A_740 = arith.addi %rem3A_615, %parallel_loop3A_727 : i32
      %parallel_loop3A_741 = arith.index_cast %parallel_loop3A_740 : i32 to index
      %parallel_loop3A_742 = arith.constant 16 : index
      %parallel_loop3A_743 = tpu.vector_load %arg8[%parallel_loop3A_741, %parallel_loop3A_742] {strides = array<i32>} : memref<320x128xf32, #tpu.memory_space<vmem>>, vector<1x16xf32>,
      %parallel_loop3A_744 = vector.shape_cast %parallel_loop3A_743 : vector<1x16xf32> to vector<16xf32>
      %parallel_loop3A_745 = arith.constant 4 : i32
      %parallel_loop3A_746 = arith.index_cast %parallel_loop3A_745 : i32 to index
      %parallel_loop3A_747 = arith.index_cast %parallel_loop3A_727 : i32 to index
      %parallel_loop3A_748 = arith.constant 16 : index
      %parallel_loop3A_749 = tpu.vector_load %arg10[%parallel_loop3A_746, %parallel_loop3A_747, %parallel_loop3A_748] {strides = array<i32>} : memref<5x128x128xf32, #tpu.memory_space<vmem>>, vector<1x1x16xf32>,
      %parallel_loop3A_750 = vector.shape_cast %parallel_loop3A_749 : vector<1x1x16xf32> to vector<16xf32>
      %parallel_loop3A_751 = vector.shape_cast %parallel_loop3A_744 : vector<16xf32> to vector<1x1x16xf32>
      tpu.vector_store %arg10[%parallel_loop3A_746, %parallel_loop3A_747, %parallel_loop3A_748], %parallel_loop3A_751 {add = true, strides = array<i32>} : memref<5x128x128xf32, #tpu.memory_space<vmem>>, vector<1x1x16xf32>,
      %parallel_loop3A_752 = arith.addi %rem3A_615, %parallel_loop3A_727 : i32
      %parallel_loop3A_753 = arith.index_cast %parallel_loop3A_752 : i32 to index
      %parallel_loop3A_754 = arith.constant 32 : index
      %parallel_loop3A_755 = tpu.vector_load %arg8[%parallel_loop3A_753, %parallel_loop3A_754] {strides = array<i32>} : memref<320x128xf32, #tpu.memory_space<vmem>>, vector<1x16xf32>,
      %parallel_loop3A_756 = vector.shape_cast %parallel_loop3A_755 : vector<1x16xf32> to vector<16xf32>
      %parallel_loop3A_757 = arith.constant 4 : i32
      %parallel_loop3A_758 = arith.index_cast %parallel_loop3A_757 : i32 to index
      %parallel_loop3A_759 = arith.index_cast %parallel_loop3A_727 : i32 to index
      %parallel_loop3A_760 = arith.constant 32 : index
      %parallel_loop3A_761 = tpu.vector_load %arg10[%parallel_loop3A_758, %parallel_loop3A_759, %parallel_loop3A_760] {strides = array<i32>} : memref<5x128x128xf32, #tpu.memory_space<vmem>>, vector<1x1x16xf32>,
      %parallel_loop3A_762 = vector.shape_cast %parallel_loop3A_761 : vector<1x1x16xf32> to vector<16xf32>
      %parallel_loop3A_763 = vector.shape_cast %parallel_loop3A_756 : vector<16xf32> to vector<1x1x16xf32>
      tpu.vector_store %arg10[%parallel_loop3A_758, %parallel_loop3A_759, %parallel_loop3A_760], %parallel_loop3A_763 {add = true, strides = array<i32>} : memref<5x128x128xf32, #tpu.memory_space<vmem>>, vector<1x1x16xf32>,
      %parallel_loop3A_764 = arith.addi %rem3A_615, %parallel_loop3A_727 : i32
      %parallel_loop3A_765 = arith.index_cast %parallel_loop3A_764 : i32 to index
      %parallel_loop3A_766 = arith.constant 48 : index
      %parallel_loop3A_767 = tpu.vector_load %arg8[%parallel_loop3A_765, %parallel_loop3A_766] {strides = array<i32>} : memref<320x128xf32, #tpu.memory_space<vmem>>, vector<1x16xf32>,
      %parallel_loop3A_768 = vector.shape_cast %parallel_loop3A_767 : vector<1x16xf32> to vector<16xf32>
      %parallel_loop3A_769 = arith.constant 4 : i32
      %parallel_loop3A_770 = arith.index_cast %parallel_loop3A_769 : i32 to index
      %parallel_loop3A_771 = arith.index_cast %parallel_loop3A_727 : i32 to index
      %parallel_loop3A_772 = arith.constant 48 : index
      %parallel_loop3A_773 = tpu.vector_load %arg10[%parallel_loop3A_770, %parallel_loop3A_771, %parallel_loop3A_772] {strides = array<i32>} : memref<5x128x128xf32, #tpu.memory_space<vmem>>, vector<1x1x16xf32>,
      %parallel_loop3A_774 = vector.shape_cast %parallel_loop3A_773 : vector<1x1x16xf32> to vector<16xf32>
      %parallel_loop3A_775 = vector.shape_cast %parallel_loop3A_768 : vector<16xf32> to vector<1x1x16xf32>
      tpu.vector_store %arg10[%parallel_loop3A_770, %parallel_loop3A_771, %parallel_loop3A_772], %parallel_loop3A_775 {add = true, strides = array<i32>} : memref<5x128x128xf32, #tpu.memory_space<vmem>>, vector<1x1x16xf32>,
      %parallel_loop3A_776 = arith.addi %rem3A_615, %parallel_loop3A_727 : i32
      %parallel_loop3A_777 = arith.index_cast %parallel_loop3A_776 : i32 to index
      %parallel_loop3A_778 = arith.constant 64 : index
      %parallel_loop3A_779 = tpu.vector_load %arg8[%parallel_loop3A_777, %parallel_loop3A_778] {strides = array<i32>} : memref<320x128xf32, #tpu.memory_space<vmem>>, vector<1x16xf32>,
      %parallel_loop3A_780 = vector.shape_cast %parallel_loop3A_779 : vector<1x16xf32> to vector<16xf32>
      %parallel_loop3A_781 = arith.constant 4 : i32
      %parallel_loop3A_782 = arith.index_cast %parallel_loop3A_781 : i32 to index
      %parallel_loop3A_783 = arith.index_cast %parallel_loop3A_727 : i32 to index
      %parallel_loop3A_784 = arith.constant 64 : index
      %parallel_loop3A_785 = tpu.vector_load %arg10[%parallel_loop3A_782, %parallel_loop3A_783, %parallel_loop3A_784] {strides = array<i32>} : memref<5x128x128xf32, #tpu.memory_space<vmem>>, vector<1x1x16xf32>,
      %parallel_loop3A_786 = vector.shape_cast %parallel_loop3A_785 : vector<1x1x16xf32> to vector<16xf32>
      %parallel_loop3A_787 = vector.shape_cast %parallel_loop3A_780 : vector<16xf32> to vector<1x1x16xf32>
      tpu.vector_store %arg10[%parallel_loop3A_782, %parallel_loop3A_783, %parallel_loop3A_784], %parallel_loop3A_787 {add = true, strides = array<i32>} : memref<5x128x128xf32, #tpu.memory_space<vmem>>, vector<1x1x16xf32>,
      %parallel_loop3A_788 = arith.addi %rem3A_615, %parallel_loop3A_727 : i32
      %parallel_loop3A_789 = arith.index_cast %parallel_loop3A_788 : i32 to index
      %parallel_loop3A_790 = arith.constant 80 : index
      %parallel_loop3A_791 = tpu.vector_load %arg8[%parallel_loop3A_789, %parallel_loop3A_790] {strides = array<i32>} : memref<320x128xf32, #tpu.memory_space<vmem>>, vector<1x16xf32>,
      %parallel_loop3A_792 = vector.shape_cast %parallel_loop3A_791 : vector<1x16xf32> to vector<16xf32>
      %parallel_loop3A_793 = arith.constant 4 : i32
      %parallel_loop3A_794 = arith.index_cast %parallel_loop3A_793 : i32 to index
      %parallel_loop3A_795 = arith.index_cast %parallel_loop3A_727 : i32 to index
      %parallel_loop3A_796 = arith.constant 80 : index
      %parallel_loop3A_797 = tpu.vector_load %arg10[%parallel_loop3A_794, %parallel_loop3A_795, %parallel_loop3A_796] {strides = array<i32>} : memref<5x128x128xf32, #tpu.memory_space<vmem>>, vector<1x1x16xf32>,
      %parallel_loop3A_798 = vector.shape_cast %parallel_loop3A_797 : vector<1x1x16xf32> to vector<16xf32>
      %parallel_loop3A_799 = vector.shape_cast %parallel_loop3A_792 : vector<16xf32> to vector<1x1x16xf32>
      tpu.vector_store %arg10[%parallel_loop3A_794, %parallel_loop3A_795, %parallel_loop3A_796], %parallel_loop3A_799 {add = true, strides = array<i32>} : memref<5x128x128xf32, #tpu.memory_space<vmem>>, vector<1x1x16xf32>,
      %parallel_loop3A_800 = arith.addi %rem3A_615, %parallel_loop3A_727 : i32
      %parallel_loop3A_801 = arith.index_cast %parallel_loop3A_800 : i32 to index
      %parallel_loop3A_802 = arith.constant 96 : index
      %parallel_loop3A_803 = tpu.vector_load %arg8[%parallel_loop3A_801, %parallel_loop3A_802] {strides = array<i32>} : memref<320x128xf32, #tpu.memory_space<vmem>>, vector<1x16xf32>,
      %parallel_loop3A_804 = vector.shape_cast %parallel_loop3A_803 : vector<1x16xf32> to vector<16xf32>
      %parallel_loop3A_805 = arith.constant 4 : i32
      %parallel_loop3A_806 = arith.index_cast %parallel_loop3A_805 : i32 to index
      %parallel_loop3A_807 = arith.index_cast %parallel_loop3A_727 : i32 to index
      %parallel_loop3A_808 = arith.constant 96 : index
      %parallel_loop3A_809 = tpu.vector_load %arg10[%parallel_loop3A_806, %parallel_loop3A_807, %parallel_loop3A_808] {strides = array<i32>} : memref<5x128x128xf32, #tpu.memory_space<vmem>>, vector<1x1x16xf32>,
      %parallel_loop3A_810 = vector.shape_cast %parallel_loop3A_809 : vector<1x1x16xf32> to vector<16xf32>
      %parallel_loop3A_811 = vector.shape_cast %parallel_loop3A_804 : vector<16xf32> to vector<1x1x16xf32>
      tpu.vector_store %arg10[%parallel_loop3A_806, %parallel_loop3A_807, %parallel_loop3A_808], %parallel_loop3A_811 {add = true, strides = array<i32>} : memref<5x128x128xf32, #tpu.memory_space<vmem>>, vector<1x1x16xf32>,
      %parallel_loop3A_812 = arith.addi %rem3A_615, %parallel_loop3A_727 : i32
      %parallel_loop3A_813 = arith.index_cast %parallel_loop3A_812 : i32 to index
      %parallel_loop3A_814 = arith.constant 112 : index
      %parallel_loop3A_815 = tpu.vector_load %arg8[%parallel_loop3A_813, %parallel_loop3A_814] {strides = array<i32>} : memref<320x128xf32, #tpu.memory_space<vmem>>, vector<1x16xf32>,
      %parallel_loop3A_816 = vector.shape_cast %parallel_loop3A_815 : vector<1x16xf32> to vector<16xf32>
      %parallel_loop3A_817 = arith.constant 4 : i32
      %parallel_loop3A_818 = arith.index_cast %parallel_loop3A_817 : i32 to index
      %parallel_loop3A_819 = arith.index_cast %parallel_loop3A_727 : i32 to index
      %parallel_loop3A_820 = arith.constant 112 : index
      %parallel_loop3A_821 = tpu.vector_load %arg10[%parallel_loop3A_818, %parallel_loop3A_819, %parallel_loop3A_820] {strides = array<i32>} : memref<5x128x128xf32, #tpu.memory_space<vmem>>, vector<1x1x16xf32>,
      %parallel_loop3A_822 = vector.shape_cast %parallel_loop3A_821 : vector<1x1x16xf32> to vector<16xf32>
      %parallel_loop3A_823 = vector.shape_cast %parallel_loop3A_816 : vector<16xf32> to vector<1x1x16xf32>
      tpu.vector_store %arg10[%parallel_loop3A_818, %parallel_loop3A_819, %parallel_loop3A_820], %parallel_loop3A_823 {add = true, strides = array<i32>} : memref<5x128x128xf32, #tpu.memory_space<vmem>>, vector<1x1x16xf32>,
    } {sc.loop_unroll_factor = 4 : i64, sc.parallel_access}
    %add3A_619 = arith.constant 6272 : i32
    %add3A_620 = arith.addi %mul3A_4, %add3A_619 : i32
    %dma_start3A_621 = arith.constant 4 : i32
    %dma_start3A_622 = arith.constant 4 : i32
    %dma_start3A_623 = arith.constant 0 : i32
    %dma_start3A_624 = arith.constant 0 : i32
    %dma_start3A_625 = tpu.memref_slice %arg10[%dma_start3A_621, %dma_start3A_623, %dma_start3A_624] : memref<5x128x128xf32, #tpu.memory_space<vmem>> -> memref<1x128x128xf32, #tpu.memory_space<vmem>>
    %dma_start3A_626 = tpu.memref_squeeze %dma_start3A_625 : memref<1x128x128xf32, #tpu.memory_space<vmem>> -> memref<128x128xf32, #tpu.memory_space<vmem>>
    %dma_start3A_627 = arith.constant 0 : i32
    %dma_start3A_628 = tpu.memref_slice %arg6[%add3A_620, %dma_start3A_627] : memref<204800x128xf32, #tpu.memory_space<hbm>> -> memref<128x128xf32, #tpu.memory_space<hbm>>
    %dma_start3A_629 = tpu.memref_slice %arg12[%dma_start3A_622] : memref<5x!tpu.dma_semaphore, #tpu.memory_space<semaphore_mem>> -> memref<1x!tpu.dma_semaphore, #tpu.memory_space<semaphore_mem>>
    %dma_start3A_630 = tpu.memref_squeeze %dma_start3A_629 : memref<1x!tpu.dma_semaphore, #tpu.memory_space<semaphore_mem>> -> memref<!tpu.dma_semaphore, #tpu.memory_space<semaphore_mem>>
    %dma_start3A_631 = arith.constant 0 : i32
    %dma_start3A_632 = tpu.memref_slice %arg6[%add3A_620, %dma_start3A_631] : memref<204800x128xf32, #tpu.memory_space<hbm>> -> memref<128x128xf32, #tpu.memory_space<hbm>>
    %dma_start3A_633 = arith.constant 0 : i32
    %dma_start3A_634 = arith.constant 0 : i32
    %dma_start3A_635 = tpu.memref_slice %arg10[%dma_start3A_621, %dma_start3A_633, %dma_start3A_634] : memref<5x128x128xf32, #tpu.memory_space<vmem>> -> memref<1x128x128xf32, #tpu.memory_space<vmem>>
    %dma_start3A_636 = tpu.memref_squeeze %dma_start3A_635 : memref<1x128x128xf32, #tpu.memory_space<vmem>> -> memref<128x128xf32, #tpu.memory_space<vmem>>
    tpu.enqueue_dma source(%dma_start3A_636 : memref<128x128xf32, #tpu.memory_space<vmem>>) target(%dma_start3A_632 : memref<128x128xf32, #tpu.memory_space<hbm>>) target_semaphore(%dma_start3A_630 : memref<!tpu.dma_semaphore, #tpu.memory_space<semaphore_mem>>)
    %add3A_637 = arith.constant 5760 : i32
    %add3A_638 = arith.addi %mul3A_4, %add3A_637 : i32
    %dma_wait3A_639 = arith.constant 0 : i32
    %dma_wait3A_640 = arith.constant 0 : i32
    %dma_wait3A_641 = arith.constant 0 : i32
    %dma_wait3A_642 = arith.constant 0 : i32
    %dma_wait3A_643 = tpu.memref_slice %arg10[%dma_wait3A_639, %dma_wait3A_641, %dma_wait3A_642] : memref<5x128x128xf32, #tpu.memory_space<vmem>> -> memref<1x128x128xf32, #tpu.memory_space<vmem>>
    %dma_wait3A_644 = tpu.memref_squeeze %dma_wait3A_643 : memref<1x128x128xf32, #tpu.memory_space<vmem>> -> memref<128x128xf32, #tpu.memory_space<vmem>>
    %dma_wait3A_645 = arith.constant 0 : i32
    %dma_wait3A_646 = tpu.memref_slice %arg6[%add3A_638, %dma_wait3A_645] : memref<204800x128xf32, #tpu.memory_space<hbm>> -> memref<128x128xf32, #tpu.memory_space<hbm>>
    %dma_wait3A_647 = tpu.memref_slice %arg12[%dma_wait3A_640] : memref<5x!tpu.dma_semaphore, #tpu.memory_space<semaphore_mem>> -> memref<1x!tpu.dma_semaphore, #tpu.memory_space<semaphore_mem>>
    %dma_wait3A_648 = tpu.memref_squeeze %dma_wait3A_647 : memref<1x!tpu.dma_semaphore, #tpu.memory_space<semaphore_mem>> -> memref<!tpu.dma_semaphore, #tpu.memory_space<semaphore_mem>>
    %dma_wait3A_649 = arith.constant 0 : i32
    %dma_wait3A_650 = tpu.memref_slice %arg6[%add3A_638, %dma_wait3A_649] : memref<204800x128xf32, #tpu.memory_space<hbm>> -> memref<128x128xf32, #tpu.memory_space<hbm>>
    %dma_wait3A_651 = arith.constant 0 : i32
    %dma_wait3A_652 = arith.constant 0 : i32
    %dma_wait3A_653 = tpu.memref_slice %arg10[%dma_wait3A_639, %dma_wait3A_651, %dma_wait3A_652] : memref<5x128x128xf32, #tpu.memory_space<vmem>> -> memref<1x128x128xf32, #tpu.memory_space<vmem>>
    %dma_wait3A_654 = tpu.memref_squeeze %dma_wait3A_653 : memref<1x128x128xf32, #tpu.memory_space<vmem>> -> memref<128x128xf32, #tpu.memory_space<vmem>>
    tpu.wait_dma2 semaphore(%dma_wait3A_648 : memref<!tpu.dma_semaphore, #tpu.memory_space<semaphore_mem>>) src(%dma_wait3A_654 : memref<128x128xf32, #tpu.memory_space<vmem>>) dst(%dma_wait3A_650 : memref<128x128xf32, #tpu.memory_space<hbm>>)
    %add3A_655 = arith.constant 5888 : i32
    %add3A_656 = arith.addi %mul3A_4, %add3A_655 : i32
    %dma_wait3A_657 = arith.constant 1 : i32
    %dma_wait3A_658 = arith.constant 1 : i32
    %dma_wait3A_659 = arith.constant 0 : i32
    %dma_wait3A_660 = arith.constant 0 : i32
    %dma_wait3A_661 = tpu.memref_slice %arg10[%dma_wait3A_657, %dma_wait3A_659, %dma_wait3A_660] : memref<5x128x128xf32, #tpu.memory_space<vmem>> -> memref<1x128x128xf32, #tpu.memory_space<vmem>>
    %dma_wait3A_662 = tpu.memref_squeeze %dma_wait3A_661 : memref<1x128x128xf32, #tpu.memory_space<vmem>> -> memref<128x128xf32, #tpu.memory_space<vmem>>
    %dma_wait3A_663 = arith.constant 0 : i32
    %dma_wait3A_664 = tpu.memref_slice %arg6[%add3A_656, %dma_wait3A_663] : memref<204800x128xf32, #tpu.memory_space<hbm>> -> memref<128x128xf32, #tpu.memory_space<hbm>>
    %dma_wait3A_665 = tpu.memref_slice %arg12[%dma_wait3A_658] : memref<5x!tpu.dma_semaphore, #tpu.memory_space<semaphore_mem>> -> memref<1x!tpu.dma_semaphore, #tpu.memory_space<semaphore_mem>>
    %dma_wait3A_666 = tpu.memref_squeeze %dma_wait3A_665 : memref<1x!tpu.dma_semaphore, #tpu.memory_space<semaphore_mem>> -> memref<!tpu.dma_semaphore, #tpu.memory_space<semaphore_mem>>
    %dma_wait3A_667 = arith.constant 0 : i32
    %dma_wait3A_668 = tpu.memref_slice %arg6[%add3A_656, %dma_wait3A_667] : memref<204800x128xf32, #tpu.memory_space<hbm>> -> memref<128x128xf32, #tpu.memory_space<hbm>>
    %dma_wait3A_669 = arith.constant 0 : i32
    %dma_wait3A_670 = arith.constant 0 : i32
    %dma_wait3A_671 = tpu.memref_slice %arg10[%dma_wait3A_657, %dma_wait3A_669, %dma_wait3A_670] : memref<5x128x128xf32, #tpu.memory_space<vmem>> -> memref<1x128x128xf32, #tpu.memory_space<vmem>>
    %dma_wait3A_672 = tpu.memref_squeeze %dma_wait3A_671 : memref<1x128x128xf32, #tpu.memory_space<vmem>> -> memref<128x128xf32, #tpu.memory_space<vmem>>
    tpu.wait_dma2 semaphore(%dma_wait3A_666 : memref<!tpu.dma_semaphore, #tpu.memory_space<semaphore_mem>>) src(%dma_wait3A_672 : memref<128x128xf32, #tpu.memory_space<vmem>>) dst(%dma_wait3A_668 : memref<128x128xf32, #tpu.memory_space<hbm>>)
    %add3A_673 = arith.constant 6016 : i32
    %add3A_674 = arith.addi %mul3A_4, %add3A_673 : i32
    %dma_wait3A_675 = arith.constant 2 : i32
    %dma_wait3A_676 = arith.constant 2 : i32
    %dma_wait3A_677 = arith.constant 0 : i32
    %dma_wait3A_678 = arith.constant 0 : i32
    %dma_wait3A_679 = tpu.memref_slice %arg10[%dma_wait3A_675, %dma_wait3A_677, %dma_wait3A_678] : memref<5x128x128xf32, #tpu.memory_space<vmem>> -> memref<1x128x128xf32, #tpu.memory_space<vmem>>
    %dma_wait3A_680 = tpu.memref_squeeze %dma_wait3A_679 : memref<1x128x128xf32, #tpu.memory_space<vmem>> -> memref<128x128xf32, #tpu.memory_space<vmem>>
    %dma_wait3A_681 = arith.constant 0 : i32
    %dma_wait3A_682 = tpu.memref_slice %arg6[%add3A_674, %dma_wait3A_681] : memref<204800x128xf32, #tpu.memory_space<hbm>> -> memref<128x128xf32, #tpu.memory_space<hbm>>
    %dma_wait3A_683 = tpu.memref_slice %arg12[%dma_wait3A_676] : memref<5x!tpu.dma_semaphore, #tpu.memory_space<semaphore_mem>> -> memref<1x!tpu.dma_semaphore, #tpu.memory_space<semaphore_mem>>
    %dma_wait3A_684 = tpu.memref_squeeze %dma_wait3A_683 : memref<1x!tpu.dma_semaphore, #tpu.memory_space<semaphore_mem>> -> memref<!tpu.dma_semaphore, #tpu.memory_space<semaphore_mem>>
    %dma_wait3A_685 = arith.constant 0 : i32
    %dma_wait3A_686 = tpu.memref_slice %arg6[%add3A_674, %dma_wait3A_685] : memref<204800x128xf32, #tpu.memory_space<hbm>> -> memref<128x128xf32, #tpu.memory_space<hbm>>
    %dma_wait3A_687 = arith.constant 0 : i32
    %dma_wait3A_688 = arith.constant 0 : i32
    %dma_wait3A_689 = tpu.memref_slice %arg10[%dma_wait3A_675, %dma_wait3A_687, %dma_wait3A_688] : memref<5x128x128xf32, #tpu.memory_space<vmem>> -> memref<1x128x128xf32, #tpu.memory_space<vmem>>
    %dma_wait3A_690 = tpu.memref_squeeze %dma_wait3A_689 : memref<1x128x128xf32, #tpu.memory_space<vmem>> -> memref<128x128xf32, #tpu.memory_space<vmem>>
    tpu.wait_dma2 semaphore(%dma_wait3A_684 : memref<!tpu.dma_semaphore, #tpu.memory_space<semaphore_mem>>) src(%dma_wait3A_690 : memref<128x128xf32, #tpu.memory_space<vmem>>) dst(%dma_wait3A_686 : memref<128x128xf32, #tpu.memory_space<hbm>>)
    %add3A_691 = arith.constant 6144 : i32
    %add3A_692 = arith.addi %mul3A_4, %add3A_691 : i32
    %dma_wait3A_693 = arith.constant 3 : i32
    %dma_wait3A_694 = arith.constant 3 : i32
    %dma_wait3A_695 = arith.constant 0 : i32
    %dma_wait3A_696 = arith.constant 0 : i32
    %dma_wait3A_697 = tpu.memref_slice %arg10[%dma_wait3A_693, %dma_wait3A_695, %dma_wait3A_696] : memref<5x128x128xf32, #tpu.memory_space<vmem>> -> memref<1x128x128xf32, #tpu.memory_space<vmem>>
    %dma_wait3A_698 = tpu.memref_squeeze %dma_wait3A_697 : memref<1x128x128xf32, #tpu.memory_space<vmem>> -> memref<128x128xf32, #tpu.memory_space<vmem>>
    %dma_wait3A_699 = arith.constant 0 : i32
    %dma_wait3A_700 = tpu.memref_slice %arg6[%add3A_692, %dma_wait3A_699] : memref<204800x128xf32, #tpu.memory_space<hbm>> -> memref<128x128xf32, #tpu.memory_space<hbm>>
    %dma_wait3A_701 = tpu.memref_slice %arg12[%dma_wait3A_694] : memref<5x!tpu.dma_semaphore, #tpu.memory_space<semaphore_mem>> -> memref<1x!tpu.dma_semaphore, #tpu.memory_space<semaphore_mem>>
    %dma_wait3A_702 = tpu.memref_squeeze %dma_wait3A_701 : memref<1x!tpu.dma_semaphore, #tpu.memory_space<semaphore_mem>> -> memref<!tpu.dma_semaphore, #tpu.memory_space<semaphore_mem>>
    %dma_wait3A_703 = arith.constant 0 : i32
    %dma_wait3A_704 = tpu.memref_slice %arg6[%add3A_692, %dma_wait3A_703] : memref<204800x128xf32, #tpu.memory_space<hbm>> -> memref<128x128xf32, #tpu.memory_space<hbm>>
    %dma_wait3A_705 = arith.constant 0 : i32
    %dma_wait3A_706 = arith.constant 0 : i32
    %dma_wait3A_707 = tpu.memref_slice %arg10[%dma_wait3A_693, %dma_wait3A_705, %dma_wait3A_706] : memref<5x128x128xf32, #tpu.memory_space<vmem>> -> memref<1x128x128xf32, #tpu.memory_space<vmem>>
    %dma_wait3A_708 = tpu.memref_squeeze %dma_wait3A_707 : memref<1x128x128xf32, #tpu.memory_space<vmem>> -> memref<128x128xf32, #tpu.memory_space<vmem>>
    tpu.wait_dma2 semaphore(%dma_wait3A_702 : memref<!tpu.dma_semaphore, #tpu.memory_space<semaphore_mem>>) src(%dma_wait3A_708 : memref<128x128xf32, #tpu.memory_space<vmem>>) dst(%dma_wait3A_704 : memref<128x128xf32, #tpu.memory_space<hbm>>)
    %add3A_709 = arith.constant 6272 : i32
    %add3A_710 = arith.addi %mul3A_4, %add3A_709 : i32
    %dma_wait3A_711 = arith.constant 4 : i32
    %dma_wait3A_712 = arith.constant 4 : i32
    %dma_wait3A_713 = arith.constant 0 : i32
    %dma_wait3A_714 = arith.constant 0 : i32
    %dma_wait3A_715 = tpu.memref_slice %arg10[%dma_wait3A_711, %dma_wait3A_713, %dma_wait3A_714] : memref<5x128x128xf32, #tpu.memory_space<vmem>> -> memref<1x128x128xf32, #tpu.memory_space<vmem>>
    %dma_wait3A_716 = tpu.memref_squeeze %dma_wait3A_715 : memref<1x128x128xf32, #tpu.memory_space<vmem>> -> memref<128x128xf32, #tpu.memory_space<vmem>>
    %dma_wait3A_717 = arith.constant 0 : i32
    %dma_wait3A_718 = tpu.memref_slice %arg6[%add3A_710, %dma_wait3A_717] : memref<204800x128xf32, #tpu.memory_space<hbm>> -> memref<128x128xf32, #tpu.memory_space<hbm>>
    %dma_wait3A_719 = tpu.memref_slice %arg12[%dma_wait3A_712] : memref<5x!tpu.dma_semaphore, #tpu.memory_space<semaphore_mem>> -> memref<1x!tpu.dma_semaphore, #tpu.memory_space<semaphore_mem>>
    %dma_wait3A_720 = tpu.memref_squeeze %dma_wait3A_719 : memref<1x!tpu.dma_semaphore, #tpu.memory_space<semaphore_mem>> -> memref<!tpu.dma_semaphore, #tpu.memory_space<semaphore_mem>>
    %dma_wait3A_721 = arith.constant 0 : i32
    %dma_wait3A_722 = tpu.memref_slice %arg6[%add3A_710, %dma_wait3A_721] : memref<204800x128xf32, #tpu.memory_space<hbm>> -> memref<128x128xf32, #tpu.memory_space<hbm>>
    %dma_wait3A_723 = arith.constant 0 : i32
    %dma_wait3A_724 = arith.constant 0 : i32
    %dma_wait3A_725 = tpu.memref_slice %arg10[%dma_wait3A_711, %dma_wait3A_723, %dma_wait3A_724] : memref<5x128x128xf32, #tpu.memory_space<vmem>> -> memref<1x128x128xf32, #tpu.memory_space<vmem>>
    %dma_wait3A_726 = tpu.memref_squeeze %dma_wait3A_725 : memref<1x128x128xf32, #tpu.memory_space<vmem>> -> memref<128x128xf32, #tpu.memory_space<vmem>>
    tpu.wait_dma2 semaphore(%dma_wait3A_720 : memref<!tpu.dma_semaphore, #tpu.memory_space<semaphore_mem>>) src(%dma_wait3A_726 : memref<128x128xf32, #tpu.memory_space<vmem>>) dst(%dma_wait3A_722 : memref<128x128xf32, #tpu.memory_space<hbm>>)
    return
  }
}

</mosaic_0001>

<sc_bundles>
// kernel: kernel.3.cloned.1.call-start
scs
__scs_entry_jumppad:
0x0: {  	(pc) =	sbr.rel $0x88, $3  }
0x1: {  	(tag) =	ssettag $0x0;
	lr =	simm.s32 $0x1  }
0x2: {  	[smem:$0x3F9D] =	sst lr;
	_ =	strace $0xD0000000  }
0x3: {  	_ = 	snop  }
0x4: {  	_ = 	snop  }
0x5: {  	_ = 	snop  }
0x6: {  	_ = 	snop  }
0x7: {  	_ = 	snop  }
__scs_overlays_trampoline_lowered:
0x8: {  	[smem:$0x3FAC] =	sst s0  }
0x9: {  	[smem:$0x3FAD] =	sst s1  }
0xa: {  	[smem:$0x3FAE] =	sst s2  }
0xb: {  	[smem:$0x3FAF] =	sst s3  }
0xc: {  	[smem:$0x3FB0] =	sst s4  }
0xd: {  	[smem:$0x3FB1] =	sst s5  }
0xe: {  	[smem:$0x3FB2] =	sst s6  }
0xf: {  	[smem:$0x3FB3] =	sst s7  }
0x10: {  	[smem:$0x3FB4] =	sst s8  }
0x11: {  	[smem:$0x3FB5] =	sst s9;
	s0 =	simm.s32 @!p0 $0x0  }
0x12: {  	s1 =	sld [smem:$0x3F9B];
	s0 =	simm.s32 @p0 $0x1  }
0x13: {  	[smem:$0x3FB6] =	sst s0;
	s0 =	simm.s32 @!p1 $0x0  }
0x14: {  	s2 =	sld [smem:$0x3F9A];
	s0 =	simm.s32 @p1 $0x1  }
0x15: {  	[smem:$0x3FB7] =	sst s0;
	s0 =	simm.s32 @!p2 $0x0  }
0x16: {  	s3 =	sld [smem:$0x3FDB];
	s0 =	simm.s32 @p2 $0x1  }
0x17: {  	s4 =	simm.s32 $0x1BF5;
	[smem:$0x3FB9] =	sst s0  }
0x18: {  	s0 =	sld [smem:$0x3F9C];
	_ =	swait.ge [sflag:s4], $0x0  }
0x19: {  	s7 =	sld [smem:$0x3F9D]  }
0x1a: {  	s8 =	sadd.s32 $0xFFFFE003, lr  }
0x1b: {  	s9 =	sadd.s32 $0xFFFFFEF7, lr;
	s5 =	simm.s32 $0xFFFFFFFF;
	p2 =	slt.u32 s8, $0xFFFFF086  }
0x1c: {  	p1 =	slt.u32 s9, $0xF7A;
	s5 =	simm.s32 @!p2 $0x0  }
0x1d: {  	s5 =	simm.s32 @p1 $0x1;
	p0 =	seq.s32 s7, s2  }
0x1e: {  	s7 =	smul.u32 @!p0 $0xF7A, s2;
	p2 =	seq.s32 @!p0 s5, $0x0  }
0x1f: {  	s9 =	smul.u32 $0xF7A, s1;
	s8 =	simm.s32 @!p0 $0x1BF5;
	p2 =	por !p2, p0  }
0x20: {  	[sflag:s8] =	ssyncset.s32 @!p0 $0xFFFFF086;
	s6 =	sadd.s32 @!p0 s3, s7;
	s7 =	simm.s32 @!p0 $0x108  }
0x21: {  	s3 =	sadd.s32 s3, s9;
	s6 =	sadd.s32 @!p0 $0x88, s6;
	s7 =	simm.s32 @p2 $0x1082  }
0x22: {  	[simem:s7], [sflag:s8] =	dma.local @!p0 [hbm:s6], $0xF7A  }
0x23: {  	s9 =	sor.u32 $0xD0000000, s2;
	s6 =	simm.s32 $0x108;
	_ =	swait.ge @!p0 [sflag:s8], $0x0  }
0x24: {  	s3 =	sadd.s32 $0x88, s3;
	s6 =	simm.s32 @!p1 $0x1082;
	[sflag:s4] =	ssyncset.s32 $0xFFFFF086  }
0x25: {  	[simem:s6], [sflag:s4] =	dma.local [hbm:s3], $0xF7A  }
0x26: {  	[smem:$0x3F9D] =	sst s1;
	(tag) =	ssettag s2;
	_ =	strace s9  }
0x27: {  	s1 =	sld [smem:$0x3FAD]  }
0x28: {  	s2 =	sld [smem:$0x3FAE]  }
0x29: {  	s4 =	sld [smem:$0x3FB0]  }
0x2a: {  	p0 =	seq.s32 s5, $0x0;
	s5 =	sld [smem:$0x3FB1]  }
0x2b: {  	s6 =	sld [smem:$0x3FB2]  }
0x2c: {  	s7 =	sld [smem:$0x3FB3]  }
0x2d: {  	s3 =	simm.s32 $0x108;
	s8 =	sld [smem:$0x3FB4]  }
0x2e: {  	s3 =	simm.s32 @!p0 $0x1082;
	s9 =	sld [smem:$0x3FB5]  }
0x2f: {  	lr =	sadd.s32 s0, s3;
	s0 =	sld [smem:$0x3FAC]  }
0x30: {  	s3 =	sld [smem:$0x3FAF]  }
0x31: {  	[smem:$0x3FB8] =	sst s10  }
0x32: {  	s10 =	sld [smem:$0x3FB6];
	_ =	sdelay $0x3  }
0x33: {  	p0 =	seq.s32 s10, $0x1;
	s10 =	sld [smem:$0x3FB8];
	_ =	sdelay $0x3  }
0x34: {  	[smem:$0x3FB8] =	sst s10  }
0x35: {  	s10 =	sld [smem:$0x3FB7];
	_ =	sdelay $0x3  }
0x36: {  	p1 =	seq.s32 s10, $0x1;
	s10 =	sld [smem:$0x3FB8];
	_ =	sdelay $0x3  }
0x37: {  	[smem:$0x3FB8] =	sst s10  }
0x38: {  	s10 =	sld [smem:$0x3FB9]  }
0x39: {  	_ = 	snop;
	(pc) =	sbr.ind lr, $3  }
0x3a: {  	_ = 	snop  }
0x3b: {  	_ = 	snop  }
0x3c: {  	p2 =	seq.s32 s10, $0x1;
	s10 =	sld [smem:$0x3FB8]  }
0x3d: {  	_ =	shalt  }
0x3e: {  	_ =	shalt  }
0x3f: {  	_ =	shalt  }
0x40: {  	_ =	shalt  }
0x41: {  	_ =	shalt  }
0x42: {  	_ =	shalt  }
0x43: {  	_ =	shalt  }
0x44: {  	_ =	shalt  }
0x45: {  	_ =	shalt  }
0x46: {  	_ =	shalt  }
0x47: {  	_ =	shalt  }
0x48: {  	_ =	shalt  }
0x49: {  	_ =	shalt  }
0x4a: {  	_ =	shalt  }
0x4b: {  	_ =	shalt  }
0x4c: {  	_ =	shalt  }
0x4d: {  	_ =	shalt  }
0x4e: {  	_ =	shalt  }
0x4f: {  	_ =	shalt  }
0x50: {  	_ =	shalt  }
0x51: {  	_ =	shalt  }
0x52: {  	_ =	shalt  }
0x53: {  	_ =	shalt  }
0x54: {  	_ =	shalt  }
0x55: {  	_ =	shalt  }
0x56: {  	_ =	shalt  }
0x57: {  	_ =	shalt  }
0x58: {  	_ =	shalt  }
0x59: {  	_ =	shalt  }
0x5a: {  	_ =	shalt  }
0x5b: {  	_ =	shalt  }
0x5c: {  	_ =	shalt  }
0x5d: {  	_ =	shalt  }
0x5e: {  	_ =	shalt  }
0x5f: {  	_ =	shalt  }
0x60: {  	_ =	shalt  }
0x61: {  	_ =	shalt  }
0x62: {  	_ =	shalt  }
0x63: {  	_ =	shalt  }
0x64: {  	_ =	shalt  }
0x65: {  	_ =	shalt  }
0x66: {  	_ =	shalt  }
0x67: {  	_ =	shalt  }
0x68: {  	_ =	shalt  }
0x69: {  	_ =	shalt  }
0x6a: {  	_ =	shalt  }
0x6b: {  	_ =	shalt  }
0x6c: {  	_ =	shalt  }
0x6d: {  	_ =	shalt  }
0x6e: {  	_ =	shalt  }
0x6f: {  	_ =	shalt  }
0x70: {  	_ =	shalt  }
0x71: {  	_ =	shalt  }
0x72: {  	_ =	shalt  }
0x73: {  	_ =	shalt  }
0x74: {  	_ =	shalt  }
0x75: {  	_ =	shalt  }
0x76: {  	_ =	shalt  }
0x77: {  	_ =	shalt  }
0x78: {  	_ =	shalt  }
0x79: {  	_ =	shalt  }
0x7a: {  	_ =	shalt  }
0x7b: {  	_ =	shalt  }
0x7c: {  	_ =	shalt  }
0x7d: {  	_ =	shalt  }
0x7e: {  	_ =	shalt  }
0x7f: {  	_ =	shalt  }
0x80: {  	_ =	shalt  }
0x81: {  	_ =	shalt  }
0x82: {  	_ =	shalt  }
0x83: {  	_ =	shalt  }
0x84: {  	_ =	shalt  }
0x85: {  	_ =	shalt  }
0x86: {  	_ =	shalt  }
0x87: {  	_ =	shalt  }
.Lfunc_end0:
.L_simem_size_0:
called_computation_lowered:
.L_overlay_start_0:
0x88: {  	s2 =	sld [smem:$0x3FD9]  }
0x89: {  	s3 =	sld [smem:$0x3FFE];
	_ =	sdelay $0x1  }
0x8a: {  	s1 =	srdreg.scid  }
0x8b: {  	s0 =	sand.u32 $0x1, s1  }
0x8c: {  	s17 =	sshll.u32 s0, $0xA;
	s2 =	sadd.s32 s3, s2  }
0x8d: {  	s2 =	sadd.s32 s2, s17  }
0x8e: {  	[smem:$0x3FC4] =	sst s2  }
0x8f: {  	_ = 	snop  }
0x90: {  	s2 =	sld [smem:$0x3FC8]  }
0x91: {  	s18 =	sld [smem:$0x3FC7]  }
0x92: {  	s4 =	sld [smem:$0x3FC6]  }
0x93: {  	s5 =	sld [smem:$0x3FD0];
	(tm) =	ssettm $0x1  }
0x94: {  	s6 =	sld [smem:$0x3FFB];
	_ =	sdelay $0x3  }
0x95: {  	_ =	strace s6  }
0x96: {  	s6 =	sld [smem:$0x3FFC];
	_ =	sdelay $0x3  }
0x97: {  	_ =	strace s6  }
0x98: {  	s6 =	sld [smem:$0x3FFD];
	_ =	sdelay $0x3  }
0x99: {  	_ =	strace s6  }
0x9a: {  	_ =	strace $0x8FFFFFFF  }
0x9b: {  	s19 =	sld [smem:$0x3FDB];
	_ =	sdelay $0x1  }
0x9c: {  	s7 =	simm.s32 $_scs_section_size  }
0x9d: {  	s8 =	simm.s32 $_size__tile_overlayer_lowered;
	s9 =	simm.s32 $_tile_overlayer_lowered  }
0x9e: {  	s22 =	simm.s32 $0x1BFF;
	s21 =	sshll.u32 s9, $0x1;
	s6 =	sadd.s32 s7, s19  }
0x9f: {  	s10 =	simm.s32 $0x0;
	s20 =	sshll.u32 s8, $0x1;
	s8 =	sadd.s32 s21, s6  }
0xa0: {  	[timem:s10], [sflag:s22] =	dma.local [hbm:s8], s20  }
0xa1: {  	_ =	swait.ge [sflag:s22], s20  }
0xa2: {  	s7 =	ssub.s32 $0x0, s20;
	[sflag:s22] =	ssyncset.done $0x0  }
0xa3: {  	[sflag:s22] =	ssyncadd.s32 s7;
	_ =	sdelay $0x1  }
0xa4: {  	s23 =	simm.s32 $0x1B8B  }
0xa5: {  	_ =	swait.ge [sflag:s23], $0x1  }
0xa6: {  	[sflag:s23] =	ssyncset.done $0x0  }
0xa7: {  	s25 =	simm.s32 $0x1B8E;
	s24 =	sld [smem:$0x3FFE];
	[sflag:s23] =	ssyncadd.s32 $0xFFFFFFFF  }
0xa8: {  	s26 =	simm.s32 $execute0_lowered;
	[smem:$0x3FD2] =	sst s25  }
0xa9: {  	s8 =	sshll.u32 s26, $0x1;
	_ =	strace $0x80000046;
	[dreg:$0x1] =	wrdreg $0xFFFFFFFF  }
0xaa: {  	s28 =	simm.s32 $_size_execute0_lowered;
	s6 =	sadd.s32 s6, s8;
	[dreg:$0x0] =	wrdreg $0x0  }
0xab: {  	s8 =	sshll.u32 s28, $0x1;
	[dreg:$0x2] =	wrdreg s6  }
0xac: {  	[dreg:$0x3] =	wrdreg s8  }
0xad: {  	[dreg:$0x4] =	wrdreg $0xC0  }
0xae: {  	_ =	task [dreg:s10], $0x5FFFF  }
0xaf: {  	[dreg:$0x1] =	wrdreg $0xFFFFFFFF  }
0xb0: {  	[dreg:$0x0] =	wrdreg $0x60  }
0xb1: {  	[dreg:$0x2] =	wrdreg s24  }
0xb2: {  	[dreg:$0x3] =	wrdreg s2  }
0xb3: {  	[dreg:$0x4] =	wrdreg s18  }
0xb4: {  	[dreg:$0x5] =	wrdreg s4  }
0xb5: {  	[dreg:$0x6] =	wrdreg s5  }
0xb6: {  	[dreg:$0x7] =	wrdreg $0x9  }
0xb7: {  	_ =	task.clear_ibuf [dreg:s10], $0x8FFFF;
	_ =	strace $0x90000046  }
0xb8: {  	s29 =	simm.s32 $0x9;
	_ =	strace $0x80000048  }
0xb9: {  	_ =	swait.ge [sflag:s29], $0x1  }
0xba: {  	[sflag:s29] =	ssyncadd.s32 $0xFFFFFFFF  }
0xbb: {  	_ =	strace $0x90000048  }
0xbc: {  	_ =	sfence  }
0xbd: {  	s30 =	sld [smem:$0x0];
	_ =	sdelay $0x2  }
0xbe: {  	s31 =	sshll.u32 s1, $0xD;
	s1 =	sshrl.u32 s1, $0x2  }
0xbf: {  	s3 =	sand.u32 $0x4000, s31;
	s1 =	sadd.s32 s1, s30  }
0xc0: {  	s0 =	sor.u32 s3, s0;
	s1 =	sshll.u32 s1, $0x11  }
0xc1: {  	s0 =	sor.u32 s1, s0  }
0xc2: {  	s0 =	sadd.s32 $0x8F2B, s0  }
0xc3: {  	[sflag:s0] =	ssyncadd.remote.s32 $0x1  }
0xc4: {  	_ =	sfence.sel $0xFFFF  }
0xc5: {  	[dreg:$0x0] =	wrdreg $0xFFFFFFFF;
	(pc) =	sbr.abs _section_cstart, $3  }
0xc6: {  	[dreg:$0x1] =	wrdreg $0xFFFFFFFF  }
0xc7: {  	_ =	task.clear_ibuf [dreg:s10], $0x2FFFF;
	_ =	strace $0x9FFFFFFF  }
0xc8: {  	(tm) =	ssettm $0x7FFFFFFF  }
0xc9: {  	_ =	shalt  }
tec
execute0_lowered:
.L_overlay_start_1:
0x0: {  	(tag) =	ssettag $0x1  }
0x1: {  	s2 =	srdreg.scid;
	s3 =	stileid.u32  }
0x2: {  	s2 =	sand.u32 $0x1, s2;
	s3 =	sshll.u32 s3, $0x1  }
0x3: {  	s3 =	sor.u32 s2, s3  }
0x4: {  	s0 =	rddreg [dreg:$0x0];
	s7 =	smul.u32 $0x1900, s3  }
0x5: {  	s1 =	rddreg [dreg:$0x1];
	s22 =	simm.s32 $0x0;
	s4 =	smul.u32 $0xC8000, s3  }
0x6: {  	[smem:$0x7FF] =	sst s22;
	s2 =	ssub.s32 $0x2, s2;
	s3 =	smul.u32 $0x19000, s3  }
0x7: {  	s5 =	rddreg [dreg:$0x4];
	_ =	strace $0x80000047;
	s8 =	sshrl.u32 s2, $0x1  }
0x8: {  	s2 =	ssub.s32 s2, s8;
	s6 =	sshrl.u32 s7, $0x3;
	s3 =	sadd.s32 s5, s3  }
0x9: {  	s4 =	sshrl.u32 s4, $0x3;
	s29 =	smax.u32 s2, $0x1;
	[dreg:$0x7] =	wrdreg s3  }
0xa: {  	s0 =	sadd.s32 s6, s0;
	s3 =	sadd.s32 $0x800, s3;
	[dreg:$0x11] =	wrdreg s29  }
0xb: {  	s18 =	sadd.s32 s5, s4;
	s0 =	sadd.s32 $0x400, s0;
	[dreg:$0x8] =	wrdreg s3  }
0xc: {  	s31 =	simm.s32 $0xBA00;
	s19 =	sadd.s32 $0x1000, s18;
	[dreg:$0x6] =	wrdreg s0  }
0xd: {  	s30 =	simm.s32 $0xFA00;
	s20 =	sadd.s32 $0x1800, s18;
	[dreg:$0x9] =	wrdreg s19  }
0xe: {  	s28 =	simm.s32 $0x5;
	s21 =	sadd.s32 $0x2000, s18;
	[dreg:$0xa] =	wrdreg s20  }
0xf: {  	s10 =	simm.s32 $0xA;
	s23 =	sadd.s32 $0x16800, s18;
	[dreg:$0xb] =	wrdreg s21  }
0x10: {  	s8 =	simm.s32 $0x9;
	s24 =	sadd.s32 $0x17000, s18;
	[dreg:$0xc] =	wrdreg s23  }
0x11: {  	s2 =	simm.s32 $0x7;
	s25 =	sadd.s32 $0x17800, s18;
	[dreg:$0xd] =	wrdreg s24  }
0x12: {  	s4 =	simm.s32 $0x8;
	s26 =	sadd.s32 $0x18000, s18;
	[dreg:$0xe] =	wrdreg s25  }
0x13: {  	s3 =	simm.s32 $0x0;
	[dreg:$0xf] =	wrdreg s26;
	s0 =	sadd.s32 $0x18800, s18  }
0x14: {  	s21 =	simm.s32 $0x80;
	s26 =	simm.s32 $0x13A00;
	[dreg:$0x10] =	wrdreg s0  }
.LBB2_1:
0x15: {  	[dreg:$0x12] =	wrdreg s3  }
0x16: {  	s0 =	rddreg [dreg:$0x6];
	s20 =	simm.s32 $0xB  }
0x17: {  	[tilespmem:s22], [sflag:$0xB] =	stream.linear.gather [hbm4b:s0+s22], $0x1900, $0x38;
	[tilespmem:$0x1FA00] =	vst v63  }
0x18: {  	_ =	swait.ge [sflag:s20], $0x1900  }
0x19: {  	[sflag:s20] =	ssyncset.done $0x0  }
0x1a: {  	[sflag:s20] =	ssyncadd.s32 $0xFFFFE700  }
0x1b: {  	[tilespmem:s31], [sflag:$0x1] =	stream.indirect.gather [hbm4b:s1+s21], $0x80, s22, s21, $0xb8;
	[tilespmem:$0x1FA00] =	vst v63  }
0x1c: {  	_ = 	snop  }
0x1d: {  	[tilespmem:s30], [sflag:$0x2] =	stream.indirect.gather [hbm4b:s1+s21], $0x80, s21, s21, $0xb8;
	[tilespmem:$0x1FA00] =	vst v63  }
0x1e: {  	s6 =	simm.s32 $0x1900;
	s23 =	rddreg [dreg:$0x3]  }
0x1f: {  	[tilespmem:s6], [sflag:$0xB] =	stream.linear.gather [hbm4b:s23+s22], $0x6400, $0x38;
	[tilespmem:$0x1FA00] =	vst v63  }
0x20: {  	_ =	swait.ge [sflag:s20], $0x6400  }
0x21: {  	[sflag:s20] =	ssyncset.done $0x0  }
0x22: {  	s24 =	simm.s32 $0x7D00;
	[sflag:s20] =	ssyncadd.s32 $0xFFFF9C00  }
0x23: {  	[tilespmem:s24], [sflag:$0xB] =	stream.linear.gather [hbm4b:s23+s22], $0x3C00, $0x38;
	[tilespmem:$0x1FA00] =	vst v63  }
0x24: {  	_ =	swait.ge [sflag:s20], $0x3C00  }
0x25: {  	[sflag:s20] =	ssyncset.done $0x0  }
0x26: {  	[sflag:s20] =	ssyncadd.s32 $0xFFFFC400  }
0x27: {  	s29 =	simm.s32 $0xB900;
	s25 =	rddreg [dreg:$0x2]  }
0x28: {  	[tilespmem:s29], [sflag:$0xB] =	stream.linear.gather [hbm4b:s25+s22], $0x100, $0x38;
	[tilespmem:$0x1FA00] =	vst v63  }
0x29: {  	_ =	swait.ge [sflag:s20], $0x100  }
0x2a: {  	[sflag:s20] =	ssyncset.done $0x0  }
0x2b: {  	[sflag:s20] =	ssyncadd.s32 $0xFFFFFF00  }
0x2c: {  	v0 =	vld [tilespmem:$0xB900]  }
0x2d: {  	v1 =	vld [tilespmem:$0xB910]  }
0x2e: {  	v2 =	vld [tilespmem:$0xB920]  }
0x2f: {  	v7 =	vld [tilespmem:$0xB970]  }
0x30: {  	v3 =	vld [tilespmem:$0xB930]  }
0x31: {  	v4 =	vld [tilespmem:$0xB940]  }
0x32: {  	v5 =	vld [tilespmem:$0xB950]  }
0x33: {  	s3 =	simm.s32 $0x200;
	s0 =	simm.s32 $0x0;
	v6 =	vld [tilespmem:$0xB960]  }
.LBB2_2:
0x34: {  	p0 =	sne.s32 s3, $0x27E00;
	[tilespmem:s0+$0x1970] =	vst.add.f32.msk $0xffff, v7  }
0x35: {  	[tilespmem:s0+$0x1900] =	vst.add.f32.msk $0xffff, v0  }
0x36: {  	[tilespmem:s0+$0x1910] =	vst.add.f32.msk $0xffff, v1  }
.Ltmp0:
0x37: {  	[tilespmem:s0+$0x1920] =	vst.add.f32.msk $0xffff, v2;
	(pc) =	sbr.rel @p0 .LBB2_2-.Ltmp0, $4  }
0x38: {  	[tilespmem:s0+$0x1930] =	vst.add.f32.msk $0xffff, v3  }
0x39: {  	[tilespmem:s0+$0x1940] =	vst.add.f32.msk $0xffff, v4  }
0x3a: {  	[tilespmem:s0+$0x1950] =	vst.add.f32.msk $0xffff, v5  }
0x3b: {  	[tilespmem:s0+$0x1960] =	vst.add.f32.msk $0xffff, v6;
	s0 =	sshra.s32 s3, $0x2;
	s3 =	sadd.s32 $0x200, s3  }
0x3c: {  	[tilespmem:s0+$0x1970] =	vst.add.f32.msk $0xffff, v7  }
0x3d: {  	[tilespmem:s0+$0x1900] =	vst.add.f32.msk $0xffff, v0  }
0x3e: {  	[tilespmem:s0+$0x1910] =	vst.add.f32.msk $0xffff, v1  }
0x3f: {  	[tilespmem:s0+$0x1920] =	vst.add.f32.msk $0xffff, v2  }
0x40: {  	[tilespmem:s0+$0x1930] =	vst.add.f32.msk $0xffff, v3  }
0x41: {  	[tilespmem:s0+$0x1940] =	vst.add.f32.msk $0xffff, v4  }
0x42: {  	[tilespmem:s0+$0x1950] =	vst.add.f32.msk $0xffff, v5  }
0x43: {  	[tilespmem:s0+$0x1960] =	vst.add.f32.msk $0xffff, v6;
	s25 =	simm.s32 $0x100;
	s29 =	simm.s32 $0x1  }
0x44: {  	[tilespmem:s26], [sflag:$0x3] =	stream.indirect.gather [hbm4b:s1+s21], $0x80, s25, s21, $0xb8;
	[tilespmem:$0x1FA00] =	vst v63  }
0x45: {  	_ =	swait.ge [sflag:s29], $0x4000  }
0x46: {  	[sflag:s29] =	ssyncset.done $0x0  }
0x47: {  	s3 =	simm.s32 $0x0;
	[sflag:s29] =	ssyncadd.s32 $0xFFFFC000  }
0x48: {  	v0 =	vld [tilespmem:s3+$0x1AF0]  }
0x49: {  	v1 =	vld [tilespmem:s3+$0x1900]  }
0x4a: {  	v2 =	vld [tilespmem:s3+$0x1910]  }
0x4b: {  	v3 =	vld [tilespmem:s3+$0x1920]  }
0x4c: {  	v60 =	vld [tilespmem:s3+$0x1930]  }
0x4d: {  	v61 =	vld [tilespmem:s3+$0x1940]  }
0x4e: {  	v62 =	vld [tilespmem:s3+$0x1950]  }
0x4f: {  	v63 =	vld [tilespmem:s3+$0x1960]  }
0x50: {  	v8 =	vld [tilespmem:s3+$0x1970]  }
0x51: {  	v9 =	vld [tilespmem:s3+$0x1980]  }
0x52: {  	v10 =	vld [tilespmem:s3+$0x1990]  }
0x53: {  	v11 =	vld [tilespmem:s3+$0x19A0]  }
0x54: {  	v12 =	vld [tilespmem:s3+$0x19B0]  }
0x55: {  	v13 =	vld [tilespmem:s3+$0x19C0]  }
0x56: {  	v14 =	vld [tilespmem:s3+$0x19D0]  }
0x57: {  	v15 =	vld [tilespmem:s3+$0x19E0]  }
0x58: {  	v16 =	vld [tilespmem:s3+$0x19F0]  }
0x59: {  	v17 =	vld [tilespmem:s3+$0x1A00]  }
0x5a: {  	v18 =	vld [tilespmem:s3+$0x1A10]  }
0x5b: {  	v19 =	vld [tilespmem:s3+$0x1A20]  }
0x5c: {  	v20 =	vld [tilespmem:s3+$0x1A30]  }
0x5d: {  	v21 =	vld [tilespmem:s3+$0x1A40]  }
0x5e: {  	v22 =	vld [tilespmem:s3+$0x1A50]  }
0x5f: {  	v23 =	vld [tilespmem:s3+$0x1A60]  }
0x60: {  	v24 =	vld [tilespmem:s3+$0x1A70]  }
0x61: {  	v25 =	vld [tilespmem:s3+$0x1A80]  }
0x62: {  	v26 =	vld [tilespmem:s3+$0x1A90]  }
0x63: {  	v27 =	vld [tilespmem:s3+$0x1AA0]  }
0x64: {  	v28 =	vld [tilespmem:s3+$0x1AB0]  }
0x65: {  	v29 =	vld [tilespmem:s3+$0x1AC0]  }
0x66: {  	v30 =	vld [tilespmem:s3+$0x1AD0]  }
0x67: {  	[tilespmem:s3+$0xBBF0] =	vst.add.f32.msk $0xffff, v0  }
0x68: {  	v0 =	vld [tilespmem:s3+$0x1AE0]  }
0x69: {  	[tilespmem:s3+$0xBA00] =	vst.add.f32.msk $0xffff, v1  }
0x6a: {  	[tilespmem:s3+$0xBA10] =	vst.add.f32.msk $0xffff, v2  }
0x6b: {  	[tilespmem:s3+$0xBA20] =	vst.add.f32.msk $0xffff, v3  }
0x6c: {  	[tilespmem:s3+$0xBA30] =	vst.add.f32.msk $0xffff, v60  }
0x6d: {  	[tilespmem:s3+$0xBA40] =	vst.add.f32.msk $0xffff, v61  }
0x6e: {  	[tilespmem:s3+$0xBA50] =	vst.add.f32.msk $0xffff, v62  }
0x6f: {  	[tilespmem:s3+$0xBA60] =	vst.add.f32.msk $0xffff, v63  }
0x70: {  	[tilespmem:s3+$0xBA70] =	vst.add.f32.msk $0xffff, v8  }
0x71: {  	[tilespmem:s3+$0xBA80] =	vst.add.f32.msk $0xffff, v9  }
0x72: {  	[tilespmem:s3+$0xBA90] =	vst.add.f32.msk $0xffff, v10  }
0x73: {  	[tilespmem:s3+$0xBAA0] =	vst.add.f32.msk $0xffff, v11  }
0x74: {  	[tilespmem:s3+$0xBAB0] =	vst.add.f32.msk $0xffff, v12  }
0x75: {  	[tilespmem:s3+$0xBAC0] =	vst.add.f32.msk $0xffff, v13  }
0x76: {  	[tilespmem:s3+$0xBAD0] =	vst.add.f32.msk $0xffff, v14  }
0x77: {  	[tilespmem:s3+$0xBAE0] =	vst.add.f32.msk $0xffff, v15  }
0x78: {  	[tilespmem:s3+$0xBAF0] =	vst.add.f32.msk $0xffff, v16  }
0x79: {  	[tilespmem:s3+$0xBB00] =	vst.add.f32.msk $0xffff, v17  }
0x7a: {  	[tilespmem:s3+$0xBB10] =	vst.add.f32.msk $0xffff, v18  }
0x7b: {  	[tilespmem:s3+$0xBB20] =	vst.add.f32.msk $0xffff, v19  }
0x7c: {  	[tilespmem:s3+$0xBB30] =	vst.add.f32.msk $0xffff, v20  }
0x7d: {  	[tilespmem:s3+$0xBB40] =	vst.add.f32.msk $0xffff, v21  }
0x7e: {  	[tilespmem:s3+$0xBB50] =	vst.add.f32.msk $0xffff, v22  }
0x7f: {  	[tilespmem:s3+$0xBB60] =	vst.add.f32.msk $0xffff, v23  }
0x80: {  	[tilespmem:s3+$0xBB70] =	vst.add.f32.msk $0xffff, v24  }
0x81: {  	[tilespmem:s3+$0xBB80] =	vst.add.f32.msk $0xffff, v25  }
0x82: {  	[tilespmem:s3+$0xBB90] =	vst.add.f32.msk $0xffff, v26  }
0x83: {  	[tilespmem:s3+$0xBBA0] =	vst.add.f32.msk $0xffff, v27  }
0x84: {  	[tilespmem:s3+$0xBBB0] =	vst.add.f32.msk $0xffff, v28  }
0x85: {  	[tilespmem:s3+$0xBBC0] =	vst.add.f32.msk $0xffff, v29  }
0x86: {  	s0 =	simm.s32 $0x0;
	s6 =	simm.s32 $0x800;
	[tilespmem:s3+$0xBBD0] =	vst.add.f32.msk $0xffff, v30  }
.LBB2_4:
0x87: {  	s0 =	sadd.s32 $0x4, s0;
	[tilespmem:s3+$0xBBE0] =	vst.add.f32.msk $0xffff, v0;
	s3 =	sshra.s32 s6, $0x2  }
0x88: {  	v0 =	vld [tilespmem:s3+$0x1AF0];
	p0 =	slt.u32 s0, $0x7C  }
0x89: {  	v1 =	vld [tilespmem:s3+$0x1900]  }
0x8a: {  	v2 =	vld [tilespmem:s3+$0x1910]  }
0x8b: {  	v3 =	vld [tilespmem:s3+$0x1920]  }
0x8c: {  	v4 =	vld [tilespmem:s3+$0x1930]  }
0x8d: {  	[tilespmem:s3+$0xBBF0] =	vst.add.f32.msk $0xffff, v0  }
0x8e: {  	v5 =	vld [tilespmem:s3+$0x1940]  }
0x8f: {  	v6 =	vld [tilespmem:s3+$0x1950]  }
0x90: {  	v7 =	vld [tilespmem:s3+$0x1960]  }
0x91: {  	v8 =	vld [tilespmem:s3+$0x1970]  }
0x92: {  	v9 =	vld [tilespmem:s3+$0x1980]  }
0x93: {  	v10 =	vld [tilespmem:s3+$0x1990]  }
0x94: {  	v11 =	vld [tilespmem:s3+$0x19A0]  }
0x95: {  	v12 =	vld [tilespmem:s3+$0x19B0]  }
0x96: {  	v13 =	vld [tilespmem:s3+$0x19C0]  }
0x97: {  	v14 =	vld [tilespmem:s3+$0x19D0]  }
0x98: {  	v15 =	vld [tilespmem:s3+$0x19E0]  }
0x99: {  	v16 =	vld [tilespmem:s3+$0x19F0]  }
0x9a: {  	v17 =	vld [tilespmem:s3+$0x1A00]  }
0x9b: {  	v18 =	vld [tilespmem:s3+$0x1A10]  }
0x9c: {  	v19 =	vld [tilespmem:s3+$0x1A20]  }
0x9d: {  	v20 =	vld [tilespmem:s3+$0x1A30]  }
0x9e: {  	v21 =	vld [tilespmem:s3+$0x1A40]  }
0x9f: {  	v22 =	vld [tilespmem:s3+$0x1A50]  }
0xa0: {  	v23 =	vld [tilespmem:s3+$0x1A60]  }
0xa1: {  	v24 =	vld [tilespmem:s3+$0x1A70]  }
0xa2: {  	v25 =	vld [tilespmem:s3+$0x1A80]  }
0xa3: {  	v26 =	vld [tilespmem:s3+$0x1A90]  }
0xa4: {  	v27 =	vld [tilespmem:s3+$0x1AA0]  }
0xa5: {  	v28 =	vld [tilespmem:s3+$0x1AB0]  }
0xa6: {  	v29 =	vld [tilespmem:s3+$0x1AC0]  }
0xa7: {  	v30 =	vld [tilespmem:s3+$0x1AD0]  }
0xa8: {  	v0 =	vld [tilespmem:s3+$0x1AE0]  }
0xa9: {  	[tilespmem:s3+$0xBA00] =	vst.add.f32.msk $0xffff, v1  }
0xaa: {  	[tilespmem:s3+$0xBA10] =	vst.add.f32.msk $0xffff, v2  }
0xab: {  	[tilespmem:s3+$0xBA20] =	vst.add.f32.msk $0xffff, v3  }
0xac: {  	[tilespmem:s3+$0xBA30] =	vst.add.f32.msk $0xffff, v4  }
0xad: {  	[tilespmem:s3+$0xBA40] =	vst.add.f32.msk $0xffff, v5  }
0xae: {  	[tilespmem:s3+$0xBA50] =	vst.add.f32.msk $0xffff, v6  }
0xaf: {  	[tilespmem:s3+$0xBA60] =	vst.add.f32.msk $0xffff, v7  }
0xb0: {  	[tilespmem:s3+$0xBA70] =	vst.add.f32.msk $0xffff, v8  }
0xb1: {  	[tilespmem:s3+$0xBA80] =	vst.add.f32.msk $0xffff, v9  }
0xb2: {  	[tilespmem:s3+$0xBA90] =	vst.add.f32.msk $0xffff, v10  }
0xb3: {  	[tilespmem:s3+$0xBAA0] =	vst.add.f32.msk $0xffff, v11  }
0xb4: {  	[tilespmem:s3+$0xBAB0] =	vst.add.f32.msk $0xffff, v12  }
0xb5: {  	[tilespmem:s3+$0xBAC0] =	vst.add.f32.msk $0xffff, v13  }
0xb6: {  	[tilespmem:s3+$0xBAD0] =	vst.add.f32.msk $0xffff, v14  }
0xb7: {  	[tilespmem:s3+$0xBAE0] =	vst.add.f32.msk $0xffff, v15  }
0xb8: {  	[tilespmem:s3+$0xBAF0] =	vst.add.f32.msk $0xffff, v16  }
0xb9: {  	[tilespmem:s3+$0xBB00] =	vst.add.f32.msk $0xffff, v17  }
0xba: {  	[tilespmem:s3+$0xBB10] =	vst.add.f32.msk $0xffff, v18  }
0xbb: {  	[tilespmem:s3+$0xBB20] =	vst.add.f32.msk $0xffff, v19  }
0xbc: {  	[tilespmem:s3+$0xBB30] =	vst.add.f32.msk $0xffff, v20  }
0xbd: {  	[tilespmem:s3+$0xBB40] =	vst.add.f32.msk $0xffff, v21  }
0xbe: {  	[tilespmem:s3+$0xBB50] =	vst.add.f32.msk $0xffff, v22  }
0xbf: {  	[tilespmem:s3+$0xBB60] =	vst.add.f32.msk $0xffff, v23  }
0xc0: {  	[tilespmem:s3+$0xBB70] =	vst.add.f32.msk $0xffff, v24  }
0xc1: {  	[tilespmem:s3+$0xBB80] =	vst.add.f32.msk $0xffff, v25  }
.Ltmp1:
0xc2: {  	[tilespmem:s3+$0xBB90] =	vst.add.f32.msk $0xffff, v26;
	(pc) =	sbr.rel @p0 .LBB2_4-.Ltmp1, $4  }
0xc3: {  	[tilespmem:s3+$0xBBA0] =	vst.add.f32.msk $0xffff, v27  }
0xc4: {  	[tilespmem:s3+$0xBBB0] =	vst.add.f32.msk $0xffff, v28  }
0xc5: {  	[tilespmem:s3+$0xBBC0] =	vst.add.f32.msk $0xffff, v29  }
0xc6: {  	s6 =	sadd.s32 $0x800, s6;
	[tilespmem:s3+$0xBBD0] =	vst.add.f32.msk $0xffff, v30  }
0xc7: {  	[tilespmem:s3+$0xBBE0] =	vst.add.f32.msk $0xffff, v0  }
0xc8: {  	s0 =	simm.s32 $0x0;
	s3 =	rddreg [dreg:$0x7]  }
0xc9: {  	[hbm4b:s3+s0] =	stream.linear.scatter [tilespmem:s31], [sflag:$0x6], $0x4000, $0x38;
	[tilespmem:$0x1FA00] =	vst v63  }
0xca: {  	s24 =	simm.s32 $0x180;
	s25 =	simm.s32 $0x17A00;
	s29 =	simm.s32 $0x2  }
0xcb: {  	[tilespmem:s25], [sflag:$0x4] =	stream.indirect.gather [hbm4b:s1+s21], $0x80, s24, s21, $0xb8;
	[tilespmem:$0x1FA00] =	vst v63  }
0xcc: {  	_ =	swait.ge [sflag:s29], $0x4000  }
0xcd: {  	[sflag:s29] =	ssyncset.done $0x0  }
0xce: {  	s3 =	simm.s32 $0x0;
	[sflag:s29] =	ssyncadd.s32 $0xFFFFC000  }
0xcf: {  	v0 =	vld [tilespmem:s3+$0x5AF0]  }
0xd0: {  	v1 =	vld [tilespmem:s3+$0x5900]  }
0xd1: {  	v2 =	vld [tilespmem:s3+$0x5910]  }
0xd2: {  	v3 =	vld [tilespmem:s3+$0x5920]  }
0xd3: {  	v4 =	vld [tilespmem:s3+$0x5930]  }
0xd4: {  	v5 =	vld [tilespmem:s3+$0x5940]  }
0xd5: {  	v6 =	vld [tilespmem:s3+$0x5950]  }
0xd6: {  	v7 =	vld [tilespmem:s3+$0x5960]  }
0xd7: {  	v8 =	vld [tilespmem:s3+$0x5970]  }
0xd8: {  	v9 =	vld [tilespmem:s3+$0x5980]  }
0xd9: {  	v10 =	vld [tilespmem:s3+$0x5990]  }
0xda: {  	v11 =	vld [tilespmem:s3+$0x59A0]  }
0xdb: {  	v12 =	vld [tilespmem:s3+$0x59B0]  }
0xdc: {  	v13 =	vld [tilespmem:s3+$0x59C0]  }
0xdd: {  	v14 =	vld [tilespmem:s3+$0x59D0]  }
0xde: {  	v15 =	vld [tilespmem:s3+$0x59E0]  }
0xdf: {  	v16 =	vld [tilespmem:s3+$0x59F0]  }
0xe0: {  	v17 =	vld [tilespmem:s3+$0x5A00]  }
0xe1: {  	v18 =	vld [tilespmem:s3+$0x5A10]  }
0xe2: {  	v19 =	vld [tilespmem:s3+$0x5A20]  }
0xe3: {  	v20 =	vld [tilespmem:s3+$0x5A30]  }
0xe4: {  	v21 =	vld [tilespmem:s3+$0x5A40]  }
0xe5: {  	v22 =	vld [tilespmem:s3+$0x5A50]  }
0xe6: {  	v23 =	vld [tilespmem:s3+$0x5A60]  }
0xe7: {  	v24 =	vld [tilespmem:s3+$0x5A70]  }
0xe8: {  	v25 =	vld [tilespmem:s3+$0x5A80]  }
0xe9: {  	v26 =	vld [tilespmem:s3+$0x5A90]  }
0xea: {  	v27 =	vld [tilespmem:s3+$0x5AA0]  }
0xeb: {  	v28 =	vld [tilespmem:s3+$0x5AB0]  }
0xec: {  	v29 =	vld [tilespmem:s3+$0x5AC0]  }
0xed: {  	v30 =	vld [tilespmem:s3+$0x5AD0]  }
0xee: {  	[tilespmem:s3+$0xFBF0] =	vst.add.f32.msk $0xffff, v0  }
0xef: {  	v0 =	vld [tilespmem:s3+$0x5AE0]  }
0xf0: {  	[tilespmem:s3+$0xFA00] =	vst.add.f32.msk $0xffff, v1  }
0xf1: {  	[tilespmem:s3+$0xFA10] =	vst.add.f32.msk $0xffff, v2  }
0xf2: {  	[tilespmem:s3+$0xFA20] =	vst.add.f32.msk $0xffff, v3  }
0xf3: {  	[tilespmem:s3+$0xFA30] =	vst.add.f32.msk $0xffff, v4  }
0xf4: {  	[tilespmem:s3+$0xFA40] =	vst.add.f32.msk $0xffff, v5  }
0xf5: {  	[tilespmem:s3+$0xFA50] =	vst.add.f32.msk $0xffff, v6  }
0xf6: {  	[tilespmem:s3+$0xFA60] =	vst.add.f32.msk $0xffff, v7  }
0xf7: {  	[tilespmem:s3+$0xFA70] =	vst.add.f32.msk $0xffff, v8  }
0xf8: {  	[tilespmem:s3+$0xFA80] =	vst.add.f32.msk $0xffff, v9  }
0xf9: {  	[tilespmem:s3+$0xFA90] =	vst.add.f32.msk $0xffff, v10  }
0xfa: {  	[tilespmem:s3+$0xFAA0] =	vst.add.f32.msk $0xffff, v11  }
0xfb: {  	[tilespmem:s3+$0xFAB0] =	vst.add.f32.msk $0xffff, v12  }
0xfc: {  	[tilespmem:s3+$0xFAC0] =	vst.add.f32.msk $0xffff, v13  }
0xfd: {  	[tilespmem:s3+$0xFAD0] =	vst.add.f32.msk $0xffff, v14  }
0xfe: {  	[tilespmem:s3+$0xFAE0] =	vst.add.f32.msk $0xffff, v15  }
0xff: {  	[tilespmem:s3+$0xFAF0] =	vst.add.f32.msk $0xffff, v16  }
0x100: {  	[tilespmem:s3+$0xFB00] =	vst.add.f32.msk $0xffff, v17  }
0x101: {  	[tilespmem:s3+$0xFB10] =	vst.add.f32.msk $0xffff, v18  }
0x102: {  	[tilespmem:s3+$0xFB20] =	vst.add.f32.msk $0xffff, v19  }
0x103: {  	[tilespmem:s3+$0xFB30] =	vst.add.f32.msk $0xffff, v20  }
0x104: {  	[tilespmem:s3+$0xFB40] =	vst.add.f32.msk $0xffff, v21  }
0x105: {  	[tilespmem:s3+$0xFB50] =	vst.add.f32.msk $0xffff, v22  }
0x106: {  	[tilespmem:s3+$0xFB60] =	vst.add.f32.msk $0xffff, v23  }
0x107: {  	[tilespmem:s3+$0xFB70] =	vst.add.f32.msk $0xffff, v24  }
0x108: {  	[tilespmem:s3+$0xFB80] =	vst.add.f32.msk $0xffff, v25  }
0x109: {  	[tilespmem:s3+$0xFB90] =	vst.add.f32.msk $0xffff, v26  }
0x10a: {  	[tilespmem:s3+$0xFBA0] =	vst.add.f32.msk $0xffff, v27  }
0x10b: {  	[tilespmem:s3+$0xFBB0] =	vst.add.f32.msk $0xffff, v28  }
0x10c: {  	[tilespmem:s3+$0xFBC0] =	vst.add.f32.msk $0xffff, v29  }
0x10d: {  	s6 =	simm.s32 $0x800;
	s0 =	simm.s32 $0x0;
	[tilespmem:s3+$0xFBD0] =	vst.add.f32.msk $0xffff, v30  }
.LBB2_6:
0x10e: {  	s0 =	sadd.s32 $0x4, s0;
	[tilespmem:s3+$0xFBE0] =	vst.add.f32.msk $0xffff, v0;
	s3 =	sshra.s32 s6, $0x2  }
0x10f: {  	v0 =	vld [tilespmem:s3+$0x5AF0];
	p0 =	slt.u32 s0, $0x7C  }
0x110: {  	v1 =	vld [tilespmem:s3+$0x5900]  }
0x111: {  	v2 =	vld [tilespmem:s3+$0x5910]  }
0x112: {  	v3 =	vld [tilespmem:s3+$0x5920]  }
0x113: {  	v4 =	vld [tilespmem:s3+$0x5930]  }
0x114: {  	[tilespmem:s3+$0xFBF0] =	vst.add.f32.msk $0xffff, v0  }
0x115: {  	v5 =	vld [tilespmem:s3+$0x5940]  }
0x116: {  	v6 =	vld [tilespmem:s3+$0x5950]  }
0x117: {  	v7 =	vld [tilespmem:s3+$0x5960]  }
0x118: {  	v8 =	vld [tilespmem:s3+$0x5970]  }
0x119: {  	v9 =	vld [tilespmem:s3+$0x5980]  }
0x11a: {  	v10 =	vld [tilespmem:s3+$0x5990]  }
0x11b: {  	v11 =	vld [tilespmem:s3+$0x59A0]  }
0x11c: {  	v12 =	vld [tilespmem:s3+$0x59B0]  }
0x11d: {  	v13 =	vld [tilespmem:s3+$0x59C0]  }
0x11e: {  	v14 =	vld [tilespmem:s3+$0x59D0]  }
0x11f: {  	v15 =	vld [tilespmem:s3+$0x59E0]  }
0x120: {  	v16 =	vld [tilespmem:s3+$0x59F0]  }
0x121: {  	v17 =	vld [tilespmem:s3+$0x5A00]  }
0x122: {  	v18 =	vld [tilespmem:s3+$0x5A10]  }
0x123: {  	v19 =	vld [tilespmem:s3+$0x5A20]  }
0x124: {  	v20 =	vld [tilespmem:s3+$0x5A30]  }
0x125: {  	v21 =	vld [tilespmem:s3+$0x5A40]  }
0x126: {  	v22 =	vld [tilespmem:s3+$0x5A50]  }
0x127: {  	v23 =	vld [tilespmem:s3+$0x5A60]  }
0x128: {  	v24 =	vld [tilespmem:s3+$0x5A70]  }
0x129: {  	v25 =	vld [tilespmem:s3+$0x5A80]  }
0x12a: {  	v26 =	vld [tilespmem:s3+$0x5A90]  }
0x12b: {  	v27 =	vld [tilespmem:s3+$0x5AA0]  }
0x12c: {  	v28 =	vld [tilespmem:s3+$0x5AB0]  }
0x12d: {  	v29 =	vld [tilespmem:s3+$0x5AC0]  }
0x12e: {  	v30 =	vld [tilespmem:s3+$0x5AD0]  }
0x12f: {  	v0 =	vld [tilespmem:s3+$0x5AE0]  }
0x130: {  	[tilespmem:s3+$0xFA00] =	vst.add.f32.msk $0xffff, v1  }
0x131: {  	[tilespmem:s3+$0xFA10] =	vst.add.f32.msk $0xffff, v2  }
0x132: {  	[tilespmem:s3+$0xFA20] =	vst.add.f32.msk $0xffff, v3  }
0x133: {  	[tilespmem:s3+$0xFA30] =	vst.add.f32.msk $0xffff, v4  }
0x134: {  	[tilespmem:s3+$0xFA40] =	vst.add.f32.msk $0xffff, v5  }
0x135: {  	[tilespmem:s3+$0xFA50] =	vst.add.f32.msk $0xffff, v6  }
0x136: {  	[tilespmem:s3+$0xFA60] =	vst.add.f32.msk $0xffff, v7  }
0x137: {  	[tilespmem:s3+$0xFA70] =	vst.add.f32.msk $0xffff, v8  }
0x138: {  	[tilespmem:s3+$0xFA80] =	vst.add.f32.msk $0xffff, v9  }
0x139: {  	[tilespmem:s3+$0xFA90] =	vst.add.f32.msk $0xffff, v10  }
0x13a: {  	[tilespmem:s3+$0xFAA0] =	vst.add.f32.msk $0xffff, v11  }
0x13b: {  	[tilespmem:s3+$0xFAB0] =	vst.add.f32.msk $0xffff, v12  }
0x13c: {  	[tilespmem:s3+$0xFAC0] =	vst.add.f32.msk $0xffff, v13  }
0x13d: {  	[tilespmem:s3+$0xFAD0] =	vst.add.f32.msk $0xffff, v14  }
0x13e: {  	[tilespmem:s3+$0xFAE0] =	vst.add.f32.msk $0xffff, v15  }
0x13f: {  	[tilespmem:s3+$0xFAF0] =	vst.add.f32.msk $0xffff, v16  }
0x140: {  	[tilespmem:s3+$0xFB00] =	vst.add.f32.msk $0xffff, v17  }
0x141: {  	[tilespmem:s3+$0xFB10] =	vst.add.f32.msk $0xffff, v18  }
0x142: {  	[tilespmem:s3+$0xFB20] =	vst.add.f32.msk $0xffff, v19  }
0x143: {  	[tilespmem:s3+$0xFB30] =	vst.add.f32.msk $0xffff, v20  }
0x144: {  	[tilespmem:s3+$0xFB40] =	vst.add.f32.msk $0xffff, v21  }
0x145: {  	[tilespmem:s3+$0xFB50] =	vst.add.f32.msk $0xffff, v22  }
0x146: {  	[tilespmem:s3+$0xFB60] =	vst.add.f32.msk $0xffff, v23  }
0x147: {  	[tilespmem:s3+$0xFB70] =	vst.add.f32.msk $0xffff, v24  }
0x148: {  	[tilespmem:s3+$0xFB80] =	vst.add.f32.msk $0xffff, v25  }
.Ltmp2:
0x149: {  	[tilespmem:s3+$0xFB90] =	vst.add.f32.msk $0xffff, v26;
	(pc) =	sbr.rel @p0 .LBB2_6-.Ltmp2, $4  }
0x14a: {  	[tilespmem:s3+$0xFBA0] =	vst.add.f32.msk $0xffff, v27  }
0x14b: {  	[tilespmem:s3+$0xFBB0] =	vst.add.f32.msk $0xffff, v28  }
0x14c: {  	[tilespmem:s3+$0xFBC0] =	vst.add.f32.msk $0xffff, v29  }
0x14d: {  	s6 =	sadd.s32 $0x800, s6;
	[tilespmem:s3+$0xFBD0] =	vst.add.f32.msk $0xffff, v30  }
0x14e: {  	[tilespmem:s3+$0xFBE0] =	vst.add.f32.msk $0xffff, v0  }
0x14f: {  	s0 =	simm.s32 $0x0;
	s3 =	rddreg [dreg:$0x8]  }
0x150: {  	[hbm4b:s3+s0] =	stream.linear.scatter [tilespmem:s30], [sflag:$0x7], $0x4000, $0x38;
	[tilespmem:$0x1FA00] =	vst v63  }
0x151: {  	s24 =	simm.s32 $0x200;
	s25 =	simm.s32 $0x1BA00;
	s29 =	simm.s32 $0x3  }
0x152: {  	[tilespmem:s25], [sflag:$0x5] =	stream.indirect.gather [hbm4b:s1+s21], $0x80, s24, s21, $0xb8;
	[tilespmem:$0x1FA00] =	vst v63  }
0x153: {  	_ =	swait.ge [sflag:s29], $0x4000  }
0x154: {  	[sflag:s29] =	ssyncset.done $0x0  }
0x155: {  	s3 =	simm.s32 $0x0;
	[sflag:s29] =	ssyncadd.s32 $0xFFFFC000  }
0x156: {  	v0 =	vld [tilespmem:s3+$0x36F0]  }
0x157: {  	v1 =	vld [tilespmem:s3+$0x3500]  }
0x158: {  	v2 =	vld [tilespmem:s3+$0x3510]  }
0x159: {  	v3 =	vld [tilespmem:s3+$0x3520]  }
0x15a: {  	v4 =	vld [tilespmem:s3+$0x3530]  }
0x15b: {  	v5 =	vld [tilespmem:s3+$0x3540]  }
0x15c: {  	v6 =	vld [tilespmem:s3+$0x3550]  }
0x15d: {  	v7 =	vld [tilespmem:s3+$0x3560]  }
0x15e: {  	v8 =	vld [tilespmem:s3+$0x3570]  }
0x15f: {  	v9 =	vld [tilespmem:s3+$0x3580]  }
0x160: {  	v10 =	vld [tilespmem:s3+$0x3590]  }
0x161: {  	v11 =	vld [tilespmem:s3+$0x35A0]  }
0x162: {  	v12 =	vld [tilespmem:s3+$0x35B0]  }
0x163: {  	v13 =	vld [tilespmem:s3+$0x35C0]  }
0x164: {  	v14 =	vld [tilespmem:s3+$0x35D0]  }
0x165: {  	v15 =	vld [tilespmem:s3+$0x35E0]  }
0x166: {  	v16 =	vld [tilespmem:s3+$0x35F0]  }
0x167: {  	v17 =	vld [tilespmem:s3+$0x3600]  }
0x168: {  	v18 =	vld [tilespmem:s3+$0x3610]  }
0x169: {  	v19 =	vld [tilespmem:s3+$0x3620]  }
0x16a: {  	v20 =	vld [tilespmem:s3+$0x3630]  }
0x16b: {  	v21 =	vld [tilespmem:s3+$0x3640]  }
0x16c: {  	v22 =	vld [tilespmem:s3+$0x3650]  }
0x16d: {  	v23 =	vld [tilespmem:s3+$0x3660]  }
0x16e: {  	v24 =	vld [tilespmem:s3+$0x3670]  }
0x16f: {  	v25 =	vld [tilespmem:s3+$0x3680]  }
0x170: {  	v26 =	vld [tilespmem:s3+$0x3690]  }
0x171: {  	v27 =	vld [tilespmem:s3+$0x36A0]  }
0x172: {  	v28 =	vld [tilespmem:s3+$0x36B0]  }
0x173: {  	v29 =	vld [tilespmem:s3+$0x36C0]  }
0x174: {  	v30 =	vld [tilespmem:s3+$0x36D0]  }
0x175: {  	[tilespmem:s3+$0x13BF0] =	vst.add.f32.msk $0xffff, v0  }
0x176: {  	v0 =	vld [tilespmem:s3+$0x36E0]  }
0x177: {  	[tilespmem:s3+$0x13A00] =	vst.add.f32.msk $0xffff, v1  }
0x178: {  	[tilespmem:s3+$0x13A10] =	vst.add.f32.msk $0xffff, v2  }
0x179: {  	[tilespmem:s3+$0x13A20] =	vst.add.f32.msk $0xffff, v3  }
0x17a: {  	[tilespmem:s3+$0x13A30] =	vst.add.f32.msk $0xffff, v4  }
0x17b: {  	[tilespmem:s3+$0x13A40] =	vst.add.f32.msk $0xffff, v5  }
0x17c: {  	[tilespmem:s3+$0x13A50] =	vst.add.f32.msk $0xffff, v6  }
0x17d: {  	[tilespmem:s3+$0x13A60] =	vst.add.f32.msk $0xffff, v7  }
0x17e: {  	[tilespmem:s3+$0x13A70] =	vst.add.f32.msk $0xffff, v8  }
0x17f: {  	[tilespmem:s3+$0x13A80] =	vst.add.f32.msk $0xffff, v9  }
0x180: {  	[tilespmem:s3+$0x13A90] =	vst.add.f32.msk $0xffff, v10  }
0x181: {  	[tilespmem:s3+$0x13AA0] =	vst.add.f32.msk $0xffff, v11  }
0x182: {  	[tilespmem:s3+$0x13AB0] =	vst.add.f32.msk $0xffff, v12  }
0x183: {  	[tilespmem:s3+$0x13AC0] =	vst.add.f32.msk $0xffff, v13  }
0x184: {  	[tilespmem:s3+$0x13AD0] =	vst.add.f32.msk $0xffff, v14  }
0x185: {  	[tilespmem:s3+$0x13AE0] =	vst.add.f32.msk $0xffff, v15  }
0x186: {  	[tilespmem:s3+$0x13AF0] =	vst.add.f32.msk $0xffff, v16  }
0x187: {  	[tilespmem:s3+$0x13B00] =	vst.add.f32.msk $0xffff, v17  }
0x188: {  	[tilespmem:s3+$0x13B10] =	vst.add.f32.msk $0xffff, v18  }
0x189: {  	[tilespmem:s3+$0x13B20] =	vst.add.f32.msk $0xffff, v19  }
0x18a: {  	[tilespmem:s3+$0x13B30] =	vst.add.f32.msk $0xffff, v20  }
0x18b: {  	[tilespmem:s3+$0x13B40] =	vst.add.f32.msk $0xffff, v21  }
0x18c: {  	[tilespmem:s3+$0x13B50] =	vst.add.f32.msk $0xffff, v22  }
0x18d: {  	[tilespmem:s3+$0x13B60] =	vst.add.f32.msk $0xffff, v23  }
0x18e: {  	[tilespmem:s3+$0x13B70] =	vst.add.f32.msk $0xffff, v24  }
0x18f: {  	[tilespmem:s3+$0x13B80] =	vst.add.f32.msk $0xffff, v25  }
0x190: {  	[tilespmem:s3+$0x13B90] =	vst.add.f32.msk $0xffff, v26  }
0x191: {  	[tilespmem:s3+$0x13BA0] =	vst.add.f32.msk $0xffff, v27  }
0x192: {  	[tilespmem:s3+$0x13BB0] =	vst.add.f32.msk $0xffff, v28  }
0x193: {  	[tilespmem:s3+$0x13BC0] =	vst.add.f32.msk $0xffff, v29  }
0x194: {  	s6 =	simm.s32 $0x800;
	s0 =	simm.s32 $0x0;
	[tilespmem:s3+$0x13BD0] =	vst.add.f32.msk $0xffff, v30  }
.LBB2_8:
0x195: {  	s0 =	sadd.s32 $0x4, s0;
	[tilespmem:s3+$0x13BE0] =	vst.add.f32.msk $0xffff, v0;
	s3 =	sshra.s32 s6, $0x2  }
0x196: {  	v0 =	vld [tilespmem:s3+$0x36F0];
	p0 =	slt.u32 s0, $0x7C  }
0x197: {  	v1 =	vld [tilespmem:s3+$0x3500]  }
0x198: {  	v2 =	vld [tilespmem:s3+$0x3510]  }
0x199: {  	v3 =	vld [tilespmem:s3+$0x3520]  }
0x19a: {  	v4 =	vld [tilespmem:s3+$0x3530]  }
0x19b: {  	[tilespmem:s3+$0x13BF0] =	vst.add.f32.msk $0xffff, v0  }
0x19c: {  	v5 =	vld [tilespmem:s3+$0x3540]  }
0x19d: {  	v6 =	vld [tilespmem:s3+$0x3550]  }
0x19e: {  	v7 =	vld [tilespmem:s3+$0x3560]  }
0x19f: {  	v8 =	vld [tilespmem:s3+$0x3570]  }
0x1a0: {  	v9 =	vld [tilespmem:s3+$0x3580]  }
0x1a1: {  	v10 =	vld [tilespmem:s3+$0x3590]  }
0x1a2: {  	v11 =	vld [tilespmem:s3+$0x35A0]  }
0x1a3: {  	v12 =	vld [tilespmem:s3+$0x35B0]  }
0x1a4: {  	v13 =	vld [tilespmem:s3+$0x35C0]  }
0x1a5: {  	v14 =	vld [tilespmem:s3+$0x35D0]  }
0x1a6: {  	v15 =	vld [tilespmem:s3+$0x35E0]  }
0x1a7: {  	v16 =	vld [tilespmem:s3+$0x35F0]  }
0x1a8: {  	v17 =	vld [tilespmem:s3+$0x3600]  }
0x1a9: {  	v18 =	vld [tilespmem:s3+$0x3610]  }
0x1aa: {  	v19 =	vld [tilespmem:s3+$0x3620]  }
0x1ab: {  	v20 =	vld [tilespmem:s3+$0x3630]  }
0x1ac: {  	v21 =	vld [tilespmem:s3+$0x3640]  }
0x1ad: {  	v22 =	vld [tilespmem:s3+$0x3650]  }
0x1ae: {  	v23 =	vld [tilespmem:s3+$0x3660]  }
0x1af: {  	v24 =	vld [tilespmem:s3+$0x3670]  }
0x1b0: {  	v25 =	vld [tilespmem:s3+$0x3680]  }
0x1b1: {  	v26 =	vld [tilespmem:s3+$0x3690]  }
0x1b2: {  	v27 =	vld [tilespmem:s3+$0x36A0]  }
0x1b3: {  	v28 =	vld [tilespmem:s3+$0x36B0]  }
0x1b4: {  	v29 =	vld [tilespmem:s3+$0x36C0]  }
0x1b5: {  	v30 =	vld [tilespmem:s3+$0x36D0]  }
0x1b6: {  	v0 =	vld [tilespmem:s3+$0x36E0]  }
0x1b7: {  	[tilespmem:s3+$0x13A00] =	vst.add.f32.msk $0xffff, v1  }
0x1b8: {  	[tilespmem:s3+$0x13A10] =	vst.add.f32.msk $0xffff, v2  }
0x1b9: {  	[tilespmem:s3+$0x13A20] =	vst.add.f32.msk $0xffff, v3  }
0x1ba: {  	[tilespmem:s3+$0x13A30] =	vst.add.f32.msk $0xffff, v4  }
0x1bb: {  	[tilespmem:s3+$0x13A40] =	vst.add.f32.msk $0xffff, v5  }
0x1bc: {  	[tilespmem:s3+$0x13A50] =	vst.add.f32.msk $0xffff, v6  }
0x1bd: {  	[tilespmem:s3+$0x13A60] =	vst.add.f32.msk $0xffff, v7  }
0x1be: {  	[tilespmem:s3+$0x13A70] =	vst.add.f32.msk $0xffff, v8  }
0x1bf: {  	[tilespmem:s3+$0x13A80] =	vst.add.f32.msk $0xffff, v9  }
0x1c0: {  	[tilespmem:s3+$0x13A90] =	vst.add.f32.msk $0xffff, v10  }
0x1c1: {  	[tilespmem:s3+$0x13AA0] =	vst.add.f32.msk $0xffff, v11  }
0x1c2: {  	[tilespmem:s3+$0x13AB0] =	vst.add.f32.msk $0xffff, v12  }
0x1c3: {  	[tilespmem:s3+$0x13AC0] =	vst.add.f32.msk $0xffff, v13  }
0x1c4: {  	[tilespmem:s3+$0x13AD0] =	vst.add.f32.msk $0xffff, v14  }
0x1c5: {  	[tilespmem:s3+$0x13AE0] =	vst.add.f32.msk $0xffff, v15  }
0x1c6: {  	[tilespmem:s3+$0x13AF0] =	vst.add.f32.msk $0xffff, v16  }
0x1c7: {  	[tilespmem:s3+$0x13B00] =	vst.add.f32.msk $0xffff, v17  }
0x1c8: {  	[tilespmem:s3+$0x13B10] =	vst.add.f32.msk $0xffff, v18  }
0x1c9: {  	[tilespmem:s3+$0x13B20] =	vst.add.f32.msk $0xffff, v19  }
0x1ca: {  	[tilespmem:s3+$0x13B30] =	vst.add.f32.msk $0xffff, v20  }
0x1cb: {  	[tilespmem:s3+$0x13B40] =	vst.add.f32.msk $0xffff, v21  }
0x1cc: {  	[tilespmem:s3+$0x13B50] =	vst.add.f32.msk $0xffff, v22  }
0x1cd: {  	[tilespmem:s3+$0x13B60] =	vst.add.f32.msk $0xffff, v23  }
0x1ce: {  	[tilespmem:s3+$0x13B70] =	vst.add.f32.msk $0xffff, v24  }
0x1cf: {  	[tilespmem:s3+$0x13B80] =	vst.add.f32.msk $0xffff, v25  }
.Ltmp3:
0x1d0: {  	[tilespmem:s3+$0x13B90] =	vst.add.f32.msk $0xffff, v26;
	(pc) =	sbr.rel @p0 .LBB2_8-.Ltmp3, $4  }
0x1d1: {  	[tilespmem:s3+$0x13BA0] =	vst.add.f32.msk $0xffff, v27  }
0x1d2: {  	[tilespmem:s3+$0x13BB0] =	vst.add.f32.msk $0xffff, v28  }
0x1d3: {  	[tilespmem:s3+$0x13BC0] =	vst.add.f32.msk $0xffff, v29  }
0x1d4: {  	s6 =	sadd.s32 $0x800, s6;
	[tilespmem:s3+$0x13BD0] =	vst.add.f32.msk $0xffff, v30  }
0x1d5: {  	[tilespmem:s3+$0x13BE0] =	vst.add.f32.msk $0xffff, v0  }
0x1d6: {  	s0 =	simm.s32 $0x0;
	s24 =	simm.s32 $0x6;
	s3 =	rddreg [dreg:$0x9]  }
0x1d7: {  	[hbm4b:s3+s0] =	stream.linear.scatter [tilespmem:s26], [sflag:$0x8], $0x4000, $0x38;
	[tilespmem:$0x1FA00] =	vst v63  }
0x1d8: {  	_ =	swait.ge [sflag:s24], $0x4000  }
0x1d9: {  	[sflag:s24] =	ssyncset.done $0x0  }
0x1da: {  	s25 =	simm.s32 $0x280;
	s29 =	simm.s32 $0x4;
	[sflag:s24] =	ssyncadd.s32 $0xFFFFC000  }
0x1db: {  	[tilespmem:s31], [sflag:$0x1] =	stream.indirect.gather [hbm4b:s1+s21], $0x80, s25, s21, $0xb8;
	[tilespmem:$0x1FA00] =	vst v63  }
0x1dc: {  	_ =	swait.ge [sflag:s29], $0x4000  }
0x1dd: {  	[sflag:s29] =	ssyncset.done $0x0  }
0x1de: {  	s3 =	simm.s32 $0x0;
	[sflag:s29] =	ssyncadd.s32 $0xFFFFC000  }
0x1df: {  	v0 =	vld [tilespmem:s3+$0x76F0]  }
0x1e0: {  	v1 =	vld [tilespmem:s3+$0x7500]  }
0x1e1: {  	v2 =	vld [tilespmem:s3+$0x7510]  }
0x1e2: {  	v3 =	vld [tilespmem:s3+$0x7520]  }
0x1e3: {  	v4 =	vld [tilespmem:s3+$0x7530]  }
0x1e4: {  	v5 =	vld [tilespmem:s3+$0x7540]  }
0x1e5: {  	v6 =	vld [tilespmem:s3+$0x7550]  }
0x1e6: {  	v7 =	vld [tilespmem:s3+$0x7560]  }
0x1e7: {  	v8 =	vld [tilespmem:s3+$0x7570]  }
0x1e8: {  	v9 =	vld [tilespmem:s3+$0x7580]  }
0x1e9: {  	v10 =	vld [tilespmem:s3+$0x7590]  }
0x1ea: {  	v11 =	vld [tilespmem:s3+$0x75A0]  }
0x1eb: {  	v12 =	vld [tilespmem:s3+$0x75B0]  }
0x1ec: {  	v13 =	vld [tilespmem:s3+$0x75C0]  }
0x1ed: {  	v14 =	vld [tilespmem:s3+$0x75D0]  }
0x1ee: {  	v15 =	vld [tilespmem:s3+$0x75E0]  }
0x1ef: {  	v16 =	vld [tilespmem:s3+$0x75F0]  }
0x1f0: {  	v17 =	vld [tilespmem:s3+$0x7600]  }
0x1f1: {  	v18 =	vld [tilespmem:s3+$0x7610]  }
0x1f2: {  	v19 =	vld [tilespmem:s3+$0x7620]  }
0x1f3: {  	v20 =	vld [tilespmem:s3+$0x7630]  }
0x1f4: {  	v21 =	vld [tilespmem:s3+$0x7640]  }
0x1f5: {  	v22 =	vld [tilespmem:s3+$0x7650]  }
0x1f6: {  	v23 =	vld [tilespmem:s3+$0x7660]  }
0x1f7: {  	v24 =	vld [tilespmem:s3+$0x7670]  }
0x1f8: {  	v25 =	vld [tilespmem:s3+$0x7680]  }
0x1f9: {  	v26 =	vld [tilespmem:s3+$0x7690]  }
0x1fa: {  	v27 =	vld [tilespmem:s3+$0x76A0]  }
0x1fb: {  	v28 =	vld [tilespmem:s3+$0x76B0]  }
0x1fc: {  	v29 =	vld [tilespmem:s3+$0x76C0]  }
0x1fd: {  	v30 =	vld [tilespmem:s3+$0x76D0]  }
0x1fe: {  	[tilespmem:s3+$0x17BF0] =	vst.add.f32.msk $0xffff, v0  }
0x1ff: {  	v0 =	vld [tilespmem:s3+$0x76E0]  }
0x200: {  	[tilespmem:s3+$0x17A00] =	vst.add.f32.msk $0xffff, v1  }
0x201: {  	[tilespmem:s3+$0x17A10] =	vst.add.f32.msk $0xffff, v2  }
0x202: {  	[tilespmem:s3+$0x17A20] =	vst.add.f32.msk $0xffff, v3  }
0x203: {  	[tilespmem:s3+$0x17A30] =	vst.add.f32.msk $0xffff, v4  }
0x204: {  	[tilespmem:s3+$0x17A40] =	vst.add.f32.msk $0xffff, v5  }
0x205: {  	[tilespmem:s3+$0x17A50] =	vst.add.f32.msk $0xffff, v6  }
0x206: {  	[tilespmem:s3+$0x17A60] =	vst.add.f32.msk $0xffff, v7  }
0x207: {  	[tilespmem:s3+$0x17A70] =	vst.add.f32.msk $0xffff, v8  }
0x208: {  	[tilespmem:s3+$0x17A80] =	vst.add.f32.msk $0xffff, v9  }
0x209: {  	[tilespmem:s3+$0x17A90] =	vst.add.f32.msk $0xffff, v10  }
0x20a: {  	[tilespmem:s3+$0x17AA0] =	vst.add.f32.msk $0xffff, v11  }
0x20b: {  	[tilespmem:s3+$0x17AB0] =	vst.add.f32.msk $0xffff, v12  }
0x20c: {  	[tilespmem:s3+$0x17AC0] =	vst.add.f32.msk $0xffff, v13  }
0x20d: {  	[tilespmem:s3+$0x17AD0] =	vst.add.f32.msk $0xffff, v14  }
0x20e: {  	[tilespmem:s3+$0x17AE0] =	vst.add.f32.msk $0xffff, v15  }
0x20f: {  	[tilespmem:s3+$0x17AF0] =	vst.add.f32.msk $0xffff, v16  }
0x210: {  	[tilespmem:s3+$0x17B00] =	vst.add.f32.msk $0xffff, v17  }
0x211: {  	[tilespmem:s3+$0x17B10] =	vst.add.f32.msk $0xffff, v18  }
0x212: {  	[tilespmem:s3+$0x17B20] =	vst.add.f32.msk $0xffff, v19  }
0x213: {  	[tilespmem:s3+$0x17B30] =	vst.add.f32.msk $0xffff, v20  }
0x214: {  	[tilespmem:s3+$0x17B40] =	vst.add.f32.msk $0xffff, v21  }
0x215: {  	[tilespmem:s3+$0x17B50] =	vst.add.f32.msk $0xffff, v22  }
0x216: {  	[tilespmem:s3+$0x17B60] =	vst.add.f32.msk $0xffff, v23  }
0x217: {  	[tilespmem:s3+$0x17B70] =	vst.add.f32.msk $0xffff, v24  }
0x218: {  	[tilespmem:s3+$0x17B80] =	vst.add.f32.msk $0xffff, v25  }
0x219: {  	[tilespmem:s3+$0x17B90] =	vst.add.f32.msk $0xffff, v26  }
0x21a: {  	[tilespmem:s3+$0x17BA0] =	vst.add.f32.msk $0xffff, v27  }
0x21b: {  	[tilespmem:s3+$0x17BB0] =	vst.add.f32.msk $0xffff, v28  }
0x21c: {  	[tilespmem:s3+$0x17BC0] =	vst.add.f32.msk $0xffff, v29  }
0x21d: {  	s6 =	simm.s32 $0x800;
	s0 =	simm.s32 $0x0;
	[tilespmem:s3+$0x17BD0] =	vst.add.f32.msk $0xffff, v30  }
.LBB2_10:
0x21e: {  	s0 =	sadd.s32 $0x4, s0;
	[tilespmem:s3+$0x17BE0] =	vst.add.f32.msk $0xffff, v0;
	s3 =	sshra.s32 s6, $0x2  }
0x21f: {  	v0 =	vld [tilespmem:s3+$0x76F0];
	p0 =	slt.u32 s0, $0x7C  }
0x220: {  	v1 =	vld [tilespmem:s3+$0x7500]  }
0x221: {  	v2 =	vld [tilespmem:s3+$0x7510]  }
0x222: {  	v3 =	vld [tilespmem:s3+$0x7520]  }
0x223: {  	v4 =	vld [tilespmem:s3+$0x7530]  }
0x224: {  	[tilespmem:s3+$0x17BF0] =	vst.add.f32.msk $0xffff, v0  }
0x225: {  	v5 =	vld [tilespmem:s3+$0x7540]  }
0x226: {  	v6 =	vld [tilespmem:s3+$0x7550]  }
0x227: {  	v7 =	vld [tilespmem:s3+$0x7560]  }
0x228: {  	v8 =	vld [tilespmem:s3+$0x7570]  }
0x229: {  	v9 =	vld [tilespmem:s3+$0x7580]  }
0x22a: {  	v10 =	vld [tilespmem:s3+$0x7590]  }
0x22b: {  	v11 =	vld [tilespmem:s3+$0x75A0]  }
0x22c: {  	v12 =	vld [tilespmem:s3+$0x75B0]  }
0x22d: {  	v13 =	vld [tilespmem:s3+$0x75C0]  }
0x22e: {  	v14 =	vld [tilespmem:s3+$0x75D0]  }
0x22f: {  	v15 =	vld [tilespmem:s3+$0x75E0]  }
0x230: {  	v16 =	vld [tilespmem:s3+$0x75F0]  }
0x231: {  	v17 =	vld [tilespmem:s3+$0x7600]  }
0x232: {  	v18 =	vld [tilespmem:s3+$0x7610]  }
0x233: {  	v19 =	vld [tilespmem:s3+$0x7620]  }
0x234: {  	v20 =	vld [tilespmem:s3+$0x7630]  }
0x235: {  	v21 =	vld [tilespmem:s3+$0x7640]  }
0x236: {  	v22 =	vld [tilespmem:s3+$0x7650]  }
0x237: {  	v23 =	vld [tilespmem:s3+$0x7660]  }
0x238: {  	v24 =	vld [tilespmem:s3+$0x7670]  }
0x239: {  	v25 =	vld [tilespmem:s3+$0x7680]  }
0x23a: {  	v26 =	vld [tilespmem:s3+$0x7690]  }
0x23b: {  	v27 =	vld [tilespmem:s3+$0x76A0]  }
0x23c: {  	v28 =	vld [tilespmem:s3+$0x76B0]  }
0x23d: {  	v29 =	vld [tilespmem:s3+$0x76C0]  }
0x23e: {  	v30 =	vld [tilespmem:s3+$0x76D0]  }
0x23f: {  	v0 =	vld [tilespmem:s3+$0x76E0]  }
0x240: {  	[tilespmem:s3+$0x17A00] =	vst.add.f32.msk $0xffff, v1  }
0x241: {  	[tilespmem:s3+$0x17A10] =	vst.add.f32.msk $0xffff, v2  }
0x242: {  	[tilespmem:s3+$0x17A20] =	vst.add.f32.msk $0xffff, v3  }
0x243: {  	[tilespmem:s3+$0x17A30] =	vst.add.f32.msk $0xffff, v4  }
0x244: {  	[tilespmem:s3+$0x17A40] =	vst.add.f32.msk $0xffff, v5  }
0x245: {  	[tilespmem:s3+$0x17A50] =	vst.add.f32.msk $0xffff, v6  }
0x246: {  	[tilespmem:s3+$0x17A60] =	vst.add.f32.msk $0xffff, v7  }
0x247: {  	[tilespmem:s3+$0x17A70] =	vst.add.f32.msk $0xffff, v8  }
0x248: {  	[tilespmem:s3+$0x17A80] =	vst.add.f32.msk $0xffff, v9  }
0x249: {  	[tilespmem:s3+$0x17A90] =	vst.add.f32.msk $0xffff, v10  }
0x24a: {  	[tilespmem:s3+$0x17AA0] =	vst.add.f32.msk $0xffff, v11  }
0x24b: {  	[tilespmem:s3+$0x17AB0] =	vst.add.f32.msk $0xffff, v12  }
0x24c: {  	[tilespmem:s3+$0x17AC0] =	vst.add.f32.msk $0xffff, v13  }
0x24d: {  	[tilespmem:s3+$0x17AD0] =	vst.add.f32.msk $0xffff, v14  }
0x24e: {  	[tilespmem:s3+$0x17AE0] =	vst.add.f32.msk $0xffff, v15  }
0x24f: {  	[tilespmem:s3+$0x17AF0] =	vst.add.f32.msk $0xffff, v16  }
0x250: {  	[tilespmem:s3+$0x17B00] =	vst.add.f32.msk $0xffff, v17  }
0x251: {  	[tilespmem:s3+$0x17B10] =	vst.add.f32.msk $0xffff, v18  }
0x252: {  	[tilespmem:s3+$0x17B20] =	vst.add.f32.msk $0xffff, v19  }
0x253: {  	[tilespmem:s3+$0x17B30] =	vst.add.f32.msk $0xffff, v20  }
0x254: {  	[tilespmem:s3+$0x17B40] =	vst.add.f32.msk $0xffff, v21  }
0x255: {  	[tilespmem:s3+$0x17B50] =	vst.add.f32.msk $0xffff, v22  }
0x256: {  	[tilespmem:s3+$0x17B60] =	vst.add.f32.msk $0xffff, v23  }
0x257: {  	[tilespmem:s3+$0x17B70] =	vst.add.f32.msk $0xffff, v24  }
0x258: {  	[tilespmem:s3+$0x17B80] =	vst.add.f32.msk $0xffff, v25  }
.Ltmp4:
0x259: {  	[tilespmem:s3+$0x17B90] =	vst.add.f32.msk $0xffff, v26;
	(pc) =	sbr.rel @p0 .LBB2_10-.Ltmp4, $4  }
0x25a: {  	[tilespmem:s3+$0x17BA0] =	vst.add.f32.msk $0xffff, v27  }
0x25b: {  	[tilespmem:s3+$0x17BB0] =	vst.add.f32.msk $0xffff, v28  }
0x25c: {  	[tilespmem:s3+$0x17BC0] =	vst.add.f32.msk $0xffff, v29  }
0x25d: {  	s6 =	sadd.s32 $0x800, s6;
	[tilespmem:s3+$0x17BD0] =	vst.add.f32.msk $0xffff, v30  }
0x25e: {  	[tilespmem:s3+$0x17BE0] =	vst.add.f32.msk $0xffff, v0  }
0x25f: {  	s0 =	simm.s32 $0x0;
	s6 =	simm.s32 $0x17A00;
	s3 =	rddreg [dreg:$0xa]  }
0x260: {  	[hbm4b:s3+s0] =	stream.linear.scatter [tilespmem:s6], [sflag:$0x9], $0x4000, $0x38;
	[tilespmem:$0x1FA00] =	vst v63  }
0x261: {  	_ =	swait.ge [sflag:s2], $0x4000  }
0x262: {  	[sflag:s2] =	ssyncset.done $0x0  }
0x263: {  	s29 =	simm.s32 $0x300;
	[sflag:s2] =	ssyncadd.s32 $0xFFFFC000  }
0x264: {  	[tilespmem:s30], [sflag:$0x2] =	stream.indirect.gather [hbm4b:s1+s21], $0x80, s29, s21, $0xb8;
	[tilespmem:$0x1FA00] =	vst v63  }
0x265: {  	_ =	swait.ge [sflag:s28], $0x4000  }
0x266: {  	[sflag:s28] =	ssyncset.done $0x0  }
0x267: {  	s3 =	simm.s32 $0x0;
	[sflag:s28] =	ssyncadd.s32 $0xFFFFC000  }
0x268: {  	v0 =	vld [tilespmem:s3+$0x52F0]  }
0x269: {  	v1 =	vld [tilespmem:s3+$0x5100]  }
0x26a: {  	v2 =	vld [tilespmem:s3+$0x5110]  }
0x26b: {  	v3 =	vld [tilespmem:s3+$0x5120]  }
0x26c: {  	v4 =	vld [tilespmem:s3+$0x5130]  }
0x26d: {  	v5 =	vld [tilespmem:s3+$0x5140]  }
0x26e: {  	v6 =	vld [tilespmem:s3+$0x5150]  }
0x26f: {  	v7 =	vld [tilespmem:s3+$0x5160]  }
0x270: {  	v8 =	vld [tilespmem:s3+$0x5170]  }
0x271: {  	v9 =	vld [tilespmem:s3+$0x5180]  }
0x272: {  	v10 =	vld [tilespmem:s3+$0x5190]  }
0x273: {  	v11 =	vld [tilespmem:s3+$0x51A0]  }
0x274: {  	v12 =	vld [tilespmem:s3+$0x51B0]  }
0x275: {  	v13 =	vld [tilespmem:s3+$0x51C0]  }
0x276: {  	v14 =	vld [tilespmem:s3+$0x51D0]  }
0x277: {  	v15 =	vld [tilespmem:s3+$0x51E0]  }
0x278: {  	v16 =	vld [tilespmem:s3+$0x51F0]  }
0x279: {  	v17 =	vld [tilespmem:s3+$0x5200]  }
0x27a: {  	v18 =	vld [tilespmem:s3+$0x5210]  }
0x27b: {  	v19 =	vld [tilespmem:s3+$0x5220]  }
0x27c: {  	v20 =	vld [tilespmem:s3+$0x5230]  }
0x27d: {  	v21 =	vld [tilespmem:s3+$0x5240]  }
0x27e: {  	v22 =	vld [tilespmem:s3+$0x5250]  }
0x27f: {  	v23 =	vld [tilespmem:s3+$0x5260]  }
0x280: {  	v24 =	vld [tilespmem:s3+$0x5270]  }
0x281: {  	v25 =	vld [tilespmem:s3+$0x5280]  }
0x282: {  	v26 =	vld [tilespmem:s3+$0x5290]  }
0x283: {  	v27 =	vld [tilespmem:s3+$0x52A0]  }
0x284: {  	v28 =	vld [tilespmem:s3+$0x52B0]  }
0x285: {  	v29 =	vld [tilespmem:s3+$0x52C0]  }
0x286: {  	v30 =	vld [tilespmem:s3+$0x52D0]  }
0x287: {  	[tilespmem:s3+$0x1BBF0] =	vst.add.f32.msk $0xffff, v0  }
0x288: {  	v0 =	vld [tilespmem:s3+$0x52E0]  }
0x289: {  	[tilespmem:s3+$0x1BA00] =	vst.add.f32.msk $0xffff, v1  }
0x28a: {  	[tilespmem:s3+$0x1BA10] =	vst.add.f32.msk $0xffff, v2  }
0x28b: {  	[tilespmem:s3+$0x1BA20] =	vst.add.f32.msk $0xffff, v3  }
0x28c: {  	[tilespmem:s3+$0x1BA30] =	vst.add.f32.msk $0xffff, v4  }
0x28d: {  	[tilespmem:s3+$0x1BA40] =	vst.add.f32.msk $0xffff, v5  }
0x28e: {  	[tilespmem:s3+$0x1BA50] =	vst.add.f32.msk $0xffff, v6  }
0x28f: {  	[tilespmem:s3+$0x1BA60] =	vst.add.f32.msk $0xffff, v7  }
0x290: {  	[tilespmem:s3+$0x1BA70] =	vst.add.f32.msk $0xffff, v8  }
0x291: {  	[tilespmem:s3+$0x1BA80] =	vst.add.f32.msk $0xffff, v9  }
0x292: {  	[tilespmem:s3+$0x1BA90] =	vst.add.f32.msk $0xffff, v10  }
0x293: {  	[tilespmem:s3+$0x1BAA0] =	vst.add.f32.msk $0xffff, v11  }
0x294: {  	[tilespmem:s3+$0x1BAB0] =	vst.add.f32.msk $0xffff, v12  }
0x295: {  	[tilespmem:s3+$0x1BAC0] =	vst.add.f32.msk $0xffff, v13  }
0x296: {  	[tilespmem:s3+$0x1BAD0] =	vst.add.f32.msk $0xffff, v14  }
0x297: {  	[tilespmem:s3+$0x1BAE0] =	vst.add.f32.msk $0xffff, v15  }
0x298: {  	[tilespmem:s3+$0x1BAF0] =	vst.add.f32.msk $0xffff, v16  }
0x299: {  	[tilespmem:s3+$0x1BB00] =	vst.add.f32.msk $0xffff, v17  }
0x29a: {  	[tilespmem:s3+$0x1BB10] =	vst.add.f32.msk $0xffff, v18  }
0x29b: {  	[tilespmem:s3+$0x1BB20] =	vst.add.f32.msk $0xffff, v19  }
0x29c: {  	[tilespmem:s3+$0x1BB30] =	vst.add.f32.msk $0xffff, v20  }
0x29d: {  	[tilespmem:s3+$0x1BB40] =	vst.add.f32.msk $0xffff, v21  }
0x29e: {  	[tilespmem:s3+$0x1BB50] =	vst.add.f32.msk $0xffff, v22  }
0x29f: {  	[tilespmem:s3+$0x1BB60] =	vst.add.f32.msk $0xffff, v23  }
0x2a0: {  	[tilespmem:s3+$0x1BB70] =	vst.add.f32.msk $0xffff, v24  }
0x2a1: {  	[tilespmem:s3+$0x1BB80] =	vst.add.f32.msk $0xffff, v25  }
0x2a2: {  	[tilespmem:s3+$0x1BB90] =	vst.add.f32.msk $0xffff, v26  }
0x2a3: {  	[tilespmem:s3+$0x1BBA0] =	vst.add.f32.msk $0xffff, v27  }
0x2a4: {  	[tilespmem:s3+$0x1BBB0] =	vst.add.f32.msk $0xffff, v28  }
0x2a5: {  	[tilespmem:s3+$0x1BBC0] =	vst.add.f32.msk $0xffff, v29  }
0x2a6: {  	s0 =	simm.s32 $0x0;
	s6 =	simm.s32 $0x800;
	[tilespmem:s3+$0x1BBD0] =	vst.add.f32.msk $0xffff, v30  }
.LBB2_12:
0x2a7: {  	s0 =	sadd.s32 $0x4, s0;
	[tilespmem:s3+$0x1BBE0] =	vst.add.f32.msk $0xffff, v0;
	s3 =	sshra.s32 s6, $0x2  }
0x2a8: {  	v0 =	vld [tilespmem:s3+$0x52F0];
	p0 =	slt.u32 s0, $0x7C  }
0x2a9: {  	v1 =	vld [tilespmem:s3+$0x5100]  }
0x2aa: {  	v2 =	vld [tilespmem:s3+$0x5110]  }
0x2ab: {  	v3 =	vld [tilespmem:s3+$0x5120]  }
0x2ac: {  	v4 =	vld [tilespmem:s3+$0x5130]  }
0x2ad: {  	[tilespmem:s3+$0x1BBF0] =	vst.add.f32.msk $0xffff, v0  }
0x2ae: {  	v5 =	vld [tilespmem:s3+$0x5140]  }
0x2af: {  	v6 =	vld [tilespmem:s3+$0x5150]  }
0x2b0: {  	v7 =	vld [tilespmem:s3+$0x5160]  }
0x2b1: {  	v8 =	vld [tilespmem:s3+$0x5170]  }
0x2b2: {  	v9 =	vld [tilespmem:s3+$0x5180]  }
0x2b3: {  	v10 =	vld [tilespmem:s3+$0x5190]  }
0x2b4: {  	v11 =	vld [tilespmem:s3+$0x51A0]  }
0x2b5: {  	v12 =	vld [tilespmem:s3+$0x51B0]  }
0x2b6: {  	v13 =	vld [tilespmem:s3+$0x51C0]  }
0x2b7: {  	v14 =	vld [tilespmem:s3+$0x51D0]  }
0x2b8: {  	v15 =	vld [tilespmem:s3+$0x51E0]  }
0x2b9: {  	v16 =	vld [tilespmem:s3+$0x51F0]  }
0x2ba: {  	v17 =	vld [tilespmem:s3+$0x5200]  }
0x2bb: {  	v18 =	vld [tilespmem:s3+$0x5210]  }
0x2bc: {  	v19 =	vld [tilespmem:s3+$0x5220]  }
0x2bd: {  	v20 =	vld [tilespmem:s3+$0x5230]  }
0x2be: {  	v21 =	vld [tilespmem:s3+$0x5240]  }
0x2bf: {  	v22 =	vld [tilespmem:s3+$0x5250]  }
0x2c0: {  	v23 =	vld [tilespmem:s3+$0x5260]  }
0x2c1: {  	v24 =	vld [tilespmem:s3+$0x5270]  }
0x2c2: {  	v25 =	vld [tilespmem:s3+$0x5280]  }
0x2c3: {  	v26 =	vld [tilespmem:s3+$0x5290]  }
0x2c4: {  	v27 =	vld [tilespmem:s3+$0x52A0]  }
0x2c5: {  	v28 =	vld [tilespmem:s3+$0x52B0]  }
0x2c6: {  	v29 =	vld [tilespmem:s3+$0x52C0]  }
0x2c7: {  	v30 =	vld [tilespmem:s3+$0x52D0]  }
0x2c8: {  	v0 =	vld [tilespmem:s3+$0x52E0]  }
0x2c9: {  	[tilespmem:s3+$0x1BA00] =	vst.add.f32.msk $0xffff, v1  }
0x2ca: {  	[tilespmem:s3+$0x1BA10] =	vst.add.f32.msk $0xffff, v2  }
0x2cb: {  	[tilespmem:s3+$0x1BA20] =	vst.add.f32.msk $0xffff, v3  }
0x2cc: {  	[tilespmem:s3+$0x1BA30] =	vst.add.f32.msk $0xffff, v4  }
0x2cd: {  	[tilespmem:s3+$0x1BA40] =	vst.add.f32.msk $0xffff, v5  }
0x2ce: {  	[tilespmem:s3+$0x1BA50] =	vst.add.f32.msk $0xffff, v6  }
0x2cf: {  	[tilespmem:s3+$0x1BA60] =	vst.add.f32.msk $0xffff, v7  }
0x2d0: {  	[tilespmem:s3+$0x1BA70] =	vst.add.f32.msk $0xffff, v8  }
0x2d1: {  	[tilespmem:s3+$0x1BA80] =	vst.add.f32.msk $0xffff, v9  }
0x2d2: {  	[tilespmem:s3+$0x1BA90] =	vst.add.f32.msk $0xffff, v10  }
0x2d3: {  	[tilespmem:s3+$0x1BAA0] =	vst.add.f32.msk $0xffff, v11  }
0x2d4: {  	[tilespmem:s3+$0x1BAB0] =	vst.add.f32.msk $0xffff, v12  }
0x2d5: {  	[tilespmem:s3+$0x1BAC0] =	vst.add.f32.msk $0xffff, v13  }
0x2d6: {  	[tilespmem:s3+$0x1BAD0] =	vst.add.f32.msk $0xffff, v14  }
0x2d7: {  	[tilespmem:s3+$0x1BAE0] =	vst.add.f32.msk $0xffff, v15  }
0x2d8: {  	[tilespmem:s3+$0x1BAF0] =	vst.add.f32.msk $0xffff, v16  }
0x2d9: {  	[tilespmem:s3+$0x1BB00] =	vst.add.f32.msk $0xffff, v17  }
0x2da: {  	[tilespmem:s3+$0x1BB10] =	vst.add.f32.msk $0xffff, v18  }
0x2db: {  	[tilespmem:s3+$0x1BB20] =	vst.add.f32.msk $0xffff, v19  }
0x2dc: {  	[tilespmem:s3+$0x1BB30] =	vst.add.f32.msk $0xffff, v20  }
0x2dd: {  	[tilespmem:s3+$0x1BB40] =	vst.add.f32.msk $0xffff, v21  }
0x2de: {  	[tilespmem:s3+$0x1BB50] =	vst.add.f32.msk $0xffff, v22  }
0x2df: {  	[tilespmem:s3+$0x1BB60] =	vst.add.f32.msk $0xffff, v23  }
0x2e0: {  	[tilespmem:s3+$0x1BB70] =	vst.add.f32.msk $0xffff, v24  }
0x2e1: {  	[tilespmem:s3+$0x1BB80] =	vst.add.f32.msk $0xffff, v25  }
.Ltmp5:
0x2e2: {  	[tilespmem:s3+$0x1BB90] =	vst.add.f32.msk $0xffff, v26;
	(pc) =	sbr.rel @p0 .LBB2_12-.Ltmp5, $4  }
0x2e3: {  	[tilespmem:s3+$0x1BBA0] =	vst.add.f32.msk $0xffff, v27  }
0x2e4: {  	[tilespmem:s3+$0x1BBB0] =	vst.add.f32.msk $0xffff, v28  }
0x2e5: {  	[tilespmem:s3+$0x1BBC0] =	vst.add.f32.msk $0xffff, v29  }
0x2e6: {  	s6 =	sadd.s32 $0x800, s6;
	[tilespmem:s3+$0x1BBD0] =	vst.add.f32.msk $0xffff, v30  }
0x2e7: {  	s30 =	simm.s32 $0x1BA00  }
0x2e8: {  	s12 =	simm.s32 $0x1;
	s13 =	simm.s32 $0x15900;
	s14 =	simm.s32 $0x280  }
0x2e9: {  	s15 =	simm.s32 $0x19900;
	s16 =	simm.s32 $0x300;
	s17 =	simm.s32 $0x1D900  }
0x2ea: {  	[tilespmem:s3+$0x1BBE0] =	vst.add.f32.msk $0xffff, v0;
	s18 =	simm.s32 $0x380;
	s19 =	simm.s32 $0x21900;
	s9 =	simm.s32 $0x400  }
0x2eb: {  	s20 =	simm.s32 $0x25900;
	s11 =	simm.s32 $0x480;
	s0 =	rddreg [dreg:$0xb]  }
0x2ec: {  	[hbm4b:s0+s22] =	stream.linear.scatter [tilespmem:s30], [sflag:$0xA], $0x4000, $0x38;
	[tilespmem:$0x1FA00] =	vst v63  }
.LBB2_14:
0x2ed: {  	s0 =	smulhi.u32 $0x51EB851F, s14;
	_ =	sdelay $0x1  }
0x2ee: {  	s0 =	sshrl.u32 s0, $0x6  }
0x2ef: {  	s0 =	smul.u32 $0xFFFE7000, s0;
	_ =	sdelay $0x1  }
0x2f0: {  	_ =	swait.ge [sflag:s4], $0x4000;
	s29 =	smul.u32 $0x280, s12;
	s0 =	sshra.s32 s0, $0x2  }
0x2f1: {  	[sflag:s4] =	ssyncset.done $0x0;
	s0 =	sadd.s32 s0, s13  }
0x2f2: {  	s24 =	simm.s32 $0x1;
	[sflag:s4] =	ssyncadd.s32 $0xFFFFC000;
	s22 =	sadd.s32 $0x100, s29;
	v0 =	vmov s0  }
0x2f3: {  	[tilespmem:s26], [sflag:$0x3] =	stream.indirect.gather [hbm4b:s1+s21], $0x80, s22, s21, $0xb8;
	[tilespmem:$0x1FA00] =	vst v63  }
0x2f4: {  	_ =	swait.ge [sflag:s24], $0x4000  }
0x2f5: {  	[sflag:s24] =	ssyncset.done $0x0  }
0x2f6: {  	s23 =	simm.s32 $0x0;
	[sflag:s24] =	ssyncadd.s32 $0xFFFFC000  }
0x2f7: {  	v1 =	vld.idx.msk [tilespmem:v0+s23+$0x180 ss:$0x1], $0xffff  }
0x2f8: {  	v2 =	vld.idx.msk [tilespmem:v0+s23+$0x0 ss:$0x1], $0xffff  }
0x2f9: {  	v3 =	vld.idx.msk [tilespmem:v0+s23+$0x80 ss:$0x1], $0xffff;
	_ =	sdelay $0x1  }
0x2fa: {  	v4 =	vld.idx.msk [tilespmem:v0+s23+$0x100 ss:$0x1], $0xffff  }
0x2fb: {  	[tilespmem:s23+$0xBB80] =	vst.add.f32.msk $0xffff, v1  }
0x2fc: {  	[tilespmem:s23+$0xBA00] =	vst.add.f32.msk $0xffff, v2  }
0x2fd: {  	[tilespmem:s23+$0xBA80] =	vst.add.f32.msk $0xffff, v3  }
0x2fe: {  	v1 =	vld.idx.msk [tilespmem:v0+s23+$0x190 ss:$0x1], $0xffff  }
0x2ff: {  	v2 =	vld.idx.msk [tilespmem:v0+s23+$0x10 ss:$0x1], $0xffff  }
0x300: {  	v3 =	vld.idx.msk [tilespmem:v0+s23+$0x90 ss:$0x1], $0xffff  }
0x301: {  	[tilespmem:s23+$0xBB00] =	vst.add.f32.msk $0xffff, v4  }
0x302: {  	v4 =	vld.idx.msk [tilespmem:v0+s23+$0x110 ss:$0x1], $0xffff  }
0x303: {  	[tilespmem:s23+$0xBB90] =	vst.add.f32.msk $0xffff, v1  }
0x304: {  	[tilespmem:s23+$0xBA10] =	vst.add.f32.msk $0xffff, v2  }
0x305: {  	[tilespmem:s23+$0xBA90] =	vst.add.f32.msk $0xffff, v3  }
0x306: {  	v1 =	vld.idx.msk [tilespmem:v0+s23+$0x1A0 ss:$0x1], $0xffff  }
0x307: {  	v2 =	vld.idx.msk [tilespmem:v0+s23+$0x20 ss:$0x1], $0xffff  }
0x308: {  	v3 =	vld.idx.msk [tilespmem:v0+s23+$0xA0 ss:$0x1], $0xffff  }
0x309: {  	[tilespmem:s23+$0xBB10] =	vst.add.f32.msk $0xffff, v4  }
0x30a: {  	v4 =	vld.idx.msk [tilespmem:v0+s23+$0x120 ss:$0x1], $0xffff  }
0x30b: {  	[tilespmem:s23+$0xBBA0] =	vst.add.f32.msk $0xffff, v1  }
0x30c: {  	[tilespmem:s23+$0xBA20] =	vst.add.f32.msk $0xffff, v2  }
0x30d: {  	[tilespmem:s23+$0xBAA0] =	vst.add.f32.msk $0xffff, v3  }
0x30e: {  	v1 =	vld.idx.msk [tilespmem:v0+s23+$0x1B0 ss:$0x1], $0xffff  }
0x30f: {  	v2 =	vld.idx.msk [tilespmem:v0+s23+$0x30 ss:$0x1], $0xffff  }
0x310: {  	v3 =	vld.idx.msk [tilespmem:v0+s23+$0xB0 ss:$0x1], $0xffff  }
0x311: {  	[tilespmem:s23+$0xBB20] =	vst.add.f32.msk $0xffff, v4  }
0x312: {  	v4 =	vld.idx.msk [tilespmem:v0+s23+$0x130 ss:$0x1], $0xffff  }
0x313: {  	[tilespmem:s23+$0xBBB0] =	vst.add.f32.msk $0xffff, v1  }
0x314: {  	[tilespmem:s23+$0xBA30] =	vst.add.f32.msk $0xffff, v2  }
0x315: {  	[tilespmem:s23+$0xBAB0] =	vst.add.f32.msk $0xffff, v3  }
0x316: {  	v1 =	vld.idx.msk [tilespmem:v0+s23+$0x1C0 ss:$0x1], $0xffff  }
0x317: {  	v2 =	vld.idx.msk [tilespmem:v0+s23+$0x40 ss:$0x1], $0xffff  }
0x318: {  	v3 =	vld.idx.msk [tilespmem:v0+s23+$0xC0 ss:$0x1], $0xffff  }
0x319: {  	[tilespmem:s23+$0xBB30] =	vst.add.f32.msk $0xffff, v4  }
0x31a: {  	v4 =	vld.idx.msk [tilespmem:v0+s23+$0x140 ss:$0x1], $0xffff  }
0x31b: {  	[tilespmem:s23+$0xBBC0] =	vst.add.f32.msk $0xffff, v1  }
0x31c: {  	[tilespmem:s23+$0xBA40] =	vst.add.f32.msk $0xffff, v2  }
0x31d: {  	[tilespmem:s23+$0xBAC0] =	vst.add.f32.msk $0xffff, v3  }
0x31e: {  	v1 =	vld.idx.msk [tilespmem:v0+s23+$0x1D0 ss:$0x1], $0xffff  }
0x31f: {  	v2 =	vld.idx.msk [tilespmem:v0+s23+$0x50 ss:$0x1], $0xffff  }
0x320: {  	[tilespmem:s23+$0xBB40] =	vst.add.f32.msk $0xffff, v4  }
0x321: {  	v3 =	vld.idx.msk [tilespmem:v0+s23+$0xD0 ss:$0x1], $0xffff  }
0x322: {  	v4 =	vld.idx.msk [tilespmem:v0+s23+$0x150 ss:$0x1], $0xffff  }
0x323: {  	[tilespmem:s23+$0xBBD0] =	vst.add.f32.msk $0xffff, v1  }
0x324: {  	[tilespmem:s23+$0xBA50] =	vst.add.f32.msk $0xffff, v2  }
0x325: {  	v1 =	vld.idx.msk [tilespmem:v0+s23+$0x1E0 ss:$0x1], $0xffff  }
0x326: {  	[tilespmem:s23+$0xBAD0] =	vst.add.f32.msk $0xffff, v3  }
0x327: {  	s3 =	smulhi.u32 $0x51EB851F, s9;
	[tilespmem:s23+$0xBB50] =	vst.add.f32.msk $0xffff, v4  }
0x328: {  	s25 =	smulhi.u32 $0x51EB851F, s11;
	v2 =	vld.idx.msk [tilespmem:v0+s23+$0x60 ss:$0x1], $0xffff  }
0x329: {  	s6 =	smulhi.u32 $0x51EB851F, s18;
	s3 =	sshrl.u32 s3, $0x6;
	v5 =	vld.idx.msk [tilespmem:v0+s23+$0xE0 ss:$0x1], $0xffff  }
0x32a: {  	s3 =	smul.u32 $0xFFFE7000, s3;
	[tilespmem:s23+$0xBBE0] =	vst.add.f32.msk $0xffff, v1  }
0x32b: {  	s6 =	sshrl.u32 s6, $0x6;
	s24 =	smulhi.u32 $0x51EB851F, s16;
	v1 =	vld.idx.msk [tilespmem:v0+s23+$0x1F0 ss:$0x1], $0xffff  }
0x32c: {  	s0 =	sshrl.u32 s25, $0x6;
	s25 =	smul.u32 $0xFFFE7000, s6;
	v3 =	vld.idx.msk [tilespmem:v0+s23+$0x160 ss:$0x1], $0xffff  }
0x32d: {  	s0 =	smul.u32 $0xFFFE7000, s0;
	s26 =	sshrl.u32 s24, $0x6;
	[tilespmem:s23+$0xBA60] =	vst.add.f32.msk $0xffff, v2  }
0x32e: {  	s24 =	sshra.s32 s3, $0x2;
	s26 =	smul.u32 $0xFFFE7000, s26;
	[tilespmem:s23+$0xBAE0] =	vst.add.f32.msk $0xffff, v5  }
0x32f: {  	s25 =	sshra.s32 s25, $0x2;
	s3 =	sadd.s32 s24, s19;
	s0 =	sshra.s32 s0, $0x2;
	v2 =	vld.idx.msk [tilespmem:v0+s23+$0x70 ss:$0x1], $0xffff  }
0x330: {  	s24 =	sadd.s32 s25, s17;
	s25 =	simm.s32 $0x800;
	s26 =	sshra.s32 s26, $0x2;
	[tilespmem:s23+$0xBBF0] =	vst.add.f32.msk $0xffff, v1  }
0x331: {  	s6 =	sadd.s32 s0, s20;
	s0 =	simm.s32 $0x0;
	s30 =	sadd.s32 s26, s15;
	v1 =	vld.idx.msk [tilespmem:v0+s23+$0xF0 ss:$0x1], $0xffff  }
.LBB2_15:
0x332: {  	s26 =	sshra.s32 s25, $0x2;
	s0 =	sadd.s32 $0x4, s0;
	[tilespmem:s23+$0xBB60] =	vst.add.f32.msk $0xffff, v3  }
0x333: {  	v3 =	vld.idx.msk [tilespmem:v0+s26+$0x180 ss:$0x1], $0xffff;
	p0 =	slt.u32 s0, $0x7C  }
0x334: {  	v4 =	vld.idx.msk [tilespmem:v0+s26+$0x0 ss:$0x1], $0xffff  }
0x335: {  	v5 =	vld.idx.msk [tilespmem:v0+s26+$0x80 ss:$0x1], $0xffff  }
0x336: {  	v6 =	vld.idx.msk [tilespmem:v0+s26+$0x100 ss:$0x1], $0xffff  }
0x337: {  	v7 =	vld.idx.msk [tilespmem:v0+s23+$0x170 ss:$0x1], $0xffff  }
0x338: {  	[tilespmem:s23+$0xBA70] =	vst.add.f32.msk $0xffff, v2  }
0x339: {  	[tilespmem:s26+$0xBB80] =	vst.add.f32.msk $0xffff, v3  }
0x33a: {  	v2 =	vld.idx.msk [tilespmem:v0+s26+$0x190 ss:$0x1], $0xffff  }
0x33b: {  	[tilespmem:s26+$0xBA00] =	vst.add.f32.msk $0xffff, v4  }
0x33c: {  	[tilespmem:s26+$0xBA80] =	vst.add.f32.msk $0xffff, v5  }
0x33d: {  	[tilespmem:s26+$0xBB00] =	vst.add.f32.msk $0xffff, v6  }
0x33e: {  	v3 =	vld.idx.msk [tilespmem:v0+s26+$0x10 ss:$0x1], $0xffff  }
0x33f: {  	v4 =	vld.idx.msk [tilespmem:v0+s26+$0x90 ss:$0x1], $0xffff  }
0x340: {  	[tilespmem:s26+$0xBB90] =	vst.add.f32.msk $0xffff, v2  }
0x341: {  	v2 =	vld.idx.msk [tilespmem:v0+s26+$0x1A0 ss:$0x1], $0xffff  }
0x342: {  	v5 =	vld.idx.msk [tilespmem:v0+s26+$0x110 ss:$0x1], $0xffff  }
0x343: {  	[tilespmem:s23+$0xBAF0] =	vst.add.f32.msk $0xffff, v1  }
0x344: {  	[tilespmem:s26+$0xBA10] =	vst.add.f32.msk $0xffff, v3  }
0x345: {  	[tilespmem:s26+$0xBA90] =	vst.add.f32.msk $0xffff, v4  }
0x346: {  	v1 =	vld.idx.msk [tilespmem:v0+s26+$0x20 ss:$0x1], $0xffff  }
0x347: {  	[tilespmem:s26+$0xBBA0] =	vst.add.f32.msk $0xffff, v2  }
0x348: {  	v2 =	vld.idx.msk [tilespmem:v0+s26+$0x1B0 ss:$0x1], $0xffff  }
0x349: {  	[tilespmem:s26+$0xBB10] =	vst.add.f32.msk $0xffff, v5  }
0x34a: {  	v3 =	vld.idx.msk [tilespmem:v0+s26+$0xA0 ss:$0x1], $0xffff  }
0x34b: {  	v4 =	vld.idx.msk [tilespmem:v0+s26+$0x120 ss:$0x1], $0xffff  }
0x34c: {  	[tilespmem:s26+$0xBA20] =	vst.add.f32.msk $0xffff, v1  }
0x34d: {  	v1 =	vld.idx.msk [tilespmem:v0+s26+$0x30 ss:$0x1], $0xffff  }
0x34e: {  	[tilespmem:s26+$0xBBB0] =	vst.add.f32.msk $0xffff, v2  }
0x34f: {  	v2 =	vld.idx.msk [tilespmem:v0+s26+$0x1C0 ss:$0x1], $0xffff  }
0x350: {  	[tilespmem:s26+$0xBAA0] =	vst.add.f32.msk $0xffff, v3  }
0x351: {  	[tilespmem:s26+$0xBB20] =	vst.add.f32.msk $0xffff, v4  }
0x352: {  	v3 =	vld.idx.msk [tilespmem:v0+s26+$0xB0 ss:$0x1], $0xffff  }
0x353: {  	v4 =	vld.idx.msk [tilespmem:v0+s26+$0x130 ss:$0x1], $0xffff  }
0x354: {  	[tilespmem:s26+$0xBA30] =	vst.add.f32.msk $0xffff, v1  }
0x355: {  	[tilespmem:s26+$0xBBC0] =	vst.add.f32.msk $0xffff, v2  }
0x356: {  	v1 =	vld.idx.msk [tilespmem:v0+s26+$0x1D0 ss:$0x1], $0xffff  }
0x357: {  	v2 =	vld.idx.msk [tilespmem:v0+s26+$0x40 ss:$0x1], $0xffff  }
0x358: {  	[tilespmem:s26+$0xBAB0] =	vst.add.f32.msk $0xffff, v3  }
0x359: {  	[tilespmem:s26+$0xBB30] =	vst.add.f32.msk $0xffff, v4  }
0x35a: {  	v3 =	vld.idx.msk [tilespmem:v0+s26+$0xC0 ss:$0x1], $0xffff  }
0x35b: {  	v4 =	vld.idx.msk [tilespmem:v0+s26+$0x140 ss:$0x1], $0xffff  }
0x35c: {  	[tilespmem:s26+$0xBBD0] =	vst.add.f32.msk $0xffff, v1  }
0x35d: {  	v1 =	vld.idx.msk [tilespmem:v0+s26+$0x1E0 ss:$0x1], $0xffff  }
0x35e: {  	[tilespmem:s26+$0xBA40] =	vst.add.f32.msk $0xffff, v2  }
0x35f: {  	v2 =	vld.idx.msk [tilespmem:v0+s26+$0x50 ss:$0x1], $0xffff  }
0x360: {  	[tilespmem:s26+$0xBAC0] =	vst.add.f32.msk $0xffff, v3  }
0x361: {  	[tilespmem:s26+$0xBB40] =	vst.add.f32.msk $0xffff, v4  }
0x362: {  	v3 =	vld.idx.msk [tilespmem:v0+s26+$0xD0 ss:$0x1], $0xffff  }
0x363: {  	[tilespmem:s26+$0xBBE0] =	vst.add.f32.msk $0xffff, v1  }
0x364: {  	v1 =	vld.idx.msk [tilespmem:v0+s26+$0x1F0 ss:$0x1], $0xffff  }
0x365: {  	v4 =	vld.idx.msk [tilespmem:v0+s26+$0x150 ss:$0x1], $0xffff  }
0x366: {  	[tilespmem:s26+$0xBA50] =	vst.add.f32.msk $0xffff, v2  }
0x367: {  	v2 =	vld.idx.msk [tilespmem:v0+s26+$0x60 ss:$0x1], $0xffff  }
0x368: {  	[tilespmem:s26+$0xBAD0] =	vst.add.f32.msk $0xffff, v3  }
0x369: {  	v5 =	vld.idx.msk [tilespmem:v0+s26+$0xE0 ss:$0x1], $0xffff  }
0x36a: {  	[tilespmem:s26+$0xBBF0] =	vst.add.f32.msk $0xffff, v1  }
0x36b: {  	[tilespmem:s26+$0xBB50] =	vst.add.f32.msk $0xffff, v4  }
0x36c: {  	v3 =	vld.idx.msk [tilespmem:v0+s26+$0x160 ss:$0x1], $0xffff  }
.Ltmp6:
0x36d: {  	[tilespmem:s26+$0xBA60] =	vst.add.f32.msk $0xffff, v2;
	(pc) =	sbr.rel @p0 .LBB2_15-.Ltmp6, $4  }
0x36e: {  	v2 =	vld.idx.msk [tilespmem:v0+s26+$0x70 ss:$0x1], $0xffff  }
0x36f: {  	[tilespmem:s26+$0xBAE0] =	vst.add.f32.msk $0xffff, v5  }
0x370: {  	v1 =	vld.idx.msk [tilespmem:v0+s26+$0xF0 ss:$0x1], $0xffff  }
0x371: {  	s25 =	sadd.s32 $0x800, s25;
	[tilespmem:s23+$0xBB70] =	vst.add.f32.msk $0xffff, v7;
	s23 =	smov.u32 s26  }
0x372: {  	_ =	sdelay $0x2  }
0x373: {  	[tilespmem:s23+$0xBB60] =	vst.add.f32.msk $0xffff, v3  }
0x374: {  	v0 =	vld.idx.msk [tilespmem:v0+s23+$0x170 ss:$0x1], $0xffff;
	_ =	sdelay $0x2  }
0x375: {  	s0 =	sadd.s32 s7, s29;
	[tilespmem:s23+$0xBA70] =	vst.add.f32.msk $0xffff, v2  }
0x376: {  	s0 =	sshll.u32 s0, $0x4;
	[tilespmem:s23+$0xBAF0] =	vst.add.f32.msk $0xffff, v1  }
0x377: {  	s25 =	simm.s32 $0x0;
	s0 =	sadd.s32 s5, s0;
	[tilespmem:s23+$0xBB70] =	vst.add.f32.msk $0xffff, v0  }
0x378: {  	[hbm4b:s0+s25] =	stream.linear.scatter [tilespmem:s31], [sflag:$0x6], $0x4000, $0x38;
	[tilespmem:$0x1FA00] =	vst v63  }
0x379: {  	_ =	swait.ge [sflag:s8], $0x4000  }
0x37a: {  	s26 =	simm.s32 $0x17A00;
	[sflag:s8] =	ssyncset.done $0x0  }
0x37b: {  	s23 =	sadd.s32 $0x180, s29;
	v0 =	vmov s30;
	s31 =	simm.s32 $0x2;
	[sflag:s8] =	ssyncadd.s32 $0xFFFFC000  }
0x37c: {  	[tilespmem:s26], [sflag:$0x4] =	stream.indirect.gather [hbm4b:s1+s21], $0x80, s23, s21, $0xb8;
	[tilespmem:$0x1FA00] =	vst v63  }
0x37d: {  	_ =	swait.ge [sflag:s31], $0x4000  }
0x37e: {  	[sflag:s31] =	ssyncset.done $0x0  }
0x37f: {  	s30 =	simm.s32 $0x0;
	[sflag:s31] =	ssyncadd.s32 $0xFFFFC000  }
0x380: {  	v1 =	vld.idx.msk [tilespmem:v0+s30+$0x180 ss:$0x1], $0xffff  }
0x381: {  	v2 =	vld.idx.msk [tilespmem:v0+s30+$0x0 ss:$0x1], $0xffff  }
0x382: {  	v3 =	vld.idx.msk [tilespmem:v0+s30+$0x80 ss:$0x1], $0xffff;
	_ =	sdelay $0x1  }
0x383: {  	v4 =	vld.idx.msk [tilespmem:v0+s30+$0x100 ss:$0x1], $0xffff  }
0x384: {  	[tilespmem:s30+$0xFB80] =	vst.add.f32.msk $0xffff, v1  }
0x385: {  	[tilespmem:s30+$0xFA00] =	vst.add.f32.msk $0xffff, v2  }
0x386: {  	[tilespmem:s30+$0xFA80] =	vst.add.f32.msk $0xffff, v3  }
0x387: {  	v1 =	vld.idx.msk [tilespmem:v0+s30+$0x190 ss:$0x1], $0xffff  }
0x388: {  	v2 =	vld.idx.msk [tilespmem:v0+s30+$0x10 ss:$0x1], $0xffff  }
0x389: {  	v3 =	vld.idx.msk [tilespmem:v0+s30+$0x90 ss:$0x1], $0xffff  }
0x38a: {  	[tilespmem:s30+$0xFB00] =	vst.add.f32.msk $0xffff, v4  }
0x38b: {  	v4 =	vld.idx.msk [tilespmem:v0+s30+$0x110 ss:$0x1], $0xffff  }
0x38c: {  	[tilespmem:s30+$0xFB90] =	vst.add.f32.msk $0xffff, v1  }
0x38d: {  	[tilespmem:s30+$0xFA10] =	vst.add.f32.msk $0xffff, v2  }
0x38e: {  	[tilespmem:s30+$0xFA90] =	vst.add.f32.msk $0xffff, v3  }
0x38f: {  	v1 =	vld.idx.msk [tilespmem:v0+s30+$0x1A0 ss:$0x1], $0xffff  }
0x390: {  	v2 =	vld.idx.msk [tilespmem:v0+s30+$0x20 ss:$0x1], $0xffff  }
0x391: {  	v3 =	vld.idx.msk [tilespmem:v0+s30+$0xA0 ss:$0x1], $0xffff  }
0x392: {  	[tilespmem:s30+$0xFB10] =	vst.add.f32.msk $0xffff, v4  }
0x393: {  	v4 =	vld.idx.msk [tilespmem:v0+s30+$0x120 ss:$0x1], $0xffff  }
0x394: {  	[tilespmem:s30+$0xFBA0] =	vst.add.f32.msk $0xffff, v1  }
0x395: {  	[tilespmem:s30+$0xFA20] =	vst.add.f32.msk $0xffff, v2  }
0x396: {  	[tilespmem:s30+$0xFAA0] =	vst.add.f32.msk $0xffff, v3  }
0x397: {  	v1 =	vld.idx.msk [tilespmem:v0+s30+$0x1B0 ss:$0x1], $0xffff  }
0x398: {  	v2 =	vld.idx.msk [tilespmem:v0+s30+$0x30 ss:$0x1], $0xffff  }
0x399: {  	v3 =	vld.idx.msk [tilespmem:v0+s30+$0xB0 ss:$0x1], $0xffff  }
0x39a: {  	[tilespmem:s30+$0xFB20] =	vst.add.f32.msk $0xffff, v4  }
0x39b: {  	v4 =	vld.idx.msk [tilespmem:v0+s30+$0x130 ss:$0x1], $0xffff  }
0x39c: {  	[tilespmem:s30+$0xFBB0] =	vst.add.f32.msk $0xffff, v1  }
0x39d: {  	[tilespmem:s30+$0xFA30] =	vst.add.f32.msk $0xffff, v2  }
0x39e: {  	[tilespmem:s30+$0xFAB0] =	vst.add.f32.msk $0xffff, v3  }
0x39f: {  	v1 =	vld.idx.msk [tilespmem:v0+s30+$0x1C0 ss:$0x1], $0xffff  }
0x3a0: {  	v2 =	vld.idx.msk [tilespmem:v0+s30+$0x40 ss:$0x1], $0xffff  }
0x3a1: {  	v3 =	vld.idx.msk [tilespmem:v0+s30+$0xC0 ss:$0x1], $0xffff  }
0x3a2: {  	[tilespmem:s30+$0xFB30] =	vst.add.f32.msk $0xffff, v4  }
0x3a3: {  	v4 =	vld.idx.msk [tilespmem:v0+s30+$0x140 ss:$0x1], $0xffff  }
0x3a4: {  	[tilespmem:s30+$0xFBC0] =	vst.add.f32.msk $0xffff, v1  }
0x3a5: {  	[tilespmem:s30+$0xFA40] =	vst.add.f32.msk $0xffff, v2  }
0x3a6: {  	[tilespmem:s30+$0xFAC0] =	vst.add.f32.msk $0xffff, v3  }
0x3a7: {  	v1 =	vld.idx.msk [tilespmem:v0+s30+$0x1D0 ss:$0x1], $0xffff  }
0x3a8: {  	v2 =	vld.idx.msk [tilespmem:v0+s30+$0x50 ss:$0x1], $0xffff  }
0x3a9: {  	[tilespmem:s30+$0xFB40] =	vst.add.f32.msk $0xffff, v4  }
0x3aa: {  	v3 =	vld.idx.msk [tilespmem:v0+s30+$0xD0 ss:$0x1], $0xffff  }
0x3ab: {  	v4 =	vld.idx.msk [tilespmem:v0+s30+$0x150 ss:$0x1], $0xffff  }
0x3ac: {  	[tilespmem:s30+$0xFBD0] =	vst.add.f32.msk $0xffff, v1  }
0x3ad: {  	[tilespmem:s30+$0xFA50] =	vst.add.f32.msk $0xffff, v2  }
0x3ae: {  	v1 =	vld.idx.msk [tilespmem:v0+s30+$0x1E0 ss:$0x1], $0xffff  }
0x3af: {  	[tilespmem:s30+$0xFAD0] =	vst.add.f32.msk $0xffff, v3  }
0x3b0: {  	[tilespmem:s30+$0xFB50] =	vst.add.f32.msk $0xffff, v4  }
0x3b1: {  	v2 =	vld.idx.msk [tilespmem:v0+s30+$0x60 ss:$0x1], $0xffff  }
0x3b2: {  	v5 =	vld.idx.msk [tilespmem:v0+s30+$0xE0 ss:$0x1], $0xffff  }
0x3b3: {  	[tilespmem:s30+$0xFBE0] =	vst.add.f32.msk $0xffff, v1  }
0x3b4: {  	v1 =	vld.idx.msk [tilespmem:v0+s30+$0x1F0 ss:$0x1], $0xffff  }
0x3b5: {  	v3 =	vld.idx.msk [tilespmem:v0+s30+$0x160 ss:$0x1], $0xffff  }
0x3b6: {  	[tilespmem:s30+$0xFA60] =	vst.add.f32.msk $0xffff, v2  }
0x3b7: {  	[tilespmem:s30+$0xFAE0] =	vst.add.f32.msk $0xffff, v5  }
0x3b8: {  	v2 =	vld.idx.msk [tilespmem:v0+s30+$0x70 ss:$0x1], $0xffff  }
0x3b9: {  	[tilespmem:s30+$0xFBF0] =	vst.add.f32.msk $0xffff, v1  }
0x3ba: {  	s0 =	sadd.s32 $0x80, s29;
	s25 =	simm.s32 $0x0;
	s26 =	simm.s32 $0x800;
	v1 =	vld.idx.msk [tilespmem:v0+s30+$0xF0 ss:$0x1], $0xffff  }
.LBB2_17:
0x3bb: {  	s31 =	sshra.s32 s26, $0x2;
	s25 =	sadd.s32 $0x4, s25;
	[tilespmem:s30+$0xFB60] =	vst.add.f32.msk $0xffff, v3  }
0x3bc: {  	v3 =	vld.idx.msk [tilespmem:v0+s31+$0x180 ss:$0x1], $0xffff;
	p0 =	slt.u32 s25, $0x7C  }
0x3bd: {  	v4 =	vld.idx.msk [tilespmem:v0+s31+$0x0 ss:$0x1], $0xffff  }
0x3be: {  	v5 =	vld.idx.msk [tilespmem:v0+s31+$0x80 ss:$0x1], $0xffff  }
0x3bf: {  	v6 =	vld.idx.msk [tilespmem:v0+s31+$0x100 ss:$0x1], $0xffff  }
0x3c0: {  	v7 =	vld.idx.msk [tilespmem:v0+s30+$0x170 ss:$0x1], $0xffff  }
0x3c1: {  	[tilespmem:s30+$0xFA70] =	vst.add.f32.msk $0xffff, v2  }
0x3c2: {  	[tilespmem:s31+$0xFB80] =	vst.add.f32.msk $0xffff, v3  }
0x3c3: {  	v2 =	vld.idx.msk [tilespmem:v0+s31+$0x190 ss:$0x1], $0xffff  }
0x3c4: {  	[tilespmem:s31+$0xFA00] =	vst.add.f32.msk $0xffff, v4  }
0x3c5: {  	[tilespmem:s31+$0xFA80] =	vst.add.f32.msk $0xffff, v5  }
0x3c6: {  	[tilespmem:s31+$0xFB00] =	vst.add.f32.msk $0xffff, v6  }
0x3c7: {  	v3 =	vld.idx.msk [tilespmem:v0+s31+$0x10 ss:$0x1], $0xffff  }
0x3c8: {  	v4 =	vld.idx.msk [tilespmem:v0+s31+$0x90 ss:$0x1], $0xffff  }
0x3c9: {  	[tilespmem:s31+$0xFB90] =	vst.add.f32.msk $0xffff, v2  }
0x3ca: {  	v2 =	vld.idx.msk [tilespmem:v0+s31+$0x1A0 ss:$0x1], $0xffff  }
0x3cb: {  	v5 =	vld.idx.msk [tilespmem:v0+s31+$0x110 ss:$0x1], $0xffff  }
0x3cc: {  	[tilespmem:s30+$0xFAF0] =	vst.add.f32.msk $0xffff, v1  }
0x3cd: {  	[tilespmem:s31+$0xFA10] =	vst.add.f32.msk $0xffff, v3  }
0x3ce: {  	[tilespmem:s31+$0xFA90] =	vst.add.f32.msk $0xffff, v4  }
0x3cf: {  	v1 =	vld.idx.msk [tilespmem:v0+s31+$0x20 ss:$0x1], $0xffff  }
0x3d0: {  	[tilespmem:s31+$0xFBA0] =	vst.add.f32.msk $0xffff, v2  }
0x3d1: {  	v2 =	vld.idx.msk [tilespmem:v0+s31+$0x1B0 ss:$0x1], $0xffff  }
0x3d2: {  	[tilespmem:s31+$0xFB10] =	vst.add.f32.msk $0xffff, v5  }
0x3d3: {  	v3 =	vld.idx.msk [tilespmem:v0+s31+$0xA0 ss:$0x1], $0xffff  }
0x3d4: {  	v4 =	vld.idx.msk [tilespmem:v0+s31+$0x120 ss:$0x1], $0xffff  }
0x3d5: {  	[tilespmem:s31+$0xFA20] =	vst.add.f32.msk $0xffff, v1  }
0x3d6: {  	v1 =	vld.idx.msk [tilespmem:v0+s31+$0x30 ss:$0x1], $0xffff  }
0x3d7: {  	[tilespmem:s31+$0xFBB0] =	vst.add.f32.msk $0xffff, v2  }
0x3d8: {  	v2 =	vld.idx.msk [tilespmem:v0+s31+$0x1C0 ss:$0x1], $0xffff  }
0x3d9: {  	[tilespmem:s31+$0xFAA0] =	vst.add.f32.msk $0xffff, v3  }
0x3da: {  	[tilespmem:s31+$0xFB20] =	vst.add.f32.msk $0xffff, v4  }
0x3db: {  	v3 =	vld.idx.msk [tilespmem:v0+s31+$0xB0 ss:$0x1], $0xffff  }
0x3dc: {  	v4 =	vld.idx.msk [tilespmem:v0+s31+$0x130 ss:$0x1], $0xffff  }
0x3dd: {  	[tilespmem:s31+$0xFA30] =	vst.add.f32.msk $0xffff, v1  }
0x3de: {  	[tilespmem:s31+$0xFBC0] =	vst.add.f32.msk $0xffff, v2  }
0x3df: {  	v1 =	vld.idx.msk [tilespmem:v0+s31+$0x1D0 ss:$0x1], $0xffff  }
0x3e0: {  	v2 =	vld.idx.msk [tilespmem:v0+s31+$0x40 ss:$0x1], $0xffff  }
0x3e1: {  	[tilespmem:s31+$0xFAB0] =	vst.add.f32.msk $0xffff, v3  }
0x3e2: {  	[tilespmem:s31+$0xFB30] =	vst.add.f32.msk $0xffff, v4  }
0x3e3: {  	v3 =	vld.idx.msk [tilespmem:v0+s31+$0xC0 ss:$0x1], $0xffff  }
0x3e4: {  	v4 =	vld.idx.msk [tilespmem:v0+s31+$0x140 ss:$0x1], $0xffff  }
0x3e5: {  	[tilespmem:s31+$0xFBD0] =	vst.add.f32.msk $0xffff, v1  }
0x3e6: {  	v1 =	vld.idx.msk [tilespmem:v0+s31+$0x1E0 ss:$0x1], $0xffff  }
0x3e7: {  	[tilespmem:s31+$0xFA40] =	vst.add.f32.msk $0xffff, v2  }
0x3e8: {  	v2 =	vld.idx.msk [tilespmem:v0+s31+$0x50 ss:$0x1], $0xffff  }
0x3e9: {  	[tilespmem:s31+$0xFAC0] =	vst.add.f32.msk $0xffff, v3  }
0x3ea: {  	[tilespmem:s31+$0xFB40] =	vst.add.f32.msk $0xffff, v4  }
0x3eb: {  	v3 =	vld.idx.msk [tilespmem:v0+s31+$0xD0 ss:$0x1], $0xffff  }
0x3ec: {  	[tilespmem:s31+$0xFBE0] =	vst.add.f32.msk $0xffff, v1  }
0x3ed: {  	v1 =	vld.idx.msk [tilespmem:v0+s31+$0x1F0 ss:$0x1], $0xffff  }
0x3ee: {  	v4 =	vld.idx.msk [tilespmem:v0+s31+$0x150 ss:$0x1], $0xffff  }
0x3ef: {  	[tilespmem:s31+$0xFA50] =	vst.add.f32.msk $0xffff, v2  }
0x3f0: {  	v2 =	vld.idx.msk [tilespmem:v0+s31+$0x60 ss:$0x1], $0xffff  }
0x3f1: {  	[tilespmem:s31+$0xFAD0] =	vst.add.f32.msk $0xffff, v3  }
0x3f2: {  	v5 =	vld.idx.msk [tilespmem:v0+s31+$0xE0 ss:$0x1], $0xffff  }
0x3f3: {  	[tilespmem:s31+$0xFBF0] =	vst.add.f32.msk $0xffff, v1  }
0x3f4: {  	[tilespmem:s31+$0xFB50] =	vst.add.f32.msk $0xffff, v4  }
0x3f5: {  	v3 =	vld.idx.msk [tilespmem:v0+s31+$0x160 ss:$0x1], $0xffff  }
.Ltmp7:
0x3f6: {  	[tilespmem:s31+$0xFA60] =	vst.add.f32.msk $0xffff, v2;
	(pc) =	sbr.rel @p0 .LBB2_17-.Ltmp7, $4  }
0x3f7: {  	v2 =	vld.idx.msk [tilespmem:v0+s31+$0x70 ss:$0x1], $0xffff  }
0x3f8: {  	[tilespmem:s31+$0xFAE0] =	vst.add.f32.msk $0xffff, v5  }
0x3f9: {  	v1 =	vld.idx.msk [tilespmem:v0+s31+$0xF0 ss:$0x1], $0xffff  }
0x3fa: {  	s26 =	sadd.s32 $0x800, s26;
	[tilespmem:s30+$0xFB70] =	vst.add.f32.msk $0xffff, v7;
	s30 =	smov.u32 s31  }
0x3fb: {  	_ =	sdelay $0x2  }
0x3fc: {  	[tilespmem:s30+$0xFB60] =	vst.add.f32.msk $0xffff, v3  }
0x3fd: {  	v0 =	vld.idx.msk [tilespmem:v0+s30+$0x170 ss:$0x1], $0xffff;
	_ =	sdelay $0x2  }
0x3fe: {  	s0 =	sadd.s32 s7, s0;
	[tilespmem:s30+$0xFA70] =	vst.add.f32.msk $0xffff, v2  }
0x3ff: {  	s0 =	sshll.u32 s0, $0x4;
	[tilespmem:s30+$0xFAF0] =	vst.add.f32.msk $0xffff, v1  }
0x400: {  	s25 =	simm.s32 $0x0;
	s0 =	sadd.s32 s5, s0;
	[tilespmem:s30+$0xFB70] =	vst.add.f32.msk $0xffff, v0;
	s30 =	simm.s32 $0xFA00  }
0x401: {  	[hbm4b:s0+s25] =	stream.linear.scatter [tilespmem:s30], [sflag:$0x7], $0x4000, $0x38;
	[tilespmem:$0x1FA00] =	vst v63  }
0x402: {  	_ =	swait.ge [sflag:s10], $0x4000  }
0x403: {  	s29 =	sadd.s32 $0x200, s29;
	[sflag:s10] =	ssyncset.done $0x0  }
0x404: {  	s26 =	simm.s32 $0x1BA00;
	s31 =	simm.s32 $0x3;
	v0 =	vmov s24;
	[sflag:s10] =	ssyncadd.s32 $0xFFFFC000  }
0x405: {  	[tilespmem:s26], [sflag:$0x5] =	stream.indirect.gather [hbm4b:s1+s21], $0x80, s29, s21, $0xb8;
	[tilespmem:$0x1FA00] =	vst v63  }
0x406: {  	_ =	swait.ge [sflag:s31], $0x4000  }
0x407: {  	[sflag:s31] =	ssyncset.done $0x0  }
0x408: {  	s24 =	simm.s32 $0x0;
	[sflag:s31] =	ssyncadd.s32 $0xFFFFC000  }
0x409: {  	v1 =	vld.idx.msk [tilespmem:v0+s24+$0x180 ss:$0x1], $0xffff  }
0x40a: {  	v2 =	vld.idx.msk [tilespmem:v0+s24+$0x0 ss:$0x1], $0xffff  }
0x40b: {  	v3 =	vld.idx.msk [tilespmem:v0+s24+$0x80 ss:$0x1], $0xffff;
	_ =	sdelay $0x1  }
0x40c: {  	v4 =	vld.idx.msk [tilespmem:v0+s24+$0x100 ss:$0x1], $0xffff  }
0x40d: {  	[tilespmem:s24+$0x13B80] =	vst.add.f32.msk $0xffff, v1  }
0x40e: {  	[tilespmem:s24+$0x13A00] =	vst.add.f32.msk $0xffff, v2  }
0x40f: {  	[tilespmem:s24+$0x13A80] =	vst.add.f32.msk $0xffff, v3  }
0x410: {  	v1 =	vld.idx.msk [tilespmem:v0+s24+$0x190 ss:$0x1], $0xffff  }
0x411: {  	v2 =	vld.idx.msk [tilespmem:v0+s24+$0x10 ss:$0x1], $0xffff  }
0x412: {  	v3 =	vld.idx.msk [tilespmem:v0+s24+$0x90 ss:$0x1], $0xffff  }
0x413: {  	[tilespmem:s24+$0x13B00] =	vst.add.f32.msk $0xffff, v4  }
0x414: {  	v4 =	vld.idx.msk [tilespmem:v0+s24+$0x110 ss:$0x1], $0xffff  }
0x415: {  	[tilespmem:s24+$0x13B90] =	vst.add.f32.msk $0xffff, v1  }
0x416: {  	[tilespmem:s24+$0x13A10] =	vst.add.f32.msk $0xffff, v2  }
0x417: {  	[tilespmem:s24+$0x13A90] =	vst.add.f32.msk $0xffff, v3  }
0x418: {  	v1 =	vld.idx.msk [tilespmem:v0+s24+$0x1A0 ss:$0x1], $0xffff  }
0x419: {  	v2 =	vld.idx.msk [tilespmem:v0+s24+$0x20 ss:$0x1], $0xffff  }
0x41a: {  	v3 =	vld.idx.msk [tilespmem:v0+s24+$0xA0 ss:$0x1], $0xffff  }
0x41b: {  	[tilespmem:s24+$0x13B10] =	vst.add.f32.msk $0xffff, v4  }
0x41c: {  	v4 =	vld.idx.msk [tilespmem:v0+s24+$0x120 ss:$0x1], $0xffff  }
0x41d: {  	[tilespmem:s24+$0x13BA0] =	vst.add.f32.msk $0xffff, v1  }
0x41e: {  	[tilespmem:s24+$0x13A20] =	vst.add.f32.msk $0xffff, v2  }
0x41f: {  	[tilespmem:s24+$0x13AA0] =	vst.add.f32.msk $0xffff, v3  }
0x420: {  	v1 =	vld.idx.msk [tilespmem:v0+s24+$0x1B0 ss:$0x1], $0xffff  }
0x421: {  	v2 =	vld.idx.msk [tilespmem:v0+s24+$0x30 ss:$0x1], $0xffff  }
0x422: {  	v3 =	vld.idx.msk [tilespmem:v0+s24+$0xB0 ss:$0x1], $0xffff  }
0x423: {  	[tilespmem:s24+$0x13B20] =	vst.add.f32.msk $0xffff, v4  }
0x424: {  	v4 =	vld.idx.msk [tilespmem:v0+s24+$0x130 ss:$0x1], $0xffff  }
0x425: {  	[tilespmem:s24+$0x13BB0] =	vst.add.f32.msk $0xffff, v1  }
0x426: {  	[tilespmem:s24+$0x13A30] =	vst.add.f32.msk $0xffff, v2  }
0x427: {  	[tilespmem:s24+$0x13AB0] =	vst.add.f32.msk $0xffff, v3  }
0x428: {  	v1 =	vld.idx.msk [tilespmem:v0+s24+$0x1C0 ss:$0x1], $0xffff  }
0x429: {  	v2 =	vld.idx.msk [tilespmem:v0+s24+$0x40 ss:$0x1], $0xffff  }
0x42a: {  	v3 =	vld.idx.msk [tilespmem:v0+s24+$0xC0 ss:$0x1], $0xffff  }
0x42b: {  	[tilespmem:s24+$0x13B30] =	vst.add.f32.msk $0xffff, v4  }
0x42c: {  	v4 =	vld.idx.msk [tilespmem:v0+s24+$0x140 ss:$0x1], $0xffff  }
0x42d: {  	[tilespmem:s24+$0x13BC0] =	vst.add.f32.msk $0xffff, v1  }
0x42e: {  	[tilespmem:s24+$0x13A40] =	vst.add.f32.msk $0xffff, v2  }
0x42f: {  	[tilespmem:s24+$0x13AC0] =	vst.add.f32.msk $0xffff, v3  }
0x430: {  	v1 =	vld.idx.msk [tilespmem:v0+s24+$0x1D0 ss:$0x1], $0xffff  }
0x431: {  	v2 =	vld.idx.msk [tilespmem:v0+s24+$0x50 ss:$0x1], $0xffff  }
0x432: {  	[tilespmem:s24+$0x13B40] =	vst.add.f32.msk $0xffff, v4  }
0x433: {  	v3 =	vld.idx.msk [tilespmem:v0+s24+$0xD0 ss:$0x1], $0xffff  }
0x434: {  	v4 =	vld.idx.msk [tilespmem:v0+s24+$0x150 ss:$0x1], $0xffff  }
0x435: {  	[tilespmem:s24+$0x13BD0] =	vst.add.f32.msk $0xffff, v1  }
0x436: {  	[tilespmem:s24+$0x13A50] =	vst.add.f32.msk $0xffff, v2  }
0x437: {  	v1 =	vld.idx.msk [tilespmem:v0+s24+$0x1E0 ss:$0x1], $0xffff  }
0x438: {  	[tilespmem:s24+$0x13AD0] =	vst.add.f32.msk $0xffff, v3  }
0x439: {  	[tilespmem:s24+$0x13B50] =	vst.add.f32.msk $0xffff, v4  }
0x43a: {  	v2 =	vld.idx.msk [tilespmem:v0+s24+$0x60 ss:$0x1], $0xffff  }
0x43b: {  	v5 =	vld.idx.msk [tilespmem:v0+s24+$0xE0 ss:$0x1], $0xffff  }
0x43c: {  	[tilespmem:s24+$0x13BE0] =	vst.add.f32.msk $0xffff, v1  }
0x43d: {  	v1 =	vld.idx.msk [tilespmem:v0+s24+$0x1F0 ss:$0x1], $0xffff  }
0x43e: {  	v3 =	vld.idx.msk [tilespmem:v0+s24+$0x160 ss:$0x1], $0xffff  }
0x43f: {  	[tilespmem:s24+$0x13A60] =	vst.add.f32.msk $0xffff, v2  }
0x440: {  	[tilespmem:s24+$0x13AE0] =	vst.add.f32.msk $0xffff, v5  }
0x441: {  	v2 =	vld.idx.msk [tilespmem:v0+s24+$0x70 ss:$0x1], $0xffff  }
0x442: {  	[tilespmem:s24+$0x13BF0] =	vst.add.f32.msk $0xffff, v1  }
0x443: {  	s0 =	simm.s32 $0x0;
	s25 =	simm.s32 $0x800;
	v1 =	vld.idx.msk [tilespmem:v0+s24+$0xF0 ss:$0x1], $0xffff  }
.LBB2_19:
0x444: {  	s26 =	sshra.s32 s25, $0x2;
	s0 =	sadd.s32 $0x4, s0;
	[tilespmem:s24+$0x13B60] =	vst.add.f32.msk $0xffff, v3  }
0x445: {  	v3 =	vld.idx.msk [tilespmem:v0+s26+$0x180 ss:$0x1], $0xffff;
	p0 =	slt.u32 s0, $0x7C  }
0x446: {  	v4 =	vld.idx.msk [tilespmem:v0+s26+$0x0 ss:$0x1], $0xffff  }
0x447: {  	v5 =	vld.idx.msk [tilespmem:v0+s26+$0x80 ss:$0x1], $0xffff  }
0x448: {  	v6 =	vld.idx.msk [tilespmem:v0+s26+$0x100 ss:$0x1], $0xffff  }
0x449: {  	v7 =	vld.idx.msk [tilespmem:v0+s24+$0x170 ss:$0x1], $0xffff  }
0x44a: {  	[tilespmem:s24+$0x13A70] =	vst.add.f32.msk $0xffff, v2  }
0x44b: {  	[tilespmem:s26+$0x13B80] =	vst.add.f32.msk $0xffff, v3  }
0x44c: {  	v2 =	vld.idx.msk [tilespmem:v0+s26+$0x190 ss:$0x1], $0xffff  }
0x44d: {  	[tilespmem:s26+$0x13A00] =	vst.add.f32.msk $0xffff, v4  }
0x44e: {  	[tilespmem:s26+$0x13A80] =	vst.add.f32.msk $0xffff, v5  }
0x44f: {  	[tilespmem:s26+$0x13B00] =	vst.add.f32.msk $0xffff, v6  }
0x450: {  	v3 =	vld.idx.msk [tilespmem:v0+s26+$0x10 ss:$0x1], $0xffff  }
0x451: {  	v4 =	vld.idx.msk [tilespmem:v0+s26+$0x90 ss:$0x1], $0xffff  }
0x452: {  	[tilespmem:s26+$0x13B90] =	vst.add.f32.msk $0xffff, v2  }
0x453: {  	v2 =	vld.idx.msk [tilespmem:v0+s26+$0x1A0 ss:$0x1], $0xffff  }
0x454: {  	v5 =	vld.idx.msk [tilespmem:v0+s26+$0x110 ss:$0x1], $0xffff  }
0x455: {  	[tilespmem:s24+$0x13AF0] =	vst.add.f32.msk $0xffff, v1  }
0x456: {  	[tilespmem:s26+$0x13A10] =	vst.add.f32.msk $0xffff, v3  }
0x457: {  	[tilespmem:s26+$0x13A90] =	vst.add.f32.msk $0xffff, v4  }
0x458: {  	v1 =	vld.idx.msk [tilespmem:v0+s26+$0x20 ss:$0x1], $0xffff  }
0x459: {  	[tilespmem:s26+$0x13BA0] =	vst.add.f32.msk $0xffff, v2  }
0x45a: {  	v2 =	vld.idx.msk [tilespmem:v0+s26+$0x1B0 ss:$0x1], $0xffff  }
0x45b: {  	[tilespmem:s26+$0x13B10] =	vst.add.f32.msk $0xffff, v5  }
0x45c: {  	v3 =	vld.idx.msk [tilespmem:v0+s26+$0xA0 ss:$0x1], $0xffff  }
0x45d: {  	v4 =	vld.idx.msk [tilespmem:v0+s26+$0x120 ss:$0x1], $0xffff  }
0x45e: {  	[tilespmem:s26+$0x13A20] =	vst.add.f32.msk $0xffff, v1  }
0x45f: {  	v1 =	vld.idx.msk [tilespmem:v0+s26+$0x30 ss:$0x1], $0xffff  }
0x460: {  	[tilespmem:s26+$0x13BB0] =	vst.add.f32.msk $0xffff, v2  }
0x461: {  	v2 =	vld.idx.msk [tilespmem:v0+s26+$0x1C0 ss:$0x1], $0xffff  }
0x462: {  	[tilespmem:s26+$0x13AA0] =	vst.add.f32.msk $0xffff, v3  }
0x463: {  	[tilespmem:s26+$0x13B20] =	vst.add.f32.msk $0xffff, v4  }
0x464: {  	v3 =	vld.idx.msk [tilespmem:v0+s26+$0xB0 ss:$0x1], $0xffff  }
0x465: {  	v4 =	vld.idx.msk [tilespmem:v0+s26+$0x130 ss:$0x1], $0xffff  }
0x466: {  	[tilespmem:s26+$0x13A30] =	vst.add.f32.msk $0xffff, v1  }
0x467: {  	[tilespmem:s26+$0x13BC0] =	vst.add.f32.msk $0xffff, v2  }
0x468: {  	v1 =	vld.idx.msk [tilespmem:v0+s26+$0x1D0 ss:$0x1], $0xffff  }
0x469: {  	v2 =	vld.idx.msk [tilespmem:v0+s26+$0x40 ss:$0x1], $0xffff  }
0x46a: {  	[tilespmem:s26+$0x13AB0] =	vst.add.f32.msk $0xffff, v3  }
0x46b: {  	[tilespmem:s26+$0x13B30] =	vst.add.f32.msk $0xffff, v4  }
0x46c: {  	v3 =	vld.idx.msk [tilespmem:v0+s26+$0xC0 ss:$0x1], $0xffff  }
0x46d: {  	v4 =	vld.idx.msk [tilespmem:v0+s26+$0x140 ss:$0x1], $0xffff  }
0x46e: {  	[tilespmem:s26+$0x13BD0] =	vst.add.f32.msk $0xffff, v1  }
0x46f: {  	v1 =	vld.idx.msk [tilespmem:v0+s26+$0x1E0 ss:$0x1], $0xffff  }
0x470: {  	[tilespmem:s26+$0x13A40] =	vst.add.f32.msk $0xffff, v2  }
0x471: {  	v2 =	vld.idx.msk [tilespmem:v0+s26+$0x50 ss:$0x1], $0xffff  }
0x472: {  	[tilespmem:s26+$0x13AC0] =	vst.add.f32.msk $0xffff, v3  }
0x473: {  	[tilespmem:s26+$0x13B40] =	vst.add.f32.msk $0xffff, v4  }
0x474: {  	v3 =	vld.idx.msk [tilespmem:v0+s26+$0xD0 ss:$0x1], $0xffff  }
0x475: {  	[tilespmem:s26+$0x13BE0] =	vst.add.f32.msk $0xffff, v1  }
0x476: {  	v1 =	vld.idx.msk [tilespmem:v0+s26+$0x1F0 ss:$0x1], $0xffff  }
0x477: {  	v4 =	vld.idx.msk [tilespmem:v0+s26+$0x150 ss:$0x1], $0xffff  }
0x478: {  	[tilespmem:s26+$0x13A50] =	vst.add.f32.msk $0xffff, v2  }
0x479: {  	v2 =	vld.idx.msk [tilespmem:v0+s26+$0x60 ss:$0x1], $0xffff  }
0x47a: {  	[tilespmem:s26+$0x13AD0] =	vst.add.f32.msk $0xffff, v3  }
0x47b: {  	v5 =	vld.idx.msk [tilespmem:v0+s26+$0xE0 ss:$0x1], $0xffff  }
0x47c: {  	[tilespmem:s26+$0x13BF0] =	vst.add.f32.msk $0xffff, v1  }
0x47d: {  	[tilespmem:s26+$0x13B50] =	vst.add.f32.msk $0xffff, v4  }
0x47e: {  	v3 =	vld.idx.msk [tilespmem:v0+s26+$0x160 ss:$0x1], $0xffff  }
.Ltmp8:
0x47f: {  	[tilespmem:s26+$0x13A60] =	vst.add.f32.msk $0xffff, v2;
	(pc) =	sbr.rel @p0 .LBB2_19-.Ltmp8, $4  }
0x480: {  	v2 =	vld.idx.msk [tilespmem:v0+s26+$0x70 ss:$0x1], $0xffff  }
0x481: {  	[tilespmem:s26+$0x13AE0] =	vst.add.f32.msk $0xffff, v5  }
0x482: {  	v1 =	vld.idx.msk [tilespmem:v0+s26+$0xF0 ss:$0x1], $0xffff  }
0x483: {  	s25 =	sadd.s32 $0x800, s25;
	[tilespmem:s24+$0x13B70] =	vst.add.f32.msk $0xffff, v7;
	s24 =	smov.u32 s26  }
0x484: {  	_ =	sdelay $0x2  }
0x485: {  	[tilespmem:s24+$0x13B60] =	vst.add.f32.msk $0xffff, v3  }
0x486: {  	v0 =	vld.idx.msk [tilespmem:v0+s24+$0x170 ss:$0x1], $0xffff;
	_ =	sdelay $0x2  }
0x487: {  	s0 =	sadd.s32 s7, s22;
	[tilespmem:s24+$0x13A70] =	vst.add.f32.msk $0xffff, v2  }
0x488: {  	s0 =	sshll.u32 s0, $0x4;
	[tilespmem:s24+$0x13AF0] =	vst.add.f32.msk $0xffff, v1  }
0x489: {  	s25 =	simm.s32 $0x0;
	s26 =	simm.s32 $0x13A00;
	s0 =	sadd.s32 s5, s0;
	[tilespmem:s24+$0x13B70] =	vst.add.f32.msk $0xffff, v0  }
0x48a: {  	[hbm4b:s0+s25] =	stream.linear.scatter [tilespmem:s26], [sflag:$0x8], $0x4000, $0x38;
	[tilespmem:$0x1FA00] =	vst v63  }
0x48b: {  	s24 =	smul.u32 $0xA00, s12;
	s25 =	simm.s32 $0x6  }
0x48c: {  	_ =	swait.ge [sflag:s25], $0x4000  }
0x48d: {  	s31 =	simm.s32 $0xBA00;
	s22 =	sshra.s32 s24, $0x2;
	[sflag:s25] =	ssyncset.done $0x0  }
0x48e: {  	v0 =	vmov s3;
	s0 =	sadd.s32 $0x280, s22;
	[sflag:s25] =	ssyncadd.s32 $0xFFFFC000;
	s25 =	simm.s32 $0x4  }
0x48f: {  	[tilespmem:s31], [sflag:$0x1] =	stream.indirect.gather [hbm4b:s1+s21], $0x80, s0, s21, $0xb8;
	[tilespmem:$0x1FA00] =	vst v63  }
0x490: {  	_ =	swait.ge [sflag:s25], $0x4000  }
0x491: {  	[sflag:s25] =	ssyncset.done $0x0  }
0x492: {  	s3 =	simm.s32 $0x0;
	[sflag:s25] =	ssyncadd.s32 $0xFFFFC000  }
0x493: {  	v1 =	vld.idx.msk [tilespmem:v0+s3+$0x180 ss:$0x1], $0xffff  }
0x494: {  	v2 =	vld.idx.msk [tilespmem:v0+s3+$0x0 ss:$0x1], $0xffff  }
0x495: {  	v3 =	vld.idx.msk [tilespmem:v0+s3+$0x80 ss:$0x1], $0xffff;
	_ =	sdelay $0x1  }
0x496: {  	v4 =	vld.idx.msk [tilespmem:v0+s3+$0x100 ss:$0x1], $0xffff  }
0x497: {  	[tilespmem:s3+$0x17B80] =	vst.add.f32.msk $0xffff, v1  }
0x498: {  	[tilespmem:s3+$0x17A00] =	vst.add.f32.msk $0xffff, v2  }
0x499: {  	[tilespmem:s3+$0x17A80] =	vst.add.f32.msk $0xffff, v3  }
0x49a: {  	v1 =	vld.idx.msk [tilespmem:v0+s3+$0x190 ss:$0x1], $0xffff  }
0x49b: {  	v2 =	vld.idx.msk [tilespmem:v0+s3+$0x10 ss:$0x1], $0xffff  }
0x49c: {  	v3 =	vld.idx.msk [tilespmem:v0+s3+$0x90 ss:$0x1], $0xffff  }
0x49d: {  	[tilespmem:s3+$0x17B00] =	vst.add.f32.msk $0xffff, v4  }
0x49e: {  	v4 =	vld.idx.msk [tilespmem:v0+s3+$0x110 ss:$0x1], $0xffff  }
0x49f: {  	[tilespmem:s3+$0x17B90] =	vst.add.f32.msk $0xffff, v1  }
0x4a0: {  	[tilespmem:s3+$0x17A10] =	vst.add.f32.msk $0xffff, v2  }
0x4a1: {  	[tilespmem:s3+$0x17A90] =	vst.add.f32.msk $0xffff, v3  }
0x4a2: {  	v1 =	vld.idx.msk [tilespmem:v0+s3+$0x1A0 ss:$0x1], $0xffff  }
0x4a3: {  	v2 =	vld.idx.msk [tilespmem:v0+s3+$0x20 ss:$0x1], $0xffff  }
0x4a4: {  	v3 =	vld.idx.msk [tilespmem:v0+s3+$0xA0 ss:$0x1], $0xffff  }
0x4a5: {  	[tilespmem:s3+$0x17B10] =	vst.add.f32.msk $0xffff, v4  }
0x4a6: {  	v4 =	vld.idx.msk [tilespmem:v0+s3+$0x120 ss:$0x1], $0xffff  }
0x4a7: {  	[tilespmem:s3+$0x17BA0] =	vst.add.f32.msk $0xffff, v1  }
0x4a8: {  	[tilespmem:s3+$0x17A20] =	vst.add.f32.msk $0xffff, v2  }
0x4a9: {  	[tilespmem:s3+$0x17AA0] =	vst.add.f32.msk $0xffff, v3  }
0x4aa: {  	v1 =	vld.idx.msk [tilespmem:v0+s3+$0x1B0 ss:$0x1], $0xffff  }
0x4ab: {  	v2 =	vld.idx.msk [tilespmem:v0+s3+$0x30 ss:$0x1], $0xffff  }
0x4ac: {  	v3 =	vld.idx.msk [tilespmem:v0+s3+$0xB0 ss:$0x1], $0xffff  }
0x4ad: {  	[tilespmem:s3+$0x17B20] =	vst.add.f32.msk $0xffff, v4  }
0x4ae: {  	v4 =	vld.idx.msk [tilespmem:v0+s3+$0x130 ss:$0x1], $0xffff  }
0x4af: {  	[tilespmem:s3+$0x17BB0] =	vst.add.f32.msk $0xffff, v1  }
0x4b0: {  	[tilespmem:s3+$0x17A30] =	vst.add.f32.msk $0xffff, v2  }
0x4b1: {  	[tilespmem:s3+$0x17AB0] =	vst.add.f32.msk $0xffff, v3  }
0x4b2: {  	v1 =	vld.idx.msk [tilespmem:v0+s3+$0x1C0 ss:$0x1], $0xffff  }
0x4b3: {  	v2 =	vld.idx.msk [tilespmem:v0+s3+$0x40 ss:$0x1], $0xffff  }
0x4b4: {  	v3 =	vld.idx.msk [tilespmem:v0+s3+$0xC0 ss:$0x1], $0xffff  }
0x4b5: {  	[tilespmem:s3+$0x17B30] =	vst.add.f32.msk $0xffff, v4  }
0x4b6: {  	v4 =	vld.idx.msk [tilespmem:v0+s3+$0x140 ss:$0x1], $0xffff  }
0x4b7: {  	[tilespmem:s3+$0x17BC0] =	vst.add.f32.msk $0xffff, v1  }
0x4b8: {  	[tilespmem:s3+$0x17A40] =	vst.add.f32.msk $0xffff, v2  }
0x4b9: {  	[tilespmem:s3+$0x17AC0] =	vst.add.f32.msk $0xffff, v3  }
0x4ba: {  	v1 =	vld.idx.msk [tilespmem:v0+s3+$0x1D0 ss:$0x1], $0xffff  }
0x4bb: {  	v2 =	vld.idx.msk [tilespmem:v0+s3+$0x50 ss:$0x1], $0xffff  }
0x4bc: {  	[tilespmem:s3+$0x17B40] =	vst.add.f32.msk $0xffff, v4  }
0x4bd: {  	v3 =	vld.idx.msk [tilespmem:v0+s3+$0xD0 ss:$0x1], $0xffff  }
0x4be: {  	v4 =	vld.idx.msk [tilespmem:v0+s3+$0x150 ss:$0x1], $0xffff  }
0x4bf: {  	[tilespmem:s3+$0x17BD0] =	vst.add.f32.msk $0xffff, v1  }
0x4c0: {  	[tilespmem:s3+$0x17A50] =	vst.add.f32.msk $0xffff, v2  }
0x4c1: {  	v1 =	vld.idx.msk [tilespmem:v0+s3+$0x1E0 ss:$0x1], $0xffff  }
0x4c2: {  	[tilespmem:s3+$0x17AD0] =	vst.add.f32.msk $0xffff, v3  }
0x4c3: {  	[tilespmem:s3+$0x17B50] =	vst.add.f32.msk $0xffff, v4  }
0x4c4: {  	v2 =	vld.idx.msk [tilespmem:v0+s3+$0x60 ss:$0x1], $0xffff  }
0x4c5: {  	v5 =	vld.idx.msk [tilespmem:v0+s3+$0xE0 ss:$0x1], $0xffff  }
0x4c6: {  	[tilespmem:s3+$0x17BE0] =	vst.add.f32.msk $0xffff, v1  }
0x4c7: {  	v1 =	vld.idx.msk [tilespmem:v0+s3+$0x1F0 ss:$0x1], $0xffff  }
0x4c8: {  	v3 =	vld.idx.msk [tilespmem:v0+s3+$0x160 ss:$0x1], $0xffff  }
0x4c9: {  	[tilespmem:s3+$0x17A60] =	vst.add.f32.msk $0xffff, v2  }
0x4ca: {  	[tilespmem:s3+$0x17AE0] =	vst.add.f32.msk $0xffff, v5  }
0x4cb: {  	v2 =	vld.idx.msk [tilespmem:v0+s3+$0x70 ss:$0x1], $0xffff  }
0x4cc: {  	[tilespmem:s3+$0x17BF0] =	vst.add.f32.msk $0xffff, v1  }
0x4cd: {  	s24 =	simm.s32 $0x800;
	s0 =	simm.s32 $0x0;
	v1 =	vld.idx.msk [tilespmem:v0+s3+$0xF0 ss:$0x1], $0xffff  }
.LBB2_21:
0x4ce: {  	s25 =	sshra.s32 s24, $0x2;
	s0 =	sadd.s32 $0x4, s0;
	[tilespmem:s3+$0x17B60] =	vst.add.f32.msk $0xffff, v3  }
0x4cf: {  	v3 =	vld.idx.msk [tilespmem:v0+s25+$0x180 ss:$0x1], $0xffff;
	p0 =	slt.u32 s0, $0x7C  }
0x4d0: {  	v4 =	vld.idx.msk [tilespmem:v0+s25+$0x0 ss:$0x1], $0xffff  }
0x4d1: {  	v5 =	vld.idx.msk [tilespmem:v0+s25+$0x80 ss:$0x1], $0xffff  }
0x4d2: {  	v6 =	vld.idx.msk [tilespmem:v0+s25+$0x100 ss:$0x1], $0xffff  }
0x4d3: {  	v7 =	vld.idx.msk [tilespmem:v0+s3+$0x170 ss:$0x1], $0xffff  }
0x4d4: {  	[tilespmem:s3+$0x17A70] =	vst.add.f32.msk $0xffff, v2  }
0x4d5: {  	[tilespmem:s25+$0x17B80] =	vst.add.f32.msk $0xffff, v3  }
0x4d6: {  	v2 =	vld.idx.msk [tilespmem:v0+s25+$0x190 ss:$0x1], $0xffff  }
0x4d7: {  	[tilespmem:s25+$0x17A00] =	vst.add.f32.msk $0xffff, v4  }
0x4d8: {  	[tilespmem:s25+$0x17A80] =	vst.add.f32.msk $0xffff, v5  }
0x4d9: {  	[tilespmem:s25+$0x17B00] =	vst.add.f32.msk $0xffff, v6  }
0x4da: {  	v3 =	vld.idx.msk [tilespmem:v0+s25+$0x10 ss:$0x1], $0xffff  }
0x4db: {  	v4 =	vld.idx.msk [tilespmem:v0+s25+$0x90 ss:$0x1], $0xffff  }
0x4dc: {  	[tilespmem:s25+$0x17B90] =	vst.add.f32.msk $0xffff, v2  }
0x4dd: {  	v2 =	vld.idx.msk [tilespmem:v0+s25+$0x1A0 ss:$0x1], $0xffff  }
0x4de: {  	v5 =	vld.idx.msk [tilespmem:v0+s25+$0x110 ss:$0x1], $0xffff  }
0x4df: {  	[tilespmem:s3+$0x17AF0] =	vst.add.f32.msk $0xffff, v1  }
0x4e0: {  	[tilespmem:s25+$0x17A10] =	vst.add.f32.msk $0xffff, v3  }
0x4e1: {  	[tilespmem:s25+$0x17A90] =	vst.add.f32.msk $0xffff, v4  }
0x4e2: {  	v1 =	vld.idx.msk [tilespmem:v0+s25+$0x20 ss:$0x1], $0xffff  }
0x4e3: {  	[tilespmem:s25+$0x17BA0] =	vst.add.f32.msk $0xffff, v2  }
0x4e4: {  	v2 =	vld.idx.msk [tilespmem:v0+s25+$0x1B0 ss:$0x1], $0xffff  }
0x4e5: {  	[tilespmem:s25+$0x17B10] =	vst.add.f32.msk $0xffff, v5  }
0x4e6: {  	v3 =	vld.idx.msk [tilespmem:v0+s25+$0xA0 ss:$0x1], $0xffff  }
0x4e7: {  	v4 =	vld.idx.msk [tilespmem:v0+s25+$0x120 ss:$0x1], $0xffff  }
0x4e8: {  	[tilespmem:s25+$0x17A20] =	vst.add.f32.msk $0xffff, v1  }
0x4e9: {  	v1 =	vld.idx.msk [tilespmem:v0+s25+$0x30 ss:$0x1], $0xffff  }
0x4ea: {  	[tilespmem:s25+$0x17BB0] =	vst.add.f32.msk $0xffff, v2  }
0x4eb: {  	v2 =	vld.idx.msk [tilespmem:v0+s25+$0x1C0 ss:$0x1], $0xffff  }
0x4ec: {  	[tilespmem:s25+$0x17AA0] =	vst.add.f32.msk $0xffff, v3  }
0x4ed: {  	[tilespmem:s25+$0x17B20] =	vst.add.f32.msk $0xffff, v4  }
0x4ee: {  	v3 =	vld.idx.msk [tilespmem:v0+s25+$0xB0 ss:$0x1], $0xffff  }
0x4ef: {  	v4 =	vld.idx.msk [tilespmem:v0+s25+$0x130 ss:$0x1], $0xffff  }
0x4f0: {  	[tilespmem:s25+$0x17A30] =	vst.add.f32.msk $0xffff, v1  }
0x4f1: {  	[tilespmem:s25+$0x17BC0] =	vst.add.f32.msk $0xffff, v2  }
0x4f2: {  	v1 =	vld.idx.msk [tilespmem:v0+s25+$0x1D0 ss:$0x1], $0xffff  }
0x4f3: {  	v2 =	vld.idx.msk [tilespmem:v0+s25+$0x40 ss:$0x1], $0xffff  }
0x4f4: {  	[tilespmem:s25+$0x17AB0] =	vst.add.f32.msk $0xffff, v3  }
0x4f5: {  	[tilespmem:s25+$0x17B30] =	vst.add.f32.msk $0xffff, v4  }
0x4f6: {  	v3 =	vld.idx.msk [tilespmem:v0+s25+$0xC0 ss:$0x1], $0xffff  }
0x4f7: {  	v4 =	vld.idx.msk [tilespmem:v0+s25+$0x140 ss:$0x1], $0xffff  }
0x4f8: {  	[tilespmem:s25+$0x17BD0] =	vst.add.f32.msk $0xffff, v1  }
0x4f9: {  	v1 =	vld.idx.msk [tilespmem:v0+s25+$0x1E0 ss:$0x1], $0xffff  }
0x4fa: {  	[tilespmem:s25+$0x17A40] =	vst.add.f32.msk $0xffff, v2  }
0x4fb: {  	v2 =	vld.idx.msk [tilespmem:v0+s25+$0x50 ss:$0x1], $0xffff  }
0x4fc: {  	[tilespmem:s25+$0x17AC0] =	vst.add.f32.msk $0xffff, v3  }
0x4fd: {  	[tilespmem:s25+$0x17B40] =	vst.add.f32.msk $0xffff, v4  }
0x4fe: {  	v3 =	vld.idx.msk [tilespmem:v0+s25+$0xD0 ss:$0x1], $0xffff  }
0x4ff: {  	[tilespmem:s25+$0x17BE0] =	vst.add.f32.msk $0xffff, v1  }
0x500: {  	v1 =	vld.idx.msk [tilespmem:v0+s25+$0x1F0 ss:$0x1], $0xffff  }
0x501: {  	v4 =	vld.idx.msk [tilespmem:v0+s25+$0x150 ss:$0x1], $0xffff  }
0x502: {  	[tilespmem:s25+$0x17A50] =	vst.add.f32.msk $0xffff, v2  }
0x503: {  	v2 =	vld.idx.msk [tilespmem:v0+s25+$0x60 ss:$0x1], $0xffff  }
0x504: {  	[tilespmem:s25+$0x17AD0] =	vst.add.f32.msk $0xffff, v3  }
0x505: {  	v5 =	vld.idx.msk [tilespmem:v0+s25+$0xE0 ss:$0x1], $0xffff  }
0x506: {  	[tilespmem:s25+$0x17BF0] =	vst.add.f32.msk $0xffff, v1  }
0x507: {  	[tilespmem:s25+$0x17B50] =	vst.add.f32.msk $0xffff, v4  }
0x508: {  	v3 =	vld.idx.msk [tilespmem:v0+s25+$0x160 ss:$0x1], $0xffff  }
.Ltmp9:
0x509: {  	[tilespmem:s25+$0x17A60] =	vst.add.f32.msk $0xffff, v2;
	(pc) =	sbr.rel @p0 .LBB2_21-.Ltmp9, $4  }
0x50a: {  	v2 =	vld.idx.msk [tilespmem:v0+s25+$0x70 ss:$0x1], $0xffff  }
0x50b: {  	[tilespmem:s25+$0x17AE0] =	vst.add.f32.msk $0xffff, v5  }
0x50c: {  	v1 =	vld.idx.msk [tilespmem:v0+s25+$0xF0 ss:$0x1], $0xffff  }
0x50d: {  	s24 =	sadd.s32 $0x800, s24;
	[tilespmem:s3+$0x17B70] =	vst.add.f32.msk $0xffff, v7;
	s3 =	smov.u32 s25  }
0x50e: {  	_ =	sdelay $0x2  }
0x50f: {  	[tilespmem:s3+$0x17B60] =	vst.add.f32.msk $0xffff, v3  }
0x510: {  	v0 =	vld.idx.msk [tilespmem:v0+s3+$0x170 ss:$0x1], $0xffff;
	_ =	sdelay $0x2  }
0x511: {  	s0 =	sadd.s32 s7, s23;
	[tilespmem:s3+$0x17A70] =	vst.add.f32.msk $0xffff, v2  }
0x512: {  	s0 =	sshll.u32 s0, $0x4;
	[tilespmem:s3+$0x17AF0] =	vst.add.f32.msk $0xffff, v1  }
0x513: {  	s23 =	simm.s32 $0x0;
	s24 =	simm.s32 $0x17A00;
	s0 =	sadd.s32 s5, s0;
	[tilespmem:s3+$0x17B70] =	vst.add.f32.msk $0xffff, v0  }
0x514: {  	[hbm4b:s0+s23] =	stream.linear.scatter [tilespmem:s24], [sflag:$0x9], $0x4000, $0x38;
	[tilespmem:$0x1FA00] =	vst v63  }
0x515: {  	_ =	swait.ge [sflag:s2], $0x4000  }
0x516: {  	[sflag:s2] =	ssyncset.done $0x0  }
0x517: {  	s25 =	sadd.s32 $0x300, s22;
	v0 =	vmov s6;
	[sflag:s2] =	ssyncadd.s32 $0xFFFFC000  }
0x518: {  	[tilespmem:s30], [sflag:$0x2] =	stream.indirect.gather [hbm4b:s1+s21], $0x80, s25, s21, $0xb8;
	[tilespmem:$0x1FA00] =	vst v63  }
0x519: {  	_ =	swait.ge [sflag:s28], $0x4000  }
0x51a: {  	[sflag:s28] =	ssyncset.done $0x0  }
0x51b: {  	s3 =	simm.s32 $0x0;
	[sflag:s28] =	ssyncadd.s32 $0xFFFFC000  }
0x51c: {  	v1 =	vld.idx.msk [tilespmem:v0+s3+$0x180 ss:$0x1], $0xffff  }
0x51d: {  	v2 =	vld.idx.msk [tilespmem:v0+s3+$0x0 ss:$0x1], $0xffff  }
0x51e: {  	v3 =	vld.idx.msk [tilespmem:v0+s3+$0x80 ss:$0x1], $0xffff;
	_ =	sdelay $0x1  }
0x51f: {  	v4 =	vld.idx.msk [tilespmem:v0+s3+$0x100 ss:$0x1], $0xffff  }
0x520: {  	[tilespmem:s3+$0x1BB80] =	vst.add.f32.msk $0xffff, v1  }
0x521: {  	[tilespmem:s3+$0x1BA00] =	vst.add.f32.msk $0xffff, v2  }
0x522: {  	[tilespmem:s3+$0x1BA80] =	vst.add.f32.msk $0xffff, v3  }
0x523: {  	v1 =	vld.idx.msk [tilespmem:v0+s3+$0x190 ss:$0x1], $0xffff  }
0x524: {  	v2 =	vld.idx.msk [tilespmem:v0+s3+$0x10 ss:$0x1], $0xffff  }
0x525: {  	v3 =	vld.idx.msk [tilespmem:v0+s3+$0x90 ss:$0x1], $0xffff  }
0x526: {  	[tilespmem:s3+$0x1BB00] =	vst.add.f32.msk $0xffff, v4  }
0x527: {  	v4 =	vld.idx.msk [tilespmem:v0+s3+$0x110 ss:$0x1], $0xffff  }
0x528: {  	[tilespmem:s3+$0x1BB90] =	vst.add.f32.msk $0xffff, v1  }
0x529: {  	[tilespmem:s3+$0x1BA10] =	vst.add.f32.msk $0xffff, v2  }
0x52a: {  	[tilespmem:s3+$0x1BA90] =	vst.add.f32.msk $0xffff, v3  }
0x52b: {  	v1 =	vld.idx.msk [tilespmem:v0+s3+$0x1A0 ss:$0x1], $0xffff  }
0x52c: {  	v2 =	vld.idx.msk [tilespmem:v0+s3+$0x20 ss:$0x1], $0xffff  }
0x52d: {  	v3 =	vld.idx.msk [tilespmem:v0+s3+$0xA0 ss:$0x1], $0xffff  }
0x52e: {  	[tilespmem:s3+$0x1BB10] =	vst.add.f32.msk $0xffff, v4  }
0x52f: {  	v4 =	vld.idx.msk [tilespmem:v0+s3+$0x120 ss:$0x1], $0xffff  }
0x530: {  	[tilespmem:s3+$0x1BBA0] =	vst.add.f32.msk $0xffff, v1  }
0x531: {  	[tilespmem:s3+$0x1BA20] =	vst.add.f32.msk $0xffff, v2  }
0x532: {  	[tilespmem:s3+$0x1BAA0] =	vst.add.f32.msk $0xffff, v3  }
0x533: {  	v1 =	vld.idx.msk [tilespmem:v0+s3+$0x1B0 ss:$0x1], $0xffff  }
0x534: {  	v2 =	vld.idx.msk [tilespmem:v0+s3+$0x30 ss:$0x1], $0xffff  }
0x535: {  	v3 =	vld.idx.msk [tilespmem:v0+s3+$0xB0 ss:$0x1], $0xffff  }
0x536: {  	[tilespmem:s3+$0x1BB20] =	vst.add.f32.msk $0xffff, v4  }
0x537: {  	v4 =	vld.idx.msk [tilespmem:v0+s3+$0x130 ss:$0x1], $0xffff  }
0x538: {  	[tilespmem:s3+$0x1BBB0] =	vst.add.f32.msk $0xffff, v1  }
0x539: {  	[tilespmem:s3+$0x1BA30] =	vst.add.f32.msk $0xffff, v2  }
0x53a: {  	[tilespmem:s3+$0x1BAB0] =	vst.add.f32.msk $0xffff, v3  }
0x53b: {  	v1 =	vld.idx.msk [tilespmem:v0+s3+$0x1C0 ss:$0x1], $0xffff  }
0x53c: {  	v2 =	vld.idx.msk [tilespmem:v0+s3+$0x40 ss:$0x1], $0xffff  }
0x53d: {  	v3 =	vld.idx.msk [tilespmem:v0+s3+$0xC0 ss:$0x1], $0xffff  }
0x53e: {  	[tilespmem:s3+$0x1BB30] =	vst.add.f32.msk $0xffff, v4  }
0x53f: {  	v4 =	vld.idx.msk [tilespmem:v0+s3+$0x140 ss:$0x1], $0xffff  }
0x540: {  	[tilespmem:s3+$0x1BBC0] =	vst.add.f32.msk $0xffff, v1  }
0x541: {  	[tilespmem:s3+$0x1BA40] =	vst.add.f32.msk $0xffff, v2  }
0x542: {  	[tilespmem:s3+$0x1BAC0] =	vst.add.f32.msk $0xffff, v3  }
0x543: {  	v1 =	vld.idx.msk [tilespmem:v0+s3+$0x1D0 ss:$0x1], $0xffff  }
0x544: {  	v2 =	vld.idx.msk [tilespmem:v0+s3+$0x50 ss:$0x1], $0xffff  }
0x545: {  	[tilespmem:s3+$0x1BB40] =	vst.add.f32.msk $0xffff, v4  }
0x546: {  	v3 =	vld.idx.msk [tilespmem:v0+s3+$0xD0 ss:$0x1], $0xffff  }
0x547: {  	v4 =	vld.idx.msk [tilespmem:v0+s3+$0x150 ss:$0x1], $0xffff  }
0x548: {  	[tilespmem:s3+$0x1BBD0] =	vst.add.f32.msk $0xffff, v1  }
0x549: {  	[tilespmem:s3+$0x1BA50] =	vst.add.f32.msk $0xffff, v2  }
0x54a: {  	v1 =	vld.idx.msk [tilespmem:v0+s3+$0x1E0 ss:$0x1], $0xffff  }
0x54b: {  	[tilespmem:s3+$0x1BAD0] =	vst.add.f32.msk $0xffff, v3  }
0x54c: {  	[tilespmem:s3+$0x1BB50] =	vst.add.f32.msk $0xffff, v4  }
0x54d: {  	v2 =	vld.idx.msk [tilespmem:v0+s3+$0x60 ss:$0x1], $0xffff  }
0x54e: {  	v5 =	vld.idx.msk [tilespmem:v0+s3+$0xE0 ss:$0x1], $0xffff  }
0x54f: {  	[tilespmem:s3+$0x1BBE0] =	vst.add.f32.msk $0xffff, v1  }
0x550: {  	v1 =	vld.idx.msk [tilespmem:v0+s3+$0x1F0 ss:$0x1], $0xffff  }
0x551: {  	v3 =	vld.idx.msk [tilespmem:v0+s3+$0x160 ss:$0x1], $0xffff  }
0x552: {  	[tilespmem:s3+$0x1BA60] =	vst.add.f32.msk $0xffff, v2  }
0x553: {  	[tilespmem:s3+$0x1BAE0] =	vst.add.f32.msk $0xffff, v5  }
0x554: {  	v2 =	vld.idx.msk [tilespmem:v0+s3+$0x70 ss:$0x1], $0xffff  }
0x555: {  	[tilespmem:s3+$0x1BBF0] =	vst.add.f32.msk $0xffff, v1  }
0x556: {  	s6 =	simm.s32 $0x800;
	s0 =	simm.s32 $0x0;
	v1 =	vld.idx.msk [tilespmem:v0+s3+$0xF0 ss:$0x1], $0xffff  }
.LBB2_23:
0x557: {  	s22 =	sshra.s32 s6, $0x2;
	s0 =	sadd.s32 $0x4, s0;
	[tilespmem:s3+$0x1BB60] =	vst.add.f32.msk $0xffff, v3  }
0x558: {  	v3 =	vld.idx.msk [tilespmem:v0+s22+$0x180 ss:$0x1], $0xffff;
	p0 =	slt.u32 s0, $0x7C  }
0x559: {  	v4 =	vld.idx.msk [tilespmem:v0+s22+$0x0 ss:$0x1], $0xffff  }
0x55a: {  	v5 =	vld.idx.msk [tilespmem:v0+s22+$0x80 ss:$0x1], $0xffff  }
0x55b: {  	v6 =	vld.idx.msk [tilespmem:v0+s22+$0x100 ss:$0x1], $0xffff  }
0x55c: {  	v7 =	vld.idx.msk [tilespmem:v0+s3+$0x170 ss:$0x1], $0xffff  }
0x55d: {  	[tilespmem:s3+$0x1BA70] =	vst.add.f32.msk $0xffff, v2  }
0x55e: {  	[tilespmem:s22+$0x1BB80] =	vst.add.f32.msk $0xffff, v3  }
0x55f: {  	v2 =	vld.idx.msk [tilespmem:v0+s22+$0x190 ss:$0x1], $0xffff  }
0x560: {  	[tilespmem:s22+$0x1BA00] =	vst.add.f32.msk $0xffff, v4  }
0x561: {  	[tilespmem:s22+$0x1BA80] =	vst.add.f32.msk $0xffff, v5  }
0x562: {  	[tilespmem:s22+$0x1BB00] =	vst.add.f32.msk $0xffff, v6  }
0x563: {  	v3 =	vld.idx.msk [tilespmem:v0+s22+$0x10 ss:$0x1], $0xffff  }
0x564: {  	v4 =	vld.idx.msk [tilespmem:v0+s22+$0x90 ss:$0x1], $0xffff  }
0x565: {  	[tilespmem:s22+$0x1BB90] =	vst.add.f32.msk $0xffff, v2  }
0x566: {  	v2 =	vld.idx.msk [tilespmem:v0+s22+$0x1A0 ss:$0x1], $0xffff  }
0x567: {  	v5 =	vld.idx.msk [tilespmem:v0+s22+$0x110 ss:$0x1], $0xffff  }
0x568: {  	[tilespmem:s3+$0x1BAF0] =	vst.add.f32.msk $0xffff, v1  }
0x569: {  	[tilespmem:s22+$0x1BA10] =	vst.add.f32.msk $0xffff, v3  }
0x56a: {  	[tilespmem:s22+$0x1BA90] =	vst.add.f32.msk $0xffff, v4  }
0x56b: {  	v1 =	vld.idx.msk [tilespmem:v0+s22+$0x20 ss:$0x1], $0xffff  }
0x56c: {  	[tilespmem:s22+$0x1BBA0] =	vst.add.f32.msk $0xffff, v2  }
0x56d: {  	v2 =	vld.idx.msk [tilespmem:v0+s22+$0x1B0 ss:$0x1], $0xffff  }
0x56e: {  	[tilespmem:s22+$0x1BB10] =	vst.add.f32.msk $0xffff, v5  }
0x56f: {  	v3 =	vld.idx.msk [tilespmem:v0+s22+$0xA0 ss:$0x1], $0xffff  }
0x570: {  	v4 =	vld.idx.msk [tilespmem:v0+s22+$0x120 ss:$0x1], $0xffff  }
0x571: {  	[tilespmem:s22+$0x1BA20] =	vst.add.f32.msk $0xffff, v1  }
0x572: {  	v1 =	vld.idx.msk [tilespmem:v0+s22+$0x30 ss:$0x1], $0xffff  }
0x573: {  	[tilespmem:s22+$0x1BBB0] =	vst.add.f32.msk $0xffff, v2  }
0x574: {  	v2 =	vld.idx.msk [tilespmem:v0+s22+$0x1C0 ss:$0x1], $0xffff  }
0x575: {  	[tilespmem:s22+$0x1BAA0] =	vst.add.f32.msk $0xffff, v3  }
0x576: {  	[tilespmem:s22+$0x1BB20] =	vst.add.f32.msk $0xffff, v4  }
0x577: {  	v3 =	vld.idx.msk [tilespmem:v0+s22+$0xB0 ss:$0x1], $0xffff  }
0x578: {  	v4 =	vld.idx.msk [tilespmem:v0+s22+$0x130 ss:$0x1], $0xffff  }
0x579: {  	[tilespmem:s22+$0x1BA30] =	vst.add.f32.msk $0xffff, v1  }
0x57a: {  	[tilespmem:s22+$0x1BBC0] =	vst.add.f32.msk $0xffff, v2  }
0x57b: {  	v1 =	vld.idx.msk [tilespmem:v0+s22+$0x1D0 ss:$0x1], $0xffff  }
0x57c: {  	v2 =	vld.idx.msk [tilespmem:v0+s22+$0x40 ss:$0x1], $0xffff  }
0x57d: {  	[tilespmem:s22+$0x1BAB0] =	vst.add.f32.msk $0xffff, v3  }
0x57e: {  	[tilespmem:s22+$0x1BB30] =	vst.add.f32.msk $0xffff, v4  }
0x57f: {  	v3 =	vld.idx.msk [tilespmem:v0+s22+$0xC0 ss:$0x1], $0xffff  }
0x580: {  	v4 =	vld.idx.msk [tilespmem:v0+s22+$0x140 ss:$0x1], $0xffff  }
0x581: {  	[tilespmem:s22+$0x1BBD0] =	vst.add.f32.msk $0xffff, v1  }
0x582: {  	v1 =	vld.idx.msk [tilespmem:v0+s22+$0x1E0 ss:$0x1], $0xffff  }
0x583: {  	[tilespmem:s22+$0x1BA40] =	vst.add.f32.msk $0xffff, v2  }
0x584: {  	v2 =	vld.idx.msk [tilespmem:v0+s22+$0x50 ss:$0x1], $0xffff  }
0x585: {  	[tilespmem:s22+$0x1BAC0] =	vst.add.f32.msk $0xffff, v3  }
0x586: {  	[tilespmem:s22+$0x1BB40] =	vst.add.f32.msk $0xffff, v4  }
0x587: {  	v3 =	vld.idx.msk [tilespmem:v0+s22+$0xD0 ss:$0x1], $0xffff  }
0x588: {  	[tilespmem:s22+$0x1BBE0] =	vst.add.f32.msk $0xffff, v1  }
0x589: {  	v1 =	vld.idx.msk [tilespmem:v0+s22+$0x1F0 ss:$0x1], $0xffff  }
0x58a: {  	v4 =	vld.idx.msk [tilespmem:v0+s22+$0x150 ss:$0x1], $0xffff  }
0x58b: {  	[tilespmem:s22+$0x1BA50] =	vst.add.f32.msk $0xffff, v2  }
0x58c: {  	v2 =	vld.idx.msk [tilespmem:v0+s22+$0x60 ss:$0x1], $0xffff  }
0x58d: {  	[tilespmem:s22+$0x1BAD0] =	vst.add.f32.msk $0xffff, v3  }
0x58e: {  	v5 =	vld.idx.msk [tilespmem:v0+s22+$0xE0 ss:$0x1], $0xffff  }
0x58f: {  	[tilespmem:s22+$0x1BBF0] =	vst.add.f32.msk $0xffff, v1  }
0x590: {  	[tilespmem:s22+$0x1BB50] =	vst.add.f32.msk $0xffff, v4  }
0x591: {  	v3 =	vld.idx.msk [tilespmem:v0+s22+$0x160 ss:$0x1], $0xffff  }
.Ltmp10:
0x592: {  	[tilespmem:s22+$0x1BA60] =	vst.add.f32.msk $0xffff, v2;
	(pc) =	sbr.rel @p0 .LBB2_23-.Ltmp10, $4  }
0x593: {  	v2 =	vld.idx.msk [tilespmem:v0+s22+$0x70 ss:$0x1], $0xffff  }
0x594: {  	[tilespmem:s22+$0x1BAE0] =	vst.add.f32.msk $0xffff, v5  }
0x595: {  	v1 =	vld.idx.msk [tilespmem:v0+s22+$0xF0 ss:$0x1], $0xffff  }
0x596: {  	s6 =	sadd.s32 $0x800, s6;
	[tilespmem:s3+$0x1BB70] =	vst.add.f32.msk $0xffff, v7;
	s3 =	smov.u32 s22  }
0x597: {  	_ =	sdelay $0x2  }
0x598: {  	[tilespmem:s3+$0x1BB60] =	vst.add.f32.msk $0xffff, v3  }
0x599: {  	s0 =	sadd.s32 s7, s29;
	s22 =	simm.s32 $0x0;
	s12 =	sadd.s32 $0x1, s12;
	v0 =	vld.idx.msk [tilespmem:v0+s3+$0x170 ss:$0x1], $0xffff  }
0x59a: {  	s29 =	simm.s32 $0x1BA00;
	s13 =	sadd.s32 $0x14000, s13;
	p0 =	sne.s32 s12, $0x9  }
.Ltmp11:
0x59b: {  	s14 =	sadd.s32 $0x280, s14;
	s15 =	sadd.s32 $0x14000, s15;
	(pc) =	sbr.rel @p0 .LBB2_14-.Ltmp11, $4  }
0x59c: {  	s16 =	sadd.s32 $0x280, s16;
	s17 =	sadd.s32 $0x14000, s17;
	s18 =	sadd.s32 $0x280, s18;
	[tilespmem:s3+$0x1BA70] =	vst.add.f32.msk $0xffff, v2  }
0x59d: {  	s19 =	sadd.s32 $0x14000, s19;
	s9 =	sadd.s32 $0x280, s9;
	s0 =	sshll.u32 s0, $0x4;
	[tilespmem:s3+$0x1BAF0] =	vst.add.f32.msk $0xffff, v1  }
0x59e: {  	s20 =	sadd.s32 $0x14000, s20;
	s11 =	sadd.s32 $0x280, s11;
	s0 =	sadd.s32 s5, s0;
	[tilespmem:s3+$0x1BB70] =	vst.add.f32.msk $0xffff, v0  }
0x59f: {  	[hbm4b:s0+s22] =	stream.linear.scatter [tilespmem:s29], [sflag:$0xA], $0x4000, $0x38;
	[tilespmem:$0x1FA00] =	vst v63  }
0x5a0: {  	_ =	swait.ge [sflag:s4], $0x4000  }
0x5a1: {  	[sflag:s4] =	ssyncset.done $0x0  }
0x5a2: {  	s0 =	simm.s32 $0x1780;
	s29 =	simm.s32 $0x1;
	[sflag:s4] =	ssyncadd.s32 $0xFFFFC000  }
0x5a3: {  	[tilespmem:s26], [sflag:$0x3] =	stream.indirect.gather [hbm4b:s1+s21], $0x80, s0, s21, $0xb8;
	[tilespmem:$0x1FA00] =	vst v63  }
0x5a4: {  	_ =	swait.ge [sflag:s29], $0x4000  }
0x5a5: {  	[sflag:s29] =	ssyncset.done $0x0  }
0x5a6: {  	s3 =	simm.s32 $0x0;
	[sflag:s29] =	ssyncadd.s32 $0xFFFFC000  }
0x5a7: {  	v0 =	vld [tilespmem:s3+$0x6AF0]  }
0x5a8: {  	v1 =	vld [tilespmem:s3+$0x6900]  }
0x5a9: {  	v2 =	vld [tilespmem:s3+$0x6910]  }
0x5aa: {  	v3 =	vld [tilespmem:s3+$0x6920]  }
0x5ab: {  	v4 =	vld [tilespmem:s3+$0x6930]  }
0x5ac: {  	v5 =	vld [tilespmem:s3+$0x6940]  }
0x5ad: {  	v6 =	vld [tilespmem:s3+$0x6950]  }
0x5ae: {  	v7 =	vld [tilespmem:s3+$0x6960]  }
0x5af: {  	v8 =	vld [tilespmem:s3+$0x6970]  }
0x5b0: {  	v9 =	vld [tilespmem:s3+$0x6980]  }
0x5b1: {  	v10 =	vld [tilespmem:s3+$0x6990]  }
0x5b2: {  	v11 =	vld [tilespmem:s3+$0x69A0]  }
0x5b3: {  	v12 =	vld [tilespmem:s3+$0x69B0]  }
0x5b4: {  	v13 =	vld [tilespmem:s3+$0x69C0]  }
0x5b5: {  	v14 =	vld [tilespmem:s3+$0x69D0]  }
0x5b6: {  	v15 =	vld [tilespmem:s3+$0x69E0]  }
0x5b7: {  	v16 =	vld [tilespmem:s3+$0x69F0]  }
0x5b8: {  	v17 =	vld [tilespmem:s3+$0x6A00]  }
0x5b9: {  	v18 =	vld [tilespmem:s3+$0x6A10]  }
0x5ba: {  	v19 =	vld [tilespmem:s3+$0x6A20]  }
0x5bb: {  	v20 =	vld [tilespmem:s3+$0x6A30]  }
0x5bc: {  	v21 =	vld [tilespmem:s3+$0x6A40]  }
0x5bd: {  	v22 =	vld [tilespmem:s3+$0x6A50]  }
0x5be: {  	v23 =	vld [tilespmem:s3+$0x6A60]  }
0x5bf: {  	v24 =	vld [tilespmem:s3+$0x6A70]  }
0x5c0: {  	v25 =	vld [tilespmem:s3+$0x6A80]  }
0x5c1: {  	v26 =	vld [tilespmem:s3+$0x6A90]  }
0x5c2: {  	v27 =	vld [tilespmem:s3+$0x6AA0]  }
0x5c3: {  	v28 =	vld [tilespmem:s3+$0x6AB0]  }
0x5c4: {  	v29 =	vld [tilespmem:s3+$0x6AC0]  }
0x5c5: {  	v30 =	vld [tilespmem:s3+$0x6AD0]  }
0x5c6: {  	[tilespmem:s3+$0xBBF0] =	vst.add.f32.msk $0xffff, v0  }
0x5c7: {  	v0 =	vld [tilespmem:s3+$0x6AE0]  }
0x5c8: {  	[tilespmem:s3+$0xBA00] =	vst.add.f32.msk $0xffff, v1  }
0x5c9: {  	[tilespmem:s3+$0xBA10] =	vst.add.f32.msk $0xffff, v2  }
0x5ca: {  	[tilespmem:s3+$0xBA20] =	vst.add.f32.msk $0xffff, v3  }
0x5cb: {  	[tilespmem:s3+$0xBA30] =	vst.add.f32.msk $0xffff, v4  }
0x5cc: {  	[tilespmem:s3+$0xBA40] =	vst.add.f32.msk $0xffff, v5  }
0x5cd: {  	[tilespmem:s3+$0xBA50] =	vst.add.f32.msk $0xffff, v6  }
0x5ce: {  	[tilespmem:s3+$0xBA60] =	vst.add.f32.msk $0xffff, v7  }
0x5cf: {  	[tilespmem:s3+$0xBA70] =	vst.add.f32.msk $0xffff, v8  }
0x5d0: {  	[tilespmem:s3+$0xBA80] =	vst.add.f32.msk $0xffff, v9  }
0x5d1: {  	[tilespmem:s3+$0xBA90] =	vst.add.f32.msk $0xffff, v10  }
0x5d2: {  	[tilespmem:s3+$0xBAA0] =	vst.add.f32.msk $0xffff, v11  }
0x5d3: {  	[tilespmem:s3+$0xBAB0] =	vst.add.f32.msk $0xffff, v12  }
0x5d4: {  	[tilespmem:s3+$0xBAC0] =	vst.add.f32.msk $0xffff, v13  }
0x5d5: {  	[tilespmem:s3+$0xBAD0] =	vst.add.f32.msk $0xffff, v14  }
0x5d6: {  	[tilespmem:s3+$0xBAE0] =	vst.add.f32.msk $0xffff, v15  }
0x5d7: {  	[tilespmem:s3+$0xBAF0] =	vst.add.f32.msk $0xffff, v16  }
0x5d8: {  	[tilespmem:s3+$0xBB00] =	vst.add.f32.msk $0xffff, v17  }
0x5d9: {  	[tilespmem:s3+$0xBB10] =	vst.add.f32.msk $0xffff, v18  }
0x5da: {  	[tilespmem:s3+$0xBB20] =	vst.add.f32.msk $0xffff, v19  }
0x5db: {  	[tilespmem:s3+$0xBB30] =	vst.add.f32.msk $0xffff, v20  }
0x5dc: {  	[tilespmem:s3+$0xBB40] =	vst.add.f32.msk $0xffff, v21  }
0x5dd: {  	[tilespmem:s3+$0xBB50] =	vst.add.f32.msk $0xffff, v22  }
0x5de: {  	[tilespmem:s3+$0xBB60] =	vst.add.f32.msk $0xffff, v23  }
0x5df: {  	[tilespmem:s3+$0xBB70] =	vst.add.f32.msk $0xffff, v24  }
0x5e0: {  	[tilespmem:s3+$0xBB80] =	vst.add.f32.msk $0xffff, v25  }
0x5e1: {  	[tilespmem:s3+$0xBB90] =	vst.add.f32.msk $0xffff, v26  }
0x5e2: {  	[tilespmem:s3+$0xBBA0] =	vst.add.f32.msk $0xffff, v27  }
0x5e3: {  	[tilespmem:s3+$0xBBB0] =	vst.add.f32.msk $0xffff, v28  }
0x5e4: {  	[tilespmem:s3+$0xBBC0] =	vst.add.f32.msk $0xffff, v29  }
0x5e5: {  	s6 =	simm.s32 $0x800;
	s0 =	simm.s32 $0x0;
	[tilespmem:s3+$0xBBD0] =	vst.add.f32.msk $0xffff, v30  }
.LBB2_26:
0x5e6: {  	s0 =	sadd.s32 $0x4, s0;
	[tilespmem:s3+$0xBBE0] =	vst.add.f32.msk $0xffff, v0;
	s3 =	sshra.s32 s6, $0x2  }
0x5e7: {  	v0 =	vld [tilespmem:s3+$0x6AF0];
	p0 =	slt.u32 s0, $0x7C  }
0x5e8: {  	v1 =	vld [tilespmem:s3+$0x6900]  }
0x5e9: {  	v2 =	vld [tilespmem:s3+$0x6910]  }
0x5ea: {  	v3 =	vld [tilespmem:s3+$0x6920]  }
0x5eb: {  	v4 =	vld [tilespmem:s3+$0x6930]  }
0x5ec: {  	[tilespmem:s3+$0xBBF0] =	vst.add.f32.msk $0xffff, v0  }
0x5ed: {  	v5 =	vld [tilespmem:s3+$0x6940]  }
0x5ee: {  	v6 =	vld [tilespmem:s3+$0x6950]  }
0x5ef: {  	v7 =	vld [tilespmem:s3+$0x6960]  }
0x5f0: {  	v8 =	vld [tilespmem:s3+$0x6970]  }
0x5f1: {  	v9 =	vld [tilespmem:s3+$0x6980]  }
0x5f2: {  	v10 =	vld [tilespmem:s3+$0x6990]  }
0x5f3: {  	v11 =	vld [tilespmem:s3+$0x69A0]  }
0x5f4: {  	v12 =	vld [tilespmem:s3+$0x69B0]  }
0x5f5: {  	v13 =	vld [tilespmem:s3+$0x69C0]  }
0x5f6: {  	v14 =	vld [tilespmem:s3+$0x69D0]  }
0x5f7: {  	v15 =	vld [tilespmem:s3+$0x69E0]  }
0x5f8: {  	v16 =	vld [tilespmem:s3+$0x69F0]  }
0x5f9: {  	v17 =	vld [tilespmem:s3+$0x6A00]  }
0x5fa: {  	v18 =	vld [tilespmem:s3+$0x6A10]  }
0x5fb: {  	v19 =	vld [tilespmem:s3+$0x6A20]  }
0x5fc: {  	v20 =	vld [tilespmem:s3+$0x6A30]  }
0x5fd: {  	v21 =	vld [tilespmem:s3+$0x6A40]  }
0x5fe: {  	v22 =	vld [tilespmem:s3+$0x6A50]  }
0x5ff: {  	v23 =	vld [tilespmem:s3+$0x6A60]  }
0x600: {  	v24 =	vld [tilespmem:s3+$0x6A70]  }
0x601: {  	v25 =	vld [tilespmem:s3+$0x6A80]  }
0x602: {  	v26 =	vld [tilespmem:s3+$0x6A90]  }
0x603: {  	v27 =	vld [tilespmem:s3+$0x6AA0]  }
0x604: {  	v28 =	vld [tilespmem:s3+$0x6AB0]  }
0x605: {  	v29 =	vld [tilespmem:s3+$0x6AC0]  }
0x606: {  	v30 =	vld [tilespmem:s3+$0x6AD0]  }
0x607: {  	v0 =	vld [tilespmem:s3+$0x6AE0]  }
0x608: {  	[tilespmem:s3+$0xBA00] =	vst.add.f32.msk $0xffff, v1  }
0x609: {  	[tilespmem:s3+$0xBA10] =	vst.add.f32.msk $0xffff, v2  }
0x60a: {  	[tilespmem:s3+$0xBA20] =	vst.add.f32.msk $0xffff, v3  }
0x60b: {  	[tilespmem:s3+$0xBA30] =	vst.add.f32.msk $0xffff, v4  }
0x60c: {  	[tilespmem:s3+$0xBA40] =	vst.add.f32.msk $0xffff, v5  }
0x60d: {  	[tilespmem:s3+$0xBA50] =	vst.add.f32.msk $0xffff, v6  }
0x60e: {  	[tilespmem:s3+$0xBA60] =	vst.add.f32.msk $0xffff, v7  }
0x60f: {  	[tilespmem:s3+$0xBA70] =	vst.add.f32.msk $0xffff, v8  }
0x610: {  	[tilespmem:s3+$0xBA80] =	vst.add.f32.msk $0xffff, v9  }
0x611: {  	[tilespmem:s3+$0xBA90] =	vst.add.f32.msk $0xffff, v10  }
0x612: {  	[tilespmem:s3+$0xBAA0] =	vst.add.f32.msk $0xffff, v11  }
0x613: {  	[tilespmem:s3+$0xBAB0] =	vst.add.f32.msk $0xffff, v12  }
0x614: {  	[tilespmem:s3+$0xBAC0] =	vst.add.f32.msk $0xffff, v13  }
0x615: {  	[tilespmem:s3+$0xBAD0] =	vst.add.f32.msk $0xffff, v14  }
0x616: {  	[tilespmem:s3+$0xBAE0] =	vst.add.f32.msk $0xffff, v15  }
0x617: {  	[tilespmem:s3+$0xBAF0] =	vst.add.f32.msk $0xffff, v16  }
0x618: {  	[tilespmem:s3+$0xBB00] =	vst.add.f32.msk $0xffff, v17  }
0x619: {  	[tilespmem:s3+$0xBB10] =	vst.add.f32.msk $0xffff, v18  }
0x61a: {  	[tilespmem:s3+$0xBB20] =	vst.add.f32.msk $0xffff, v19  }
0x61b: {  	[tilespmem:s3+$0xBB30] =	vst.add.f32.msk $0xffff, v20  }
0x61c: {  	[tilespmem:s3+$0xBB40] =	vst.add.f32.msk $0xffff, v21  }
0x61d: {  	[tilespmem:s3+$0xBB50] =	vst.add.f32.msk $0xffff, v22  }
0x61e: {  	[tilespmem:s3+$0xBB60] =	vst.add.f32.msk $0xffff, v23  }
0x61f: {  	[tilespmem:s3+$0xBB70] =	vst.add.f32.msk $0xffff, v24  }
0x620: {  	[tilespmem:s3+$0xBB80] =	vst.add.f32.msk $0xffff, v25  }
.Ltmp12:
0x621: {  	[tilespmem:s3+$0xBB90] =	vst.add.f32.msk $0xffff, v26;
	(pc) =	sbr.rel @p0 .LBB2_26-.Ltmp12, $4  }
0x622: {  	[tilespmem:s3+$0xBBA0] =	vst.add.f32.msk $0xffff, v27  }
0x623: {  	[tilespmem:s3+$0xBBB0] =	vst.add.f32.msk $0xffff, v28  }
0x624: {  	[tilespmem:s3+$0xBBC0] =	vst.add.f32.msk $0xffff, v29  }
0x625: {  	s6 =	sadd.s32 $0x800, s6;
	[tilespmem:s3+$0xBBD0] =	vst.add.f32.msk $0xffff, v30  }
0x626: {  	[tilespmem:s3+$0xBBE0] =	vst.add.f32.msk $0xffff, v0  }
0x627: {  	s0 =	simm.s32 $0x0;
	s3 =	rddreg [dreg:$0xc]  }
0x628: {  	[hbm4b:s3+s0] =	stream.linear.scatter [tilespmem:s31], [sflag:$0x6], $0x4000, $0x38;
	[tilespmem:$0x1FA00] =	vst v63  }
0x629: {  	_ =	swait.ge [sflag:s8], $0x4000  }
0x62a: {  	s24 =	simm.s32 $0x17A00;
	[sflag:s8] =	ssyncset.done $0x0  }
0x62b: {  	s25 =	simm.s32 $0x1800;
	s29 =	simm.s32 $0x2;
	[sflag:s8] =	ssyncadd.s32 $0xFFFFC000  }
0x62c: {  	[tilespmem:s24], [sflag:$0x4] =	stream.indirect.gather [hbm4b:s1+s21], $0x80, s25, s21, $0xb8;
	[tilespmem:$0x1FA00] =	vst v63  }
0x62d: {  	_ =	swait.ge [sflag:s29], $0x4000  }
0x62e: {  	[sflag:s29] =	ssyncset.done $0x0  }
0x62f: {  	s3 =	simm.s32 $0x0;
	[sflag:s29] =	ssyncadd.s32 $0xFFFFC000  }
0x630: {  	v0 =	vld [tilespmem:s3+$0x46F0]  }
0x631: {  	v1 =	vld [tilespmem:s3+$0x4500]  }
0x632: {  	v2 =	vld [tilespmem:s3+$0x4510]  }
0x633: {  	v3 =	vld [tilespmem:s3+$0x4520]  }
0x634: {  	v4 =	vld [tilespmem:s3+$0x4530]  }
0x635: {  	v5 =	vld [tilespmem:s3+$0x4540]  }
0x636: {  	v6 =	vld [tilespmem:s3+$0x4550]  }
0x637: {  	v7 =	vld [tilespmem:s3+$0x4560]  }
0x638: {  	v8 =	vld [tilespmem:s3+$0x4570]  }
0x639: {  	v9 =	vld [tilespmem:s3+$0x4580]  }
0x63a: {  	v10 =	vld [tilespmem:s3+$0x4590]  }
0x63b: {  	v11 =	vld [tilespmem:s3+$0x45A0]  }
0x63c: {  	v12 =	vld [tilespmem:s3+$0x45B0]  }
0x63d: {  	v13 =	vld [tilespmem:s3+$0x45C0]  }
0x63e: {  	v14 =	vld [tilespmem:s3+$0x45D0]  }
0x63f: {  	v15 =	vld [tilespmem:s3+$0x45E0]  }
0x640: {  	v16 =	vld [tilespmem:s3+$0x45F0]  }
0x641: {  	v17 =	vld [tilespmem:s3+$0x4600]  }
0x642: {  	v18 =	vld [tilespmem:s3+$0x4610]  }
0x643: {  	v19 =	vld [tilespmem:s3+$0x4620]  }
0x644: {  	v20 =	vld [tilespmem:s3+$0x4630]  }
0x645: {  	v21 =	vld [tilespmem:s3+$0x4640]  }
0x646: {  	v22 =	vld [tilespmem:s3+$0x4650]  }
0x647: {  	v23 =	vld [tilespmem:s3+$0x4660]  }
0x648: {  	v24 =	vld [tilespmem:s3+$0x4670]  }
0x649: {  	v25 =	vld [tilespmem:s3+$0x4680]  }
0x64a: {  	v26 =	vld [tilespmem:s3+$0x4690]  }
0x64b: {  	v27 =	vld [tilespmem:s3+$0x46A0]  }
0x64c: {  	v28 =	vld [tilespmem:s3+$0x46B0]  }
0x64d: {  	v29 =	vld [tilespmem:s3+$0x46C0]  }
0x64e: {  	v30 =	vld [tilespmem:s3+$0x46D0]  }
0x64f: {  	[tilespmem:s3+$0xFBF0] =	vst.add.f32.msk $0xffff, v0  }
0x650: {  	v0 =	vld [tilespmem:s3+$0x46E0]  }
0x651: {  	[tilespmem:s3+$0xFA00] =	vst.add.f32.msk $0xffff, v1  }
0x652: {  	[tilespmem:s3+$0xFA10] =	vst.add.f32.msk $0xffff, v2  }
0x653: {  	[tilespmem:s3+$0xFA20] =	vst.add.f32.msk $0xffff, v3  }
0x654: {  	[tilespmem:s3+$0xFA30] =	vst.add.f32.msk $0xffff, v4  }
0x655: {  	[tilespmem:s3+$0xFA40] =	vst.add.f32.msk $0xffff, v5  }
0x656: {  	[tilespmem:s3+$0xFA50] =	vst.add.f32.msk $0xffff, v6  }
0x657: {  	[tilespmem:s3+$0xFA60] =	vst.add.f32.msk $0xffff, v7  }
0x658: {  	[tilespmem:s3+$0xFA70] =	vst.add.f32.msk $0xffff, v8  }
0x659: {  	[tilespmem:s3+$0xFA80] =	vst.add.f32.msk $0xffff, v9  }
0x65a: {  	[tilespmem:s3+$0xFA90] =	vst.add.f32.msk $0xffff, v10  }
0x65b: {  	[tilespmem:s3+$0xFAA0] =	vst.add.f32.msk $0xffff, v11  }
0x65c: {  	[tilespmem:s3+$0xFAB0] =	vst.add.f32.msk $0xffff, v12  }
0x65d: {  	[tilespmem:s3+$0xFAC0] =	vst.add.f32.msk $0xffff, v13  }
0x65e: {  	[tilespmem:s3+$0xFAD0] =	vst.add.f32.msk $0xffff, v14  }
0x65f: {  	[tilespmem:s3+$0xFAE0] =	vst.add.f32.msk $0xffff, v15  }
0x660: {  	[tilespmem:s3+$0xFAF0] =	vst.add.f32.msk $0xffff, v16  }
0x661: {  	[tilespmem:s3+$0xFB00] =	vst.add.f32.msk $0xffff, v17  }
0x662: {  	[tilespmem:s3+$0xFB10] =	vst.add.f32.msk $0xffff, v18  }
0x663: {  	[tilespmem:s3+$0xFB20] =	vst.add.f32.msk $0xffff, v19  }
0x664: {  	[tilespmem:s3+$0xFB30] =	vst.add.f32.msk $0xffff, v20  }
0x665: {  	[tilespmem:s3+$0xFB40] =	vst.add.f32.msk $0xffff, v21  }
0x666: {  	[tilespmem:s3+$0xFB50] =	vst.add.f32.msk $0xffff, v22  }
0x667: {  	[tilespmem:s3+$0xFB60] =	vst.add.f32.msk $0xffff, v23  }
0x668: {  	[tilespmem:s3+$0xFB70] =	vst.add.f32.msk $0xffff, v24  }
0x669: {  	[tilespmem:s3+$0xFB80] =	vst.add.f32.msk $0xffff, v25  }
0x66a: {  	[tilespmem:s3+$0xFB90] =	vst.add.f32.msk $0xffff, v26  }
0x66b: {  	[tilespmem:s3+$0xFBA0] =	vst.add.f32.msk $0xffff, v27  }
0x66c: {  	[tilespmem:s3+$0xFBB0] =	vst.add.f32.msk $0xffff, v28  }
0x66d: {  	[tilespmem:s3+$0xFBC0] =	vst.add.f32.msk $0xffff, v29  }
0x66e: {  	s6 =	simm.s32 $0x800;
	s0 =	simm.s32 $0x0;
	[tilespmem:s3+$0xFBD0] =	vst.add.f32.msk $0xffff, v30  }
.LBB2_28:
0x66f: {  	s0 =	sadd.s32 $0x4, s0;
	[tilespmem:s3+$0xFBE0] =	vst.add.f32.msk $0xffff, v0;
	s3 =	sshra.s32 s6, $0x2  }
0x670: {  	v0 =	vld [tilespmem:s3+$0x46F0];
	p0 =	slt.u32 s0, $0x7C  }
0x671: {  	v1 =	vld [tilespmem:s3+$0x4500]  }
0x672: {  	v2 =	vld [tilespmem:s3+$0x4510]  }
0x673: {  	v3 =	vld [tilespmem:s3+$0x4520]  }
0x674: {  	v4 =	vld [tilespmem:s3+$0x4530]  }
0x675: {  	[tilespmem:s3+$0xFBF0] =	vst.add.f32.msk $0xffff, v0  }
0x676: {  	v5 =	vld [tilespmem:s3+$0x4540]  }
0x677: {  	v6 =	vld [tilespmem:s3+$0x4550]  }
0x678: {  	v7 =	vld [tilespmem:s3+$0x4560]  }
0x679: {  	v8 =	vld [tilespmem:s3+$0x4570]  }
0x67a: {  	v9 =	vld [tilespmem:s3+$0x4580]  }
0x67b: {  	v10 =	vld [tilespmem:s3+$0x4590]  }
0x67c: {  	v11 =	vld [tilespmem:s3+$0x45A0]  }
0x67d: {  	v12 =	vld [tilespmem:s3+$0x45B0]  }
0x67e: {  	v13 =	vld [tilespmem:s3+$0x45C0]  }
0x67f: {  	v14 =	vld [tilespmem:s3+$0x45D0]  }
0x680: {  	v15 =	vld [tilespmem:s3+$0x45E0]  }
0x681: {  	v16 =	vld [tilespmem:s3+$0x45F0]  }
0x682: {  	v17 =	vld [tilespmem:s3+$0x4600]  }
0x683: {  	v18 =	vld [tilespmem:s3+$0x4610]  }
0x684: {  	v19 =	vld [tilespmem:s3+$0x4620]  }
0x685: {  	v20 =	vld [tilespmem:s3+$0x4630]  }
0x686: {  	v21 =	vld [tilespmem:s3+$0x4640]  }
0x687: {  	v22 =	vld [tilespmem:s3+$0x4650]  }
0x688: {  	v23 =	vld [tilespmem:s3+$0x4660]  }
0x689: {  	v24 =	vld [tilespmem:s3+$0x4670]  }
0x68a: {  	v25 =	vld [tilespmem:s3+$0x4680]  }
0x68b: {  	v26 =	vld [tilespmem:s3+$0x4690]  }
0x68c: {  	v27 =	vld [tilespmem:s3+$0x46A0]  }
0x68d: {  	v28 =	vld [tilespmem:s3+$0x46B0]  }
0x68e: {  	v29 =	vld [tilespmem:s3+$0x46C0]  }
0x68f: {  	v30 =	vld [tilespmem:s3+$0x46D0]  }
0x690: {  	v0 =	vld [tilespmem:s3+$0x46E0]  }
0x691: {  	[tilespmem:s3+$0xFA00] =	vst.add.f32.msk $0xffff, v1  }
0x692: {  	[tilespmem:s3+$0xFA10] =	vst.add.f32.msk $0xffff, v2  }
0x693: {  	[tilespmem:s3+$0xFA20] =	vst.add.f32.msk $0xffff, v3  }
0x694: {  	[tilespmem:s3+$0xFA30] =	vst.add.f32.msk $0xffff, v4  }
0x695: {  	[tilespmem:s3+$0xFA40] =	vst.add.f32.msk $0xffff, v5  }
0x696: {  	[tilespmem:s3+$0xFA50] =	vst.add.f32.msk $0xffff, v6  }
0x697: {  	[tilespmem:s3+$0xFA60] =	vst.add.f32.msk $0xffff, v7  }
0x698: {  	[tilespmem:s3+$0xFA70] =	vst.add.f32.msk $0xffff, v8  }
0x699: {  	[tilespmem:s3+$0xFA80] =	vst.add.f32.msk $0xffff, v9  }
0x69a: {  	[tilespmem:s3+$0xFA90] =	vst.add.f32.msk $0xffff, v10  }
0x69b: {  	[tilespmem:s3+$0xFAA0] =	vst.add.f32.msk $0xffff, v11  }
0x69c: {  	[tilespmem:s3+$0xFAB0] =	vst.add.f32.msk $0xffff, v12  }
0x69d: {  	[tilespmem:s3+$0xFAC0] =	vst.add.f32.msk $0xffff, v13  }
0x69e: {  	[tilespmem:s3+$0xFAD0] =	vst.add.f32.msk $0xffff, v14  }
0x69f: {  	[tilespmem:s3+$0xFAE0] =	vst.add.f32.msk $0xffff, v15  }
0x6a0: {  	[tilespmem:s3+$0xFAF0] =	vst.add.f32.msk $0xffff, v16  }
0x6a1: {  	[tilespmem:s3+$0xFB00] =	vst.add.f32.msk $0xffff, v17  }
0x6a2: {  	[tilespmem:s3+$0xFB10] =	vst.add.f32.msk $0xffff, v18  }
0x6a3: {  	[tilespmem:s3+$0xFB20] =	vst.add.f32.msk $0xffff, v19  }
0x6a4: {  	[tilespmem:s3+$0xFB30] =	vst.add.f32.msk $0xffff, v20  }
0x6a5: {  	[tilespmem:s3+$0xFB40] =	vst.add.f32.msk $0xffff, v21  }
0x6a6: {  	[tilespmem:s3+$0xFB50] =	vst.add.f32.msk $0xffff, v22  }
0x6a7: {  	[tilespmem:s3+$0xFB60] =	vst.add.f32.msk $0xffff, v23  }
0x6a8: {  	[tilespmem:s3+$0xFB70] =	vst.add.f32.msk $0xffff, v24  }
0x6a9: {  	[tilespmem:s3+$0xFB80] =	vst.add.f32.msk $0xffff, v25  }
.Ltmp13:
0x6aa: {  	[tilespmem:s3+$0xFB90] =	vst.add.f32.msk $0xffff, v26;
	(pc) =	sbr.rel @p0 .LBB2_28-.Ltmp13, $4  }
0x6ab: {  	[tilespmem:s3+$0xFBA0] =	vst.add.f32.msk $0xffff, v27  }
0x6ac: {  	[tilespmem:s3+$0xFBB0] =	vst.add.f32.msk $0xffff, v28  }
0x6ad: {  	[tilespmem:s3+$0xFBC0] =	vst.add.f32.msk $0xffff, v29  }
0x6ae: {  	s6 =	sadd.s32 $0x800, s6;
	[tilespmem:s3+$0xFBD0] =	vst.add.f32.msk $0xffff, v30  }
0x6af: {  	[tilespmem:s3+$0xFBE0] =	vst.add.f32.msk $0xffff, v0  }
0x6b0: {  	s0 =	simm.s32 $0x0;
	s3 =	rddreg [dreg:$0xd]  }
0x6b1: {  	[hbm4b:s3+s0] =	stream.linear.scatter [tilespmem:s30], [sflag:$0x7], $0x4000, $0x38;
	[tilespmem:$0x1FA00] =	vst v63  }
0x6b2: {  	_ =	swait.ge [sflag:s10], $0x4000  }
0x6b3: {  	s24 =	simm.s32 $0x1BA00;
	[sflag:s10] =	ssyncset.done $0x0  }
0x6b4: {  	s25 =	simm.s32 $0x1880;
	s29 =	simm.s32 $0x3;
	[sflag:s10] =	ssyncadd.s32 $0xFFFFC000  }
0x6b5: {  	[tilespmem:s24], [sflag:$0x5] =	stream.indirect.gather [hbm4b:s1+s21], $0x80, s25, s21, $0xb8;
	[tilespmem:$0x1FA00] =	vst v63  }
0x6b6: {  	_ =	swait.ge [sflag:s29], $0x4000  }
0x6b7: {  	[sflag:s29] =	ssyncset.done $0x0  }
0x6b8: {  	s3 =	simm.s32 $0x0;
	[sflag:s29] =	ssyncadd.s32 $0xFFFFC000  }
0x6b9: {  	v0 =	vld [tilespmem:s3+$0x22F0]  }
0x6ba: {  	v1 =	vld [tilespmem:s3+$0x2100]  }
0x6bb: {  	v2 =	vld [tilespmem:s3+$0x2110]  }
0x6bc: {  	v3 =	vld [tilespmem:s3+$0x2120]  }
0x6bd: {  	v4 =	vld [tilespmem:s3+$0x2130]  }
0x6be: {  	v5 =	vld [tilespmem:s3+$0x2140]  }
0x6bf: {  	v6 =	vld [tilespmem:s3+$0x2150]  }
0x6c0: {  	v7 =	vld [tilespmem:s3+$0x2160]  }
0x6c1: {  	v8 =	vld [tilespmem:s3+$0x2170]  }
0x6c2: {  	v9 =	vld [tilespmem:s3+$0x2180]  }
0x6c3: {  	v10 =	vld [tilespmem:s3+$0x2190]  }
0x6c4: {  	v11 =	vld [tilespmem:s3+$0x21A0]  }
0x6c5: {  	v12 =	vld [tilespmem:s3+$0x21B0]  }
0x6c6: {  	v13 =	vld [tilespmem:s3+$0x21C0]  }
0x6c7: {  	v14 =	vld [tilespmem:s3+$0x21D0]  }
0x6c8: {  	v15 =	vld [tilespmem:s3+$0x21E0]  }
0x6c9: {  	v16 =	vld [tilespmem:s3+$0x21F0]  }
0x6ca: {  	v17 =	vld [tilespmem:s3+$0x2200]  }
0x6cb: {  	v18 =	vld [tilespmem:s3+$0x2210]  }
0x6cc: {  	v19 =	vld [tilespmem:s3+$0x2220]  }
0x6cd: {  	v20 =	vld [tilespmem:s3+$0x2230]  }
0x6ce: {  	v21 =	vld [tilespmem:s3+$0x2240]  }
0x6cf: {  	v22 =	vld [tilespmem:s3+$0x2250]  }
0x6d0: {  	v23 =	vld [tilespmem:s3+$0x2260]  }
0x6d1: {  	v24 =	vld [tilespmem:s3+$0x2270]  }
0x6d2: {  	v25 =	vld [tilespmem:s3+$0x2280]  }
0x6d3: {  	v26 =	vld [tilespmem:s3+$0x2290]  }
0x6d4: {  	v27 =	vld [tilespmem:s3+$0x22A0]  }
0x6d5: {  	v28 =	vld [tilespmem:s3+$0x22B0]  }
0x6d6: {  	v29 =	vld [tilespmem:s3+$0x22C0]  }
0x6d7: {  	v30 =	vld [tilespmem:s3+$0x22D0]  }
0x6d8: {  	[tilespmem:s3+$0x13BF0] =	vst.add.f32.msk $0xffff, v0  }
0x6d9: {  	v0 =	vld [tilespmem:s3+$0x22E0]  }
0x6da: {  	[tilespmem:s3+$0x13A00] =	vst.add.f32.msk $0xffff, v1  }
0x6db: {  	[tilespmem:s3+$0x13A10] =	vst.add.f32.msk $0xffff, v2  }
0x6dc: {  	[tilespmem:s3+$0x13A20] =	vst.add.f32.msk $0xffff, v3  }
0x6dd: {  	[tilespmem:s3+$0x13A30] =	vst.add.f32.msk $0xffff, v4  }
0x6de: {  	[tilespmem:s3+$0x13A40] =	vst.add.f32.msk $0xffff, v5  }
0x6df: {  	[tilespmem:s3+$0x13A50] =	vst.add.f32.msk $0xffff, v6  }
0x6e0: {  	[tilespmem:s3+$0x13A60] =	vst.add.f32.msk $0xffff, v7  }
0x6e1: {  	[tilespmem:s3+$0x13A70] =	vst.add.f32.msk $0xffff, v8  }
0x6e2: {  	[tilespmem:s3+$0x13A80] =	vst.add.f32.msk $0xffff, v9  }
0x6e3: {  	[tilespmem:s3+$0x13A90] =	vst.add.f32.msk $0xffff, v10  }
0x6e4: {  	[tilespmem:s3+$0x13AA0] =	vst.add.f32.msk $0xffff, v11  }
0x6e5: {  	[tilespmem:s3+$0x13AB0] =	vst.add.f32.msk $0xffff, v12  }
0x6e6: {  	[tilespmem:s3+$0x13AC0] =	vst.add.f32.msk $0xffff, v13  }
0x6e7: {  	[tilespmem:s3+$0x13AD0] =	vst.add.f32.msk $0xffff, v14  }
0x6e8: {  	[tilespmem:s3+$0x13AE0] =	vst.add.f32.msk $0xffff, v15  }
0x6e9: {  	[tilespmem:s3+$0x13AF0] =	vst.add.f32.msk $0xffff, v16  }
0x6ea: {  	[tilespmem:s3+$0x13B00] =	vst.add.f32.msk $0xffff, v17  }
0x6eb: {  	[tilespmem:s3+$0x13B10] =	vst.add.f32.msk $0xffff, v18  }
0x6ec: {  	[tilespmem:s3+$0x13B20] =	vst.add.f32.msk $0xffff, v19  }
0x6ed: {  	[tilespmem:s3+$0x13B30] =	vst.add.f32.msk $0xffff, v20  }
0x6ee: {  	[tilespmem:s3+$0x13B40] =	vst.add.f32.msk $0xffff, v21  }
0x6ef: {  	[tilespmem:s3+$0x13B50] =	vst.add.f32.msk $0xffff, v22  }
0x6f0: {  	[tilespmem:s3+$0x13B60] =	vst.add.f32.msk $0xffff, v23  }
0x6f1: {  	[tilespmem:s3+$0x13B70] =	vst.add.f32.msk $0xffff, v24  }
0x6f2: {  	[tilespmem:s3+$0x13B80] =	vst.add.f32.msk $0xffff, v25  }
0x6f3: {  	[tilespmem:s3+$0x13B90] =	vst.add.f32.msk $0xffff, v26  }
0x6f4: {  	[tilespmem:s3+$0x13BA0] =	vst.add.f32.msk $0xffff, v27  }
0x6f5: {  	[tilespmem:s3+$0x13BB0] =	vst.add.f32.msk $0xffff, v28  }
0x6f6: {  	[tilespmem:s3+$0x13BC0] =	vst.add.f32.msk $0xffff, v29  }
0x6f7: {  	s6 =	simm.s32 $0x800;
	s0 =	simm.s32 $0x0;
	[tilespmem:s3+$0x13BD0] =	vst.add.f32.msk $0xffff, v30  }
.LBB2_30:
0x6f8: {  	s0 =	sadd.s32 $0x4, s0;
	[tilespmem:s3+$0x13BE0] =	vst.add.f32.msk $0xffff, v0;
	s3 =	sshra.s32 s6, $0x2  }
0x6f9: {  	v0 =	vld [tilespmem:s3+$0x22F0];
	p0 =	slt.u32 s0, $0x7C  }
0x6fa: {  	v1 =	vld [tilespmem:s3+$0x2100]  }
0x6fb: {  	v2 =	vld [tilespmem:s3+$0x2110]  }
0x6fc: {  	v3 =	vld [tilespmem:s3+$0x2120]  }
0x6fd: {  	v4 =	vld [tilespmem:s3+$0x2130]  }
0x6fe: {  	[tilespmem:s3+$0x13BF0] =	vst.add.f32.msk $0xffff, v0  }
0x6ff: {  	v5 =	vld [tilespmem:s3+$0x2140]  }
0x700: {  	v6 =	vld [tilespmem:s3+$0x2150]  }
0x701: {  	v7 =	vld [tilespmem:s3+$0x2160]  }
0x702: {  	v8 =	vld [tilespmem:s3+$0x2170]  }
0x703: {  	v9 =	vld [tilespmem:s3+$0x2180]  }
0x704: {  	v10 =	vld [tilespmem:s3+$0x2190]  }
0x705: {  	v11 =	vld [tilespmem:s3+$0x21A0]  }
0x706: {  	v12 =	vld [tilespmem:s3+$0x21B0]  }
0x707: {  	v13 =	vld [tilespmem:s3+$0x21C0]  }
0x708: {  	v14 =	vld [tilespmem:s3+$0x21D0]  }
0x709: {  	v15 =	vld [tilespmem:s3+$0x21E0]  }
0x70a: {  	v16 =	vld [tilespmem:s3+$0x21F0]  }
0x70b: {  	v17 =	vld [tilespmem:s3+$0x2200]  }
0x70c: {  	v18 =	vld [tilespmem:s3+$0x2210]  }
0x70d: {  	v19 =	vld [tilespmem:s3+$0x2220]  }
0x70e: {  	v20 =	vld [tilespmem:s3+$0x2230]  }
0x70f: {  	v21 =	vld [tilespmem:s3+$0x2240]  }
0x710: {  	v22 =	vld [tilespmem:s3+$0x2250]  }
0x711: {  	v23 =	vld [tilespmem:s3+$0x2260]  }
0x712: {  	v24 =	vld [tilespmem:s3+$0x2270]  }
0x713: {  	v25 =	vld [tilespmem:s3+$0x2280]  }
0x714: {  	v26 =	vld [tilespmem:s3+$0x2290]  }
0x715: {  	v27 =	vld [tilespmem:s3+$0x22A0]  }
0x716: {  	v28 =	vld [tilespmem:s3+$0x22B0]  }
0x717: {  	v29 =	vld [tilespmem:s3+$0x22C0]  }
0x718: {  	v30 =	vld [tilespmem:s3+$0x22D0]  }
0x719: {  	v0 =	vld [tilespmem:s3+$0x22E0]  }
0x71a: {  	[tilespmem:s3+$0x13A00] =	vst.add.f32.msk $0xffff, v1  }
0x71b: {  	[tilespmem:s3+$0x13A10] =	vst.add.f32.msk $0xffff, v2  }
0x71c: {  	[tilespmem:s3+$0x13A20] =	vst.add.f32.msk $0xffff, v3  }
0x71d: {  	[tilespmem:s3+$0x13A30] =	vst.add.f32.msk $0xffff, v4  }
0x71e: {  	[tilespmem:s3+$0x13A40] =	vst.add.f32.msk $0xffff, v5  }
0x71f: {  	[tilespmem:s3+$0x13A50] =	vst.add.f32.msk $0xffff, v6  }
0x720: {  	[tilespmem:s3+$0x13A60] =	vst.add.f32.msk $0xffff, v7  }
0x721: {  	[tilespmem:s3+$0x13A70] =	vst.add.f32.msk $0xffff, v8  }
0x722: {  	[tilespmem:s3+$0x13A80] =	vst.add.f32.msk $0xffff, v9  }
0x723: {  	[tilespmem:s3+$0x13A90] =	vst.add.f32.msk $0xffff, v10  }
0x724: {  	[tilespmem:s3+$0x13AA0] =	vst.add.f32.msk $0xffff, v11  }
0x725: {  	[tilespmem:s3+$0x13AB0] =	vst.add.f32.msk $0xffff, v12  }
0x726: {  	[tilespmem:s3+$0x13AC0] =	vst.add.f32.msk $0xffff, v13  }
0x727: {  	[tilespmem:s3+$0x13AD0] =	vst.add.f32.msk $0xffff, v14  }
0x728: {  	[tilespmem:s3+$0x13AE0] =	vst.add.f32.msk $0xffff, v15  }
0x729: {  	[tilespmem:s3+$0x13AF0] =	vst.add.f32.msk $0xffff, v16  }
0x72a: {  	[tilespmem:s3+$0x13B00] =	vst.add.f32.msk $0xffff, v17  }
0x72b: {  	[tilespmem:s3+$0x13B10] =	vst.add.f32.msk $0xffff, v18  }
0x72c: {  	[tilespmem:s3+$0x13B20] =	vst.add.f32.msk $0xffff, v19  }
0x72d: {  	[tilespmem:s3+$0x13B30] =	vst.add.f32.msk $0xffff, v20  }
0x72e: {  	[tilespmem:s3+$0x13B40] =	vst.add.f32.msk $0xffff, v21  }
0x72f: {  	[tilespmem:s3+$0x13B50] =	vst.add.f32.msk $0xffff, v22  }
0x730: {  	[tilespmem:s3+$0x13B60] =	vst.add.f32.msk $0xffff, v23  }
0x731: {  	[tilespmem:s3+$0x13B70] =	vst.add.f32.msk $0xffff, v24  }
0x732: {  	[tilespmem:s3+$0x13B80] =	vst.add.f32.msk $0xffff, v25  }
.Ltmp14:
0x733: {  	[tilespmem:s3+$0x13B90] =	vst.add.f32.msk $0xffff, v26;
	(pc) =	sbr.rel @p0 .LBB2_30-.Ltmp14, $4  }
0x734: {  	[tilespmem:s3+$0x13BA0] =	vst.add.f32.msk $0xffff, v27  }
0x735: {  	[tilespmem:s3+$0x13BB0] =	vst.add.f32.msk $0xffff, v28  }
0x736: {  	[tilespmem:s3+$0x13BC0] =	vst.add.f32.msk $0xffff, v29  }
0x737: {  	s6 =	sadd.s32 $0x800, s6;
	[tilespmem:s3+$0x13BD0] =	vst.add.f32.msk $0xffff, v30  }
0x738: {  	[tilespmem:s3+$0x13BE0] =	vst.add.f32.msk $0xffff, v0  }
0x739: {  	s0 =	simm.s32 $0x0;
	s29 =	simm.s32 $0x4;
	s3 =	rddreg [dreg:$0xe]  }
0x73a: {  	[hbm4b:s3+s0] =	stream.linear.scatter [tilespmem:s26], [sflag:$0x8], $0x4000, $0x38;
	[tilespmem:$0x1FA00] =	vst v63  }
0x73b: {  	_ =	swait.ge [sflag:s29], $0x4000  }
0x73c: {  	[sflag:s29] =	ssyncset.done $0x0  }
0x73d: {  	s3 =	simm.s32 $0x0;
	[sflag:s29] =	ssyncadd.s32 $0xFFFFC000  }
0x73e: {  	v0 =	vld [tilespmem:s3+$0x62F0]  }
0x73f: {  	v1 =	vld [tilespmem:s3+$0x6100]  }
0x740: {  	v2 =	vld [tilespmem:s3+$0x6110]  }
0x741: {  	v3 =	vld [tilespmem:s3+$0x6120]  }
0x742: {  	v4 =	vld [tilespmem:s3+$0x6130]  }
0x743: {  	v5 =	vld [tilespmem:s3+$0x6140]  }
0x744: {  	v6 =	vld [tilespmem:s3+$0x6150]  }
0x745: {  	v7 =	vld [tilespmem:s3+$0x6160]  }
0x746: {  	v8 =	vld [tilespmem:s3+$0x6170]  }
0x747: {  	v9 =	vld [tilespmem:s3+$0x6180]  }
0x748: {  	v10 =	vld [tilespmem:s3+$0x6190]  }
0x749: {  	v11 =	vld [tilespmem:s3+$0x61A0]  }
0x74a: {  	v12 =	vld [tilespmem:s3+$0x61B0]  }
0x74b: {  	v13 =	vld [tilespmem:s3+$0x61C0]  }
0x74c: {  	v14 =	vld [tilespmem:s3+$0x61D0]  }
0x74d: {  	v15 =	vld [tilespmem:s3+$0x61E0]  }
0x74e: {  	v16 =	vld [tilespmem:s3+$0x61F0]  }
0x74f: {  	v17 =	vld [tilespmem:s3+$0x6200]  }
0x750: {  	v18 =	vld [tilespmem:s3+$0x6210]  }
0x751: {  	v19 =	vld [tilespmem:s3+$0x6220]  }
0x752: {  	v20 =	vld [tilespmem:s3+$0x6230]  }
0x753: {  	v21 =	vld [tilespmem:s3+$0x6240]  }
0x754: {  	v22 =	vld [tilespmem:s3+$0x6250]  }
0x755: {  	v23 =	vld [tilespmem:s3+$0x6260]  }
0x756: {  	v24 =	vld [tilespmem:s3+$0x6270]  }
0x757: {  	v25 =	vld [tilespmem:s3+$0x6280]  }
0x758: {  	v26 =	vld [tilespmem:s3+$0x6290]  }
0x759: {  	v27 =	vld [tilespmem:s3+$0x62A0]  }
0x75a: {  	v28 =	vld [tilespmem:s3+$0x62B0]  }
0x75b: {  	v29 =	vld [tilespmem:s3+$0x62C0]  }
0x75c: {  	v30 =	vld [tilespmem:s3+$0x62D0]  }
0x75d: {  	[tilespmem:s3+$0x17BF0] =	vst.add.f32.msk $0xffff, v0  }
0x75e: {  	v0 =	vld [tilespmem:s3+$0x62E0]  }
0x75f: {  	[tilespmem:s3+$0x17A00] =	vst.add.f32.msk $0xffff, v1  }
0x760: {  	[tilespmem:s3+$0x17A10] =	vst.add.f32.msk $0xffff, v2  }
0x761: {  	[tilespmem:s3+$0x17A20] =	vst.add.f32.msk $0xffff, v3  }
0x762: {  	[tilespmem:s3+$0x17A30] =	vst.add.f32.msk $0xffff, v4  }
0x763: {  	[tilespmem:s3+$0x17A40] =	vst.add.f32.msk $0xffff, v5  }
0x764: {  	[tilespmem:s3+$0x17A50] =	vst.add.f32.msk $0xffff, v6  }
0x765: {  	[tilespmem:s3+$0x17A60] =	vst.add.f32.msk $0xffff, v7  }
0x766: {  	[tilespmem:s3+$0x17A70] =	vst.add.f32.msk $0xffff, v8  }
0x767: {  	[tilespmem:s3+$0x17A80] =	vst.add.f32.msk $0xffff, v9  }
0x768: {  	[tilespmem:s3+$0x17A90] =	vst.add.f32.msk $0xffff, v10  }
0x769: {  	[tilespmem:s3+$0x17AA0] =	vst.add.f32.msk $0xffff, v11  }
0x76a: {  	[tilespmem:s3+$0x17AB0] =	vst.add.f32.msk $0xffff, v12  }
0x76b: {  	[tilespmem:s3+$0x17AC0] =	vst.add.f32.msk $0xffff, v13  }
0x76c: {  	[tilespmem:s3+$0x17AD0] =	vst.add.f32.msk $0xffff, v14  }
0x76d: {  	[tilespmem:s3+$0x17AE0] =	vst.add.f32.msk $0xffff, v15  }
0x76e: {  	[tilespmem:s3+$0x17AF0] =	vst.add.f32.msk $0xffff, v16  }
0x76f: {  	[tilespmem:s3+$0x17B00] =	vst.add.f32.msk $0xffff, v17  }
0x770: {  	[tilespmem:s3+$0x17B10] =	vst.add.f32.msk $0xffff, v18  }
0x771: {  	[tilespmem:s3+$0x17B20] =	vst.add.f32.msk $0xffff, v19  }
0x772: {  	[tilespmem:s3+$0x17B30] =	vst.add.f32.msk $0xffff, v20  }
0x773: {  	[tilespmem:s3+$0x17B40] =	vst.add.f32.msk $0xffff, v21  }
0x774: {  	[tilespmem:s3+$0x17B50] =	vst.add.f32.msk $0xffff, v22  }
0x775: {  	[tilespmem:s3+$0x17B60] =	vst.add.f32.msk $0xffff, v23  }
0x776: {  	[tilespmem:s3+$0x17B70] =	vst.add.f32.msk $0xffff, v24  }
0x777: {  	[tilespmem:s3+$0x17B80] =	vst.add.f32.msk $0xffff, v25  }
0x778: {  	[tilespmem:s3+$0x17B90] =	vst.add.f32.msk $0xffff, v26  }
0x779: {  	[tilespmem:s3+$0x17BA0] =	vst.add.f32.msk $0xffff, v27  }
0x77a: {  	[tilespmem:s3+$0x17BB0] =	vst.add.f32.msk $0xffff, v28  }
0x77b: {  	[tilespmem:s3+$0x17BC0] =	vst.add.f32.msk $0xffff, v29  }
0x77c: {  	s6 =	simm.s32 $0x800;
	s0 =	simm.s32 $0x0;
	[tilespmem:s3+$0x17BD0] =	vst.add.f32.msk $0xffff, v30  }
.LBB2_32:
0x77d: {  	s0 =	sadd.s32 $0x4, s0;
	[tilespmem:s3+$0x17BE0] =	vst.add.f32.msk $0xffff, v0;
	s3 =	sshra.s32 s6, $0x2  }
0x77e: {  	v0 =	vld [tilespmem:s3+$0x62F0];
	p0 =	slt.u32 s0, $0x7C  }
0x77f: {  	v1 =	vld [tilespmem:s3+$0x6100]  }
0x780: {  	v2 =	vld [tilespmem:s3+$0x6110]  }
0x781: {  	v3 =	vld [tilespmem:s3+$0x6120]  }
0x782: {  	v4 =	vld [tilespmem:s3+$0x6130]  }
0x783: {  	[tilespmem:s3+$0x17BF0] =	vst.add.f32.msk $0xffff, v0  }
0x784: {  	v5 =	vld [tilespmem:s3+$0x6140]  }
0x785: {  	v6 =	vld [tilespmem:s3+$0x6150]  }
0x786: {  	v7 =	vld [tilespmem:s3+$0x6160]  }
0x787: {  	v8 =	vld [tilespmem:s3+$0x6170]  }
0x788: {  	v9 =	vld [tilespmem:s3+$0x6180]  }
0x789: {  	v10 =	vld [tilespmem:s3+$0x6190]  }
0x78a: {  	v11 =	vld [tilespmem:s3+$0x61A0]  }
0x78b: {  	v12 =	vld [tilespmem:s3+$0x61B0]  }
0x78c: {  	v13 =	vld [tilespmem:s3+$0x61C0]  }
0x78d: {  	v14 =	vld [tilespmem:s3+$0x61D0]  }
0x78e: {  	v15 =	vld [tilespmem:s3+$0x61E0]  }
0x78f: {  	v16 =	vld [tilespmem:s3+$0x61F0]  }
0x790: {  	v17 =	vld [tilespmem:s3+$0x6200]  }
0x791: {  	v18 =	vld [tilespmem:s3+$0x6210]  }
0x792: {  	v19 =	vld [tilespmem:s3+$0x6220]  }
0x793: {  	v20 =	vld [tilespmem:s3+$0x6230]  }
0x794: {  	v21 =	vld [tilespmem:s3+$0x6240]  }
0x795: {  	v22 =	vld [tilespmem:s3+$0x6250]  }
0x796: {  	v23 =	vld [tilespmem:s3+$0x6260]  }
0x797: {  	v24 =	vld [tilespmem:s3+$0x6270]  }
0x798: {  	v25 =	vld [tilespmem:s3+$0x6280]  }
0x799: {  	v26 =	vld [tilespmem:s3+$0x6290]  }
0x79a: {  	v27 =	vld [tilespmem:s3+$0x62A0]  }
0x79b: {  	v28 =	vld [tilespmem:s3+$0x62B0]  }
0x79c: {  	v29 =	vld [tilespmem:s3+$0x62C0]  }
0x79d: {  	v30 =	vld [tilespmem:s3+$0x62D0]  }
0x79e: {  	v0 =	vld [tilespmem:s3+$0x62E0]  }
0x79f: {  	[tilespmem:s3+$0x17A00] =	vst.add.f32.msk $0xffff, v1  }
0x7a0: {  	[tilespmem:s3+$0x17A10] =	vst.add.f32.msk $0xffff, v2  }
0x7a1: {  	[tilespmem:s3+$0x17A20] =	vst.add.f32.msk $0xffff, v3  }
0x7a2: {  	[tilespmem:s3+$0x17A30] =	vst.add.f32.msk $0xffff, v4  }
0x7a3: {  	[tilespmem:s3+$0x17A40] =	vst.add.f32.msk $0xffff, v5  }
0x7a4: {  	[tilespmem:s3+$0x17A50] =	vst.add.f32.msk $0xffff, v6  }
0x7a5: {  	[tilespmem:s3+$0x17A60] =	vst.add.f32.msk $0xffff, v7  }
0x7a6: {  	[tilespmem:s3+$0x17A70] =	vst.add.f32.msk $0xffff, v8  }
0x7a7: {  	[tilespmem:s3+$0x17A80] =	vst.add.f32.msk $0xffff, v9  }
0x7a8: {  	[tilespmem:s3+$0x17A90] =	vst.add.f32.msk $0xffff, v10  }
0x7a9: {  	[tilespmem:s3+$0x17AA0] =	vst.add.f32.msk $0xffff, v11  }
0x7aa: {  	[tilespmem:s3+$0x17AB0] =	vst.add.f32.msk $0xffff, v12  }
0x7ab: {  	[tilespmem:s3+$0x17AC0] =	vst.add.f32.msk $0xffff, v13  }
0x7ac: {  	[tilespmem:s3+$0x17AD0] =	vst.add.f32.msk $0xffff, v14  }
0x7ad: {  	[tilespmem:s3+$0x17AE0] =	vst.add.f32.msk $0xffff, v15  }
0x7ae: {  	[tilespmem:s3+$0x17AF0] =	vst.add.f32.msk $0xffff, v16  }
0x7af: {  	[tilespmem:s3+$0x17B00] =	vst.add.f32.msk $0xffff, v17  }
0x7b0: {  	[tilespmem:s3+$0x17B10] =	vst.add.f32.msk $0xffff, v18  }
0x7b1: {  	[tilespmem:s3+$0x17B20] =	vst.add.f32.msk $0xffff, v19  }
0x7b2: {  	[tilespmem:s3+$0x17B30] =	vst.add.f32.msk $0xffff, v20  }
0x7b3: {  	[tilespmem:s3+$0x17B40] =	vst.add.f32.msk $0xffff, v21  }
0x7b4: {  	[tilespmem:s3+$0x17B50] =	vst.add.f32.msk $0xffff, v22  }
0x7b5: {  	[tilespmem:s3+$0x17B60] =	vst.add.f32.msk $0xffff, v23  }
0x7b6: {  	[tilespmem:s3+$0x17B70] =	vst.add.f32.msk $0xffff, v24  }
0x7b7: {  	[tilespmem:s3+$0x17B80] =	vst.add.f32.msk $0xffff, v25  }
.Ltmp15:
0x7b8: {  	[tilespmem:s3+$0x17B90] =	vst.add.f32.msk $0xffff, v26;
	(pc) =	sbr.rel @p0 .LBB2_32-.Ltmp15, $4  }
0x7b9: {  	[tilespmem:s3+$0x17BA0] =	vst.add.f32.msk $0xffff, v27  }
0x7ba: {  	[tilespmem:s3+$0x17BB0] =	vst.add.f32.msk $0xffff, v28  }
0x7bb: {  	[tilespmem:s3+$0x17BC0] =	vst.add.f32.msk $0xffff, v29  }
0x7bc: {  	s6 =	sadd.s32 $0x800, s6;
	[tilespmem:s3+$0x17BD0] =	vst.add.f32.msk $0xffff, v30  }
0x7bd: {  	[tilespmem:s3+$0x17BE0] =	vst.add.f32.msk $0xffff, v0  }
0x7be: {  	s0 =	simm.s32 $0x0;
	s6 =	simm.s32 $0x17A00;
	s3 =	rddreg [dreg:$0xf]  }
0x7bf: {  	[hbm4b:s3+s0] =	stream.linear.scatter [tilespmem:s6], [sflag:$0x9], $0x4000, $0x38;
	[tilespmem:$0x1FA00] =	vst v63  }
0x7c0: {  	_ =	swait.ge [sflag:s28], $0x4000  }
0x7c1: {  	[sflag:s28] =	ssyncset.done $0x0  }
0x7c2: {  	s3 =	simm.s32 $0x0;
	[sflag:s28] =	ssyncadd.s32 $0xFFFFC000  }
0x7c3: {  	v0 =	vld [tilespmem:s3+$0x3EF0]  }
0x7c4: {  	v1 =	vld [tilespmem:s3+$0x3D00]  }
0x7c5: {  	v2 =	vld [tilespmem:s3+$0x3D10]  }
0x7c6: {  	v3 =	vld [tilespmem:s3+$0x3D20]  }
0x7c7: {  	v4 =	vld [tilespmem:s3+$0x3D30]  }
0x7c8: {  	v5 =	vld [tilespmem:s3+$0x3D40]  }
0x7c9: {  	v6 =	vld [tilespmem:s3+$0x3D50]  }
0x7ca: {  	v7 =	vld [tilespmem:s3+$0x3D60]  }
0x7cb: {  	v8 =	vld [tilespmem:s3+$0x3D70]  }
0x7cc: {  	v9 =	vld [tilespmem:s3+$0x3D80]  }
0x7cd: {  	v10 =	vld [tilespmem:s3+$0x3D90]  }
0x7ce: {  	v11 =	vld [tilespmem:s3+$0x3DA0]  }
0x7cf: {  	v12 =	vld [tilespmem:s3+$0x3DB0]  }
0x7d0: {  	v13 =	vld [tilespmem:s3+$0x3DC0]  }
0x7d1: {  	v14 =	vld [tilespmem:s3+$0x3DD0]  }
0x7d2: {  	v15 =	vld [tilespmem:s3+$0x3DE0]  }
0x7d3: {  	v16 =	vld [tilespmem:s3+$0x3DF0]  }
0x7d4: {  	v17 =	vld [tilespmem:s3+$0x3E00]  }
0x7d5: {  	v18 =	vld [tilespmem:s3+$0x3E10]  }
0x7d6: {  	v19 =	vld [tilespmem:s3+$0x3E20]  }
0x7d7: {  	v20 =	vld [tilespmem:s3+$0x3E30]  }
0x7d8: {  	v21 =	vld [tilespmem:s3+$0x3E40]  }
0x7d9: {  	v22 =	vld [tilespmem:s3+$0x3E50]  }
0x7da: {  	v23 =	vld [tilespmem:s3+$0x3E60]  }
0x7db: {  	v24 =	vld [tilespmem:s3+$0x3E70]  }
0x7dc: {  	v25 =	vld [tilespmem:s3+$0x3E80]  }
0x7dd: {  	v26 =	vld [tilespmem:s3+$0x3E90]  }
0x7de: {  	v27 =	vld [tilespmem:s3+$0x3EA0]  }
0x7df: {  	v28 =	vld [tilespmem:s3+$0x3EB0]  }
0x7e0: {  	v29 =	vld [tilespmem:s3+$0x3EC0]  }
0x7e1: {  	v30 =	vld [tilespmem:s3+$0x3ED0]  }
0x7e2: {  	[tilespmem:s3+$0x1BBF0] =	vst.add.f32.msk $0xffff, v0  }
0x7e3: {  	v0 =	vld [tilespmem:s3+$0x3EE0]  }
0x7e4: {  	[tilespmem:s3+$0x1BA00] =	vst.add.f32.msk $0xffff, v1  }
0x7e5: {  	[tilespmem:s3+$0x1BA10] =	vst.add.f32.msk $0xffff, v2  }
0x7e6: {  	[tilespmem:s3+$0x1BA20] =	vst.add.f32.msk $0xffff, v3  }
0x7e7: {  	[tilespmem:s3+$0x1BA30] =	vst.add.f32.msk $0xffff, v4  }
0x7e8: {  	[tilespmem:s3+$0x1BA40] =	vst.add.f32.msk $0xffff, v5  }
0x7e9: {  	[tilespmem:s3+$0x1BA50] =	vst.add.f32.msk $0xffff, v6  }
0x7ea: {  	[tilespmem:s3+$0x1BA60] =	vst.add.f32.msk $0xffff, v7  }
0x7eb: {  	[tilespmem:s3+$0x1BA70] =	vst.add.f32.msk $0xffff, v8  }
0x7ec: {  	[tilespmem:s3+$0x1BA80] =	vst.add.f32.msk $0xffff, v9  }
0x7ed: {  	[tilespmem:s3+$0x1BA90] =	vst.add.f32.msk $0xffff, v10  }
0x7ee: {  	[tilespmem:s3+$0x1BAA0] =	vst.add.f32.msk $0xffff, v11  }
0x7ef: {  	[tilespmem:s3+$0x1BAB0] =	vst.add.f32.msk $0xffff, v12  }
0x7f0: {  	[tilespmem:s3+$0x1BAC0] =	vst.add.f32.msk $0xffff, v13  }
0x7f1: {  	[tilespmem:s3+$0x1BAD0] =	vst.add.f32.msk $0xffff, v14  }
0x7f2: {  	[tilespmem:s3+$0x1BAE0] =	vst.add.f32.msk $0xffff, v15  }
0x7f3: {  	[tilespmem:s3+$0x1BAF0] =	vst.add.f32.msk $0xffff, v16  }
0x7f4: {  	[tilespmem:s3+$0x1BB00] =	vst.add.f32.msk $0xffff, v17  }
0x7f5: {  	[tilespmem:s3+$0x1BB10] =	vst.add.f32.msk $0xffff, v18  }
0x7f6: {  	[tilespmem:s3+$0x1BB20] =	vst.add.f32.msk $0xffff, v19  }
0x7f7: {  	[tilespmem:s3+$0x1BB30] =	vst.add.f32.msk $0xffff, v20  }
0x7f8: {  	[tilespmem:s3+$0x1BB40] =	vst.add.f32.msk $0xffff, v21  }
0x7f9: {  	[tilespmem:s3+$0x1BB50] =	vst.add.f32.msk $0xffff, v22  }
0x7fa: {  	[tilespmem:s3+$0x1BB60] =	vst.add.f32.msk $0xffff, v23  }
0x7fb: {  	[tilespmem:s3+$0x1BB70] =	vst.add.f32.msk $0xffff, v24  }
0x7fc: {  	[tilespmem:s3+$0x1BB80] =	vst.add.f32.msk $0xffff, v25  }
0x7fd: {  	[tilespmem:s3+$0x1BB90] =	vst.add.f32.msk $0xffff, v26  }
0x7fe: {  	[tilespmem:s3+$0x1BBA0] =	vst.add.f32.msk $0xffff, v27  }
0x7ff: {  	[tilespmem:s3+$0x1BBB0] =	vst.add.f32.msk $0xffff, v28  }
0x800: {  	[tilespmem:s3+$0x1BBC0] =	vst.add.f32.msk $0xffff, v29  }
0x801: {  	s0 =	simm.s32 $0x0;
	s6 =	simm.s32 $0x800;
	[tilespmem:s3+$0x1BBD0] =	vst.add.f32.msk $0xffff, v30  }
.LBB2_34:
0x802: {  	s0 =	sadd.s32 $0x4, s0;
	[tilespmem:s3+$0x1BBE0] =	vst.add.f32.msk $0xffff, v0;
	s3 =	sshra.s32 s6, $0x2  }
0x803: {  	v0 =	vld [tilespmem:s3+$0x3EF0];
	p0 =	slt.u32 s0, $0x7C  }
0x804: {  	v1 =	vld [tilespmem:s3+$0x3D00]  }
0x805: {  	v2 =	vld [tilespmem:s3+$0x3D10]  }
0x806: {  	v3 =	vld [tilespmem:s3+$0x3D20]  }
0x807: {  	v4 =	vld [tilespmem:s3+$0x3D30]  }
0x808: {  	[tilespmem:s3+$0x1BBF0] =	vst.add.f32.msk $0xffff, v0  }
0x809: {  	v5 =	vld [tilespmem:s3+$0x3D40]  }
0x80a: {  	v6 =	vld [tilespmem:s3+$0x3D50]  }
0x80b: {  	v7 =	vld [tilespmem:s3+$0x3D60]  }
0x80c: {  	v8 =	vld [tilespmem:s3+$0x3D70]  }
0x80d: {  	v9 =	vld [tilespmem:s3+$0x3D80]  }
0x80e: {  	v10 =	vld [tilespmem:s3+$0x3D90]  }
0x80f: {  	v11 =	vld [tilespmem:s3+$0x3DA0]  }
0x810: {  	v12 =	vld [tilespmem:s3+$0x3DB0]  }
0x811: {  	v13 =	vld [tilespmem:s3+$0x3DC0]  }
0x812: {  	v14 =	vld [tilespmem:s3+$0x3DD0]  }
0x813: {  	v15 =	vld [tilespmem:s3+$0x3DE0]  }
0x814: {  	v16 =	vld [tilespmem:s3+$0x3DF0]  }
0x815: {  	v17 =	vld [tilespmem:s3+$0x3E00]  }
0x816: {  	v18 =	vld [tilespmem:s3+$0x3E10]  }
0x817: {  	v19 =	vld [tilespmem:s3+$0x3E20]  }
0x818: {  	v20 =	vld [tilespmem:s3+$0x3E30]  }
0x819: {  	v21 =	vld [tilespmem:s3+$0x3E40]  }
0x81a: {  	v22 =	vld [tilespmem:s3+$0x3E50]  }
0x81b: {  	v23 =	vld [tilespmem:s3+$0x3E60]  }
0x81c: {  	v24 =	vld [tilespmem:s3+$0x3E70]  }
0x81d: {  	v25 =	vld [tilespmem:s3+$0x3E80]  }
0x81e: {  	v26 =	vld [tilespmem:s3+$0x3E90]  }
0x81f: {  	v27 =	vld [tilespmem:s3+$0x3EA0]  }
0x820: {  	v28 =	vld [tilespmem:s3+$0x3EB0]  }
0x821: {  	v29 =	vld [tilespmem:s3+$0x3EC0]  }
0x822: {  	v30 =	vld [tilespmem:s3+$0x3ED0]  }
0x823: {  	v0 =	vld [tilespmem:s3+$0x3EE0]  }
0x824: {  	[tilespmem:s3+$0x1BA00] =	vst.add.f32.msk $0xffff, v1  }
0x825: {  	[tilespmem:s3+$0x1BA10] =	vst.add.f32.msk $0xffff, v2  }
0x826: {  	[tilespmem:s3+$0x1BA20] =	vst.add.f32.msk $0xffff, v3  }
0x827: {  	[tilespmem:s3+$0x1BA30] =	vst.add.f32.msk $0xffff, v4  }
0x828: {  	[tilespmem:s3+$0x1BA40] =	vst.add.f32.msk $0xffff, v5  }
0x829: {  	[tilespmem:s3+$0x1BA50] =	vst.add.f32.msk $0xffff, v6  }
0x82a: {  	[tilespmem:s3+$0x1BA60] =	vst.add.f32.msk $0xffff, v7  }
0x82b: {  	[tilespmem:s3+$0x1BA70] =	vst.add.f32.msk $0xffff, v8  }
0x82c: {  	[tilespmem:s3+$0x1BA80] =	vst.add.f32.msk $0xffff, v9  }
0x82d: {  	[tilespmem:s3+$0x1BA90] =	vst.add.f32.msk $0xffff, v10  }
0x82e: {  	[tilespmem:s3+$0x1BAA0] =	vst.add.f32.msk $0xffff, v11  }
0x82f: {  	[tilespmem:s3+$0x1BAB0] =	vst.add.f32.msk $0xffff, v12  }
0x830: {  	[tilespmem:s3+$0x1BAC0] =	vst.add.f32.msk $0xffff, v13  }
0x831: {  	[tilespmem:s3+$0x1BAD0] =	vst.add.f32.msk $0xffff, v14  }
0x832: {  	[tilespmem:s3+$0x1BAE0] =	vst.add.f32.msk $0xffff, v15  }
0x833: {  	[tilespmem:s3+$0x1BAF0] =	vst.add.f32.msk $0xffff, v16  }
0x834: {  	[tilespmem:s3+$0x1BB00] =	vst.add.f32.msk $0xffff, v17  }
0x835: {  	[tilespmem:s3+$0x1BB10] =	vst.add.f32.msk $0xffff, v18  }
0x836: {  	[tilespmem:s3+$0x1BB20] =	vst.add.f32.msk $0xffff, v19  }
0x837: {  	[tilespmem:s3+$0x1BB30] =	vst.add.f32.msk $0xffff, v20  }
0x838: {  	[tilespmem:s3+$0x1BB40] =	vst.add.f32.msk $0xffff, v21  }
0x839: {  	[tilespmem:s3+$0x1BB50] =	vst.add.f32.msk $0xffff, v22  }
0x83a: {  	[tilespmem:s3+$0x1BB60] =	vst.add.f32.msk $0xffff, v23  }
0x83b: {  	[tilespmem:s3+$0x1BB70] =	vst.add.f32.msk $0xffff, v24  }
0x83c: {  	[tilespmem:s3+$0x1BB80] =	vst.add.f32.msk $0xffff, v25  }
.Ltmp16:
0x83d: {  	[tilespmem:s3+$0x1BB90] =	vst.add.f32.msk $0xffff, v26;
	(pc) =	sbr.rel @p0 .LBB2_34-.Ltmp16, $4  }
0x83e: {  	[tilespmem:s3+$0x1BBA0] =	vst.add.f32.msk $0xffff, v27  }
0x83f: {  	[tilespmem:s3+$0x1BBB0] =	vst.add.f32.msk $0xffff, v28  }
0x840: {  	[tilespmem:s3+$0x1BBC0] =	vst.add.f32.msk $0xffff, v29  }
0x841: {  	s6 =	sadd.s32 $0x800, s6;
	[tilespmem:s3+$0x1BBD0] =	vst.add.f32.msk $0xffff, v30  }
0x842: {  	[tilespmem:s3+$0x1BBE0] =	vst.add.f32.msk $0xffff, v0  }
0x843: {  	s23 =	simm.s32 $0x1BA00;
	s24 =	simm.s32 $0x6;
	s0 =	rddreg [dreg:$0x10]  }
0x844: {  	[hbm4b:s0+s22] =	stream.linear.scatter [tilespmem:s23], [sflag:$0xA], $0x4000, $0x38;
	[tilespmem:$0x1FA00] =	vst v63  }
0x845: {  	_ =	swait.ge [sflag:s24], $0x4000  }
0x846: {  	[sflag:s24] =	ssyncset.done $0x0  }
0x847: {  	[sflag:s24] =	ssyncadd.s32 $0xFFFFC000  }
0x848: {  	_ =	swait.ge [sflag:s2], $0x4000  }
0x849: {  	[sflag:s2] =	ssyncset.done $0x0  }
0x84a: {  	[sflag:s2] =	ssyncadd.s32 $0xFFFFC000  }
0x84b: {  	_ =	swait.ge [sflag:s4], $0x4000  }
0x84c: {  	[sflag:s4] =	ssyncset.done $0x0  }
0x84d: {  	[sflag:s4] =	ssyncadd.s32 $0xFFFFC000  }
0x84e: {  	_ =	swait.ge [sflag:s8], $0x4000  }
0x84f: {  	[sflag:s8] =	ssyncset.done $0x0  }
0x850: {  	[sflag:s8] =	ssyncadd.s32 $0xFFFFC000  }
0x851: {  	_ =	swait.ge [sflag:s10], $0x4000  }
0x852: {  	s25 =	rddreg [dreg:$0x12]  }
0x853: {  	s29 =	rddreg [dreg:$0x11];
	s3 =	sadd.s32 $0x1, s25  }
0x854: {  	p0 =	sne.s32 s3, s29  }
.Ltmp17:
0x855: {  	_ = 	snop;
	(pc) =	sbr.rel @p0 .LBB2_1-.Ltmp17, $3  }
0x856: {  	_ =	sdelay $0x1  }
0x857: {  	[sflag:s10] =	ssyncset.done $0x0  }
0x858: {  	[sflag:s10] =	ssyncadd.s32 $0xFFFFC000  }
0x859: {  	_ =	sfence.sel $0x180000  }
0x85a: {  	[bflag:$0x0] =	sbarrier.arrive $0xFFFF  }
0x85b: {  	_ =	strace $0x90000047  }
0x85c: {  	s0 =	stileid.u32;
	[bflag:$0x2] =	sbarrier.arrive $0xFFFF  }
0x85d: {  	p0 =	sne.s32 s0, $0x0;
	s0 =	rddreg [dreg:$0x5]  }
0x85e: {  	s0 =	sadd.s32 @!p0 $0x100000, s0  }
0x85f: {  	[sflag:s0] =	ssyncadd.tile.s32 @!p0 $0x1;
	_ =	shalt  }
.Lfunc_end2:
_tile_overlayer_lowered:
.L_overlay_start_2:
0x860: {  	(tag) =	ssettag $0x2  }
0x861: {  	s0 =	rddreg [dreg:$0x0];
	s2 =	stileid.u32  }
0x862: {  	s1 =	rddreg [dreg:$0x1];
	p0 =	sne.s32 s2, $0x0  }
0x863: {  	s3 =	rddreg [dreg:$0x2];
	[bflag:$0x3] =	sbarrier.arrive $0xFFFF;
	s2 =	simm.s32 @!p0 $0x1C0B  }
0x864: {  	[timem:s3], [sflag:s2] =	dma.local @!p0 [hbm:s0], s1  }
0x865: {  	s0 =	simm.s32 @!p0 $0xB  }
0x866: {  	_ =	swait.ge @!p0 [sflag:s0], s1  }
0x867: {  	s1 =	ssub.s32 @!p0 $0x0, s1;
	[sflag:s0] =	ssyncset.done @!p0 $0x0  }
0x868: {  	[sflag:s0] =	ssyncadd.s32 @!p0 s1  }
0x869: {  	[bflag:$0x3] =	sbarrier.arrive $0xFFFF  }
0x86a: {  	_ =	shalt  }

</sc_bundles>
